<compile_context>
chip_gen: v7x
topology: tpu7x:2x2x1
jax: 0.10.2.dev20260603
libtpu: 0.0.44.dev20260713+nightly
codegen_flags: <defaults>
</compile_context>

<pallas_src>
import functools

import jax
import jax.numpy as jnp
from jax import lax
from jax.experimental import pallas as pl
from jax.experimental.pallas import tpu as pltpu
from jax.experimental.pallas import tpu_sc as plsc

B, R, C = 2, 1000, 256
H0 = W0 = 128
H1 = W1 = 64
PH = PW = 7
IMG = 1024.0
N = B * R * PH * PW
NWORK = 32
KBLK = 32
NBLK = 96
SPT = KBLK * NBLK
NT = B * (H0 * W0 + H1 * W1)
NT0 = B * H0 * W0


def _indices_weights(rois):
    boxes = rois.reshape(B * R, 5)
    y1 = boxes[:, 0] / IMG
    x1 = boxes[:, 1] / IMG
    y2 = boxes[:, 2] / IMG
    x2 = boxes[:, 3] / IMG
    h = boxes[:, 2] - boxes[:, 0]
    w = boxes[:, 3] - boxes[:, 1]
    lvl1 = (h > 48.0) | (w > 48.0)
    hm1 = jnp.where(lvl1, float(H1 - 1), float(H0 - 1))
    wm1 = jnp.where(lvl1, float(W1 - 1), float(W0 - 1))
    wrow = jnp.where(lvl1, W1, W0).astype(jnp.int32)
    b_of = jnp.repeat(jnp.arange(B, dtype=jnp.int32), R)
    base = jnp.where(lvl1, NT0 + b_of * H1 * W1, b_of * H0 * W0)

    ar = jnp.arange(PH, dtype=jnp.float32)
    ys = y1[:, None] * hm1[:, None] + ar[None, :] * ((y2 - y1) * hm1 / (PH - 1))[:, None]
    xs = x1[:, None] * wm1[:, None] + ar[None, :] * ((x2 - x1) * wm1 / (PW - 1))[:, None]
    y0f = jnp.floor(ys)
    x0f = jnp.floor(xs)
    wy = ys - y0f
    wx = xs - x0f
    y0 = jnp.clip(y0f, 0.0, hm1[:, None]).astype(jnp.int32)
    y1i = jnp.clip(y0f + 1.0, 0.0, hm1[:, None]).astype(jnp.int32)
    x0 = jnp.clip(x0f, 0.0, wm1[:, None]).astype(jnp.int32)
    x1i = jnp.clip(x0f + 1.0, 0.0, wm1[:, None]).astype(jnp.int32)
    rtop = base[:, None] + y0 * wrow[:, None]
    rbot = base[:, None] + y1i * wrow[:, None]

    i00 = rtop[:, :, None] + x0[:, None, :]
    i01 = rtop[:, :, None] + x1i[:, None, :]
    i10 = rbot[:, :, None] + x0[:, None, :]
    i11 = rbot[:, :, None] + x1i[:, None, :]
    idx4 = jnp.stack([i00, i01, i10, i11], axis=-1).reshape(N * 4)

    wxs = jnp.broadcast_to(wx[:, None, :], (B * R, PH, PW)).reshape(N)
    wys = jnp.broadcast_to(wy[:, :, None], (B * R, PH, PW)).reshape(N)
    w2 = jnp.stack([wxs, wys], axis=-1).reshape(N * 2)
    return idx4, w2


def _build_table(feat0, feat1):
    f0 = feat0.reshape(NT0, C)
    f1 = feat1.reshape(NT - NT0, C)
    blk = 1024
    nb0 = NT0 // blk

    def body(i0_ref, i1_ref, o_ref):
        i = pl.program_id(0)

        @pl.when(i < nb0)
        def _():
            o_ref[...] = i0_ref[...]

        @pl.when(i >= nb0)
        def _():
            o_ref[...] = i1_ref[...]

    return pl.pallas_call(
        body,
        grid=(NT // blk,),
        in_specs=[
            pl.BlockSpec((blk, C), lambda i: (jnp.minimum(i, nb0 - 1), 0)),
            pl.BlockSpec((blk, C), lambda i: (jnp.maximum(i - nb0, 0), 0)),
        ],
        out_specs=pl.BlockSpec((blk, C), lambda i: (i, 0)),
        out_shape=jax.ShapeDtypeStruct((NT, C), jnp.float32),
    )(f0, f1)


def _make_sc_kernel():
    mesh = plsc.VectorSubcoreMesh(core_axis_name="c", subcore_axis_name="s")

    @functools.partial(
        pl.kernel,
        mesh=mesh,
        out_type=jax.ShapeDtypeStruct((N, C), jnp.float32),
        scratch_types=[
            pltpu.VMEM((4 * SPT,), jnp.int32),
            pltpu.VMEM((2 * SPT + 16,), jnp.float32),
            pltpu.VMEM((2, 4 * KBLK, C), jnp.float32),
            pltpu.VMEM((2, KBLK, C), jnp.float32),
            pltpu.SemaphoreType.DMA,
            pltpu.SemaphoreType.DMA,
            pltpu.SemaphoreType.DMA,
            pltpu.SemaphoreType.DMA,
        ],
    )
    def sck(table_hbm, idx_hbm, w_hbm, out_hbm, idxv, wv, rowsv, outv,
            gsem0, gsem1, osem0, osem1):
        wid = lax.axis_index("c") * 16 + lax.axis_index("s")
        tbase = jnp.minimum(wid * (SPT - 8), N - SPT)
        lane0 = lax.iota(jnp.int32, 16) * 0
        lane1 = lane0 + 1
        gsems = (gsem0, gsem1)
        osems = (osem0, osem1)

        pltpu.sync_copy(idx_hbm.at[pl.ds(tbase * 4, 4 * SPT)], idxv)
        pltpu.sync_copy(w_hbm.at[pl.ds(tbase * 2, 2 * SPT)],
                        wv.at[pl.ds(0, 2 * SPT)])

        def gather(b, slot):
            return pltpu.make_async_copy(
                table_hbm.at[idxv.at[pl.ds(b * 4 * KBLK, 4 * KBLK)]],
                rowsv.at[slot], gsems[slot])

        def outcopy(b, slot):
            return pltpu.make_async_copy(
                outv.at[slot], out_hbm.at[pl.ds(tbase + b * KBLK, KBLK)],
                osems[slot])

        gather(0, 0).start()
        gather(1, 1).start()

        @pl.loop(0, NBLK, step=2)
        def _(blk):
            for s in range(2):
                b = blk + s
                gather(b, s).wait()

                @pl.when(b >= 2)
                def _():
                    outcopy(b, s).wait()

                @pl.loop(0, KBLK, step=2)
                def _(k):
                    for k2 in (k, k + 1):
                        wpair = wv[pl.ds((b * KBLK + k2) * 2, 16)]
                        wxv = wpair.at[lane0].get(mode="promise_in_bounds")
                        wyv = wpair.at[lane1].get(mode="promise_in_bounds")
                        for cc in range(C // 16):
                            sl = pl.ds(cc * 16, 16)
                            v00 = rowsv[s, 4 * k2, sl]
                            v01 = rowsv[s, 4 * k2 + 1, sl]
                            v10 = rowsv[s, 4 * k2 + 2, sl]
                            v11 = rowsv[s, 4 * k2 + 3, sl]
                            top = v00 + (v01 - v00) * wxv
                            bot = v10 + (v11 - v10) * wxv
                            outv[s, k2, sl] = top + (bot - top) * wyv

                outcopy(b, s).start()

                @pl.when(b + 2 < NBLK)
                def _():
                    gather(b + 2, s).start()

        outcopy(NBLK - 2, 0).wait()
        outcopy(NBLK - 1, 1).wait()

    return sck


_SC_KERNEL_CACHE = []


def _sc_kernel():
    if not _SC_KERNEL_CACHE:
        _SC_KERNEL_CACHE.append(_make_sc_kernel())
    return _SC_KERNEL_CACHE[0]


def kernel(feat0, feat1, rois):
    table = _build_table(feat0, feat1)
    idx4, w2 = _indices_weights(rois)
    out = _sc_kernel()(table, idx4, w2)
    return out.reshape(B, R, PH, PW, C)

# --- scband reference (transcript-rebuilt; emitter-appended) ---
"""Pipeline reference for scband-roi-align-25941602467885 (READ-ONLY COPY).

The authoritative reference and input builder live on the scoring server;
editing this copy changes nothing except your own understanding.
"""

import jax, jax.numpy as jnp
import numpy as np


def crop_and_resize(image, boxes, box_indices, crop_size):
    # TF-semantics tf.image.crop_and_resize, bilinear, extrapolation_value=0.
    B, H, W, C = image.shape
    ph, pw = crop_size
    y1b, x1b, y2b, x2b = boxes[:, 0], boxes[:, 1], boxes[:, 2], boxes[:, 3]
    if ph > 1:
        ys = y1b[:, None] * (H - 1) + jnp.arange(ph, dtype=jnp.float32)[None, :] * ((y2b - y1b) * (H - 1) / (ph - 1))[:, None]
    else:
        ys = 0.5 * (y1b + y2b)[:, None] * (H - 1)
    if pw > 1:
        xs = x1b[:, None] * (W - 1) + jnp.arange(pw, dtype=jnp.float32)[None, :] * ((x2b - x1b) * (W - 1) / (pw - 1))[:, None]
    else:
        xs = 0.5 * (x1b + x2b)[:, None] * (W - 1)
    valid_y = (ys >= 0) & (ys <= H - 1)
    valid_x = (xs >= 0) & (xs <= W - 1)
    y0f = jnp.floor(ys)
    x0f = jnp.floor(xs)
    y0 = jnp.clip(y0f, 0, H - 1).astype(jnp.int32)
    y1i = jnp.clip(y0f + 1, 0, H - 1).astype(jnp.int32)
    x0 = jnp.clip(x0f, 0, W - 1).astype(jnp.int32)
    x1i = jnp.clip(x0f + 1, 0, W - 1).astype(jnp.int32)
    wy = (ys - y0f)[:, :, None, None]
    wx = (xs - x0f)[:, None, :, None]
    bi = box_indices[:, None, None]
    yy0 = y0[:, :, None]
    yy1 = y1i[:, :, None]
    xx0 = x0[:, None, :]
    xx1 = x1i[:, None, :]
    v00 = image[bi, yy0, xx0]
    v01 = image[bi, yy0, xx1]
    v10 = image[bi, yy1, xx0]
    v11 = image[bi, yy1, xx1]
    top = v00 + (v01 - v00) * wx
    bot = v10 + (v11 - v10) * wx
    out = top + (bot - top) * wy
    valid = (valid_y[:, :, None] & valid_x[:, None, :])[..., None]
    return jnp.where(valid, out, 0.0)


def roi_align_forward(feat0, feat1, rois, image_max_dim=1024.0, pool_size=(7, 7)):
    # Faithful port of the keras RoiAlign layer: rois with h>48 or w>48 go to
    # level 1 (coarser map), the rest to level 0; per-level crop_and_resize and
    # restore original roi order (here done by direct per-roi selection, which
    # is math-equivalent to the gather/sort/re-gather path in the TF code).
    B, R = rois.shape[:2]
    boxes = rois[..., :4].reshape(-1, 4)
    h = boxes[:, 2] - boxes[:, 0]
    w = boxes[:, 3] - boxes[:, 1]
    level1 = (h > 48.0) | (w > 48.0)
    boxes_norm = jax.lax.stop_gradient(boxes / image_max_dim)
    bidx = jnp.repeat(jnp.arange(B, dtype=jnp.int32), R)
    p0 = crop_and_resize(feat0, boxes_norm, bidx, pool_size)
    p1 = crop_and_resize(feat1, boxes_norm, bidx, pool_size)
    pooled = jnp.where(level1[:, None, None, None], p1, p0)
    return pooled.reshape(B, R, pool_size[0], pool_size[1], feat0.shape[-1])


def setup_inputs(seed: int = 0) -> dict:
    key = jax.random.key(seed)
    k1, k2, k3, k4, k5, k6 = jax.random.split(key, 6)
    B, R, C = 2, 1000, 256
    feat0 = jax.random.normal(k1, (B, 128, 128, C), dtype=jnp.float32)
    feat1 = jax.random.normal(k2, (B, 64, 64, C), dtype=jnp.float32)
    img = 1024.0
    y1 = jax.random.uniform(k3, (B, R), minval=0.0, maxval=0.65 * img, dtype=jnp.float32)
    x1 = jax.random.uniform(k4, (B, R), minval=0.0, maxval=0.65 * img, dtype=jnp.float32)
    h = jax.random.uniform(k5, (B, R), minval=8.0, maxval=320.0, dtype=jnp.float32)
    w = jax.random.uniform(k6, (B, R), minval=8.0, maxval=320.0, dtype=jnp.float32)
    y2 = jnp.minimum(y1 + h, img)
    x2 = jnp.minimum(x1 + w, img)
    tag = jnp.ones((B, R), dtype=jnp.float32)
    rois = jnp.stack([y1, x1, y2, x2, tag], axis=-1)
    return {"feat0": feat0, "feat1": feat1, "rois": rois}


def reference(feat0, feat1, rois):
    return roi_align_forward(feat0, feat1, rois, image_max_dim=1024.0, pool_size=(7, 7))

if __name__ == "__main__":
    import jax
    _d = setup_inputs()
    print(jax.jit(kernel)(*tuple(_d.values())))

</pallas_src>

<mosaic_0001>
#map = affine_map<(d0, d1) -> (0, 0)>
#map1 = affine_map<(d0, d1) -> (0)>
module attributes {stable_mosaic.version = 14 : i64} {
  func.func @sck(%arg0: i32, %arg1: i32, %arg2: memref<40960x256xf32, #tpu.memory_space<hbm>>, %arg3: memref<392000xi32, #tpu.memory_space<hbm>>, %arg4: memref<196000xf32, #tpu.memory_space<hbm>>, %arg5: memref<98000x256xf32, #tpu.memory_space<hbm>>, %arg6: memref<12288xi32, #tpu.memory_space<vmem>>, %arg7: memref<6160xf32, #tpu.memory_space<vmem>>, %arg8: memref<2x128x256xf32, #tpu.memory_space<vmem>>, %arg9: memref<2x32x256xf32, #tpu.memory_space<vmem>>, %arg10: memref<!tpu.dma_semaphore, #tpu.memory_space<semaphore_mem>>, %arg11: memref<!tpu.dma_semaphore, #tpu.memory_space<semaphore_mem>>, %arg12: memref<!tpu.dma_semaphore, #tpu.memory_space<semaphore_mem>>, %arg13: memref<!tpu.dma_semaphore, #tpu.memory_space<semaphore_mem>>) attributes {dimension_semantics = [#tpu.dimension_semantics<core_parallel>, #tpu.dimension_semantics<subcore_parallel>], iteration_bounds = array<i64: 2, 16>, scalar_prefetch = 0 : i64, scratch_operands = 8 : i64, tpu.core_type = #tpu.core_type<sc_vector_subcore>, window_params = [{transform_indices = #map}, {transform_indices = #map1}, {transform_indices = #map1}, {transform_indices = #map}]} {
    %mul3A = arith.constant 16 : i32
    %mul3A_0 = arith.muli %arg0, %mul3A : i32
    %add3A = arith.addi %mul3A_0, %arg1 : i32
    %mul3A_1 = arith.constant 3064 : i32
    %mul3A_2 = arith.muli %add3A, %mul3A_1 : i32
    %min3A = arith.constant 94928 : i32
    %min3A_3 = arith.minsi %mul3A_2, %min3A : i32
    %iota3A = tpu.iota {dimensions = array<i32: 0>} : vector<16xi32>
    %mul3A_4 = arith.constant 0 : i32
    %mul3A_5 = vector.broadcast %mul3A_4 : i32 to vector<16xi32>
    %mul3A_6 = arith.muli %iota3A, %mul3A_5 : vector<16xi32>
    %add3A_7 = arith.constant 1 : i32
    %add3A_8 = vector.broadcast %add3A_7 : i32 to vector<16xi32>
    %add3A_9 = arith.addi %mul3A_6, %add3A_8 : vector<16xi32>
    %mul3A_10 = arith.constant 4 : i32
    %mul3A_11 = arith.muli %min3A_3, %mul3A_10 : i32
    "tpu.region"() ({
      %run_scoped3A = tpu.sem_alloc : memref<!tpu.dma_semaphore, #tpu.memory_space<semaphore_mem>>
      %dma_start3A_66 = tpu.memref_slice %arg3[%mul3A_11] : memref<392000xi32, #tpu.memory_space<hbm>> -> memref<12288xi32, #tpu.memory_space<hbm>>
      %dma_start3A_67 = tpu.memref_slice %arg3[%mul3A_11] : memref<392000xi32, #tpu.memory_space<hbm>> -> memref<12288xi32, #tpu.memory_space<hbm>>
      tpu.enqueue_dma source(%dma_start3A_67 : memref<12288xi32, #tpu.memory_space<hbm>>) target(%arg6 : memref<12288xi32, #tpu.memory_space<vmem>>) target_semaphore(%run_scoped3A : memref<!tpu.dma_semaphore, #tpu.memory_space<semaphore_mem>>)
      %dma_wait3A_68 = tpu.memref_slice %arg3[%mul3A_11] : memref<392000xi32, #tpu.memory_space<hbm>> -> memref<12288xi32, #tpu.memory_space<hbm>>
      %dma_wait3A_69 = tpu.memref_slice %arg3[%mul3A_11] : memref<392000xi32, #tpu.memory_space<hbm>> -> memref<12288xi32, #tpu.memory_space<hbm>>
      tpu.wait_dma2 semaphore(%run_scoped3A : memref<!tpu.dma_semaphore, #tpu.memory_space<semaphore_mem>>) src(%dma_wait3A_69 : memref<12288xi32, #tpu.memory_space<hbm>>) dst(%arg6 : memref<12288xi32, #tpu.memory_space<vmem>>)
      tpu.yield
    }) : () -> ()
    %mul3A_12 = arith.constant 2 : i32
    %mul3A_13 = arith.muli %min3A_3, %mul3A_12 : i32
    "tpu.region"() ({
      %run_scoped3A = tpu.sem_alloc : memref<!tpu.dma_semaphore, #tpu.memory_space<semaphore_mem>>
      %dma_start3A_66 = arith.constant 0 : i32
      %dma_start3A_67 = tpu.memref_slice %arg7[%dma_start3A_66] : memref<6160xf32, #tpu.memory_space<vmem>> -> memref<6144xf32, #tpu.memory_space<vmem>>
      %dma_start3A_68 = tpu.memref_slice %arg4[%mul3A_13] : memref<196000xf32, #tpu.memory_space<hbm>> -> memref<6144xf32, #tpu.memory_space<hbm>>
      %dma_start3A_69 = arith.constant 0 : i32
      %dma_start3A_70 = tpu.memref_slice %arg7[%dma_start3A_69] : memref<6160xf32, #tpu.memory_space<vmem>> -> memref<6144xf32, #tpu.memory_space<vmem>>
      %dma_start3A_71 = tpu.memref_slice %arg4[%mul3A_13] : memref<196000xf32, #tpu.memory_space<hbm>> -> memref<6144xf32, #tpu.memory_space<hbm>>
      tpu.enqueue_dma source(%dma_start3A_71 : memref<6144xf32, #tpu.memory_space<hbm>>) target(%dma_start3A_70 : memref<6144xf32, #tpu.memory_space<vmem>>) target_semaphore(%run_scoped3A : memref<!tpu.dma_semaphore, #tpu.memory_space<semaphore_mem>>)
      %dma_wait3A_72 = arith.constant 0 : i32
      %dma_wait3A_73 = tpu.memref_slice %arg7[%dma_wait3A_72] : memref<6160xf32, #tpu.memory_space<vmem>> -> memref<6144xf32, #tpu.memory_space<vmem>>
      %dma_wait3A_74 = tpu.memref_slice %arg4[%mul3A_13] : memref<196000xf32, #tpu.memory_space<hbm>> -> memref<6144xf32, #tpu.memory_space<hbm>>
      %dma_wait3A_75 = arith.constant 0 : i32
      %dma_wait3A_76 = tpu.memref_slice %arg7[%dma_wait3A_75] : memref<6160xf32, #tpu.memory_space<vmem>> -> memref<6144xf32, #tpu.memory_space<vmem>>
      %dma_wait3A_77 = tpu.memref_slice %arg4[%mul3A_13] : memref<196000xf32, #tpu.memory_space<hbm>> -> memref<6144xf32, #tpu.memory_space<hbm>>
      tpu.wait_dma2 semaphore(%run_scoped3A : memref<!tpu.dma_semaphore, #tpu.memory_space<semaphore_mem>>) src(%dma_wait3A_77 : memref<6144xf32, #tpu.memory_space<hbm>>) dst(%dma_wait3A_76 : memref<6144xf32, #tpu.memory_space<vmem>>)
      tpu.yield
    }) : () -> ()
    %dma_start3A = arith.constant 0 : i32
    %dma_start3A_14 = arith.constant 0 : i32
    %dma_start3A_15 = arith.constant 0 : i32
    %dma_start3A_16 = tpu.memref_slice %arg8[%dma_start3A, %dma_start3A_14, %dma_start3A_15] : memref<2x128x256xf32, #tpu.memory_space<vmem>> -> memref<1x128x256xf32, #tpu.memory_space<vmem>>
    %dma_start3A_17 = tpu.memref_squeeze %dma_start3A_16 : memref<1x128x256xf32, #tpu.memory_space<vmem>> -> memref<128x256xf32, #tpu.memory_space<vmem>>
    %dma_start3A_18 = arith.constant 0 : i32
    %dma_start3A_19 = tpu.memref_slice %arg6[%dma_start3A_18] : memref<12288xi32, #tpu.memory_space<vmem>> -> memref<128xi32, #tpu.memory_space<vmem>>
    %dma_start3A_20 = arith.constant 0 : i32
    %dma_start3A_21 = arith.constant 0 : i32
    %dma_start3A_22 = tpu.memref_slice %arg2[%dma_start3A_20, %dma_start3A_21] : memref<40960x256xf32, #tpu.memory_space<hbm>> -> memref<40960x256xf32, #tpu.memory_space<hbm>>
    tpu.enqueue_indirect_dma source(%dma_start3A_22 : memref<40960x256xf32, #tpu.memory_space<hbm>>) target(%dma_start3A_17 : memref<128x256xf32, #tpu.memory_space<vmem>>) offsets(%dma_start3A_19 : memref<128xi32, #tpu.memory_space<vmem>>) semaphore(%arg10 : memref<!tpu.dma_semaphore, #tpu.memory_space<semaphore_mem>>)
    %dma_start3A_23 = arith.constant 1 : i32
    %dma_start3A_24 = arith.constant 0 : i32
    %dma_start3A_25 = arith.constant 0 : i32
    %dma_start3A_26 = tpu.memref_slice %arg8[%dma_start3A_23, %dma_start3A_24, %dma_start3A_25] : memref<2x128x256xf32, #tpu.memory_space<vmem>> -> memref<1x128x256xf32, #tpu.memory_space<vmem>>
    %dma_start3A_27 = tpu.memref_squeeze %dma_start3A_26 : memref<1x128x256xf32, #tpu.memory_space<vmem>> -> memref<128x256xf32, #tpu.memory_space<vmem>>
    %dma_start3A_28 = arith.constant 128 : i32
    %dma_start3A_29 = tpu.memref_slice %arg6[%dma_start3A_28] : memref<12288xi32, #tpu.memory_space<vmem>> -> memref<128xi32, #tpu.memory_space<vmem>>
    %dma_start3A_30 = arith.constant 0 : i32
    %dma_start3A_31 = arith.constant 0 : i32
    %dma_start3A_32 = tpu.memref_slice %arg2[%dma_start3A_30, %dma_start3A_31] : memref<40960x256xf32, #tpu.memory_space<hbm>> -> memref<40960x256xf32, #tpu.memory_space<hbm>>
    tpu.enqueue_indirect_dma source(%dma_start3A_32 : memref<40960x256xf32, #tpu.memory_space<hbm>>) target(%dma_start3A_27 : memref<128x256xf32, #tpu.memory_space<vmem>>) offsets(%dma_start3A_29 : memref<128xi32, #tpu.memory_space<vmem>>) semaphore(%arg11 : memref<!tpu.dma_semaphore, #tpu.memory_space<semaphore_mem>>)
    %scan3A = arith.constant 0 : i32
    %scan3A_33 = arith.constant 48 : i32
    %scan3A_34 = arith.addi %scan3A, %scan3A_33 : i32
    %scan3A_35 = arith.constant 1 : i32
    scf.for %scan3A_66 = %scan3A to %scan3A_34 step %scan3A_35  : i32 {
      %mul3A_67 = arith.constant 2 : i32
      %mul3A_68 = arith.muli %scan3A_66, %mul3A_67 : i32
      %add3A_69 = arith.constant 0 : i32
      %add3A_70 = arith.addi %add3A_69, %mul3A_68 : i32
      %add3A_71 = arith.constant 0 : i32
      %add3A_72 = arith.addi %add3A_70, %add3A_71 : i32
      %mul3A_73 = arith.constant 4 : i32
      %mul3A_74 = arith.muli %add3A_72, %mul3A_73 : i32
      %mul3A_75 = arith.constant 32 : i32
      %mul3A_76 = arith.muli %mul3A_74, %mul3A_75 : i32
      %dma_wait3A_77 = arith.constant 0 : i32
      %dma_wait3A_78 = arith.constant 0 : i32
      %dma_wait3A_79 = arith.constant 0 : i32
      %dma_wait3A_80 = tpu.memref_slice %arg8[%dma_wait3A_77, %dma_wait3A_78, %dma_wait3A_79] : memref<2x128x256xf32, #tpu.memory_space<vmem>> -> memref<1x128x256xf32, #tpu.memory_space<vmem>>
      %dma_wait3A_81 = tpu.memref_squeeze %dma_wait3A_80 : memref<1x128x256xf32, #tpu.memory_space<vmem>> -> memref<128x256xf32, #tpu.memory_space<vmem>>
      %dma_wait3A_82 = tpu.memref_slice %arg6[%mul3A_76] : memref<12288xi32, #tpu.memory_space<vmem>> -> memref<128xi32, #tpu.memory_space<vmem>>
      %dma_wait3A_83 = arith.constant 0 : i32
      %dma_wait3A_84 = arith.constant 0 : i32
      %dma_wait3A_85 = tpu.memref_slice %arg2[%dma_wait3A_83, %dma_wait3A_84] : memref<40960x256xf32, #tpu.memory_space<hbm>> -> memref<40960x256xf32, #tpu.memory_space<hbm>>
      tpu.wait_indirect_dma semaphore(%arg10 : memref<!tpu.dma_semaphore, #tpu.memory_space<semaphore_mem>>) src(%dma_wait3A_85 : memref<40960x256xf32, #tpu.memory_space<hbm>>) dst(%dma_wait3A_81 : memref<128x256xf32, #tpu.memory_space<vmem>>)
      %ge3A = arith.constant 2 : i32
      %ge3A_86 = arith.cmpi sge, %add3A_72, %ge3A : i32
      %convert_element_type3A = arith.extui %ge3A_86 : i1 to i32
      %cond3A = arith.constant 0 : i32
      %cond3A_87 = arith.cmpi ne, %convert_element_type3A, %cond3A : i32
      scf.if %cond3A_87 {
        %mul3A_163 = arith.constant 32 : i32
        %mul3A_164 = arith.muli %add3A_72, %mul3A_163 : i32
        %add3A_165 = arith.addi %min3A_3, %mul3A_164 : i32
        %dma_wait3A_166 = arith.constant 0 : i32
        %dma_wait3A_167 = arith.constant 0 : i32
        %dma_wait3A_168 = arith.constant 0 : i32
        %dma_wait3A_169 = tpu.memref_slice %arg9[%dma_wait3A_166, %dma_wait3A_167, %dma_wait3A_168] : memref<2x32x256xf32, #tpu.memory_space<vmem>> -> memref<1x32x256xf32, #tpu.memory_space<vmem>>
        %dma_wait3A_170 = tpu.memref_squeeze %dma_wait3A_169 : memref<1x32x256xf32, #tpu.memory_space<vmem>> -> memref<32x256xf32, #tpu.memory_space<vmem>>
        %dma_wait3A_171 = arith.constant 0 : i32
        %dma_wait3A_172 = tpu.memref_slice %arg5[%add3A_165, %dma_wait3A_171] : memref<98000x256xf32, #tpu.memory_space<hbm>> -> memref<32x256xf32, #tpu.memory_space<hbm>>
        %dma_wait3A_173 = arith.constant 0 : i32
        %dma_wait3A_174 = tpu.memref_slice %arg5[%add3A_165, %dma_wait3A_173] : memref<98000x256xf32, #tpu.memory_space<hbm>> -> memref<32x256xf32, #tpu.memory_space<hbm>>
        %dma_wait3A_175 = arith.constant 0 : i32
        %dma_wait3A_176 = arith.constant 0 : i32
        %dma_wait3A_177 = tpu.memref_slice %arg9[%dma_wait3A_166, %dma_wait3A_175, %dma_wait3A_176] : memref<2x32x256xf32, #tpu.memory_space<vmem>> -> memref<1x32x256xf32, #tpu.memory_space<vmem>>
        %dma_wait3A_178 = tpu.memref_squeeze %dma_wait3A_177 : memref<1x32x256xf32, #tpu.memory_space<vmem>> -> memref<32x256xf32, #tpu.memory_space<vmem>>
        tpu.wait_dma2 semaphore(%arg12 : memref<!tpu.dma_semaphore, #tpu.memory_space<semaphore_mem>>) src(%dma_wait3A_178 : memref<32x256xf32, #tpu.memory_space<vmem>>) dst(%dma_wait3A_174 : memref<32x256xf32, #tpu.memory_space<hbm>>)
      } else {
      }
      %scan3A_88 = arith.constant 0 : i32
      %scan3A_89 = arith.constant 16 : i32
      %scan3A_90 = arith.addi %scan3A_88, %scan3A_89 : i32
      %scan3A_91 = arith.constant 1 : i32
      scf.for %scan3A_163 = %scan3A_88 to %scan3A_90 step %scan3A_91  : i32 {
        %mul3A_164 = arith.constant 2 : i32
        %mul3A_165 = arith.muli %scan3A_163, %mul3A_164 : i32
        %add3A_166 = arith.constant 0 : i32
        %add3A_167 = arith.addi %add3A_166, %mul3A_165 : i32
        %add3A_168 = arith.constant 1 : i32
        %add3A_169 = arith.addi %add3A_167, %add3A_168 : i32
        %mul3A_170 = arith.constant 32 : i32
        %mul3A_171 = arith.muli %add3A_72, %mul3A_170 : i32
        %add3A_172 = arith.addi %mul3A_171, %add3A_167 : i32
        %mul3A_173 = arith.constant 2 : i32
        %mul3A_174 = arith.muli %add3A_172, %mul3A_173 : i32
        %get3A = arith.index_cast %mul3A_174 : i32 to index
        %get3A_175 = tpu.vector_load %arg7[%get3A] {strides = array<i32>} : memref<6160xf32, #tpu.memory_space<vmem>>, vector<16xf32>,
        %get3A_176 = vector.shape_cast %get3A_175 : vector<16xf32> to vector<16xf32>
        %lt3A_177 = arith.constant 0 : i32
        %lt3A_178 = vector.broadcast %lt3A_177 : i32 to vector<16xi32>
        %lt3A_179 = arith.cmpi slt, %mul3A_6, %lt3A_178 : vector<16xi32>
        %add3A_180 = arith.constant 16 : i32
        %add3A_181 = vector.broadcast %add3A_180 : i32 to vector<16xi32>
        %add3A_182 = arith.addi %mul3A_6, %add3A_181 : vector<16xi32>
        %select_n3A = arith.select %lt3A_179, %add3A_182, %mul3A_6 : vector<16xi1>, vector<16xi32>
        %broadcast_in_dim3A = vector.shape_cast %select_n3A : vector<16xi32> to vector<16x1xi32>
        %gather3A = vector.shape_cast %broadcast_in_dim3A : vector<16x1xi32> to vector<16xi32>
        %gather3A_183 = tpu.dynamic_gather %get3A_176[%gather3A] in [0] : vector<16xf32>, vector<16xi32> -> vector<16xf32>
        %lt3A_184 = arith.constant 0 : i32
        %lt3A_185 = vector.broadcast %lt3A_184 : i32 to vector<16xi32>
        %lt3A_186 = arith.cmpi slt, %add3A_9, %lt3A_185 : vector<16xi32>
        %add3A_187 = arith.constant 16 : i32
        %add3A_188 = vector.broadcast %add3A_187 : i32 to vector<16xi32>
        %add3A_189 = arith.addi %add3A_9, %add3A_188 : vector<16xi32>
        %select_n3A_190 = arith.select %lt3A_186, %add3A_189, %add3A_9 : vector<16xi1>, vector<16xi32>
        %broadcast_in_dim3A_191 = vector.shape_cast %select_n3A_190 : vector<16xi32> to vector<16x1xi32>
        %gather3A_192 = vector.shape_cast %broadcast_in_dim3A_191 : vector<16x1xi32> to vector<16xi32>
        %gather3A_193 = tpu.dynamic_gather %get3A_176[%gather3A_192] in [0] : vector<16xf32>, vector<16xi32> -> vector<16xf32>
        %mul3A_194 = arith.constant 4 : i32
        %mul3A_195 = arith.muli %mul3A_194, %add3A_167 : i32
        %get3A_196 = arith.constant 0 : i32
        %get3A_197 = arith.index_cast %get3A_196 : i32 to index
        %get3A_198 = arith.index_cast %mul3A_195 : i32 to index
        %get3A_199 = arith.constant 0 : index
        %get3A_200 = tpu.vector_load %arg8[%get3A_197, %get3A_198, %get3A_199] {strides = array<i32>} : memref<2x128x256xf32, #tpu.memory_space<vmem>>, vector<1x1x16xf32>,
        %get3A_201 = vector.shape_cast %get3A_200 : vector<1x1x16xf32> to vector<16xf32>
        %mul3A_202 = arith.constant 4 : i32
        %mul3A_203 = arith.muli %mul3A_202, %add3A_167 : i32
        %add3A_204 = arith.constant 1 : i32
        %add3A_205 = arith.addi %mul3A_203, %add3A_204 : i32
        %get3A_206 = arith.constant 0 : i32
        %get3A_207 = arith.index_cast %get3A_206 : i32 to index
        %get3A_208 = arith.index_cast %add3A_205 : i32 to index
        %get3A_209 = arith.constant 0 : index
        %get3A_210 = tpu.vector_load %arg8[%get3A_207, %get3A_208, %get3A_209] {strides = array<i32>} : memref<2x128x256xf32, #tpu.memory_space<vmem>>, vector<1x1x16xf32>,
        %get3A_211 = vector.shape_cast %get3A_210 : vector<1x1x16xf32> to vector<16xf32>
        %mul3A_212 = arith.constant 4 : i32
        %mul3A_213 = arith.muli %mul3A_212, %add3A_167 : i32
        %add3A_214 = arith.constant 2 : i32
        %add3A_215 = arith.addi %mul3A_213, %add3A_214 : i32
        %get3A_216 = arith.constant 0 : i32
        %get3A_217 = arith.index_cast %get3A_216 : i32 to index
        %get3A_218 = arith.index_cast %add3A_215 : i32 to index
        %get3A_219 = arith.constant 0 : index
        %get3A_220 = tpu.vector_load %arg8[%get3A_217, %get3A_218, %get3A_219] {strides = array<i32>} : memref<2x128x256xf32, #tpu.memory_space<vmem>>, vector<1x1x16xf32>,
        %get3A_221 = vector.shape_cast %get3A_220 : vector<1x1x16xf32> to vector<16xf32>
        %mul3A_222 = arith.constant 4 : i32
        %mul3A_223 = arith.muli %mul3A_222, %add3A_167 : i32
        %add3A_224 = arith.constant 3 : i32
        %add3A_225 = arith.addi %mul3A_223, %add3A_224 : i32
        %get3A_226 = arith.constant 0 : i32
        %get3A_227 = arith.index_cast %get3A_226 : i32 to index
        %get3A_228 = arith.index_cast %add3A_225 : i32 to index
        %get3A_229 = arith.constant 0 : index
        %get3A_230 = tpu.vector_load %arg8[%get3A_227, %get3A_228, %get3A_229] {strides = array<i32>} : memref<2x128x256xf32, #tpu.memory_space<vmem>>, vector<1x1x16xf32>,
        %get3A_231 = vector.shape_cast %get3A_230 : vector<1x1x16xf32> to vector<16xf32>
        %sub3A = arith.subf %get3A_211, %get3A_201 : vector<16xf32>
        %mul3A_232 = arith.mulf %sub3A, %gather3A_183 : vector<16xf32>
        %add3A_233 = arith.addf %get3A_201, %mul3A_232 : vector<16xf32>
        %sub3A_234 = arith.subf %get3A_231, %get3A_221 : vector<16xf32>
        %mul3A_235 = arith.mulf %sub3A_234, %gather3A_183 : vector<16xf32>
        %add3A_236 = arith.addf %get3A_221, %mul3A_235 : vector<16xf32>
        %sub3A_237 = arith.subf %add3A_236, %add3A_233 : vector<16xf32>
        %mul3A_238 = arith.mulf %sub3A_237, %gather3A_193 : vector<16xf32>
        %add3A_239 = arith.addf %add3A_233, %mul3A_238 : vector<16xf32>
        %swap3A = arith.constant 0 : i32
        %swap3A_240 = arith.index_cast %swap3A : i32 to index
        %swap3A_241 = arith.index_cast %add3A_167 : i32 to index
        %swap3A_242 = arith.constant 0 : index
        %swap3A_243 = tpu.vector_load %arg9[%swap3A_240, %swap3A_241, %swap3A_242] {strides = array<i32>} : memref<2x32x256xf32, #tpu.memory_space<vmem>>, vector<1x1x16xf32>,
        %swap3A_244 = vector.shape_cast %swap3A_243 : vector<1x1x16xf32> to vector<16xf32>
        %swap3A_245 = vector.shape_cast %add3A_239 : vector<16xf32> to vector<1x1x16xf32>
        tpu.vector_store %arg9[%swap3A_240, %swap3A_241, %swap3A_242], %swap3A_245 {strides = array<i32>} : memref<2x32x256xf32, #tpu.memory_space<vmem>>, vector<1x1x16xf32>,
        %mul3A_246 = arith.constant 4 : i32
        %mul3A_247 = arith.muli %mul3A_246, %add3A_167 : i32
        %get3A_248 = arith.constant 0 : i32
        %get3A_249 = arith.index_cast %get3A_248 : i32 to index
        %get3A_250 = arith.index_cast %mul3A_247 : i32 to index
        %get3A_251 = arith.constant 16 : index
        %get3A_252 = tpu.vector_load %arg8[%get3A_249, %get3A_250, %get3A_251] {strides = array<i32>} : memref<2x128x256xf32, #tpu.memory_space<vmem>>, vector<1x1x16xf32>,
        %get3A_253 = vector.shape_cast %get3A_252 : vector<1x1x16xf32> to vector<16xf32>
        %mul3A_254 = arith.constant 4 : i32
        %mul3A_255 = arith.muli %mul3A_254, %add3A_167 : i32
        %add3A_256 = arith.constant 1 : i32
        %add3A_257 = arith.addi %mul3A_255, %add3A_256 : i32
        %get3A_258 = arith.constant 0 : i32
        %get3A_259 = arith.index_cast %get3A_258 : i32 to index
        %get3A_260 = arith.index_cast %add3A_257 : i32 to index
        %get3A_261 = arith.constant 16 : index
        %get3A_262 = tpu.vector_load %arg8[%get3A_259, %get3A_260, %get3A_261] {strides = array<i32>} : memref<2x128x256xf32, #tpu.memory_space<vmem>>, vector<1x1x16xf32>,
        %get3A_263 = vector.shape_cast %get3A_262 : vector<1x1x16xf32> to vector<16xf32>
        %mul3A_264 = arith.constant 4 : i32
        %mul3A_265 = arith.muli %mul3A_264, %add3A_167 : i32
        %add3A_266 = arith.constant 2 : i32
        %add3A_267 = arith.addi %mul3A_265, %add3A_266 : i32
        %get3A_268 = arith.constant 0 : i32
        %get3A_269 = arith.index_cast %get3A_268 : i32 to index
        %get3A_270 = arith.index_cast %add3A_267 : i32 to index
        %get3A_271 = arith.constant 16 : index
        %get3A_272 = tpu.vector_load %arg8[%get3A_269, %get3A_270, %get3A_271] {strides = array<i32>} : memref<2x128x256xf32, #tpu.memory_space<vmem>>, vector<1x1x16xf32>,
        %get3A_273 = vector.shape_cast %get3A_272 : vector<1x1x16xf32> to vector<16xf32>
        %mul3A_274 = arith.constant 4 : i32
        %mul3A_275 = arith.muli %mul3A_274, %add3A_167 : i32
        %add3A_276 = arith.constant 3 : i32
        %add3A_277 = arith.addi %mul3A_275, %add3A_276 : i32
        %get3A_278 = arith.constant 0 : i32
        %get3A_279 = arith.index_cast %get3A_278 : i32 to index
        %get3A_280 = arith.index_cast %add3A_277 : i32 to index
        %get3A_281 = arith.constant 16 : index
        %get3A_282 = tpu.vector_load %arg8[%get3A_279, %get3A_280, %get3A_281] {strides = array<i32>} : memref<2x128x256xf32, #tpu.memory_space<vmem>>, vector<1x1x16xf32>,
        %get3A_283 = vector.shape_cast %get3A_282 : vector<1x1x16xf32> to vector<16xf32>
        %sub3A_284 = arith.subf %get3A_263, %get3A_253 : vector<16xf32>
        %mul3A_285 = arith.mulf %sub3A_284, %gather3A_183 : vector<16xf32>
        %add3A_286 = arith.addf %get3A_253, %mul3A_285 : vector<16xf32>
        %sub3A_287 = arith.subf %get3A_283, %get3A_273 : vector<16xf32>
        %mul3A_288 = arith.mulf %sub3A_287, %gather3A_183 : vector<16xf32>
        %add3A_289 = arith.addf %get3A_273, %mul3A_288 : vector<16xf32>
        %sub3A_290 = arith.subf %add3A_289, %add3A_286 : vector<16xf32>
        %mul3A_291 = arith.mulf %sub3A_290, %gather3A_193 : vector<16xf32>
        %add3A_292 = arith.addf %add3A_286, %mul3A_291 : vector<16xf32>
        %swap3A_293 = arith.constant 0 : i32
        %swap3A_294 = arith.index_cast %swap3A_293 : i32 to index
        %swap3A_295 = arith.index_cast %add3A_167 : i32 to index
        %swap3A_296 = arith.constant 16 : index
        %swap3A_297 = tpu.vector_load %arg9[%swap3A_294, %swap3A_295, %swap3A_296] {strides = array<i32>} : memref<2x32x256xf32, #tpu.memory_space<vmem>>, vector<1x1x16xf32>,
        %swap3A_298 = vector.shape_cast %swap3A_297 : vector<1x1x16xf32> to vector<16xf32>
        %swap3A_299 = vector.shape_cast %add3A_292 : vector<16xf32> to vector<1x1x16xf32>
        tpu.vector_store %arg9[%swap3A_294, %swap3A_295, %swap3A_296], %swap3A_299 {strides = array<i32>} : memref<2x32x256xf32, #tpu.memory_space<vmem>>, vector<1x1x16xf32>,
        %mul3A_300 = arith.constant 4 : i32
        %mul3A_301 = arith.muli %mul3A_300, %add3A_167 : i32
        %get3A_302 = arith.constant 0 : i32
        %get3A_303 = arith.index_cast %get3A_302 : i32 to index
        %get3A_304 = arith.index_cast %mul3A_301 : i32 to index
        %get3A_305 = arith.constant 32 : index
        %get3A_306 = tpu.vector_load %arg8[%get3A_303, %get3A_304, %get3A_305] {strides = array<i32>} : memref<2x128x256xf32, #tpu.memory_space<vmem>>, vector<1x1x16xf32>,
        %get3A_307 = vector.shape_cast %get3A_306 : vector<1x1x16xf32> to vector<16xf32>
        %mul3A_308 = arith.constant 4 : i32
        %mul3A_309 = arith.muli %mul3A_308, %add3A_167 : i32
        %add3A_310 = arith.constant 1 : i32
        %add3A_311 = arith.addi %mul3A_309, %add3A_310 : i32
        %get3A_312 = arith.constant 0 : i32
        %get3A_313 = arith.index_cast %get3A_312 : i32 to index
        %get3A_314 = arith.index_cast %add3A_311 : i32 to index
        %get3A_315 = arith.constant 32 : index
        %get3A_316 = tpu.vector_load %arg8[%get3A_313, %get3A_314, %get3A_315] {strides = array<i32>} : memref<2x128x256xf32, #tpu.memory_space<vmem>>, vector<1x1x16xf32>,
        %get3A_317 = vector.shape_cast %get3A_316 : vector<1x1x16xf32> to vector<16xf32>
        %mul3A_318 = arith.constant 4 : i32
        %mul3A_319 = arith.muli %mul3A_318, %add3A_167 : i32
        %add3A_320 = arith.constant 2 : i32
        %add3A_321 = arith.addi %mul3A_319, %add3A_320 : i32
        %get3A_322 = arith.constant 0 : i32
        %get3A_323 = arith.index_cast %get3A_322 : i32 to index
        %get3A_324 = arith.index_cast %add3A_321 : i32 to index
        %get3A_325 = arith.constant 32 : index
        %get3A_326 = tpu.vector_load %arg8[%get3A_323, %get3A_324, %get3A_325] {strides = array<i32>} : memref<2x128x256xf32, #tpu.memory_space<vmem>>, vector<1x1x16xf32>,
        %get3A_327 = vector.shape_cast %get3A_326 : vector<1x1x16xf32> to vector<16xf32>
        %mul3A_328 = arith.constant 4 : i32
        %mul3A_329 = arith.muli %mul3A_328, %add3A_167 : i32
        %add3A_330 = arith.constant 3 : i32
        %add3A_331 = arith.addi %mul3A_329, %add3A_330 : i32
        %get3A_332 = arith.constant 0 : i32
        %get3A_333 = arith.index_cast %get3A_332 : i32 to index
        %get3A_334 = arith.index_cast %add3A_331 : i32 to index
        %get3A_335 = arith.constant 32 : index
        %get3A_336 = tpu.vector_load %arg8[%get3A_333, %get3A_334, %get3A_335] {strides = array<i32>} : memref<2x128x256xf32, #tpu.memory_space<vmem>>, vector<1x1x16xf32>,
        %get3A_337 = vector.shape_cast %get3A_336 : vector<1x1x16xf32> to vector<16xf32>
        %sub3A_338 = arith.subf %get3A_317, %get3A_307 : vector<16xf32>
        %mul3A_339 = arith.mulf %sub3A_338, %gather3A_183 : vector<16xf32>
        %add3A_340 = arith.addf %get3A_307, %mul3A_339 : vector<16xf32>
        %sub3A_341 = arith.subf %get3A_337, %get3A_327 : vector<16xf32>
        %mul3A_342 = arith.mulf %sub3A_341, %gather3A_183 : vector<16xf32>
        %add3A_343 = arith.addf %get3A_327, %mul3A_342 : vector<16xf32>
        %sub3A_344 = arith.subf %add3A_343, %add3A_340 : vector<16xf32>
        %mul3A_345 = arith.mulf %sub3A_344, %gather3A_193 : vector<16xf32>
        %add3A_346 = arith.addf %add3A_340, %mul3A_345 : vector<16xf32>
        %swap3A_347 = arith.constant 0 : i32
        %swap3A_348 = arith.index_cast %swap3A_347 : i32 to index
        %swap3A_349 = arith.index_cast %add3A_167 : i32 to index
        %swap3A_350 = arith.constant 32 : index
        %swap3A_351 = tpu.vector_load %arg9[%swap3A_348, %swap3A_349, %swap3A_350] {strides = array<i32>} : memref<2x32x256xf32, #tpu.memory_space<vmem>>, vector<1x1x16xf32>,
        %swap3A_352 = vector.shape_cast %swap3A_351 : vector<1x1x16xf32> to vector<16xf32>
        %swap3A_353 = vector.shape_cast %add3A_346 : vector<16xf32> to vector<1x1x16xf32>
        tpu.vector_store %arg9[%swap3A_348, %swap3A_349, %swap3A_350], %swap3A_353 {strides = array<i32>} : memref<2x32x256xf32, #tpu.memory_space<vmem>>, vector<1x1x16xf32>,
        %mul3A_354 = arith.constant 4 : i32
        %mul3A_355 = arith.muli %mul3A_354, %add3A_167 : i32
        %get3A_356 = arith.constant 0 : i32
        %get3A_357 = arith.index_cast %get3A_356 : i32 to index
        %get3A_358 = arith.index_cast %mul3A_355 : i32 to index
        %get3A_359 = arith.constant 48 : index
        %get3A_360 = tpu.vector_load %arg8[%get3A_357, %get3A_358, %get3A_359] {strides = array<i32>} : memref<2x128x256xf32, #tpu.memory_space<vmem>>, vector<1x1x16xf32>,
        %get3A_361 = vector.shape_cast %get3A_360 : vector<1x1x16xf32> to vector<16xf32>
        %mul3A_362 = arith.constant 4 : i32
        %mul3A_363 = arith.muli %mul3A_362, %add3A_167 : i32
        %add3A_364 = arith.constant 1 : i32
        %add3A_365 = arith.addi %mul3A_363, %add3A_364 : i32
        %get3A_366 = arith.constant 0 : i32
        %get3A_367 = arith.index_cast %get3A_366 : i32 to index
        %get3A_368 = arith.index_cast %add3A_365 : i32 to index
        %get3A_369 = arith.constant 48 : index
        %get3A_370 = tpu.vector_load %arg8[%get3A_367, %get3A_368, %get3A_369] {strides = array<i32>} : memref<2x128x256xf32, #tpu.memory_space<vmem>>, vector<1x1x16xf32>,
        %get3A_371 = vector.shape_cast %get3A_370 : vector<1x1x16xf32> to vector<16xf32>
        %mul3A_372 = arith.constant 4 : i32
        %mul3A_373 = arith.muli %mul3A_372, %add3A_167 : i32
        %add3A_374 = arith.constant 2 : i32
        %add3A_375 = arith.addi %mul3A_373, %add3A_374 : i32
        %get3A_376 = arith.constant 0 : i32
        %get3A_377 = arith.index_cast %get3A_376 : i32 to index
        %get3A_378 = arith.index_cast %add3A_375 : i32 to index
        %get3A_379 = arith.constant 48 : index
        %get3A_380 = tpu.vector_load %arg8[%get3A_377, %get3A_378, %get3A_379] {strides = array<i32>} : memref<2x128x256xf32, #tpu.memory_space<vmem>>, vector<1x1x16xf32>,
        %get3A_381 = vector.shape_cast %get3A_380 : vector<1x1x16xf32> to vector<16xf32>
        %mul3A_382 = arith.constant 4 : i32
        %mul3A_383 = arith.muli %mul3A_382, %add3A_167 : i32
        %add3A_384 = arith.constant 3 : i32
        %add3A_385 = arith.addi %mul3A_383, %add3A_384 : i32
        %get3A_386 = arith.constant 0 : i32
        %get3A_387 = arith.index_cast %get3A_386 : i32 to index
        %get3A_388 = arith.index_cast %add3A_385 : i32 to index
        %get3A_389 = arith.constant 48 : index
        %get3A_390 = tpu.vector_load %arg8[%get3A_387, %get3A_388, %get3A_389] {strides = array<i32>} : memref<2x128x256xf32, #tpu.memory_space<vmem>>, vector<1x1x16xf32>,
        %get3A_391 = vector.shape_cast %get3A_390 : vector<1x1x16xf32> to vector<16xf32>
        %sub3A_392 = arith.subf %get3A_371, %get3A_361 : vector<16xf32>
        %mul3A_393 = arith.mulf %sub3A_392, %gather3A_183 : vector<16xf32>
        %add3A_394 = arith.addf %get3A_361, %mul3A_393 : vector<16xf32>
        %sub3A_395 = arith.subf %get3A_391, %get3A_381 : vector<16xf32>
        %mul3A_396 = arith.mulf %sub3A_395, %gather3A_183 : vector<16xf32>
        %add3A_397 = arith.addf %get3A_381, %mul3A_396 : vector<16xf32>
        %sub3A_398 = arith.subf %add3A_397, %add3A_394 : vector<16xf32>
        %mul3A_399 = arith.mulf %sub3A_398, %gather3A_193 : vector<16xf32>
        %add3A_400 = arith.addf %add3A_394, %mul3A_399 : vector<16xf32>
        %swap3A_401 = arith.constant 0 : i32
        %swap3A_402 = arith.index_cast %swap3A_401 : i32 to index
        %swap3A_403 = arith.index_cast %add3A_167 : i32 to index
        %swap3A_404 = arith.constant 48 : index
        %swap3A_405 = tpu.vector_load %arg9[%swap3A_402, %swap3A_403, %swap3A_404] {strides = array<i32>} : memref<2x32x256xf32, #tpu.memory_space<vmem>>, vector<1x1x16xf32>,
        %swap3A_406 = vector.shape_cast %swap3A_405 : vector<1x1x16xf32> to vector<16xf32>
        %swap3A_407 = vector.shape_cast %add3A_400 : vector<16xf32> to vector<1x1x16xf32>
        tpu.vector_store %arg9[%swap3A_402, %swap3A_403, %swap3A_404], %swap3A_407 {strides = array<i32>} : memref<2x32x256xf32, #tpu.memory_space<vmem>>, vector<1x1x16xf32>,
        %mul3A_408 = arith.constant 4 : i32
        %mul3A_409 = arith.muli %mul3A_408, %add3A_167 : i32
        %get3A_410 = arith.constant 0 : i32
        %get3A_411 = arith.index_cast %get3A_410 : i32 to index
        %get3A_412 = arith.index_cast %mul3A_409 : i32 to index
        %get3A_413 = arith.constant 64 : index
        %get3A_414 = tpu.vector_load %arg8[%get3A_411, %get3A_412, %get3A_413] {strides = array<i32>} : memref<2x128x256xf32, #tpu.memory_space<vmem>>, vector<1x1x16xf32>,
        %get3A_415 = vector.shape_cast %get3A_414 : vector<1x1x16xf32> to vector<16xf32>
        %mul3A_416 = arith.constant 4 : i32
        %mul3A_417 = arith.muli %mul3A_416, %add3A_167 : i32
        %add3A_418 = arith.constant 1 : i32
        %add3A_419 = arith.addi %mul3A_417, %add3A_418 : i32
        %get3A_420 = arith.constant 0 : i32
        %get3A_421 = arith.index_cast %get3A_420 : i32 to index
        %get3A_422 = arith.index_cast %add3A_419 : i32 to index
        %get3A_423 = arith.constant 64 : index
        %get3A_424 = tpu.vector_load %arg8[%get3A_421, %get3A_422, %get3A_423] {strides = array<i32>} : memref<2x128x256xf32, #tpu.memory_space<vmem>>, vector<1x1x16xf32>,
        %get3A_425 = vector.shape_cast %get3A_424 : vector<1x1x16xf32> to vector<16xf32>
        %mul3A_426 = arith.constant 4 : i32
        %mul3A_427 = arith.muli %mul3A_426, %add3A_167 : i32
        %add3A_428 = arith.constant 2 : i32
        %add3A_429 = arith.addi %mul3A_427, %add3A_428 : i32
        %get3A_430 = arith.constant 0 : i32
        %get3A_431 = arith.index_cast %get3A_430 : i32 to index
        %get3A_432 = arith.index_cast %add3A_429 : i32 to index
        %get3A_433 = arith.constant 64 : index
        %get3A_434 = tpu.vector_load %arg8[%get3A_431, %get3A_432, %get3A_433] {strides = array<i32>} : memref<2x128x256xf32, #tpu.memory_space<vmem>>, vector<1x1x16xf32>,
        %get3A_435 = vector.shape_cast %get3A_434 : vector<1x1x16xf32> to vector<16xf32>
        %mul3A_436 = arith.constant 4 : i32
        %mul3A_437 = arith.muli %mul3A_436, %add3A_167 : i32
        %add3A_438 = arith.constant 3 : i32
        %add3A_439 = arith.addi %mul3A_437, %add3A_438 : i32
        %get3A_440 = arith.constant 0 : i32
        %get3A_441 = arith.index_cast %get3A_440 : i32 to index
        %get3A_442 = arith.index_cast %add3A_439 : i32 to index
        %get3A_443 = arith.constant 64 : index
        %get3A_444 = tpu.vector_load %arg8[%get3A_441, %get3A_442, %get3A_443] {strides = array<i32>} : memref<2x128x256xf32, #tpu.memory_space<vmem>>, vector<1x1x16xf32>,
        %get3A_445 = vector.shape_cast %get3A_444 : vector<1x1x16xf32> to vector<16xf32>
        %sub3A_446 = arith.subf %get3A_425, %get3A_415 : vector<16xf32>
        %mul3A_447 = arith.mulf %sub3A_446, %gather3A_183 : vector<16xf32>
        %add3A_448 = arith.addf %get3A_415, %mul3A_447 : vector<16xf32>
        %sub3A_449 = arith.subf %get3A_445, %get3A_435 : vector<16xf32>
        %mul3A_450 = arith.mulf %sub3A_449, %gather3A_183 : vector<16xf32>
        %add3A_451 = arith.addf %get3A_435, %mul3A_450 : vector<16xf32>
        %sub3A_452 = arith.subf %add3A_451, %add3A_448 : vector<16xf32>
        %mul3A_453 = arith.mulf %sub3A_452, %gather3A_193 : vector<16xf32>
        %add3A_454 = arith.addf %add3A_448, %mul3A_453 : vector<16xf32>
        %swap3A_455 = arith.constant 0 : i32
        %swap3A_456 = arith.index_cast %swap3A_455 : i32 to index
        %swap3A_457 = arith.index_cast %add3A_167 : i32 to index
        %swap3A_458 = arith.constant 64 : index
        %swap3A_459 = tpu.vector_load %arg9[%swap3A_456, %swap3A_457, %swap3A_458] {strides = array<i32>} : memref<2x32x256xf32, #tpu.memory_space<vmem>>, vector<1x1x16xf32>,
        %swap3A_460 = vector.shape_cast %swap3A_459 : vector<1x1x16xf32> to vector<16xf32>
        %swap3A_461 = vector.shape_cast %add3A_454 : vector<16xf32> to vector<1x1x16xf32>
        tpu.vector_store %arg9[%swap3A_456, %swap3A_457, %swap3A_458], %swap3A_461 {strides = array<i32>} : memref<2x32x256xf32, #tpu.memory_space<vmem>>, vector<1x1x16xf32>,
        %mul3A_462 = arith.constant 4 : i32
        %mul3A_463 = arith.muli %mul3A_462, %add3A_167 : i32
        %get3A_464 = arith.constant 0 : i32
        %get3A_465 = arith.index_cast %get3A_464 : i32 to index
        %get3A_466 = arith.index_cast %mul3A_463 : i32 to index
        %get3A_467 = arith.constant 80 : index
        %get3A_468 = tpu.vector_load %arg8[%get3A_465, %get3A_466, %get3A_467] {strides = array<i32>} : memref<2x128x256xf32, #tpu.memory_space<vmem>>, vector<1x1x16xf32>,
        %get3A_469 = vector.shape_cast %get3A_468 : vector<1x1x16xf32> to vector<16xf32>
        %mul3A_470 = arith.constant 4 : i32
        %mul3A_471 = arith.muli %mul3A_470, %add3A_167 : i32
        %add3A_472 = arith.constant 1 : i32
        %add3A_473 = arith.addi %mul3A_471, %add3A_472 : i32
        %get3A_474 = arith.constant 0 : i32
        %get3A_475 = arith.index_cast %get3A_474 : i32 to index
        %get3A_476 = arith.index_cast %add3A_473 : i32 to index
        %get3A_477 = arith.constant 80 : index
        %get3A_478 = tpu.vector_load %arg8[%get3A_475, %get3A_476, %get3A_477] {strides = array<i32>} : memref<2x128x256xf32, #tpu.memory_space<vmem>>, vector<1x1x16xf32>,
        %get3A_479 = vector.shape_cast %get3A_478 : vector<1x1x16xf32> to vector<16xf32>
        %mul3A_480 = arith.constant 4 : i32
        %mul3A_481 = arith.muli %mul3A_480, %add3A_167 : i32
        %add3A_482 = arith.constant 2 : i32
        %add3A_483 = arith.addi %mul3A_481, %add3A_482 : i32
        %get3A_484 = arith.constant 0 : i32
        %get3A_485 = arith.index_cast %get3A_484 : i32 to index
        %get3A_486 = arith.index_cast %add3A_483 : i32 to index
        %get3A_487 = arith.constant 80 : index
        %get3A_488 = tpu.vector_load %arg8[%get3A_485, %get3A_486, %get3A_487] {strides = array<i32>} : memref<2x128x256xf32, #tpu.memory_space<vmem>>, vector<1x1x16xf32>,
        %get3A_489 = vector.shape_cast %get3A_488 : vector<1x1x16xf32> to vector<16xf32>
        %mul3A_490 = arith.constant 4 : i32
        %mul3A_491 = arith.muli %mul3A_490, %add3A_167 : i32
        %add3A_492 = arith.constant 3 : i32
        %add3A_493 = arith.addi %mul3A_491, %add3A_492 : i32
        %get3A_494 = arith.constant 0 : i32
        %get3A_495 = arith.index_cast %get3A_494 : i32 to index
        %get3A_496 = arith.index_cast %add3A_493 : i32 to index
        %get3A_497 = arith.constant 80 : index
        %get3A_498 = tpu.vector_load %arg8[%get3A_495, %get3A_496, %get3A_497] {strides = array<i32>} : memref<2x128x256xf32, #tpu.memory_space<vmem>>, vector<1x1x16xf32>,
        %get3A_499 = vector.shape_cast %get3A_498 : vector<1x1x16xf32> to vector<16xf32>
        %sub3A_500 = arith.subf %get3A_479, %get3A_469 : vector<16xf32>
        %mul3A_501 = arith.mulf %sub3A_500, %gather3A_183 : vector<16xf32>
        %add3A_502 = arith.addf %get3A_469, %mul3A_501 : vector<16xf32>
        %sub3A_503 = arith.subf %get3A_499, %get3A_489 : vector<16xf32>
        %mul3A_504 = arith.mulf %sub3A_503, %gather3A_183 : vector<16xf32>
        %add3A_505 = arith.addf %get3A_489, %mul3A_504 : vector<16xf32>
        %sub3A_506 = arith.subf %add3A_505, %add3A_502 : vector<16xf32>
        %mul3A_507 = arith.mulf %sub3A_506, %gather3A_193 : vector<16xf32>
        %add3A_508 = arith.addf %add3A_502, %mul3A_507 : vector<16xf32>
        %swap3A_509 = arith.constant 0 : i32
        %swap3A_510 = arith.index_cast %swap3A_509 : i32 to index
        %swap3A_511 = arith.index_cast %add3A_167 : i32 to index
        %swap3A_512 = arith.constant 80 : index
        %swap3A_513 = tpu.vector_load %arg9[%swap3A_510, %swap3A_511, %swap3A_512] {strides = array<i32>} : memref<2x32x256xf32, #tpu.memory_space<vmem>>, vector<1x1x16xf32>,
        %swap3A_514 = vector.shape_cast %swap3A_513 : vector<1x1x16xf32> to vector<16xf32>
        %swap3A_515 = vector.shape_cast %add3A_508 : vector<16xf32> to vector<1x1x16xf32>
        tpu.vector_store %arg9[%swap3A_510, %swap3A_511, %swap3A_512], %swap3A_515 {strides = array<i32>} : memref<2x32x256xf32, #tpu.memory_space<vmem>>, vector<1x1x16xf32>,
        %mul3A_516 = arith.constant 4 : i32
        %mul3A_517 = arith.muli %mul3A_516, %add3A_167 : i32
        %get3A_518 = arith.constant 0 : i32
        %get3A_519 = arith.index_cast %get3A_518 : i32 to index
        %get3A_520 = arith.index_cast %mul3A_517 : i32 to index
        %get3A_521 = arith.constant 96 : index
        %get3A_522 = tpu.vector_load %arg8[%get3A_519, %get3A_520, %get3A_521] {strides = array<i32>} : memref<2x128x256xf32, #tpu.memory_space<vmem>>, vector<1x1x16xf32>,
        %get3A_523 = vector.shape_cast %get3A_522 : vector<1x1x16xf32> to vector<16xf32>
        %mul3A_524 = arith.constant 4 : i32
        %mul3A_525 = arith.muli %mul3A_524, %add3A_167 : i32
        %add3A_526 = arith.constant 1 : i32
        %add3A_527 = arith.addi %mul3A_525, %add3A_526 : i32
        %get3A_528 = arith.constant 0 : i32
        %get3A_529 = arith.index_cast %get3A_528 : i32 to index
        %get3A_530 = arith.index_cast %add3A_527 : i32 to index
        %get3A_531 = arith.constant 96 : index
        %get3A_532 = tpu.vector_load %arg8[%get3A_529, %get3A_530, %get3A_531] {strides = array<i32>} : memref<2x128x256xf32, #tpu.memory_space<vmem>>, vector<1x1x16xf32>,
        %get3A_533 = vector.shape_cast %get3A_532 : vector<1x1x16xf32> to vector<16xf32>
        %mul3A_534 = arith.constant 4 : i32
        %mul3A_535 = arith.muli %mul3A_534, %add3A_167 : i32
        %add3A_536 = arith.constant 2 : i32
        %add3A_537 = arith.addi %mul3A_535, %add3A_536 : i32
        %get3A_538 = arith.constant 0 : i32
        %get3A_539 = arith.index_cast %get3A_538 : i32 to index
        %get3A_540 = arith.index_cast %add3A_537 : i32 to index
        %get3A_541 = arith.constant 96 : index
        %get3A_542 = tpu.vector_load %arg8[%get3A_539, %get3A_540, %get3A_541] {strides = array<i32>} : memref<2x128x256xf32, #tpu.memory_space<vmem>>, vector<1x1x16xf32>,
        %get3A_543 = vector.shape_cast %get3A_542 : vector<1x1x16xf32> to vector<16xf32>
        %mul3A_544 = arith.constant 4 : i32
        %mul3A_545 = arith.muli %mul3A_544, %add3A_167 : i32
        %add3A_546 = arith.constant 3 : i32
        %add3A_547 = arith.addi %mul3A_545, %add3A_546 : i32
        %get3A_548 = arith.constant 0 : i32
        %get3A_549 = arith.index_cast %get3A_548 : i32 to index
        %get3A_550 = arith.index_cast %add3A_547 : i32 to index
        %get3A_551 = arith.constant 96 : index
        %get3A_552 = tpu.vector_load %arg8[%get3A_549, %get3A_550, %get3A_551] {strides = array<i32>} : memref<2x128x256xf32, #tpu.memory_space<vmem>>, vector<1x1x16xf32>,
        %get3A_553 = vector.shape_cast %get3A_552 : vector<1x1x16xf32> to vector<16xf32>
        %sub3A_554 = arith.subf %get3A_533, %get3A_523 : vector<16xf32>
        %mul3A_555 = arith.mulf %sub3A_554, %gather3A_183 : vector<16xf32>
        %add3A_556 = arith.addf %get3A_523, %mul3A_555 : vector<16xf32>
        %sub3A_557 = arith.subf %get3A_553, %get3A_543 : vector<16xf32>
        %mul3A_558 = arith.mulf %sub3A_557, %gather3A_183 : vector<16xf32>
        %add3A_559 = arith.addf %get3A_543, %mul3A_558 : vector<16xf32>
        %sub3A_560 = arith.subf %add3A_559, %add3A_556 : vector<16xf32>
        %mul3A_561 = arith.mulf %sub3A_560, %gather3A_193 : vector<16xf32>
        %add3A_562 = arith.addf %add3A_556, %mul3A_561 : vector<16xf32>
        %swap3A_563 = arith.constant 0 : i32
        %swap3A_564 = arith.index_cast %swap3A_563 : i32 to index
        %swap3A_565 = arith.index_cast %add3A_167 : i32 to index
        %swap3A_566 = arith.constant 96 : index
        %swap3A_567 = tpu.vector_load %arg9[%swap3A_564, %swap3A_565, %swap3A_566] {strides = array<i32>} : memref<2x32x256xf32, #tpu.memory_space<vmem>>, vector<1x1x16xf32>,
        %swap3A_568 = vector.shape_cast %swap3A_567 : vector<1x1x16xf32> to vector<16xf32>
        %swap3A_569 = vector.shape_cast %add3A_562 : vector<16xf32> to vector<1x1x16xf32>
        tpu.vector_store %arg9[%swap3A_564, %swap3A_565, %swap3A_566], %swap3A_569 {strides = array<i32>} : memref<2x32x256xf32, #tpu.memory_space<vmem>>, vector<1x1x16xf32>,
        %mul3A_570 = arith.constant 4 : i32
        %mul3A_571 = arith.muli %mul3A_570, %add3A_167 : i32
        %get3A_572 = arith.constant 0 : i32
        %get3A_573 = arith.index_cast %get3A_572 : i32 to index
        %get3A_574 = arith.index_cast %mul3A_571 : i32 to index
        %get3A_575 = arith.constant 112 : index
        %get3A_576 = tpu.vector_load %arg8[%get3A_573, %get3A_574, %get3A_575] {strides = array<i32>} : memref<2x128x256xf32, #tpu.memory_space<vmem>>, vector<1x1x16xf32>,
        %get3A_577 = vector.shape_cast %get3A_576 : vector<1x1x16xf32> to vector<16xf32>
        %mul3A_578 = arith.constant 4 : i32
        %mul3A_579 = arith.muli %mul3A_578, %add3A_167 : i32
        %add3A_580 = arith.constant 1 : i32
        %add3A_581 = arith.addi %mul3A_579, %add3A_580 : i32
        %get3A_582 = arith.constant 0 : i32
        %get3A_583 = arith.index_cast %get3A_582 : i32 to index
        %get3A_584 = arith.index_cast %add3A_581 : i32 to index
        %get3A_585 = arith.constant 112 : index
        %get3A_586 = tpu.vector_load %arg8[%get3A_583, %get3A_584, %get3A_585] {strides = array<i32>} : memref<2x128x256xf32, #tpu.memory_space<vmem>>, vector<1x1x16xf32>,
        %get3A_587 = vector.shape_cast %get3A_586 : vector<1x1x16xf32> to vector<16xf32>
        %mul3A_588 = arith.constant 4 : i32
        %mul3A_589 = arith.muli %mul3A_588, %add3A_167 : i32
        %add3A_590 = arith.constant 2 : i32
        %add3A_591 = arith.addi %mul3A_589, %add3A_590 : i32
        %get3A_592 = arith.constant 0 : i32
        %get3A_593 = arith.index_cast %get3A_592 : i32 to index
        %get3A_594 = arith.index_cast %add3A_591 : i32 to index
        %get3A_595 = arith.constant 112 : index
        %get3A_596 = tpu.vector_load %arg8[%get3A_593, %get3A_594, %get3A_595] {strides = array<i32>} : memref<2x128x256xf32, #tpu.memory_space<vmem>>, vector<1x1x16xf32>,
        %get3A_597 = vector.shape_cast %get3A_596 : vector<1x1x16xf32> to vector<16xf32>
        %mul3A_598 = arith.constant 4 : i32
        %mul3A_599 = arith.muli %mul3A_598, %add3A_167 : i32
        %add3A_600 = arith.constant 3 : i32
        %add3A_601 = arith.addi %mul3A_599, %add3A_600 : i32
        %get3A_602 = arith.constant 0 : i32
        %get3A_603 = arith.index_cast %get3A_602 : i32 to index
        %get3A_604 = arith.index_cast %add3A_601 : i32 to index
        %get3A_605 = arith.constant 112 : index
        %get3A_606 = tpu.vector_load %arg8[%get3A_603, %get3A_604, %get3A_605] {strides = array<i32>} : memref<2x128x256xf32, #tpu.memory_space<vmem>>, vector<1x1x16xf32>,
        %get3A_607 = vector.shape_cast %get3A_606 : vector<1x1x16xf32> to vector<16xf32>
        %sub3A_608 = arith.subf %get3A_587, %get3A_577 : vector<16xf32>
        %mul3A_609 = arith.mulf %sub3A_608, %gather3A_183 : vector<16xf32>
        %add3A_610 = arith.addf %get3A_577, %mul3A_609 : vector<16xf32>
        %sub3A_611 = arith.subf %get3A_607, %get3A_597 : vector<16xf32>
        %mul3A_612 = arith.mulf %sub3A_611, %gather3A_183 : vector<16xf32>
        %add3A_613 = arith.addf %get3A_597, %mul3A_612 : vector<16xf32>
        %sub3A_614 = arith.subf %add3A_613, %add3A_610 : vector<16xf32>
        %mul3A_615 = arith.mulf %sub3A_614, %gather3A_193 : vector<16xf32>
        %add3A_616 = arith.addf %add3A_610, %mul3A_615 : vector<16xf32>
        %swap3A_617 = arith.constant 0 : i32
        %swap3A_618 = arith.index_cast %swap3A_617 : i32 to index
        %swap3A_619 = arith.index_cast %add3A_167 : i32 to index
        %swap3A_620 = arith.constant 112 : index
        %swap3A_621 = tpu.vector_load %arg9[%swap3A_618, %swap3A_619, %swap3A_620] {strides = array<i32>} : memref<2x32x256xf32, #tpu.memory_space<vmem>>, vector<1x1x16xf32>,
        %swap3A_622 = vector.shape_cast %swap3A_621 : vector<1x1x16xf32> to vector<16xf32>
        %swap3A_623 = vector.shape_cast %add3A_616 : vector<16xf32> to vector<1x1x16xf32>
        tpu.vector_store %arg9[%swap3A_618, %swap3A_619, %swap3A_620], %swap3A_623 {strides = array<i32>} : memref<2x32x256xf32, #tpu.memory_space<vmem>>, vector<1x1x16xf32>,
        %mul3A_624 = arith.constant 4 : i32
        %mul3A_625 = arith.muli %mul3A_624, %add3A_167 : i32
        %get3A_626 = arith.constant 0 : i32
        %get3A_627 = arith.index_cast %get3A_626 : i32 to index
        %get3A_628 = arith.index_cast %mul3A_625 : i32 to index
        %get3A_629 = arith.constant 128 : index
        %get3A_630 = tpu.vector_load %arg8[%get3A_627, %get3A_628, %get3A_629] {strides = array<i32>} : memref<2x128x256xf32, #tpu.memory_space<vmem>>, vector<1x1x16xf32>,
        %get3A_631 = vector.shape_cast %get3A_630 : vector<1x1x16xf32> to vector<16xf32>
        %mul3A_632 = arith.constant 4 : i32
        %mul3A_633 = arith.muli %mul3A_632, %add3A_167 : i32
        %add3A_634 = arith.constant 1 : i32
        %add3A_635 = arith.addi %mul3A_633, %add3A_634 : i32
        %get3A_636 = arith.constant 0 : i32
        %get3A_637 = arith.index_cast %get3A_636 : i32 to index
        %get3A_638 = arith.index_cast %add3A_635 : i32 to index
        %get3A_639 = arith.constant 128 : index
        %get3A_640 = tpu.vector_load %arg8[%get3A_637, %get3A_638, %get3A_639] {strides = array<i32>} : memref<2x128x256xf32, #tpu.memory_space<vmem>>, vector<1x1x16xf32>,
        %get3A_641 = vector.shape_cast %get3A_640 : vector<1x1x16xf32> to vector<16xf32>
        %mul3A_642 = arith.constant 4 : i32
        %mul3A_643 = arith.muli %mul3A_642, %add3A_167 : i32
        %add3A_644 = arith.constant 2 : i32
        %add3A_645 = arith.addi %mul3A_643, %add3A_644 : i32
        %get3A_646 = arith.constant 0 : i32
        %get3A_647 = arith.index_cast %get3A_646 : i32 to index
        %get3A_648 = arith.index_cast %add3A_645 : i32 to index
        %get3A_649 = arith.constant 128 : index
        %get3A_650 = tpu.vector_load %arg8[%get3A_647, %get3A_648, %get3A_649] {strides = array<i32>} : memref<2x128x256xf32, #tpu.memory_space<vmem>>, vector<1x1x16xf32>,
        %get3A_651 = vector.shape_cast %get3A_650 : vector<1x1x16xf32> to vector<16xf32>
        %mul3A_652 = arith.constant 4 : i32
        %mul3A_653 = arith.muli %mul3A_652, %add3A_167 : i32
        %add3A_654 = arith.constant 3 : i32
        %add3A_655 = arith.addi %mul3A_653, %add3A_654 : i32
        %get3A_656 = arith.constant 0 : i32
        %get3A_657 = arith.index_cast %get3A_656 : i32 to index
        %get3A_658 = arith.index_cast %add3A_655 : i32 to index
        %get3A_659 = arith.constant 128 : index
        %get3A_660 = tpu.vector_load %arg8[%get3A_657, %get3A_658, %get3A_659] {strides = array<i32>} : memref<2x128x256xf32, #tpu.memory_space<vmem>>, vector<1x1x16xf32>,
        %get3A_661 = vector.shape_cast %get3A_660 : vector<1x1x16xf32> to vector<16xf32>
        %sub3A_662 = arith.subf %get3A_641, %get3A_631 : vector<16xf32>
        %mul3A_663 = arith.mulf %sub3A_662, %gather3A_183 : vector<16xf32>
        %add3A_664 = arith.addf %get3A_631, %mul3A_663 : vector<16xf32>
        %sub3A_665 = arith.subf %get3A_661, %get3A_651 : vector<16xf32>
        %mul3A_666 = arith.mulf %sub3A_665, %gather3A_183 : vector<16xf32>
        %add3A_667 = arith.addf %get3A_651, %mul3A_666 : vector<16xf32>
        %sub3A_668 = arith.subf %add3A_667, %add3A_664 : vector<16xf32>
        %mul3A_669 = arith.mulf %sub3A_668, %gather3A_193 : vector<16xf32>
        %add3A_670 = arith.addf %add3A_664, %mul3A_669 : vector<16xf32>
        %swap3A_671 = arith.constant 0 : i32
        %swap3A_672 = arith.index_cast %swap3A_671 : i32 to index
        %swap3A_673 = arith.index_cast %add3A_167 : i32 to index
        %swap3A_674 = arith.constant 128 : index
        %swap3A_675 = tpu.vector_load %arg9[%swap3A_672, %swap3A_673, %swap3A_674] {strides = array<i32>} : memref<2x32x256xf32, #tpu.memory_space<vmem>>, vector<1x1x16xf32>,
        %swap3A_676 = vector.shape_cast %swap3A_675 : vector<1x1x16xf32> to vector<16xf32>
        %swap3A_677 = vector.shape_cast %add3A_670 : vector<16xf32> to vector<1x1x16xf32>
        tpu.vector_store %arg9[%swap3A_672, %swap3A_673, %swap3A_674], %swap3A_677 {strides = array<i32>} : memref<2x32x256xf32, #tpu.memory_space<vmem>>, vector<1x1x16xf32>,
        %mul3A_678 = arith.constant 4 : i32
        %mul3A_679 = arith.muli %mul3A_678, %add3A_167 : i32
        %get3A_680 = arith.constant 0 : i32
        %get3A_681 = arith.index_cast %get3A_680 : i32 to index
        %get3A_682 = arith.index_cast %mul3A_679 : i32 to index
        %get3A_683 = arith.constant 144 : index
        %get3A_684 = tpu.vector_load %arg8[%get3A_681, %get3A_682, %get3A_683] {strides = array<i32>} : memref<2x128x256xf32, #tpu.memory_space<vmem>>, vector<1x1x16xf32>,
        %get3A_685 = vector.shape_cast %get3A_684 : vector<1x1x16xf32> to vector<16xf32>
        %mul3A_686 = arith.constant 4 : i32
        %mul3A_687 = arith.muli %mul3A_686, %add3A_167 : i32
        %add3A_688 = arith.constant 1 : i32
        %add3A_689 = arith.addi %mul3A_687, %add3A_688 : i32
        %get3A_690 = arith.constant 0 : i32
        %get3A_691 = arith.index_cast %get3A_690 : i32 to index
        %get3A_692 = arith.index_cast %add3A_689 : i32 to index
        %get3A_693 = arith.constant 144 : index
        %get3A_694 = tpu.vector_load %arg8[%get3A_691, %get3A_692, %get3A_693] {strides = array<i32>} : memref<2x128x256xf32, #tpu.memory_space<vmem>>, vector<1x1x16xf32>,
        %get3A_695 = vector.shape_cast %get3A_694 : vector<1x1x16xf32> to vector<16xf32>
        %mul3A_696 = arith.constant 4 : i32
        %mul3A_697 = arith.muli %mul3A_696, %add3A_167 : i32
        %add3A_698 = arith.constant 2 : i32
        %add3A_699 = arith.addi %mul3A_697, %add3A_698 : i32
        %get3A_700 = arith.constant 0 : i32
        %get3A_701 = arith.index_cast %get3A_700 : i32 to index
        %get3A_702 = arith.index_cast %add3A_699 : i32 to index
        %get3A_703 = arith.constant 144 : index
        %get3A_704 = tpu.vector_load %arg8[%get3A_701, %get3A_702, %get3A_703] {strides = array<i32>} : memref<2x128x256xf32, #tpu.memory_space<vmem>>, vector<1x1x16xf32>,
        %get3A_705 = vector.shape_cast %get3A_704 : vector<1x1x16xf32> to vector<16xf32>
        %mul3A_706 = arith.constant 4 : i32
        %mul3A_707 = arith.muli %mul3A_706, %add3A_167 : i32
        %add3A_708 = arith.constant 3 : i32
        %add3A_709 = arith.addi %mul3A_707, %add3A_708 : i32
        %get3A_710 = arith.constant 0 : i32
        %get3A_711 = arith.index_cast %get3A_710 : i32 to index
        %get3A_712 = arith.index_cast %add3A_709 : i32 to index
        %get3A_713 = arith.constant 144 : index
        %get3A_714 = tpu.vector_load %arg8[%get3A_711, %get3A_712, %get3A_713] {strides = array<i32>} : memref<2x128x256xf32, #tpu.memory_space<vmem>>, vector<1x1x16xf32>,
        %get3A_715 = vector.shape_cast %get3A_714 : vector<1x1x16xf32> to vector<16xf32>
        %sub3A_716 = arith.subf %get3A_695, %get3A_685 : vector<16xf32>
        %mul3A_717 = arith.mulf %sub3A_716, %gather3A_183 : vector<16xf32>
        %add3A_718 = arith.addf %get3A_685, %mul3A_717 : vector<16xf32>
        %sub3A_719 = arith.subf %get3A_715, %get3A_705 : vector<16xf32>
        %mul3A_720 = arith.mulf %sub3A_719, %gather3A_183 : vector<16xf32>
        %add3A_721 = arith.addf %get3A_705, %mul3A_720 : vector<16xf32>
        %sub3A_722 = arith.subf %add3A_721, %add3A_718 : vector<16xf32>
        %mul3A_723 = arith.mulf %sub3A_722, %gather3A_193 : vector<16xf32>
        %add3A_724 = arith.addf %add3A_718, %mul3A_723 : vector<16xf32>
        %swap3A_725 = arith.constant 0 : i32
        %swap3A_726 = arith.index_cast %swap3A_725 : i32 to index
        %swap3A_727 = arith.index_cast %add3A_167 : i32 to index
        %swap3A_728 = arith.constant 144 : index
        %swap3A_729 = tpu.vector_load %arg9[%swap3A_726, %swap3A_727, %swap3A_728] {strides = array<i32>} : memref<2x32x256xf32, #tpu.memory_space<vmem>>, vector<1x1x16xf32>,
        %swap3A_730 = vector.shape_cast %swap3A_729 : vector<1x1x16xf32> to vector<16xf32>
        %swap3A_731 = vector.shape_cast %add3A_724 : vector<16xf32> to vector<1x1x16xf32>
        tpu.vector_store %arg9[%swap3A_726, %swap3A_727, %swap3A_728], %swap3A_731 {strides = array<i32>} : memref<2x32x256xf32, #tpu.memory_space<vmem>>, vector<1x1x16xf32>,
        %mul3A_732 = arith.constant 4 : i32
        %mul3A_733 = arith.muli %mul3A_732, %add3A_167 : i32
        %get3A_734 = arith.constant 0 : i32
        %get3A_735 = arith.index_cast %get3A_734 : i32 to index
        %get3A_736 = arith.index_cast %mul3A_733 : i32 to index
        %get3A_737 = arith.constant 160 : index
        %get3A_738 = tpu.vector_load %arg8[%get3A_735, %get3A_736, %get3A_737] {strides = array<i32>} : memref<2x128x256xf32, #tpu.memory_space<vmem>>, vector<1x1x16xf32>,
        %get3A_739 = vector.shape_cast %get3A_738 : vector<1x1x16xf32> to vector<16xf32>
        %mul3A_740 = arith.constant 4 : i32
        %mul3A_741 = arith.muli %mul3A_740, %add3A_167 : i32
        %add3A_742 = arith.constant 1 : i32
        %add3A_743 = arith.addi %mul3A_741, %add3A_742 : i32
        %get3A_744 = arith.constant 0 : i32
        %get3A_745 = arith.index_cast %get3A_744 : i32 to index
        %get3A_746 = arith.index_cast %add3A_743 : i32 to index
        %get3A_747 = arith.constant 160 : index
        %get3A_748 = tpu.vector_load %arg8[%get3A_745, %get3A_746, %get3A_747] {strides = array<i32>} : memref<2x128x256xf32, #tpu.memory_space<vmem>>, vector<1x1x16xf32>,
        %get3A_749 = vector.shape_cast %get3A_748 : vector<1x1x16xf32> to vector<16xf32>
        %mul3A_750 = arith.constant 4 : i32
        %mul3A_751 = arith.muli %mul3A_750, %add3A_167 : i32
        %add3A_752 = arith.constant 2 : i32
        %add3A_753 = arith.addi %mul3A_751, %add3A_752 : i32
        %get3A_754 = arith.constant 0 : i32
        %get3A_755 = arith.index_cast %get3A_754 : i32 to index
        %get3A_756 = arith.index_cast %add3A_753 : i32 to index
        %get3A_757 = arith.constant 160 : index
        %get3A_758 = tpu.vector_load %arg8[%get3A_755, %get3A_756, %get3A_757] {strides = array<i32>} : memref<2x128x256xf32, #tpu.memory_space<vmem>>, vector<1x1x16xf32>,
        %get3A_759 = vector.shape_cast %get3A_758 : vector<1x1x16xf32> to vector<16xf32>
        %mul3A_760 = arith.constant 4 : i32
        %mul3A_761 = arith.muli %mul3A_760, %add3A_167 : i32
        %add3A_762 = arith.constant 3 : i32
        %add3A_763 = arith.addi %mul3A_761, %add3A_762 : i32
        %get3A_764 = arith.constant 0 : i32
        %get3A_765 = arith.index_cast %get3A_764 : i32 to index
        %get3A_766 = arith.index_cast %add3A_763 : i32 to index
        %get3A_767 = arith.constant 160 : index
        %get3A_768 = tpu.vector_load %arg8[%get3A_765, %get3A_766, %get3A_767] {strides = array<i32>} : memref<2x128x256xf32, #tpu.memory_space<vmem>>, vector<1x1x16xf32>,
        %get3A_769 = vector.shape_cast %get3A_768 : vector<1x1x16xf32> to vector<16xf32>
        %sub3A_770 = arith.subf %get3A_749, %get3A_739 : vector<16xf32>
        %mul3A_771 = arith.mulf %sub3A_770, %gather3A_183 : vector<16xf32>
        %add3A_772 = arith.addf %get3A_739, %mul3A_771 : vector<16xf32>
        %sub3A_773 = arith.subf %get3A_769, %get3A_759 : vector<16xf32>
        %mul3A_774 = arith.mulf %sub3A_773, %gather3A_183 : vector<16xf32>
        %add3A_775 = arith.addf %get3A_759, %mul3A_774 : vector<16xf32>
        %sub3A_776 = arith.subf %add3A_775, %add3A_772 : vector<16xf32>
        %mul3A_777 = arith.mulf %sub3A_776, %gather3A_193 : vector<16xf32>
        %add3A_778 = arith.addf %add3A_772, %mul3A_777 : vector<16xf32>
        %swap3A_779 = arith.constant 0 : i32
        %swap3A_780 = arith.index_cast %swap3A_779 : i32 to index
        %swap3A_781 = arith.index_cast %add3A_167 : i32 to index
        %swap3A_782 = arith.constant 160 : index
        %swap3A_783 = tpu.vector_load %arg9[%swap3A_780, %swap3A_781, %swap3A_782] {strides = array<i32>} : memref<2x32x256xf32, #tpu.memory_space<vmem>>, vector<1x1x16xf32>,
        %swap3A_784 = vector.shape_cast %swap3A_783 : vector<1x1x16xf32> to vector<16xf32>
        %swap3A_785 = vector.shape_cast %add3A_778 : vector<16xf32> to vector<1x1x16xf32>
        tpu.vector_store %arg9[%swap3A_780, %swap3A_781, %swap3A_782], %swap3A_785 {strides = array<i32>} : memref<2x32x256xf32, #tpu.memory_space<vmem>>, vector<1x1x16xf32>,
        %mul3A_786 = arith.constant 4 : i32
        %mul3A_787 = arith.muli %mul3A_786, %add3A_167 : i32
        %get3A_788 = arith.constant 0 : i32
        %get3A_789 = arith.index_cast %get3A_788 : i32 to index
        %get3A_790 = arith.index_cast %mul3A_787 : i32 to index
        %get3A_791 = arith.constant 176 : index
        %get3A_792 = tpu.vector_load %arg8[%get3A_789, %get3A_790, %get3A_791] {strides = array<i32>} : memref<2x128x256xf32, #tpu.memory_space<vmem>>, vector<1x1x16xf32>,
        %get3A_793 = vector.shape_cast %get3A_792 : vector<1x1x16xf32> to vector<16xf32>
        %mul3A_794 = arith.constant 4 : i32
        %mul3A_795 = arith.muli %mul3A_794, %add3A_167 : i32
        %add3A_796 = arith.constant 1 : i32
        %add3A_797 = arith.addi %mul3A_795, %add3A_796 : i32
        %get3A_798 = arith.constant 0 : i32
        %get3A_799 = arith.index_cast %get3A_798 : i32 to index
        %get3A_800 = arith.index_cast %add3A_797 : i32 to index
        %get3A_801 = arith.constant 176 : index
        %get3A_802 = tpu.vector_load %arg8[%get3A_799, %get3A_800, %get3A_801] {strides = array<i32>} : memref<2x128x256xf32, #tpu.memory_space<vmem>>, vector<1x1x16xf32>,
        %get3A_803 = vector.shape_cast %get3A_802 : vector<1x1x16xf32> to vector<16xf32>
        %mul3A_804 = arith.constant 4 : i32
        %mul3A_805 = arith.muli %mul3A_804, %add3A_167 : i32
        %add3A_806 = arith.constant 2 : i32
        %add3A_807 = arith.addi %mul3A_805, %add3A_806 : i32
        %get3A_808 = arith.constant 0 : i32
        %get3A_809 = arith.index_cast %get3A_808 : i32 to index
        %get3A_810 = arith.index_cast %add3A_807 : i32 to index
        %get3A_811 = arith.constant 176 : index
        %get3A_812 = tpu.vector_load %arg8[%get3A_809, %get3A_810, %get3A_811] {strides = array<i32>} : memref<2x128x256xf32, #tpu.memory_space<vmem>>, vector<1x1x16xf32>,
        %get3A_813 = vector.shape_cast %get3A_812 : vector<1x1x16xf32> to vector<16xf32>
        %mul3A_814 = arith.constant 4 : i32
        %mul3A_815 = arith.muli %mul3A_814, %add3A_167 : i32
        %add3A_816 = arith.constant 3 : i32
        %add3A_817 = arith.addi %mul3A_815, %add3A_816 : i32
        %get3A_818 = arith.constant 0 : i32
        %get3A_819 = arith.index_cast %get3A_818 : i32 to index
        %get3A_820 = arith.index_cast %add3A_817 : i32 to index
        %get3A_821 = arith.constant 176 : index
        %get3A_822 = tpu.vector_load %arg8[%get3A_819, %get3A_820, %get3A_821] {strides = array<i32>} : memref<2x128x256xf32, #tpu.memory_space<vmem>>, vector<1x1x16xf32>,
        %get3A_823 = vector.shape_cast %get3A_822 : vector<1x1x16xf32> to vector<16xf32>
        %sub3A_824 = arith.subf %get3A_803, %get3A_793 : vector<16xf32>
        %mul3A_825 = arith.mulf %sub3A_824, %gather3A_183 : vector<16xf32>
        %add3A_826 = arith.addf %get3A_793, %mul3A_825 : vector<16xf32>
        %sub3A_827 = arith.subf %get3A_823, %get3A_813 : vector<16xf32>
        %mul3A_828 = arith.mulf %sub3A_827, %gather3A_183 : vector<16xf32>
        %add3A_829 = arith.addf %get3A_813, %mul3A_828 : vector<16xf32>
        %sub3A_830 = arith.subf %add3A_829, %add3A_826 : vector<16xf32>
        %mul3A_831 = arith.mulf %sub3A_830, %gather3A_193 : vector<16xf32>
        %add3A_832 = arith.addf %add3A_826, %mul3A_831 : vector<16xf32>
        %swap3A_833 = arith.constant 0 : i32
        %swap3A_834 = arith.index_cast %swap3A_833 : i32 to index
        %swap3A_835 = arith.index_cast %add3A_167 : i32 to index
        %swap3A_836 = arith.constant 176 : index
        %swap3A_837 = tpu.vector_load %arg9[%swap3A_834, %swap3A_835, %swap3A_836] {strides = array<i32>} : memref<2x32x256xf32, #tpu.memory_space<vmem>>, vector<1x1x16xf32>,
        %swap3A_838 = vector.shape_cast %swap3A_837 : vector<1x1x16xf32> to vector<16xf32>
        %swap3A_839 = vector.shape_cast %add3A_832 : vector<16xf32> to vector<1x1x16xf32>
        tpu.vector_store %arg9[%swap3A_834, %swap3A_835, %swap3A_836], %swap3A_839 {strides = array<i32>} : memref<2x32x256xf32, #tpu.memory_space<vmem>>, vector<1x1x16xf32>,
        %mul3A_840 = arith.constant 4 : i32
        %mul3A_841 = arith.muli %mul3A_840, %add3A_167 : i32
        %get3A_842 = arith.constant 0 : i32
        %get3A_843 = arith.index_cast %get3A_842 : i32 to index
        %get3A_844 = arith.index_cast %mul3A_841 : i32 to index
        %get3A_845 = arith.constant 192 : index
        %get3A_846 = tpu.vector_load %arg8[%get3A_843, %get3A_844, %get3A_845] {strides = array<i32>} : memref<2x128x256xf32, #tpu.memory_space<vmem>>, vector<1x1x16xf32>,
        %get3A_847 = vector.shape_cast %get3A_846 : vector<1x1x16xf32> to vector<16xf32>
        %mul3A_848 = arith.constant 4 : i32
        %mul3A_849 = arith.muli %mul3A_848, %add3A_167 : i32
        %add3A_850 = arith.constant 1 : i32
        %add3A_851 = arith.addi %mul3A_849, %add3A_850 : i32
        %get3A_852 = arith.constant 0 : i32
        %get3A_853 = arith.index_cast %get3A_852 : i32 to index
        %get3A_854 = arith.index_cast %add3A_851 : i32 to index
        %get3A_855 = arith.constant 192 : index
        %get3A_856 = tpu.vector_load %arg8[%get3A_853, %get3A_854, %get3A_855] {strides = array<i32>} : memref<2x128x256xf32, #tpu.memory_space<vmem>>, vector<1x1x16xf32>,
        %get3A_857 = vector.shape_cast %get3A_856 : vector<1x1x16xf32> to vector<16xf32>
        %mul3A_858 = arith.constant 4 : i32
        %mul3A_859 = arith.muli %mul3A_858, %add3A_167 : i32
        %add3A_860 = arith.constant 2 : i32
        %add3A_861 = arith.addi %mul3A_859, %add3A_860 : i32
        %get3A_862 = arith.constant 0 : i32
        %get3A_863 = arith.index_cast %get3A_862 : i32 to index
        %get3A_864 = arith.index_cast %add3A_861 : i32 to index
        %get3A_865 = arith.constant 192 : index
        %get3A_866 = tpu.vector_load %arg8[%get3A_863, %get3A_864, %get3A_865] {strides = array<i32>} : memref<2x128x256xf32, #tpu.memory_space<vmem>>, vector<1x1x16xf32>,
        %get3A_867 = vector.shape_cast %get3A_866 : vector<1x1x16xf32> to vector<16xf32>
        %mul3A_868 = arith.constant 4 : i32
        %mul3A_869 = arith.muli %mul3A_868, %add3A_167 : i32
        %add3A_870 = arith.constant 3 : i32
        %add3A_871 = arith.addi %mul3A_869, %add3A_870 : i32
        %get3A_872 = arith.constant 0 : i32
        %get3A_873 = arith.index_cast %get3A_872 : i32 to index
        %get3A_874 = arith.index_cast %add3A_871 : i32 to index
        %get3A_875 = arith.constant 192 : index
        %get3A_876 = tpu.vector_load %arg8[%get3A_873, %get3A_874, %get3A_875] {strides = array<i32>} : memref<2x128x256xf32, #tpu.memory_space<vmem>>, vector<1x1x16xf32>,
        %get3A_877 = vector.shape_cast %get3A_876 : vector<1x1x16xf32> to vector<16xf32>
        %sub3A_878 = arith.subf %get3A_857, %get3A_847 : vector<16xf32>
        %mul3A_879 = arith.mulf %sub3A_878, %gather3A_183 : vector<16xf32>
        %add3A_880 = arith.addf %get3A_847, %mul3A_879 : vector<16xf32>
        %sub3A_881 = arith.subf %get3A_877, %get3A_867 : vector<16xf32>
        %mul3A_882 = arith.mulf %sub3A_881, %gather3A_183 : vector<16xf32>
        %add3A_883 = arith.addf %get3A_867, %mul3A_882 : vector<16xf32>
        %sub3A_884 = arith.subf %add3A_883, %add3A_880 : vector<16xf32>
        %mul3A_885 = arith.mulf %sub3A_884, %gather3A_193 : vector<16xf32>
        %add3A_886 = arith.addf %add3A_880, %mul3A_885 : vector<16xf32>
        %swap3A_887 = arith.constant 0 : i32
        %swap3A_888 = arith.index_cast %swap3A_887 : i32 to index
        %swap3A_889 = arith.index_cast %add3A_167 : i32 to index
        %swap3A_890 = arith.constant 192 : index
        %swap3A_891 = tpu.vector_load %arg9[%swap3A_888, %swap3A_889, %swap3A_890] {strides = array<i32>} : memref<2x32x256xf32, #tpu.memory_space<vmem>>, vector<1x1x16xf32>,
        %swap3A_892 = vector.shape_cast %swap3A_891 : vector<1x1x16xf32> to vector<16xf32>
        %swap3A_893 = vector.shape_cast %add3A_886 : vector<16xf32> to vector<1x1x16xf32>
        tpu.vector_store %arg9[%swap3A_888, %swap3A_889, %swap3A_890], %swap3A_893 {strides = array<i32>} : memref<2x32x256xf32, #tpu.memory_space<vmem>>, vector<1x1x16xf32>,
        %mul3A_894 = arith.constant 4 : i32
        %mul3A_895 = arith.muli %mul3A_894, %add3A_167 : i32
        %get3A_896 = arith.constant 0 : i32
        %get3A_897 = arith.index_cast %get3A_896 : i32 to index
        %get3A_898 = arith.index_cast %mul3A_895 : i32 to index
        %get3A_899 = arith.constant 208 : index
        %get3A_900 = tpu.vector_load %arg8[%get3A_897, %get3A_898, %get3A_899] {strides = array<i32>} : memref<2x128x256xf32, #tpu.memory_space<vmem>>, vector<1x1x16xf32>,
        %get3A_901 = vector.shape_cast %get3A_900 : vector<1x1x16xf32> to vector<16xf32>
        %mul3A_902 = arith.constant 4 : i32
        %mul3A_903 = arith.muli %mul3A_902, %add3A_167 : i32
        %add3A_904 = arith.constant 1 : i32
        %add3A_905 = arith.addi %mul3A_903, %add3A_904 : i32
        %get3A_906 = arith.constant 0 : i32
        %get3A_907 = arith.index_cast %get3A_906 : i32 to index
        %get3A_908 = arith.index_cast %add3A_905 : i32 to index
        %get3A_909 = arith.constant 208 : index
        %get3A_910 = tpu.vector_load %arg8[%get3A_907, %get3A_908, %get3A_909] {strides = array<i32>} : memref<2x128x256xf32, #tpu.memory_space<vmem>>, vector<1x1x16xf32>,
        %get3A_911 = vector.shape_cast %get3A_910 : vector<1x1x16xf32> to vector<16xf32>
        %mul3A_912 = arith.constant 4 : i32
        %mul3A_913 = arith.muli %mul3A_912, %add3A_167 : i32
        %add3A_914 = arith.constant 2 : i32
        %add3A_915 = arith.addi %mul3A_913, %add3A_914 : i32
        %get3A_916 = arith.constant 0 : i32
        %get3A_917 = arith.index_cast %get3A_916 : i32 to index
        %get3A_918 = arith.index_cast %add3A_915 : i32 to index
        %get3A_919 = arith.constant 208 : index
        %get3A_920 = tpu.vector_load %arg8[%get3A_917, %get3A_918, %get3A_919] {strides = array<i32>} : memref<2x128x256xf32, #tpu.memory_space<vmem>>, vector<1x1x16xf32>,
        %get3A_921 = vector.shape_cast %get3A_920 : vector<1x1x16xf32> to vector<16xf32>
        %mul3A_922 = arith.constant 4 : i32
        %mul3A_923 = arith.muli %mul3A_922, %add3A_167 : i32
        %add3A_924 = arith.constant 3 : i32
        %add3A_925 = arith.addi %mul3A_923, %add3A_924 : i32
        %get3A_926 = arith.constant 0 : i32
        %get3A_927 = arith.index_cast %get3A_926 : i32 to index
        %get3A_928 = arith.index_cast %add3A_925 : i32 to index
        %get3A_929 = arith.constant 208 : index
        %get3A_930 = tpu.vector_load %arg8[%get3A_927, %get3A_928, %get3A_929] {strides = array<i32>} : memref<2x128x256xf32, #tpu.memory_space<vmem>>, vector<1x1x16xf32>,
        %get3A_931 = vector.shape_cast %get3A_930 : vector<1x1x16xf32> to vector<16xf32>
        %sub3A_932 = arith.subf %get3A_911, %get3A_901 : vector<16xf32>
        %mul3A_933 = arith.mulf %sub3A_932, %gather3A_183 : vector<16xf32>
        %add3A_934 = arith.addf %get3A_901, %mul3A_933 : vector<16xf32>
        %sub3A_935 = arith.subf %get3A_931, %get3A_921 : vector<16xf32>
        %mul3A_936 = arith.mulf %sub3A_935, %gather3A_183 : vector<16xf32>
        %add3A_937 = arith.addf %get3A_921, %mul3A_936 : vector<16xf32>
        %sub3A_938 = arith.subf %add3A_937, %add3A_934 : vector<16xf32>
        %mul3A_939 = arith.mulf %sub3A_938, %gather3A_193 : vector<16xf32>
        %add3A_940 = arith.addf %add3A_934, %mul3A_939 : vector<16xf32>
        %swap3A_941 = arith.constant 0 : i32
        %swap3A_942 = arith.index_cast %swap3A_941 : i32 to index
        %swap3A_943 = arith.index_cast %add3A_167 : i32 to index
        %swap3A_944 = arith.constant 208 : index
        %swap3A_945 = tpu.vector_load %arg9[%swap3A_942, %swap3A_943, %swap3A_944] {strides = array<i32>} : memref<2x32x256xf32, #tpu.memory_space<vmem>>, vector<1x1x16xf32>,
        %swap3A_946 = vector.shape_cast %swap3A_945 : vector<1x1x16xf32> to vector<16xf32>
        %swap3A_947 = vector.shape_cast %add3A_940 : vector<16xf32> to vector<1x1x16xf32>
        tpu.vector_store %arg9[%swap3A_942, %swap3A_943, %swap3A_944], %swap3A_947 {strides = array<i32>} : memref<2x32x256xf32, #tpu.memory_space<vmem>>, vector<1x1x16xf32>,
        %mul3A_948 = arith.constant 4 : i32
        %mul3A_949 = arith.muli %mul3A_948, %add3A_167 : i32
        %get3A_950 = arith.constant 0 : i32
        %get3A_951 = arith.index_cast %get3A_950 : i32 to index
        %get3A_952 = arith.index_cast %mul3A_949 : i32 to index
        %get3A_953 = arith.constant 224 : index
        %get3A_954 = tpu.vector_load %arg8[%get3A_951, %get3A_952, %get3A_953] {strides = array<i32>} : memref<2x128x256xf32, #tpu.memory_space<vmem>>, vector<1x1x16xf32>,
        %get3A_955 = vector.shape_cast %get3A_954 : vector<1x1x16xf32> to vector<16xf32>
        %mul3A_956 = arith.constant 4 : i32
        %mul3A_957 = arith.muli %mul3A_956, %add3A_167 : i32
        %add3A_958 = arith.constant 1 : i32
        %add3A_959 = arith.addi %mul3A_957, %add3A_958 : i32
        %get3A_960 = arith.constant 0 : i32
        %get3A_961 = arith.index_cast %get3A_960 : i32 to index
        %get3A_962 = arith.index_cast %add3A_959 : i32 to index
        %get3A_963 = arith.constant 224 : index
        %get3A_964 = tpu.vector_load %arg8[%get3A_961, %get3A_962, %get3A_963] {strides = array<i32>} : memref<2x128x256xf32, #tpu.memory_space<vmem>>, vector<1x1x16xf32>,
        %get3A_965 = vector.shape_cast %get3A_964 : vector<1x1x16xf32> to vector<16xf32>
        %mul3A_966 = arith.constant 4 : i32
        %mul3A_967 = arith.muli %mul3A_966, %add3A_167 : i32
        %add3A_968 = arith.constant 2 : i32
        %add3A_969 = arith.addi %mul3A_967, %add3A_968 : i32
        %get3A_970 = arith.constant 0 : i32
        %get3A_971 = arith.index_cast %get3A_970 : i32 to index
        %get3A_972 = arith.index_cast %add3A_969 : i32 to index
        %get3A_973 = arith.constant 224 : index
        %get3A_974 = tpu.vector_load %arg8[%get3A_971, %get3A_972, %get3A_973] {strides = array<i32>} : memref<2x128x256xf32, #tpu.memory_space<vmem>>, vector<1x1x16xf32>,
        %get3A_975 = vector.shape_cast %get3A_974 : vector<1x1x16xf32> to vector<16xf32>
        %mul3A_976 = arith.constant 4 : i32
        %mul3A_977 = arith.muli %mul3A_976, %add3A_167 : i32
        %add3A_978 = arith.constant 3 : i32
        %add3A_979 = arith.addi %mul3A_977, %add3A_978 : i32
        %get3A_980 = arith.constant 0 : i32
        %get3A_981 = arith.index_cast %get3A_980 : i32 to index
        %get3A_982 = arith.index_cast %add3A_979 : i32 to index
        %get3A_983 = arith.constant 224 : index
        %get3A_984 = tpu.vector_load %arg8[%get3A_981, %get3A_982, %get3A_983] {strides = array<i32>} : memref<2x128x256xf32, #tpu.memory_space<vmem>>, vector<1x1x16xf32>,
        %get3A_985 = vector.shape_cast %get3A_984 : vector<1x1x16xf32> to vector<16xf32>
        %sub3A_986 = arith.subf %get3A_965, %get3A_955 : vector<16xf32>
        %mul3A_987 = arith.mulf %sub3A_986, %gather3A_183 : vector<16xf32>
        %add3A_988 = arith.addf %get3A_955, %mul3A_987 : vector<16xf32>
        %sub3A_989 = arith.subf %get3A_985, %get3A_975 : vector<16xf32>
        %mul3A_990 = arith.mulf %sub3A_989, %gather3A_183 : vector<16xf32>
        %add3A_991 = arith.addf %get3A_975, %mul3A_990 : vector<16xf32>
        %sub3A_992 = arith.subf %add3A_991, %add3A_988 : vector<16xf32>
        %mul3A_993 = arith.mulf %sub3A_992, %gather3A_193 : vector<16xf32>
        %add3A_994 = arith.addf %add3A_988, %mul3A_993 : vector<16xf32>
        %swap3A_995 = arith.constant 0 : i32
        %swap3A_996 = arith.index_cast %swap3A_995 : i32 to index
        %swap3A_997 = arith.index_cast %add3A_167 : i32 to index
        %swap3A_998 = arith.constant 224 : index
        %swap3A_999 = tpu.vector_load %arg9[%swap3A_996, %swap3A_997, %swap3A_998] {strides = array<i32>} : memref<2x32x256xf32, #tpu.memory_space<vmem>>, vector<1x1x16xf32>,
        %swap3A_1000 = vector.shape_cast %swap3A_999 : vector<1x1x16xf32> to vector<16xf32>
        %swap3A_1001 = vector.shape_cast %add3A_994 : vector<16xf32> to vector<1x1x16xf32>
        tpu.vector_store %arg9[%swap3A_996, %swap3A_997, %swap3A_998], %swap3A_1001 {strides = array<i32>} : memref<2x32x256xf32, #tpu.memory_space<vmem>>, vector<1x1x16xf32>,
        %mul3A_1002 = arith.constant 4 : i32
        %mul3A_1003 = arith.muli %mul3A_1002, %add3A_167 : i32
        %get3A_1004 = arith.constant 0 : i32
        %get3A_1005 = arith.index_cast %get3A_1004 : i32 to index
        %get3A_1006 = arith.index_cast %mul3A_1003 : i32 to index
        %get3A_1007 = arith.constant 240 : index
        %get3A_1008 = tpu.vector_load %arg8[%get3A_1005, %get3A_1006, %get3A_1007] {strides = array<i32>} : memref<2x128x256xf32, #tpu.memory_space<vmem>>, vector<1x1x16xf32>,
        %get3A_1009 = vector.shape_cast %get3A_1008 : vector<1x1x16xf32> to vector<16xf32>
        %mul3A_1010 = arith.constant 4 : i32
        %mul3A_1011 = arith.muli %mul3A_1010, %add3A_167 : i32
        %add3A_1012 = arith.constant 1 : i32
        %add3A_1013 = arith.addi %mul3A_1011, %add3A_1012 : i32
        %get3A_1014 = arith.constant 0 : i32
        %get3A_1015 = arith.index_cast %get3A_1014 : i32 to index
        %get3A_1016 = arith.index_cast %add3A_1013 : i32 to index
        %get3A_1017 = arith.constant 240 : index
        %get3A_1018 = tpu.vector_load %arg8[%get3A_1015, %get3A_1016, %get3A_1017] {strides = array<i32>} : memref<2x128x256xf32, #tpu.memory_space<vmem>>, vector<1x1x16xf32>,
        %get3A_1019 = vector.shape_cast %get3A_1018 : vector<1x1x16xf32> to vector<16xf32>
        %mul3A_1020 = arith.constant 4 : i32
        %mul3A_1021 = arith.muli %mul3A_1020, %add3A_167 : i32
        %add3A_1022 = arith.constant 2 : i32
        %add3A_1023 = arith.addi %mul3A_1021, %add3A_1022 : i32
        %get3A_1024 = arith.constant 0 : i32
        %get3A_1025 = arith.index_cast %get3A_1024 : i32 to index
        %get3A_1026 = arith.index_cast %add3A_1023 : i32 to index
        %get3A_1027 = arith.constant 240 : index
        %get3A_1028 = tpu.vector_load %arg8[%get3A_1025, %get3A_1026, %get3A_1027] {strides = array<i32>} : memref<2x128x256xf32, #tpu.memory_space<vmem>>, vector<1x1x16xf32>,
        %get3A_1029 = vector.shape_cast %get3A_1028 : vector<1x1x16xf32> to vector<16xf32>
        %mul3A_1030 = arith.constant 4 : i32
        %mul3A_1031 = arith.muli %mul3A_1030, %add3A_167 : i32
        %add3A_1032 = arith.constant 3 : i32
        %add3A_1033 = arith.addi %mul3A_1031, %add3A_1032 : i32
        %get3A_1034 = arith.constant 0 : i32
        %get3A_1035 = arith.index_cast %get3A_1034 : i32 to index
        %get3A_1036 = arith.index_cast %add3A_1033 : i32 to index
        %get3A_1037 = arith.constant 240 : index
        %get3A_1038 = tpu.vector_load %arg8[%get3A_1035, %get3A_1036, %get3A_1037] {strides = array<i32>} : memref<2x128x256xf32, #tpu.memory_space<vmem>>, vector<1x1x16xf32>,
        %get3A_1039 = vector.shape_cast %get3A_1038 : vector<1x1x16xf32> to vector<16xf32>
        %sub3A_1040 = arith.subf %get3A_1019, %get3A_1009 : vector<16xf32>
        %mul3A_1041 = arith.mulf %sub3A_1040, %gather3A_183 : vector<16xf32>
        %add3A_1042 = arith.addf %get3A_1009, %mul3A_1041 : vector<16xf32>
        %sub3A_1043 = arith.subf %get3A_1039, %get3A_1029 : vector<16xf32>
        %mul3A_1044 = arith.mulf %sub3A_1043, %gather3A_183 : vector<16xf32>
        %add3A_1045 = arith.addf %get3A_1029, %mul3A_1044 : vector<16xf32>
        %sub3A_1046 = arith.subf %add3A_1045, %add3A_1042 : vector<16xf32>
        %mul3A_1047 = arith.mulf %sub3A_1046, %gather3A_193 : vector<16xf32>
        %add3A_1048 = arith.addf %add3A_1042, %mul3A_1047 : vector<16xf32>
        %swap3A_1049 = arith.constant 0 : i32
        %swap3A_1050 = arith.index_cast %swap3A_1049 : i32 to index
        %swap3A_1051 = arith.index_cast %add3A_167 : i32 to index
        %swap3A_1052 = arith.constant 240 : index
        %swap3A_1053 = tpu.vector_load %arg9[%swap3A_1050, %swap3A_1051, %swap3A_1052] {strides = array<i32>} : memref<2x32x256xf32, #tpu.memory_space<vmem>>, vector<1x1x16xf32>,
        %swap3A_1054 = vector.shape_cast %swap3A_1053 : vector<1x1x16xf32> to vector<16xf32>
        %swap3A_1055 = vector.shape_cast %add3A_1048 : vector<16xf32> to vector<1x1x16xf32>
        tpu.vector_store %arg9[%swap3A_1050, %swap3A_1051, %swap3A_1052], %swap3A_1055 {strides = array<i32>} : memref<2x32x256xf32, #tpu.memory_space<vmem>>, vector<1x1x16xf32>,
        %mul3A_1056 = arith.constant 32 : i32
        %mul3A_1057 = arith.muli %add3A_72, %mul3A_1056 : i32
        %add3A_1058 = arith.addi %mul3A_1057, %add3A_169 : i32
        %mul3A_1059 = arith.constant 2 : i32
        %mul3A_1060 = arith.muli %add3A_1058, %mul3A_1059 : i32
        %get3A_1061 = arith.index_cast %mul3A_1060 : i32 to index
        %get3A_1062 = tpu.vector_load %arg7[%get3A_1061] {strides = array<i32>} : memref<6160xf32, #tpu.memory_space<vmem>>, vector<16xf32>,
        %get3A_1063 = vector.shape_cast %get3A_1062 : vector<16xf32> to vector<16xf32>
        %lt3A_1064 = arith.constant 0 : i32
        %lt3A_1065 = vector.broadcast %lt3A_1064 : i32 to vector<16xi32>
        %lt3A_1066 = arith.cmpi slt, %mul3A_6, %lt3A_1065 : vector<16xi32>
        %add3A_1067 = arith.constant 16 : i32
        %add3A_1068 = vector.broadcast %add3A_1067 : i32 to vector<16xi32>
        %add3A_1069 = arith.addi %mul3A_6, %add3A_1068 : vector<16xi32>
        %select_n3A_1070 = arith.select %lt3A_1066, %add3A_1069, %mul3A_6 : vector<16xi1>, vector<16xi32>
        %broadcast_in_dim3A_1071 = vector.shape_cast %select_n3A_1070 : vector<16xi32> to vector<16x1xi32>
        %gather3A_1072 = vector.shape_cast %broadcast_in_dim3A_1071 : vector<16x1xi32> to vector<16xi32>
        %gather3A_1073 = tpu.dynamic_gather %get3A_1063[%gather3A_1072] in [0] : vector<16xf32>, vector<16xi32> -> vector<16xf32>
        %lt3A_1074 = arith.constant 0 : i32
        %lt3A_1075 = vector.broadcast %lt3A_1074 : i32 to vector<16xi32>
        %lt3A_1076 = arith.cmpi slt, %add3A_9, %lt3A_1075 : vector<16xi32>
        %add3A_1077 = arith.constant 16 : i32
        %add3A_1078 = vector.broadcast %add3A_1077 : i32 to vector<16xi32>
        %add3A_1079 = arith.addi %add3A_9, %add3A_1078 : vector<16xi32>
        %select_n3A_1080 = arith.select %lt3A_1076, %add3A_1079, %add3A_9 : vector<16xi1>, vector<16xi32>
        %broadcast_in_dim3A_1081 = vector.shape_cast %select_n3A_1080 : vector<16xi32> to vector<16x1xi32>
        %gather3A_1082 = vector.shape_cast %broadcast_in_dim3A_1081 : vector<16x1xi32> to vector<16xi32>
        %gather3A_1083 = tpu.dynamic_gather %get3A_1063[%gather3A_1082] in [0] : vector<16xf32>, vector<16xi32> -> vector<16xf32>
        %mul3A_1084 = arith.constant 4 : i32
        %mul3A_1085 = arith.muli %mul3A_1084, %add3A_169 : i32
        %get3A_1086 = arith.constant 0 : i32
        %get3A_1087 = arith.index_cast %get3A_1086 : i32 to index
        %get3A_1088 = arith.index_cast %mul3A_1085 : i32 to index
        %get3A_1089 = arith.constant 0 : index
        %get3A_1090 = tpu.vector_load %arg8[%get3A_1087, %get3A_1088, %get3A_1089] {strides = array<i32>} : memref<2x128x256xf32, #tpu.memory_space<vmem>>, vector<1x1x16xf32>,
        %get3A_1091 = vector.shape_cast %get3A_1090 : vector<1x1x16xf32> to vector<16xf32>
        %mul3A_1092 = arith.constant 4 : i32
        %mul3A_1093 = arith.muli %mul3A_1092, %add3A_169 : i32
        %add3A_1094 = arith.constant 1 : i32
        %add3A_1095 = arith.addi %mul3A_1093, %add3A_1094 : i32
        %get3A_1096 = arith.constant 0 : i32
        %get3A_1097 = arith.index_cast %get3A_1096 : i32 to index
        %get3A_1098 = arith.index_cast %add3A_1095 : i32 to index
        %get3A_1099 = arith.constant 0 : index
        %get3A_1100 = tpu.vector_load %arg8[%get3A_1097, %get3A_1098, %get3A_1099] {strides = array<i32>} : memref<2x128x256xf32, #tpu.memory_space<vmem>>, vector<1x1x16xf32>,
        %get3A_1101 = vector.shape_cast %get3A_1100 : vector<1x1x16xf32> to vector<16xf32>
        %mul3A_1102 = arith.constant 4 : i32
        %mul3A_1103 = arith.muli %mul3A_1102, %add3A_169 : i32
        %add3A_1104 = arith.constant 2 : i32
        %add3A_1105 = arith.addi %mul3A_1103, %add3A_1104 : i32
        %get3A_1106 = arith.constant 0 : i32
        %get3A_1107 = arith.index_cast %get3A_1106 : i32 to index
        %get3A_1108 = arith.index_cast %add3A_1105 : i32 to index
        %get3A_1109 = arith.constant 0 : index
        %get3A_1110 = tpu.vector_load %arg8[%get3A_1107, %get3A_1108, %get3A_1109] {strides = array<i32>} : memref<2x128x256xf32, #tpu.memory_space<vmem>>, vector<1x1x16xf32>,
        %get3A_1111 = vector.shape_cast %get3A_1110 : vector<1x1x16xf32> to vector<16xf32>
        %mul3A_1112 = arith.constant 4 : i32
        %mul3A_1113 = arith.muli %mul3A_1112, %add3A_169 : i32
        %add3A_1114 = arith.constant 3 : i32
        %add3A_1115 = arith.addi %mul3A_1113, %add3A_1114 : i32
        %get3A_1116 = arith.constant 0 : i32
        %get3A_1117 = arith.index_cast %get3A_1116 : i32 to index
        %get3A_1118 = arith.index_cast %add3A_1115 : i32 to index
        %get3A_1119 = arith.constant 0 : index
        %get3A_1120 = tpu.vector_load %arg8[%get3A_1117, %get3A_1118, %get3A_1119] {strides = array<i32>} : memref<2x128x256xf32, #tpu.memory_space<vmem>>, vector<1x1x16xf32>,
        %get3A_1121 = vector.shape_cast %get3A_1120 : vector<1x1x16xf32> to vector<16xf32>
        %sub3A_1122 = arith.subf %get3A_1101, %get3A_1091 : vector<16xf32>
        %mul3A_1123 = arith.mulf %sub3A_1122, %gather3A_1073 : vector<16xf32>
        %add3A_1124 = arith.addf %get3A_1091, %mul3A_1123 : vector<16xf32>
        %sub3A_1125 = arith.subf %get3A_1121, %get3A_1111 : vector<16xf32>
        %mul3A_1126 = arith.mulf %sub3A_1125, %gather3A_1073 : vector<16xf32>
        %add3A_1127 = arith.addf %get3A_1111, %mul3A_1126 : vector<16xf32>
        %sub3A_1128 = arith.subf %add3A_1127, %add3A_1124 : vector<16xf32>
        %mul3A_1129 = arith.mulf %sub3A_1128, %gather3A_1083 : vector<16xf32>
        %add3A_1130 = arith.addf %add3A_1124, %mul3A_1129 : vector<16xf32>
        %swap3A_1131 = arith.constant 0 : i32
        %swap3A_1132 = arith.index_cast %swap3A_1131 : i32 to index
        %swap3A_1133 = arith.index_cast %add3A_169 : i32 to index
        %swap3A_1134 = arith.constant 0 : index
        %swap3A_1135 = tpu.vector_load %arg9[%swap3A_1132, %swap3A_1133, %swap3A_1134] {strides = array<i32>} : memref<2x32x256xf32, #tpu.memory_space<vmem>>, vector<1x1x16xf32>,
        %swap3A_1136 = vector.shape_cast %swap3A_1135 : vector<1x1x16xf32> to vector<16xf32>
        %swap3A_1137 = vector.shape_cast %add3A_1130 : vector<16xf32> to vector<1x1x16xf32>
        tpu.vector_store %arg9[%swap3A_1132, %swap3A_1133, %swap3A_1134], %swap3A_1137 {strides = array<i32>} : memref<2x32x256xf32, #tpu.memory_space<vmem>>, vector<1x1x16xf32>,
        %mul3A_1138 = arith.constant 4 : i32
        %mul3A_1139 = arith.muli %mul3A_1138, %add3A_169 : i32
        %get3A_1140 = arith.constant 0 : i32
        %get3A_1141 = arith.index_cast %get3A_1140 : i32 to index
        %get3A_1142 = arith.index_cast %mul3A_1139 : i32 to index
        %get3A_1143 = arith.constant 16 : index
        %get3A_1144 = tpu.vector_load %arg8[%get3A_1141, %get3A_1142, %get3A_1143] {strides = array<i32>} : memref<2x128x256xf32, #tpu.memory_space<vmem>>, vector<1x1x16xf32>,
        %get3A_1145 = vector.shape_cast %get3A_1144 : vector<1x1x16xf32> to vector<16xf32>
        %mul3A_1146 = arith.constant 4 : i32
        %mul3A_1147 = arith.muli %mul3A_1146, %add3A_169 : i32
        %add3A_1148 = arith.constant 1 : i32
        %add3A_1149 = arith.addi %mul3A_1147, %add3A_1148 : i32
        %get3A_1150 = arith.constant 0 : i32
        %get3A_1151 = arith.index_cast %get3A_1150 : i32 to index
        %get3A_1152 = arith.index_cast %add3A_1149 : i32 to index
        %get3A_1153 = arith.constant 16 : index
        %get3A_1154 = tpu.vector_load %arg8[%get3A_1151, %get3A_1152, %get3A_1153] {strides = array<i32>} : memref<2x128x256xf32, #tpu.memory_space<vmem>>, vector<1x1x16xf32>,
        %get3A_1155 = vector.shape_cast %get3A_1154 : vector<1x1x16xf32> to vector<16xf32>
        %mul3A_1156 = arith.constant 4 : i32
        %mul3A_1157 = arith.muli %mul3A_1156, %add3A_169 : i32
        %add3A_1158 = arith.constant 2 : i32
        %add3A_1159 = arith.addi %mul3A_1157, %add3A_1158 : i32
        %get3A_1160 = arith.constant 0 : i32
        %get3A_1161 = arith.index_cast %get3A_1160 : i32 to index
        %get3A_1162 = arith.index_cast %add3A_1159 : i32 to index
        %get3A_1163 = arith.constant 16 : index
        %get3A_1164 = tpu.vector_load %arg8[%get3A_1161, %get3A_1162, %get3A_1163] {strides = array<i32>} : memref<2x128x256xf32, #tpu.memory_space<vmem>>, vector<1x1x16xf32>,
        %get3A_1165 = vector.shape_cast %get3A_1164 : vector<1x1x16xf32> to vector<16xf32>
        %mul3A_1166 = arith.constant 4 : i32
        %mul3A_1167 = arith.muli %mul3A_1166, %add3A_169 : i32
        %add3A_1168 = arith.constant 3 : i32
        %add3A_1169 = arith.addi %mul3A_1167, %add3A_1168 : i32
        %get3A_1170 = arith.constant 0 : i32
        %get3A_1171 = arith.index_cast %get3A_1170 : i32 to index
        %get3A_1172 = arith.index_cast %add3A_1169 : i32 to index
        %get3A_1173 = arith.constant 16 : index
        %get3A_1174 = tpu.vector_load %arg8[%get3A_1171, %get3A_1172, %get3A_1173] {strides = array<i32>} : memref<2x128x256xf32, #tpu.memory_space<vmem>>, vector<1x1x16xf32>,
        %get3A_1175 = vector.shape_cast %get3A_1174 : vector<1x1x16xf32> to vector<16xf32>
        %sub3A_1176 = arith.subf %get3A_1155, %get3A_1145 : vector<16xf32>
        %mul3A_1177 = arith.mulf %sub3A_1176, %gather3A_1073 : vector<16xf32>
        %add3A_1178 = arith.addf %get3A_1145, %mul3A_1177 : vector<16xf32>
        %sub3A_1179 = arith.subf %get3A_1175, %get3A_1165 : vector<16xf32>
        %mul3A_1180 = arith.mulf %sub3A_1179, %gather3A_1073 : vector<16xf32>
        %add3A_1181 = arith.addf %get3A_1165, %mul3A_1180 : vector<16xf32>
        %sub3A_1182 = arith.subf %add3A_1181, %add3A_1178 : vector<16xf32>
        %mul3A_1183 = arith.mulf %sub3A_1182, %gather3A_1083 : vector<16xf32>
        %add3A_1184 = arith.addf %add3A_1178, %mul3A_1183 : vector<16xf32>
        %swap3A_1185 = arith.constant 0 : i32
        %swap3A_1186 = arith.index_cast %swap3A_1185 : i32 to index
        %swap3A_1187 = arith.index_cast %add3A_169 : i32 to index
        %swap3A_1188 = arith.constant 16 : index
        %swap3A_1189 = tpu.vector_load %arg9[%swap3A_1186, %swap3A_1187, %swap3A_1188] {strides = array<i32>} : memref<2x32x256xf32, #tpu.memory_space<vmem>>, vector<1x1x16xf32>,
        %swap3A_1190 = vector.shape_cast %swap3A_1189 : vector<1x1x16xf32> to vector<16xf32>
        %swap3A_1191 = vector.shape_cast %add3A_1184 : vector<16xf32> to vector<1x1x16xf32>
        tpu.vector_store %arg9[%swap3A_1186, %swap3A_1187, %swap3A_1188], %swap3A_1191 {strides = array<i32>} : memref<2x32x256xf32, #tpu.memory_space<vmem>>, vector<1x1x16xf32>,
        %mul3A_1192 = arith.constant 4 : i32
        %mul3A_1193 = arith.muli %mul3A_1192, %add3A_169 : i32
        %get3A_1194 = arith.constant 0 : i32
        %get3A_1195 = arith.index_cast %get3A_1194 : i32 to index
        %get3A_1196 = arith.index_cast %mul3A_1193 : i32 to index
        %get3A_1197 = arith.constant 32 : index
        %get3A_1198 = tpu.vector_load %arg8[%get3A_1195, %get3A_1196, %get3A_1197] {strides = array<i32>} : memref<2x128x256xf32, #tpu.memory_space<vmem>>, vector<1x1x16xf32>,
        %get3A_1199 = vector.shape_cast %get3A_1198 : vector<1x1x16xf32> to vector<16xf32>
        %mul3A_1200 = arith.constant 4 : i32
        %mul3A_1201 = arith.muli %mul3A_1200, %add3A_169 : i32
        %add3A_1202 = arith.constant 1 : i32
        %add3A_1203 = arith.addi %mul3A_1201, %add3A_1202 : i32
        %get3A_1204 = arith.constant 0 : i32
        %get3A_1205 = arith.index_cast %get3A_1204 : i32 to index
        %get3A_1206 = arith.index_cast %add3A_1203 : i32 to index
        %get3A_1207 = arith.constant 32 : index
        %get3A_1208 = tpu.vector_load %arg8[%get3A_1205, %get3A_1206, %get3A_1207] {strides = array<i32>} : memref<2x128x256xf32, #tpu.memory_space<vmem>>, vector<1x1x16xf32>,
        %get3A_1209 = vector.shape_cast %get3A_1208 : vector<1x1x16xf32> to vector<16xf32>
        %mul3A_1210 = arith.constant 4 : i32
        %mul3A_1211 = arith.muli %mul3A_1210, %add3A_169 : i32
        %add3A_1212 = arith.constant 2 : i32
        %add3A_1213 = arith.addi %mul3A_1211, %add3A_1212 : i32
        %get3A_1214 = arith.constant 0 : i32
        %get3A_1215 = arith.index_cast %get3A_1214 : i32 to index
        %get3A_1216 = arith.index_cast %add3A_1213 : i32 to index
        %get3A_1217 = arith.constant 32 : index
        %get3A_1218 = tpu.vector_load %arg8[%get3A_1215, %get3A_1216, %get3A_1217] {strides = array<i32>} : memref<2x128x256xf32, #tpu.memory_space<vmem>>, vector<1x1x16xf32>,
        %get3A_1219 = vector.shape_cast %get3A_1218 : vector<1x1x16xf32> to vector<16xf32>
        %mul3A_1220 = arith.constant 4 : i32
        %mul3A_1221 = arith.muli %mul3A_1220, %add3A_169 : i32
        %add3A_1222 = arith.constant 3 : i32
        %add3A_1223 = arith.addi %mul3A_1221, %add3A_1222 : i32
        %get3A_1224 = arith.constant 0 : i32
        %get3A_1225 = arith.index_cast %get3A_1224 : i32 to index
        %get3A_1226 = arith.index_cast %add3A_1223 : i32 to index
        %get3A_1227 = arith.constant 32 : index
        %get3A_1228 = tpu.vector_load %arg8[%get3A_1225, %get3A_1226, %get3A_1227] {strides = array<i32>} : memref<2x128x256xf32, #tpu.memory_space<vmem>>, vector<1x1x16xf32>,
        %get3A_1229 = vector.shape_cast %get3A_1228 : vector<1x1x16xf32> to vector<16xf32>
        %sub3A_1230 = arith.subf %get3A_1209, %get3A_1199 : vector<16xf32>
        %mul3A_1231 = arith.mulf %sub3A_1230, %gather3A_1073 : vector<16xf32>
        %add3A_1232 = arith.addf %get3A_1199, %mul3A_1231 : vector<16xf32>
        %sub3A_1233 = arith.subf %get3A_1229, %get3A_1219 : vector<16xf32>
        %mul3A_1234 = arith.mulf %sub3A_1233, %gather3A_1073 : vector<16xf32>
        %add3A_1235 = arith.addf %get3A_1219, %mul3A_1234 : vector<16xf32>
        %sub3A_1236 = arith.subf %add3A_1235, %add3A_1232 : vector<16xf32>
        %mul3A_1237 = arith.mulf %sub3A_1236, %gather3A_1083 : vector<16xf32>
        %add3A_1238 = arith.addf %add3A_1232, %mul3A_1237 : vector<16xf32>
        %swap3A_1239 = arith.constant 0 : i32
        %swap3A_1240 = arith.index_cast %swap3A_1239 : i32 to index
        %swap3A_1241 = arith.index_cast %add3A_169 : i32 to index
        %swap3A_1242 = arith.constant 32 : index
        %swap3A_1243 = tpu.vector_load %arg9[%swap3A_1240, %swap3A_1241, %swap3A_1242] {strides = array<i32>} : memref<2x32x256xf32, #tpu.memory_space<vmem>>, vector<1x1x16xf32>,
        %swap3A_1244 = vector.shape_cast %swap3A_1243 : vector<1x1x16xf32> to vector<16xf32>
        %swap3A_1245 = vector.shape_cast %add3A_1238 : vector<16xf32> to vector<1x1x16xf32>
        tpu.vector_store %arg9[%swap3A_1240, %swap3A_1241, %swap3A_1242], %swap3A_1245 {strides = array<i32>} : memref<2x32x256xf32, #tpu.memory_space<vmem>>, vector<1x1x16xf32>,
        %mul3A_1246 = arith.constant 4 : i32
        %mul3A_1247 = arith.muli %mul3A_1246, %add3A_169 : i32
        %get3A_1248 = arith.constant 0 : i32
        %get3A_1249 = arith.index_cast %get3A_1248 : i32 to index
        %get3A_1250 = arith.index_cast %mul3A_1247 : i32 to index
        %get3A_1251 = arith.constant 48 : index
        %get3A_1252 = tpu.vector_load %arg8[%get3A_1249, %get3A_1250, %get3A_1251] {strides = array<i32>} : memref<2x128x256xf32, #tpu.memory_space<vmem>>, vector<1x1x16xf32>,
        %get3A_1253 = vector.shape_cast %get3A_1252 : vector<1x1x16xf32> to vector<16xf32>
        %mul3A_1254 = arith.constant 4 : i32
        %mul3A_1255 = arith.muli %mul3A_1254, %add3A_169 : i32
        %add3A_1256 = arith.constant 1 : i32
        %add3A_1257 = arith.addi %mul3A_1255, %add3A_1256 : i32
        %get3A_1258 = arith.constant 0 : i32
        %get3A_1259 = arith.index_cast %get3A_1258 : i32 to index
        %get3A_1260 = arith.index_cast %add3A_1257 : i32 to index
        %get3A_1261 = arith.constant 48 : index
        %get3A_1262 = tpu.vector_load %arg8[%get3A_1259, %get3A_1260, %get3A_1261] {strides = array<i32>} : memref<2x128x256xf32, #tpu.memory_space<vmem>>, vector<1x1x16xf32>,
        %get3A_1263 = vector.shape_cast %get3A_1262 : vector<1x1x16xf32> to vector<16xf32>
        %mul3A_1264 = arith.constant 4 : i32
        %mul3A_1265 = arith.muli %mul3A_1264, %add3A_169 : i32
        %add3A_1266 = arith.constant 2 : i32
        %add3A_1267 = arith.addi %mul3A_1265, %add3A_1266 : i32
        %get3A_1268 = arith.constant 0 : i32
        %get3A_1269 = arith.index_cast %get3A_1268 : i32 to index
        %get3A_1270 = arith.index_cast %add3A_1267 : i32 to index
        %get3A_1271 = arith.constant 48 : index
        %get3A_1272 = tpu.vector_load %arg8[%get3A_1269, %get3A_1270, %get3A_1271] {strides = array<i32>} : memref<2x128x256xf32, #tpu.memory_space<vmem>>, vector<1x1x16xf32>,
        %get3A_1273 = vector.shape_cast %get3A_1272 : vector<1x1x16xf32> to vector<16xf32>
        %mul3A_1274 = arith.constant 4 : i32
        %mul3A_1275 = arith.muli %mul3A_1274, %add3A_169 : i32
        %add3A_1276 = arith.constant 3 : i32
        %add3A_1277 = arith.addi %mul3A_1275, %add3A_1276 : i32
        %get3A_1278 = arith.constant 0 : i32
        %get3A_1279 = arith.index_cast %get3A_1278 : i32 to index
        %get3A_1280 = arith.index_cast %add3A_1277 : i32 to index
        %get3A_1281 = arith.constant 48 : index
        %get3A_1282 = tpu.vector_load %arg8[%get3A_1279, %get3A_1280, %get3A_1281] {strides = array<i32>} : memref<2x128x256xf32, #tpu.memory_space<vmem>>, vector<1x1x16xf32>,
        %get3A_1283 = vector.shape_cast %get3A_1282 : vector<1x1x16xf32> to vector<16xf32>
        %sub3A_1284 = arith.subf %get3A_1263, %get3A_1253 : vector<16xf32>
        %mul3A_1285 = arith.mulf %sub3A_1284, %gather3A_1073 : vector<16xf32>
        %add3A_1286 = arith.addf %get3A_1253, %mul3A_1285 : vector<16xf32>
        %sub3A_1287 = arith.subf %get3A_1283, %get3A_1273 : vector<16xf32>
        %mul3A_1288 = arith.mulf %sub3A_1287, %gather3A_1073 : vector<16xf32>
        %add3A_1289 = arith.addf %get3A_1273, %mul3A_1288 : vector<16xf32>
        %sub3A_1290 = arith.subf %add3A_1289, %add3A_1286 : vector<16xf32>
        %mul3A_1291 = arith.mulf %sub3A_1290, %gather3A_1083 : vector<16xf32>
        %add3A_1292 = arith.addf %add3A_1286, %mul3A_1291 : vector<16xf32>
        %swap3A_1293 = arith.constant 0 : i32
        %swap3A_1294 = arith.index_cast %swap3A_1293 : i32 to index
        %swap3A_1295 = arith.index_cast %add3A_169 : i32 to index
        %swap3A_1296 = arith.constant 48 : index
        %swap3A_1297 = tpu.vector_load %arg9[%swap3A_1294, %swap3A_1295, %swap3A_1296] {strides = array<i32>} : memref<2x32x256xf32, #tpu.memory_space<vmem>>, vector<1x1x16xf32>,
        %swap3A_1298 = vector.shape_cast %swap3A_1297 : vector<1x1x16xf32> to vector<16xf32>
        %swap3A_1299 = vector.shape_cast %add3A_1292 : vector<16xf32> to vector<1x1x16xf32>
        tpu.vector_store %arg9[%swap3A_1294, %swap3A_1295, %swap3A_1296], %swap3A_1299 {strides = array<i32>} : memref<2x32x256xf32, #tpu.memory_space<vmem>>, vector<1x1x16xf32>,
        %mul3A_1300 = arith.constant 4 : i32
        %mul3A_1301 = arith.muli %mul3A_1300, %add3A_169 : i32
        %get3A_1302 = arith.constant 0 : i32
        %get3A_1303 = arith.index_cast %get3A_1302 : i32 to index
        %get3A_1304 = arith.index_cast %mul3A_1301 : i32 to index
        %get3A_1305 = arith.constant 64 : index
        %get3A_1306 = tpu.vector_load %arg8[%get3A_1303, %get3A_1304, %get3A_1305] {strides = array<i32>} : memref<2x128x256xf32, #tpu.memory_space<vmem>>, vector<1x1x16xf32>,
        %get3A_1307 = vector.shape_cast %get3A_1306 : vector<1x1x16xf32> to vector<16xf32>
        %mul3A_1308 = arith.constant 4 : i32
        %mul3A_1309 = arith.muli %mul3A_1308, %add3A_169 : i32
        %add3A_1310 = arith.constant 1 : i32
        %add3A_1311 = arith.addi %mul3A_1309, %add3A_1310 : i32
        %get3A_1312 = arith.constant 0 : i32
        %get3A_1313 = arith.index_cast %get3A_1312 : i32 to index
        %get3A_1314 = arith.index_cast %add3A_1311 : i32 to index
        %get3A_1315 = arith.constant 64 : index
        %get3A_1316 = tpu.vector_load %arg8[%get3A_1313, %get3A_1314, %get3A_1315] {strides = array<i32>} : memref<2x128x256xf32, #tpu.memory_space<vmem>>, vector<1x1x16xf32>,
        %get3A_1317 = vector.shape_cast %get3A_1316 : vector<1x1x16xf32> to vector<16xf32>
        %mul3A_1318 = arith.constant 4 : i32
        %mul3A_1319 = arith.muli %mul3A_1318, %add3A_169 : i32
        %add3A_1320 = arith.constant 2 : i32
        %add3A_1321 = arith.addi %mul3A_1319, %add3A_1320 : i32
        %get3A_1322 = arith.constant 0 : i32
        %get3A_1323 = arith.index_cast %get3A_1322 : i32 to index
        %get3A_1324 = arith.index_cast %add3A_1321 : i32 to index
        %get3A_1325 = arith.constant 64 : index
        %get3A_1326 = tpu.vector_load %arg8[%get3A_1323, %get3A_1324, %get3A_1325] {strides = array<i32>} : memref<2x128x256xf32, #tpu.memory_space<vmem>>, vector<1x1x16xf32>,
        %get3A_1327 = vector.shape_cast %get3A_1326 : vector<1x1x16xf32> to vector<16xf32>
        %mul3A_1328 = arith.constant 4 : i32
        %mul3A_1329 = arith.muli %mul3A_1328, %add3A_169 : i32
        %add3A_1330 = arith.constant 3 : i32
        %add3A_1331 = arith.addi %mul3A_1329, %add3A_1330 : i32
        %get3A_1332 = arith.constant 0 : i32
        %get3A_1333 = arith.index_cast %get3A_1332 : i32 to index
        %get3A_1334 = arith.index_cast %add3A_1331 : i32 to index
        %get3A_1335 = arith.constant 64 : index
        %get3A_1336 = tpu.vector_load %arg8[%get3A_1333, %get3A_1334, %get3A_1335] {strides = array<i32>} : memref<2x128x256xf32, #tpu.memory_space<vmem>>, vector<1x1x16xf32>,
        %get3A_1337 = vector.shape_cast %get3A_1336 : vector<1x1x16xf32> to vector<16xf32>
        %sub3A_1338 = arith.subf %get3A_1317, %get3A_1307 : vector<16xf32>
        %mul3A_1339 = arith.mulf %sub3A_1338, %gather3A_1073 : vector<16xf32>
        %add3A_1340 = arith.addf %get3A_1307, %mul3A_1339 : vector<16xf32>
        %sub3A_1341 = arith.subf %get3A_1337, %get3A_1327 : vector<16xf32>
        %mul3A_1342 = arith.mulf %sub3A_1341, %gather3A_1073 : vector<16xf32>
        %add3A_1343 = arith.addf %get3A_1327, %mul3A_1342 : vector<16xf32>
        %sub3A_1344 = arith.subf %add3A_1343, %add3A_1340 : vector<16xf32>
        %mul3A_1345 = arith.mulf %sub3A_1344, %gather3A_1083 : vector<16xf32>
        %add3A_1346 = arith.addf %add3A_1340, %mul3A_1345 : vector<16xf32>
        %swap3A_1347 = arith.constant 0 : i32
        %swap3A_1348 = arith.index_cast %swap3A_1347 : i32 to index
        %swap3A_1349 = arith.index_cast %add3A_169 : i32 to index
        %swap3A_1350 = arith.constant 64 : index
        %swap3A_1351 = tpu.vector_load %arg9[%swap3A_1348, %swap3A_1349, %swap3A_1350] {strides = array<i32>} : memref<2x32x256xf32, #tpu.memory_space<vmem>>, vector<1x1x16xf32>,
        %swap3A_1352 = vector.shape_cast %swap3A_1351 : vector<1x1x16xf32> to vector<16xf32>
        %swap3A_1353 = vector.shape_cast %add3A_1346 : vector<16xf32> to vector<1x1x16xf32>
        tpu.vector_store %arg9[%swap3A_1348, %swap3A_1349, %swap3A_1350], %swap3A_1353 {strides = array<i32>} : memref<2x32x256xf32, #tpu.memory_space<vmem>>, vector<1x1x16xf32>,
        %mul3A_1354 = arith.constant 4 : i32
        %mul3A_1355 = arith.muli %mul3A_1354, %add3A_169 : i32
        %get3A_1356 = arith.constant 0 : i32
        %get3A_1357 = arith.index_cast %get3A_1356 : i32 to index
        %get3A_1358 = arith.index_cast %mul3A_1355 : i32 to index
        %get3A_1359 = arith.constant 80 : index
        %get3A_1360 = tpu.vector_load %arg8[%get3A_1357, %get3A_1358, %get3A_1359] {strides = array<i32>} : memref<2x128x256xf32, #tpu.memory_space<vmem>>, vector<1x1x16xf32>,
        %get3A_1361 = vector.shape_cast %get3A_1360 : vector<1x1x16xf32> to vector<16xf32>
        %mul3A_1362 = arith.constant 4 : i32
        %mul3A_1363 = arith.muli %mul3A_1362, %add3A_169 : i32
        %add3A_1364 = arith.constant 1 : i32
        %add3A_1365 = arith.addi %mul3A_1363, %add3A_1364 : i32
        %get3A_1366 = arith.constant 0 : i32
        %get3A_1367 = arith.index_cast %get3A_1366 : i32 to index
        %get3A_1368 = arith.index_cast %add3A_1365 : i32 to index
        %get3A_1369 = arith.constant 80 : index
        %get3A_1370 = tpu.vector_load %arg8[%get3A_1367, %get3A_1368, %get3A_1369] {strides = array<i32>} : memref<2x128x256xf32, #tpu.memory_space<vmem>>, vector<1x1x16xf32>,
        %get3A_1371 = vector.shape_cast %get3A_1370 : vector<1x1x16xf32> to vector<16xf32>
        %mul3A_1372 = arith.constant 4 : i32
        %mul3A_1373 = arith.muli %mul3A_1372, %add3A_169 : i32
        %add3A_1374 = arith.constant 2 : i32
        %add3A_1375 = arith.addi %mul3A_1373, %add3A_1374 : i32
        %get3A_1376 = arith.constant 0 : i32
        %get3A_1377 = arith.index_cast %get3A_1376 : i32 to index
        %get3A_1378 = arith.index_cast %add3A_1375 : i32 to index
        %get3A_1379 = arith.constant 80 : index
        %get3A_1380 = tpu.vector_load %arg8[%get3A_1377, %get3A_1378, %get3A_1379] {strides = array<i32>} : memref<2x128x256xf32, #tpu.memory_space<vmem>>, vector<1x1x16xf32>,
        %get3A_1381 = vector.shape_cast %get3A_1380 : vector<1x1x16xf32> to vector<16xf32>
        %mul3A_1382 = arith.constant 4 : i32
        %mul3A_1383 = arith.muli %mul3A_1382, %add3A_169 : i32
        %add3A_1384 = arith.constant 3 : i32
        %add3A_1385 = arith.addi %mul3A_1383, %add3A_1384 : i32
        %get3A_1386 = arith.constant 0 : i32
        %get3A_1387 = arith.index_cast %get3A_1386 : i32 to index
        %get3A_1388 = arith.index_cast %add3A_1385 : i32 to index
        %get3A_1389 = arith.constant 80 : index
        %get3A_1390 = tpu.vector_load %arg8[%get3A_1387, %get3A_1388, %get3A_1389] {strides = array<i32>} : memref<2x128x256xf32, #tpu.memory_space<vmem>>, vector<1x1x16xf32>,
        %get3A_1391 = vector.shape_cast %get3A_1390 : vector<1x1x16xf32> to vector<16xf32>
        %sub3A_1392 = arith.subf %get3A_1371, %get3A_1361 : vector<16xf32>
        %mul3A_1393 = arith.mulf %sub3A_1392, %gather3A_1073 : vector<16xf32>
        %add3A_1394 = arith.addf %get3A_1361, %mul3A_1393 : vector<16xf32>
        %sub3A_1395 = arith.subf %get3A_1391, %get3A_1381 : vector<16xf32>
        %mul3A_1396 = arith.mulf %sub3A_1395, %gather3A_1073 : vector<16xf32>
        %add3A_1397 = arith.addf %get3A_1381, %mul3A_1396 : vector<16xf32>
        %sub3A_1398 = arith.subf %add3A_1397, %add3A_1394 : vector<16xf32>
        %mul3A_1399 = arith.mulf %sub3A_1398, %gather3A_1083 : vector<16xf32>
        %add3A_1400 = arith.addf %add3A_1394, %mul3A_1399 : vector<16xf32>
        %swap3A_1401 = arith.constant 0 : i32
        %swap3A_1402 = arith.index_cast %swap3A_1401 : i32 to index
        %swap3A_1403 = arith.index_cast %add3A_169 : i32 to index
        %swap3A_1404 = arith.constant 80 : index
        %swap3A_1405 = tpu.vector_load %arg9[%swap3A_1402, %swap3A_1403, %swap3A_1404] {strides = array<i32>} : memref<2x32x256xf32, #tpu.memory_space<vmem>>, vector<1x1x16xf32>,
        %swap3A_1406 = vector.shape_cast %swap3A_1405 : vector<1x1x16xf32> to vector<16xf32>
        %swap3A_1407 = vector.shape_cast %add3A_1400 : vector<16xf32> to vector<1x1x16xf32>
        tpu.vector_store %arg9[%swap3A_1402, %swap3A_1403, %swap3A_1404], %swap3A_1407 {strides = array<i32>} : memref<2x32x256xf32, #tpu.memory_space<vmem>>, vector<1x1x16xf32>,
        %mul3A_1408 = arith.constant 4 : i32
        %mul3A_1409 = arith.muli %mul3A_1408, %add3A_169 : i32
        %get3A_1410 = arith.constant 0 : i32
        %get3A_1411 = arith.index_cast %get3A_1410 : i32 to index
        %get3A_1412 = arith.index_cast %mul3A_1409 : i32 to index
        %get3A_1413 = arith.constant 96 : index
        %get3A_1414 = tpu.vector_load %arg8[%get3A_1411, %get3A_1412, %get3A_1413] {strides = array<i32>} : memref<2x128x256xf32, #tpu.memory_space<vmem>>, vector<1x1x16xf32>,
        %get3A_1415 = vector.shape_cast %get3A_1414 : vector<1x1x16xf32> to vector<16xf32>
        %mul3A_1416 = arith.constant 4 : i32
        %mul3A_1417 = arith.muli %mul3A_1416, %add3A_169 : i32
        %add3A_1418 = arith.constant 1 : i32
        %add3A_1419 = arith.addi %mul3A_1417, %add3A_1418 : i32
        %get3A_1420 = arith.constant 0 : i32
        %get3A_1421 = arith.index_cast %get3A_1420 : i32 to index
        %get3A_1422 = arith.index_cast %add3A_1419 : i32 to index
        %get3A_1423 = arith.constant 96 : index
        %get3A_1424 = tpu.vector_load %arg8[%get3A_1421, %get3A_1422, %get3A_1423] {strides = array<i32>} : memref<2x128x256xf32, #tpu.memory_space<vmem>>, vector<1x1x16xf32>,
        %get3A_1425 = vector.shape_cast %get3A_1424 : vector<1x1x16xf32> to vector<16xf32>
        %mul3A_1426 = arith.constant 4 : i32
        %mul3A_1427 = arith.muli %mul3A_1426, %add3A_169 : i32
        %add3A_1428 = arith.constant 2 : i32
        %add3A_1429 = arith.addi %mul3A_1427, %add3A_1428 : i32
        %get3A_1430 = arith.constant 0 : i32
        %get3A_1431 = arith.index_cast %get3A_1430 : i32 to index
        %get3A_1432 = arith.index_cast %add3A_1429 : i32 to index
        %get3A_1433 = arith.constant 96 : index
        %get3A_1434 = tpu.vector_load %arg8[%get3A_1431, %get3A_1432, %get3A_1433] {strides = array<i32>} : memref<2x128x256xf32, #tpu.memory_space<vmem>>, vector<1x1x16xf32>,
        %get3A_1435 = vector.shape_cast %get3A_1434 : vector<1x1x16xf32> to vector<16xf32>
        %mul3A_1436 = arith.constant 4 : i32
        %mul3A_1437 = arith.muli %mul3A_1436, %add3A_169 : i32
        %add3A_1438 = arith.constant 3 : i32
        %add3A_1439 = arith.addi %mul3A_1437, %add3A_1438 : i32
        %get3A_1440 = arith.constant 0 : i32
        %get3A_1441 = arith.index_cast %get3A_1440 : i32 to index
        %get3A_1442 = arith.index_cast %add3A_1439 : i32 to index
        %get3A_1443 = arith.constant 96 : index
        %get3A_1444 = tpu.vector_load %arg8[%get3A_1441, %get3A_1442, %get3A_1443] {strides = array<i32>} : memref<2x128x256xf32, #tpu.memory_space<vmem>>, vector<1x1x16xf32>,
        %get3A_1445 = vector.shape_cast %get3A_1444 : vector<1x1x16xf32> to vector<16xf32>
        %sub3A_1446 = arith.subf %get3A_1425, %get3A_1415 : vector<16xf32>
        %mul3A_1447 = arith.mulf %sub3A_1446, %gather3A_1073 : vector<16xf32>
        %add3A_1448 = arith.addf %get3A_1415, %mul3A_1447 : vector<16xf32>
        %sub3A_1449 = arith.subf %get3A_1445, %get3A_1435 : vector<16xf32>
        %mul3A_1450 = arith.mulf %sub3A_1449, %gather3A_1073 : vector<16xf32>
        %add3A_1451 = arith.addf %get3A_1435, %mul3A_1450 : vector<16xf32>
        %sub3A_1452 = arith.subf %add3A_1451, %add3A_1448 : vector<16xf32>
        %mul3A_1453 = arith.mulf %sub3A_1452, %gather3A_1083 : vector<16xf32>
        %add3A_1454 = arith.addf %add3A_1448, %mul3A_1453 : vector<16xf32>
        %swap3A_1455 = arith.constant 0 : i32
        %swap3A_1456 = arith.index_cast %swap3A_1455 : i32 to index
        %swap3A_1457 = arith.index_cast %add3A_169 : i32 to index
        %swap3A_1458 = arith.constant 96 : index
        %swap3A_1459 = tpu.vector_load %arg9[%swap3A_1456, %swap3A_1457, %swap3A_1458] {strides = array<i32>} : memref<2x32x256xf32, #tpu.memory_space<vmem>>, vector<1x1x16xf32>,
        %swap3A_1460 = vector.shape_cast %swap3A_1459 : vector<1x1x16xf32> to vector<16xf32>
        %swap3A_1461 = vector.shape_cast %add3A_1454 : vector<16xf32> to vector<1x1x16xf32>
        tpu.vector_store %arg9[%swap3A_1456, %swap3A_1457, %swap3A_1458], %swap3A_1461 {strides = array<i32>} : memref<2x32x256xf32, #tpu.memory_space<vmem>>, vector<1x1x16xf32>,
        %mul3A_1462 = arith.constant 4 : i32
        %mul3A_1463 = arith.muli %mul3A_1462, %add3A_169 : i32
        %get3A_1464 = arith.constant 0 : i32
        %get3A_1465 = arith.index_cast %get3A_1464 : i32 to index
        %get3A_1466 = arith.index_cast %mul3A_1463 : i32 to index
        %get3A_1467 = arith.constant 112 : index
        %get3A_1468 = tpu.vector_load %arg8[%get3A_1465, %get3A_1466, %get3A_1467] {strides = array<i32>} : memref<2x128x256xf32, #tpu.memory_space<vmem>>, vector<1x1x16xf32>,
        %get3A_1469 = vector.shape_cast %get3A_1468 : vector<1x1x16xf32> to vector<16xf32>
        %mul3A_1470 = arith.constant 4 : i32
        %mul3A_1471 = arith.muli %mul3A_1470, %add3A_169 : i32
        %add3A_1472 = arith.constant 1 : i32
        %add3A_1473 = arith.addi %mul3A_1471, %add3A_1472 : i32
        %get3A_1474 = arith.constant 0 : i32
        %get3A_1475 = arith.index_cast %get3A_1474 : i32 to index
        %get3A_1476 = arith.index_cast %add3A_1473 : i32 to index
        %get3A_1477 = arith.constant 112 : index
        %get3A_1478 = tpu.vector_load %arg8[%get3A_1475, %get3A_1476, %get3A_1477] {strides = array<i32>} : memref<2x128x256xf32, #tpu.memory_space<vmem>>, vector<1x1x16xf32>,
        %get3A_1479 = vector.shape_cast %get3A_1478 : vector<1x1x16xf32> to vector<16xf32>
        %mul3A_1480 = arith.constant 4 : i32
        %mul3A_1481 = arith.muli %mul3A_1480, %add3A_169 : i32
        %add3A_1482 = arith.constant 2 : i32
        %add3A_1483 = arith.addi %mul3A_1481, %add3A_1482 : i32
        %get3A_1484 = arith.constant 0 : i32
        %get3A_1485 = arith.index_cast %get3A_1484 : i32 to index
        %get3A_1486 = arith.index_cast %add3A_1483 : i32 to index
        %get3A_1487 = arith.constant 112 : index
        %get3A_1488 = tpu.vector_load %arg8[%get3A_1485, %get3A_1486, %get3A_1487] {strides = array<i32>} : memref<2x128x256xf32, #tpu.memory_space<vmem>>, vector<1x1x16xf32>,
        %get3A_1489 = vector.shape_cast %get3A_1488 : vector<1x1x16xf32> to vector<16xf32>
        %mul3A_1490 = arith.constant 4 : i32
        %mul3A_1491 = arith.muli %mul3A_1490, %add3A_169 : i32
        %add3A_1492 = arith.constant 3 : i32
        %add3A_1493 = arith.addi %mul3A_1491, %add3A_1492 : i32
        %get3A_1494 = arith.constant 0 : i32
        %get3A_1495 = arith.index_cast %get3A_1494 : i32 to index
        %get3A_1496 = arith.index_cast %add3A_1493 : i32 to index
        %get3A_1497 = arith.constant 112 : index
        %get3A_1498 = tpu.vector_load %arg8[%get3A_1495, %get3A_1496, %get3A_1497] {strides = array<i32>} : memref<2x128x256xf32, #tpu.memory_space<vmem>>, vector<1x1x16xf32>,
        %get3A_1499 = vector.shape_cast %get3A_1498 : vector<1x1x16xf32> to vector<16xf32>
        %sub3A_1500 = arith.subf %get3A_1479, %get3A_1469 : vector<16xf32>
        %mul3A_1501 = arith.mulf %sub3A_1500, %gather3A_1073 : vector<16xf32>
        %add3A_1502 = arith.addf %get3A_1469, %mul3A_1501 : vector<16xf32>
        %sub3A_1503 = arith.subf %get3A_1499, %get3A_1489 : vector<16xf32>
        %mul3A_1504 = arith.mulf %sub3A_1503, %gather3A_1073 : vector<16xf32>
        %add3A_1505 = arith.addf %get3A_1489, %mul3A_1504 : vector<16xf32>
        %sub3A_1506 = arith.subf %add3A_1505, %add3A_1502 : vector<16xf32>
        %mul3A_1507 = arith.mulf %sub3A_1506, %gather3A_1083 : vector<16xf32>
        %add3A_1508 = arith.addf %add3A_1502, %mul3A_1507 : vector<16xf32>
        %swap3A_1509 = arith.constant 0 : i32
        %swap3A_1510 = arith.index_cast %swap3A_1509 : i32 to index
        %swap3A_1511 = arith.index_cast %add3A_169 : i32 to index
        %swap3A_1512 = arith.constant 112 : index
        %swap3A_1513 = tpu.vector_load %arg9[%swap3A_1510, %swap3A_1511, %swap3A_1512] {strides = array<i32>} : memref<2x32x256xf32, #tpu.memory_space<vmem>>, vector<1x1x16xf32>,
        %swap3A_1514 = vector.shape_cast %swap3A_1513 : vector<1x1x16xf32> to vector<16xf32>
        %swap3A_1515 = vector.shape_cast %add3A_1508 : vector<16xf32> to vector<1x1x16xf32>
        tpu.vector_store %arg9[%swap3A_1510, %swap3A_1511, %swap3A_1512], %swap3A_1515 {strides = array<i32>} : memref<2x32x256xf32, #tpu.memory_space<vmem>>, vector<1x1x16xf32>,
        %mul3A_1516 = arith.constant 4 : i32
        %mul3A_1517 = arith.muli %mul3A_1516, %add3A_169 : i32
        %get3A_1518 = arith.constant 0 : i32
        %get3A_1519 = arith.index_cast %get3A_1518 : i32 to index
        %get3A_1520 = arith.index_cast %mul3A_1517 : i32 to index
        %get3A_1521 = arith.constant 128 : index
        %get3A_1522 = tpu.vector_load %arg8[%get3A_1519, %get3A_1520, %get3A_1521] {strides = array<i32>} : memref<2x128x256xf32, #tpu.memory_space<vmem>>, vector<1x1x16xf32>,
        %get3A_1523 = vector.shape_cast %get3A_1522 : vector<1x1x16xf32> to vector<16xf32>
        %mul3A_1524 = arith.constant 4 : i32
        %mul3A_1525 = arith.muli %mul3A_1524, %add3A_169 : i32
        %add3A_1526 = arith.constant 1 : i32
        %add3A_1527 = arith.addi %mul3A_1525, %add3A_1526 : i32
        %get3A_1528 = arith.constant 0 : i32
        %get3A_1529 = arith.index_cast %get3A_1528 : i32 to index
        %get3A_1530 = arith.index_cast %add3A_1527 : i32 to index
        %get3A_1531 = arith.constant 128 : index
        %get3A_1532 = tpu.vector_load %arg8[%get3A_1529, %get3A_1530, %get3A_1531] {strides = array<i32>} : memref<2x128x256xf32, #tpu.memory_space<vmem>>, vector<1x1x16xf32>,
        %get3A_1533 = vector.shape_cast %get3A_1532 : vector<1x1x16xf32> to vector<16xf32>
        %mul3A_1534 = arith.constant 4 : i32
        %mul3A_1535 = arith.muli %mul3A_1534, %add3A_169 : i32
        %add3A_1536 = arith.constant 2 : i32
        %add3A_1537 = arith.addi %mul3A_1535, %add3A_1536 : i32
        %get3A_1538 = arith.constant 0 : i32
        %get3A_1539 = arith.index_cast %get3A_1538 : i32 to index
        %get3A_1540 = arith.index_cast %add3A_1537 : i32 to index
        %get3A_1541 = arith.constant 128 : index
        %get3A_1542 = tpu.vector_load %arg8[%get3A_1539, %get3A_1540, %get3A_1541] {strides = array<i32>} : memref<2x128x256xf32, #tpu.memory_space<vmem>>, vector<1x1x16xf32>,
        %get3A_1543 = vector.shape_cast %get3A_1542 : vector<1x1x16xf32> to vector<16xf32>
        %mul3A_1544 = arith.constant 4 : i32
        %mul3A_1545 = arith.muli %mul3A_1544, %add3A_169 : i32
        %add3A_1546 = arith.constant 3 : i32
        %add3A_1547 = arith.addi %mul3A_1545, %add3A_1546 : i32
        %get3A_1548 = arith.constant 0 : i32
        %get3A_1549 = arith.index_cast %get3A_1548 : i32 to index
        %get3A_1550 = arith.index_cast %add3A_1547 : i32 to index
        %get3A_1551 = arith.constant 128 : index
        %get3A_1552 = tpu.vector_load %arg8[%get3A_1549, %get3A_1550, %get3A_1551] {strides = array<i32>} : memref<2x128x256xf32, #tpu.memory_space<vmem>>, vector<1x1x16xf32>,
        %get3A_1553 = vector.shape_cast %get3A_1552 : vector<1x1x16xf32> to vector<16xf32>
        %sub3A_1554 = arith.subf %get3A_1533, %get3A_1523 : vector<16xf32>
        %mul3A_1555 = arith.mulf %sub3A_1554, %gather3A_1073 : vector<16xf32>
        %add3A_1556 = arith.addf %get3A_1523, %mul3A_1555 : vector<16xf32>
        %sub3A_1557 = arith.subf %get3A_1553, %get3A_1543 : vector<16xf32>
        %mul3A_1558 = arith.mulf %sub3A_1557, %gather3A_1073 : vector<16xf32>
        %add3A_1559 = arith.addf %get3A_1543, %mul3A_1558 : vector<16xf32>
        %sub3A_1560 = arith.subf %add3A_1559, %add3A_1556 : vector<16xf32>
        %mul3A_1561 = arith.mulf %sub3A_1560, %gather3A_1083 : vector<16xf32>
        %add3A_1562 = arith.addf %add3A_1556, %mul3A_1561 : vector<16xf32>
        %swap3A_1563 = arith.constant 0 : i32
        %swap3A_1564 = arith.index_cast %swap3A_1563 : i32 to index
        %swap3A_1565 = arith.index_cast %add3A_169 : i32 to index
        %swap3A_1566 = arith.constant 128 : index
        %swap3A_1567 = tpu.vector_load %arg9[%swap3A_1564, %swap3A_1565, %swap3A_1566] {strides = array<i32>} : memref<2x32x256xf32, #tpu.memory_space<vmem>>, vector<1x1x16xf32>,
        %swap3A_1568 = vector.shape_cast %swap3A_1567 : vector<1x1x16xf32> to vector<16xf32>
        %swap3A_1569 = vector.shape_cast %add3A_1562 : vector<16xf32> to vector<1x1x16xf32>
        tpu.vector_store %arg9[%swap3A_1564, %swap3A_1565, %swap3A_1566], %swap3A_1569 {strides = array<i32>} : memref<2x32x256xf32, #tpu.memory_space<vmem>>, vector<1x1x16xf32>,
        %mul3A_1570 = arith.constant 4 : i32
        %mul3A_1571 = arith.muli %mul3A_1570, %add3A_169 : i32
        %get3A_1572 = arith.constant 0 : i32
        %get3A_1573 = arith.index_cast %get3A_1572 : i32 to index
        %get3A_1574 = arith.index_cast %mul3A_1571 : i32 to index
        %get3A_1575 = arith.constant 144 : index
        %get3A_1576 = tpu.vector_load %arg8[%get3A_1573, %get3A_1574, %get3A_1575] {strides = array<i32>} : memref<2x128x256xf32, #tpu.memory_space<vmem>>, vector<1x1x16xf32>,
        %get3A_1577 = vector.shape_cast %get3A_1576 : vector<1x1x16xf32> to vector<16xf32>
        %mul3A_1578 = arith.constant 4 : i32
        %mul3A_1579 = arith.muli %mul3A_1578, %add3A_169 : i32
        %add3A_1580 = arith.constant 1 : i32
        %add3A_1581 = arith.addi %mul3A_1579, %add3A_1580 : i32
        %get3A_1582 = arith.constant 0 : i32
        %get3A_1583 = arith.index_cast %get3A_1582 : i32 to index
        %get3A_1584 = arith.index_cast %add3A_1581 : i32 to index
        %get3A_1585 = arith.constant 144 : index
        %get3A_1586 = tpu.vector_load %arg8[%get3A_1583, %get3A_1584, %get3A_1585] {strides = array<i32>} : memref<2x128x256xf32, #tpu.memory_space<vmem>>, vector<1x1x16xf32>,
        %get3A_1587 = vector.shape_cast %get3A_1586 : vector<1x1x16xf32> to vector<16xf32>
        %mul3A_1588 = arith.constant 4 : i32
        %mul3A_1589 = arith.muli %mul3A_1588, %add3A_169 : i32
        %add3A_1590 = arith.constant 2 : i32
        %add3A_1591 = arith.addi %mul3A_1589, %add3A_1590 : i32
        %get3A_1592 = arith.constant 0 : i32
        %get3A_1593 = arith.index_cast %get3A_1592 : i32 to index
        %get3A_1594 = arith.index_cast %add3A_1591 : i32 to index
        %get3A_1595 = arith.constant 144 : index
        %get3A_1596 = tpu.vector_load %arg8[%get3A_1593, %get3A_1594, %get3A_1595] {strides = array<i32>} : memref<2x128x256xf32, #tpu.memory_space<vmem>>, vector<1x1x16xf32>,
        %get3A_1597 = vector.shape_cast %get3A_1596 : vector<1x1x16xf32> to vector<16xf32>
        %mul3A_1598 = arith.constant 4 : i32
        %mul3A_1599 = arith.muli %mul3A_1598, %add3A_169 : i32
        %add3A_1600 = arith.constant 3 : i32
        %add3A_1601 = arith.addi %mul3A_1599, %add3A_1600 : i32
        %get3A_1602 = arith.constant 0 : i32
        %get3A_1603 = arith.index_cast %get3A_1602 : i32 to index
        %get3A_1604 = arith.index_cast %add3A_1601 : i32 to index
        %get3A_1605 = arith.constant 144 : index
        %get3A_1606 = tpu.vector_load %arg8[%get3A_1603, %get3A_1604, %get3A_1605] {strides = array<i32>} : memref<2x128x256xf32, #tpu.memory_space<vmem>>, vector<1x1x16xf32>,
        %get3A_1607 = vector.shape_cast %get3A_1606 : vector<1x1x16xf32> to vector<16xf32>
        %sub3A_1608 = arith.subf %get3A_1587, %get3A_1577 : vector<16xf32>
        %mul3A_1609 = arith.mulf %sub3A_1608, %gather3A_1073 : vector<16xf32>
        %add3A_1610 = arith.addf %get3A_1577, %mul3A_1609 : vector<16xf32>
        %sub3A_1611 = arith.subf %get3A_1607, %get3A_1597 : vector<16xf32>
        %mul3A_1612 = arith.mulf %sub3A_1611, %gather3A_1073 : vector<16xf32>
        %add3A_1613 = arith.addf %get3A_1597, %mul3A_1612 : vector<16xf32>
        %sub3A_1614 = arith.subf %add3A_1613, %add3A_1610 : vector<16xf32>
        %mul3A_1615 = arith.mulf %sub3A_1614, %gather3A_1083 : vector<16xf32>
        %add3A_1616 = arith.addf %add3A_1610, %mul3A_1615 : vector<16xf32>
        %swap3A_1617 = arith.constant 0 : i32
        %swap3A_1618 = arith.index_cast %swap3A_1617 : i32 to index
        %swap3A_1619 = arith.index_cast %add3A_169 : i32 to index
        %swap3A_1620 = arith.constant 144 : index
        %swap3A_1621 = tpu.vector_load %arg9[%swap3A_1618, %swap3A_1619, %swap3A_1620] {strides = array<i32>} : memref<2x32x256xf32, #tpu.memory_space<vmem>>, vector<1x1x16xf32>,
        %swap3A_1622 = vector.shape_cast %swap3A_1621 : vector<1x1x16xf32> to vector<16xf32>
        %swap3A_1623 = vector.shape_cast %add3A_1616 : vector<16xf32> to vector<1x1x16xf32>
        tpu.vector_store %arg9[%swap3A_1618, %swap3A_1619, %swap3A_1620], %swap3A_1623 {strides = array<i32>} : memref<2x32x256xf32, #tpu.memory_space<vmem>>, vector<1x1x16xf32>,
        %mul3A_1624 = arith.constant 4 : i32
        %mul3A_1625 = arith.muli %mul3A_1624, %add3A_169 : i32
        %get3A_1626 = arith.constant 0 : i32
        %get3A_1627 = arith.index_cast %get3A_1626 : i32 to index
        %get3A_1628 = arith.index_cast %mul3A_1625 : i32 to index
        %get3A_1629 = arith.constant 160 : index
        %get3A_1630 = tpu.vector_load %arg8[%get3A_1627, %get3A_1628, %get3A_1629] {strides = array<i32>} : memref<2x128x256xf32, #tpu.memory_space<vmem>>, vector<1x1x16xf32>,
        %get3A_1631 = vector.shape_cast %get3A_1630 : vector<1x1x16xf32> to vector<16xf32>
        %mul3A_1632 = arith.constant 4 : i32
        %mul3A_1633 = arith.muli %mul3A_1632, %add3A_169 : i32
        %add3A_1634 = arith.constant 1 : i32
        %add3A_1635 = arith.addi %mul3A_1633, %add3A_1634 : i32
        %get3A_1636 = arith.constant 0 : i32
        %get3A_1637 = arith.index_cast %get3A_1636 : i32 to index
        %get3A_1638 = arith.index_cast %add3A_1635 : i32 to index
        %get3A_1639 = arith.constant 160 : index
        %get3A_1640 = tpu.vector_load %arg8[%get3A_1637, %get3A_1638, %get3A_1639] {strides = array<i32>} : memref<2x128x256xf32, #tpu.memory_space<vmem>>, vector<1x1x16xf32>,
        %get3A_1641 = vector.shape_cast %get3A_1640 : vector<1x1x16xf32> to vector<16xf32>
        %mul3A_1642 = arith.constant 4 : i32
        %mul3A_1643 = arith.muli %mul3A_1642, %add3A_169 : i32
        %add3A_1644 = arith.constant 2 : i32
        %add3A_1645 = arith.addi %mul3A_1643, %add3A_1644 : i32
        %get3A_1646 = arith.constant 0 : i32
        %get3A_1647 = arith.index_cast %get3A_1646 : i32 to index
        %get3A_1648 = arith.index_cast %add3A_1645 : i32 to index
        %get3A_1649 = arith.constant 160 : index
        %get3A_1650 = tpu.vector_load %arg8[%get3A_1647, %get3A_1648, %get3A_1649] {strides = array<i32>} : memref<2x128x256xf32, #tpu.memory_space<vmem>>, vector<1x1x16xf32>,
        %get3A_1651 = vector.shape_cast %get3A_1650 : vector<1x1x16xf32> to vector<16xf32>
        %mul3A_1652 = arith.constant 4 : i32
        %mul3A_1653 = arith.muli %mul3A_1652, %add3A_169 : i32
        %add3A_1654 = arith.constant 3 : i32
        %add3A_1655 = arith.addi %mul3A_1653, %add3A_1654 : i32
        %get3A_1656 = arith.constant 0 : i32
        %get3A_1657 = arith.index_cast %get3A_1656 : i32 to index
        %get3A_1658 = arith.index_cast %add3A_1655 : i32 to index
        %get3A_1659 = arith.constant 160 : index
        %get3A_1660 = tpu.vector_load %arg8[%get3A_1657, %get3A_1658, %get3A_1659] {strides = array<i32>} : memref<2x128x256xf32, #tpu.memory_space<vmem>>, vector<1x1x16xf32>,
        %get3A_1661 = vector.shape_cast %get3A_1660 : vector<1x1x16xf32> to vector<16xf32>
        %sub3A_1662 = arith.subf %get3A_1641, %get3A_1631 : vector<16xf32>
        %mul3A_1663 = arith.mulf %sub3A_1662, %gather3A_1073 : vector<16xf32>
        %add3A_1664 = arith.addf %get3A_1631, %mul3A_1663 : vector<16xf32>
        %sub3A_1665 = arith.subf %get3A_1661, %get3A_1651 : vector<16xf32>
        %mul3A_1666 = arith.mulf %sub3A_1665, %gather3A_1073 : vector<16xf32>
        %add3A_1667 = arith.addf %get3A_1651, %mul3A_1666 : vector<16xf32>
        %sub3A_1668 = arith.subf %add3A_1667, %add3A_1664 : vector<16xf32>
        %mul3A_1669 = arith.mulf %sub3A_1668, %gather3A_1083 : vector<16xf32>
        %add3A_1670 = arith.addf %add3A_1664, %mul3A_1669 : vector<16xf32>
        %swap3A_1671 = arith.constant 0 : i32
        %swap3A_1672 = arith.index_cast %swap3A_1671 : i32 to index
        %swap3A_1673 = arith.index_cast %add3A_169 : i32 to index
        %swap3A_1674 = arith.constant 160 : index
        %swap3A_1675 = tpu.vector_load %arg9[%swap3A_1672, %swap3A_1673, %swap3A_1674] {strides = array<i32>} : memref<2x32x256xf32, #tpu.memory_space<vmem>>, vector<1x1x16xf32>,
        %swap3A_1676 = vector.shape_cast %swap3A_1675 : vector<1x1x16xf32> to vector<16xf32>
        %swap3A_1677 = vector.shape_cast %add3A_1670 : vector<16xf32> to vector<1x1x16xf32>
        tpu.vector_store %arg9[%swap3A_1672, %swap3A_1673, %swap3A_1674], %swap3A_1677 {strides = array<i32>} : memref<2x32x256xf32, #tpu.memory_space<vmem>>, vector<1x1x16xf32>,
        %mul3A_1678 = arith.constant 4 : i32
        %mul3A_1679 = arith.muli %mul3A_1678, %add3A_169 : i32
        %get3A_1680 = arith.constant 0 : i32
        %get3A_1681 = arith.index_cast %get3A_1680 : i32 to index
        %get3A_1682 = arith.index_cast %mul3A_1679 : i32 to index
        %get3A_1683 = arith.constant 176 : index
        %get3A_1684 = tpu.vector_load %arg8[%get3A_1681, %get3A_1682, %get3A_1683] {strides = array<i32>} : memref<2x128x256xf32, #tpu.memory_space<vmem>>, vector<1x1x16xf32>,
        %get3A_1685 = vector.shape_cast %get3A_1684 : vector<1x1x16xf32> to vector<16xf32>
        %mul3A_1686 = arith.constant 4 : i32
        %mul3A_1687 = arith.muli %mul3A_1686, %add3A_169 : i32
        %add3A_1688 = arith.constant 1 : i32
        %add3A_1689 = arith.addi %mul3A_1687, %add3A_1688 : i32
        %get3A_1690 = arith.constant 0 : i32
        %get3A_1691 = arith.index_cast %get3A_1690 : i32 to index
        %get3A_1692 = arith.index_cast %add3A_1689 : i32 to index
        %get3A_1693 = arith.constant 176 : index
        %get3A_1694 = tpu.vector_load %arg8[%get3A_1691, %get3A_1692, %get3A_1693] {strides = array<i32>} : memref<2x128x256xf32, #tpu.memory_space<vmem>>, vector<1x1x16xf32>,
        %get3A_1695 = vector.shape_cast %get3A_1694 : vector<1x1x16xf32> to vector<16xf32>
        %mul3A_1696 = arith.constant 4 : i32
        %mul3A_1697 = arith.muli %mul3A_1696, %add3A_169 : i32
        %add3A_1698 = arith.constant 2 : i32
        %add3A_1699 = arith.addi %mul3A_1697, %add3A_1698 : i32
        %get3A_1700 = arith.constant 0 : i32
        %get3A_1701 = arith.index_cast %get3A_1700 : i32 to index
        %get3A_1702 = arith.index_cast %add3A_1699 : i32 to index
        %get3A_1703 = arith.constant 176 : index
        %get3A_1704 = tpu.vector_load %arg8[%get3A_1701, %get3A_1702, %get3A_1703] {strides = array<i32>} : memref<2x128x256xf32, #tpu.memory_space<vmem>>, vector<1x1x16xf32>,
        %get3A_1705 = vector.shape_cast %get3A_1704 : vector<1x1x16xf32> to vector<16xf32>
        %mul3A_1706 = arith.constant 4 : i32
        %mul3A_1707 = arith.muli %mul3A_1706, %add3A_169 : i32
        %add3A_1708 = arith.constant 3 : i32
        %add3A_1709 = arith.addi %mul3A_1707, %add3A_1708 : i32
        %get3A_1710 = arith.constant 0 : i32
        %get3A_1711 = arith.index_cast %get3A_1710 : i32 to index
        %get3A_1712 = arith.index_cast %add3A_1709 : i32 to index
        %get3A_1713 = arith.constant 176 : index
        %get3A_1714 = tpu.vector_load %arg8[%get3A_1711, %get3A_1712, %get3A_1713] {strides = array<i32>} : memref<2x128x256xf32, #tpu.memory_space<vmem>>, vector<1x1x16xf32>,
        %get3A_1715 = vector.shape_cast %get3A_1714 : vector<1x1x16xf32> to vector<16xf32>
        %sub3A_1716 = arith.subf %get3A_1695, %get3A_1685 : vector<16xf32>
        %mul3A_1717 = arith.mulf %sub3A_1716, %gather3A_1073 : vector<16xf32>
        %add3A_1718 = arith.addf %get3A_1685, %mul3A_1717 : vector<16xf32>
        %sub3A_1719 = arith.subf %get3A_1715, %get3A_1705 : vector<16xf32>
        %mul3A_1720 = arith.mulf %sub3A_1719, %gather3A_1073 : vector<16xf32>
        %add3A_1721 = arith.addf %get3A_1705, %mul3A_1720 : vector<16xf32>
        %sub3A_1722 = arith.subf %add3A_1721, %add3A_1718 : vector<16xf32>
        %mul3A_1723 = arith.mulf %sub3A_1722, %gather3A_1083 : vector<16xf32>
        %add3A_1724 = arith.addf %add3A_1718, %mul3A_1723 : vector<16xf32>
        %swap3A_1725 = arith.constant 0 : i32
        %swap3A_1726 = arith.index_cast %swap3A_1725 : i32 to index
        %swap3A_1727 = arith.index_cast %add3A_169 : i32 to index
        %swap3A_1728 = arith.constant 176 : index
        %swap3A_1729 = tpu.vector_load %arg9[%swap3A_1726, %swap3A_1727, %swap3A_1728] {strides = array<i32>} : memref<2x32x256xf32, #tpu.memory_space<vmem>>, vector<1x1x16xf32>,
        %swap3A_1730 = vector.shape_cast %swap3A_1729 : vector<1x1x16xf32> to vector<16xf32>
        %swap3A_1731 = vector.shape_cast %add3A_1724 : vector<16xf32> to vector<1x1x16xf32>
        tpu.vector_store %arg9[%swap3A_1726, %swap3A_1727, %swap3A_1728], %swap3A_1731 {strides = array<i32>} : memref<2x32x256xf32, #tpu.memory_space<vmem>>, vector<1x1x16xf32>,
        %mul3A_1732 = arith.constant 4 : i32
        %mul3A_1733 = arith.muli %mul3A_1732, %add3A_169 : i32
        %get3A_1734 = arith.constant 0 : i32
        %get3A_1735 = arith.index_cast %get3A_1734 : i32 to index
        %get3A_1736 = arith.index_cast %mul3A_1733 : i32 to index
        %get3A_1737 = arith.constant 192 : index
        %get3A_1738 = tpu.vector_load %arg8[%get3A_1735, %get3A_1736, %get3A_1737] {strides = array<i32>} : memref<2x128x256xf32, #tpu.memory_space<vmem>>, vector<1x1x16xf32>,
        %get3A_1739 = vector.shape_cast %get3A_1738 : vector<1x1x16xf32> to vector<16xf32>
        %mul3A_1740 = arith.constant 4 : i32
        %mul3A_1741 = arith.muli %mul3A_1740, %add3A_169 : i32
        %add3A_1742 = arith.constant 1 : i32
        %add3A_1743 = arith.addi %mul3A_1741, %add3A_1742 : i32
        %get3A_1744 = arith.constant 0 : i32
        %get3A_1745 = arith.index_cast %get3A_1744 : i32 to index
        %get3A_1746 = arith.index_cast %add3A_1743 : i32 to index
        %get3A_1747 = arith.constant 192 : index
        %get3A_1748 = tpu.vector_load %arg8[%get3A_1745, %get3A_1746, %get3A_1747] {strides = array<i32>} : memref<2x128x256xf32, #tpu.memory_space<vmem>>, vector<1x1x16xf32>,
        %get3A_1749 = vector.shape_cast %get3A_1748 : vector<1x1x16xf32> to vector<16xf32>
        %mul3A_1750 = arith.constant 4 : i32
        %mul3A_1751 = arith.muli %mul3A_1750, %add3A_169 : i32
        %add3A_1752 = arith.constant 2 : i32
        %add3A_1753 = arith.addi %mul3A_1751, %add3A_1752 : i32
        %get3A_1754 = arith.constant 0 : i32
        %get3A_1755 = arith.index_cast %get3A_1754 : i32 to index
        %get3A_1756 = arith.index_cast %add3A_1753 : i32 to index
        %get3A_1757 = arith.constant 192 : index
        %get3A_1758 = tpu.vector_load %arg8[%get3A_1755, %get3A_1756, %get3A_1757] {strides = array<i32>} : memref<2x128x256xf32, #tpu.memory_space<vmem>>, vector<1x1x16xf32>,
        %get3A_1759 = vector.shape_cast %get3A_1758 : vector<1x1x16xf32> to vector<16xf32>
        %mul3A_1760 = arith.constant 4 : i32
        %mul3A_1761 = arith.muli %mul3A_1760, %add3A_169 : i32
        %add3A_1762 = arith.constant 3 : i32
        %add3A_1763 = arith.addi %mul3A_1761, %add3A_1762 : i32
        %get3A_1764 = arith.constant 0 : i32
        %get3A_1765 = arith.index_cast %get3A_1764 : i32 to index
        %get3A_1766 = arith.index_cast %add3A_1763 : i32 to index
        %get3A_1767 = arith.constant 192 : index
        %get3A_1768 = tpu.vector_load %arg8[%get3A_1765, %get3A_1766, %get3A_1767] {strides = array<i32>} : memref<2x128x256xf32, #tpu.memory_space<vmem>>, vector<1x1x16xf32>,
        %get3A_1769 = vector.shape_cast %get3A_1768 : vector<1x1x16xf32> to vector<16xf32>
        %sub3A_1770 = arith.subf %get3A_1749, %get3A_1739 : vector<16xf32>
        %mul3A_1771 = arith.mulf %sub3A_1770, %gather3A_1073 : vector<16xf32>
        %add3A_1772 = arith.addf %get3A_1739, %mul3A_1771 : vector<16xf32>
        %sub3A_1773 = arith.subf %get3A_1769, %get3A_1759 : vector<16xf32>
        %mul3A_1774 = arith.mulf %sub3A_1773, %gather3A_1073 : vector<16xf32>
        %add3A_1775 = arith.addf %get3A_1759, %mul3A_1774 : vector<16xf32>
        %sub3A_1776 = arith.subf %add3A_1775, %add3A_1772 : vector<16xf32>
        %mul3A_1777 = arith.mulf %sub3A_1776, %gather3A_1083 : vector<16xf32>
        %add3A_1778 = arith.addf %add3A_1772, %mul3A_1777 : vector<16xf32>
        %swap3A_1779 = arith.constant 0 : i32
        %swap3A_1780 = arith.index_cast %swap3A_1779 : i32 to index
        %swap3A_1781 = arith.index_cast %add3A_169 : i32 to index
        %swap3A_1782 = arith.constant 192 : index
        %swap3A_1783 = tpu.vector_load %arg9[%swap3A_1780, %swap3A_1781, %swap3A_1782] {strides = array<i32>} : memref<2x32x256xf32, #tpu.memory_space<vmem>>, vector<1x1x16xf32>,
        %swap3A_1784 = vector.shape_cast %swap3A_1783 : vector<1x1x16xf32> to vector<16xf32>
        %swap3A_1785 = vector.shape_cast %add3A_1778 : vector<16xf32> to vector<1x1x16xf32>
        tpu.vector_store %arg9[%swap3A_1780, %swap3A_1781, %swap3A_1782], %swap3A_1785 {strides = array<i32>} : memref<2x32x256xf32, #tpu.memory_space<vmem>>, vector<1x1x16xf32>,
        %mul3A_1786 = arith.constant 4 : i32
        %mul3A_1787 = arith.muli %mul3A_1786, %add3A_169 : i32
        %get3A_1788 = arith.constant 0 : i32
        %get3A_1789 = arith.index_cast %get3A_1788 : i32 to index
        %get3A_1790 = arith.index_cast %mul3A_1787 : i32 to index
        %get3A_1791 = arith.constant 208 : index
        %get3A_1792 = tpu.vector_load %arg8[%get3A_1789, %get3A_1790, %get3A_1791] {strides = array<i32>} : memref<2x128x256xf32, #tpu.memory_space<vmem>>, vector<1x1x16xf32>,
        %get3A_1793 = vector.shape_cast %get3A_1792 : vector<1x1x16xf32> to vector<16xf32>
        %mul3A_1794 = arith.constant 4 : i32
        %mul3A_1795 = arith.muli %mul3A_1794, %add3A_169 : i32
        %add3A_1796 = arith.constant 1 : i32
        %add3A_1797 = arith.addi %mul3A_1795, %add3A_1796 : i32
        %get3A_1798 = arith.constant 0 : i32
        %get3A_1799 = arith.index_cast %get3A_1798 : i32 to index
        %get3A_1800 = arith.index_cast %add3A_1797 : i32 to index
        %get3A_1801 = arith.constant 208 : index
        %get3A_1802 = tpu.vector_load %arg8[%get3A_1799, %get3A_1800, %get3A_1801] {strides = array<i32>} : memref<2x128x256xf32, #tpu.memory_space<vmem>>, vector<1x1x16xf32>,
        %get3A_1803 = vector.shape_cast %get3A_1802 : vector<1x1x16xf32> to vector<16xf32>
        %mul3A_1804 = arith.constant 4 : i32
        %mul3A_1805 = arith.muli %mul3A_1804, %add3A_169 : i32
        %add3A_1806 = arith.constant 2 : i32
        %add3A_1807 = arith.addi %mul3A_1805, %add3A_1806 : i32
        %get3A_1808 = arith.constant 0 : i32
        %get3A_1809 = arith.index_cast %get3A_1808 : i32 to index
        %get3A_1810 = arith.index_cast %add3A_1807 : i32 to index
        %get3A_1811 = arith.constant 208 : index
        %get3A_1812 = tpu.vector_load %arg8[%get3A_1809, %get3A_1810, %get3A_1811] {strides = array<i32>} : memref<2x128x256xf32, #tpu.memory_space<vmem>>, vector<1x1x16xf32>,
        %get3A_1813 = vector.shape_cast %get3A_1812 : vector<1x1x16xf32> to vector<16xf32>
        %mul3A_1814 = arith.constant 4 : i32
        %mul3A_1815 = arith.muli %mul3A_1814, %add3A_169 : i32
        %add3A_1816 = arith.constant 3 : i32
        %add3A_1817 = arith.addi %mul3A_1815, %add3A_1816 : i32
        %get3A_1818 = arith.constant 0 : i32
        %get3A_1819 = arith.index_cast %get3A_1818 : i32 to index
        %get3A_1820 = arith.index_cast %add3A_1817 : i32 to index
        %get3A_1821 = arith.constant 208 : index
        %get3A_1822 = tpu.vector_load %arg8[%get3A_1819, %get3A_1820, %get3A_1821] {strides = array<i32>} : memref<2x128x256xf32, #tpu.memory_space<vmem>>, vector<1x1x16xf32>,
        %get3A_1823 = vector.shape_cast %get3A_1822 : vector<1x1x16xf32> to vector<16xf32>
        %sub3A_1824 = arith.subf %get3A_1803, %get3A_1793 : vector<16xf32>
        %mul3A_1825 = arith.mulf %sub3A_1824, %gather3A_1073 : vector<16xf32>
        %add3A_1826 = arith.addf %get3A_1793, %mul3A_1825 : vector<16xf32>
        %sub3A_1827 = arith.subf %get3A_1823, %get3A_1813 : vector<16xf32>
        %mul3A_1828 = arith.mulf %sub3A_1827, %gather3A_1073 : vector<16xf32>
        %add3A_1829 = arith.addf %get3A_1813, %mul3A_1828 : vector<16xf32>
        %sub3A_1830 = arith.subf %add3A_1829, %add3A_1826 : vector<16xf32>
        %mul3A_1831 = arith.mulf %sub3A_1830, %gather3A_1083 : vector<16xf32>
        %add3A_1832 = arith.addf %add3A_1826, %mul3A_1831 : vector<16xf32>
        %swap3A_1833 = arith.constant 0 : i32
        %swap3A_1834 = arith.index_cast %swap3A_1833 : i32 to index
        %swap3A_1835 = arith.index_cast %add3A_169 : i32 to index
        %swap3A_1836 = arith.constant 208 : index
        %swap3A_1837 = tpu.vector_load %arg9[%swap3A_1834, %swap3A_1835, %swap3A_1836] {strides = array<i32>} : memref<2x32x256xf32, #tpu.memory_space<vmem>>, vector<1x1x16xf32>,
        %swap3A_1838 = vector.shape_cast %swap3A_1837 : vector<1x1x16xf32> to vector<16xf32>
        %swap3A_1839 = vector.shape_cast %add3A_1832 : vector<16xf32> to vector<1x1x16xf32>
        tpu.vector_store %arg9[%swap3A_1834, %swap3A_1835, %swap3A_1836], %swap3A_1839 {strides = array<i32>} : memref<2x32x256xf32, #tpu.memory_space<vmem>>, vector<1x1x16xf32>,
        %mul3A_1840 = arith.constant 4 : i32
        %mul3A_1841 = arith.muli %mul3A_1840, %add3A_169 : i32
        %get3A_1842 = arith.constant 0 : i32
        %get3A_1843 = arith.index_cast %get3A_1842 : i32 to index
        %get3A_1844 = arith.index_cast %mul3A_1841 : i32 to index
        %get3A_1845 = arith.constant 224 : index
        %get3A_1846 = tpu.vector_load %arg8[%get3A_1843, %get3A_1844, %get3A_1845] {strides = array<i32>} : memref<2x128x256xf32, #tpu.memory_space<vmem>>, vector<1x1x16xf32>,
        %get3A_1847 = vector.shape_cast %get3A_1846 : vector<1x1x16xf32> to vector<16xf32>
        %mul3A_1848 = arith.constant 4 : i32
        %mul3A_1849 = arith.muli %mul3A_1848, %add3A_169 : i32
        %add3A_1850 = arith.constant 1 : i32
        %add3A_1851 = arith.addi %mul3A_1849, %add3A_1850 : i32
        %get3A_1852 = arith.constant 0 : i32
        %get3A_1853 = arith.index_cast %get3A_1852 : i32 to index
        %get3A_1854 = arith.index_cast %add3A_1851 : i32 to index
        %get3A_1855 = arith.constant 224 : index
        %get3A_1856 = tpu.vector_load %arg8[%get3A_1853, %get3A_1854, %get3A_1855] {strides = array<i32>} : memref<2x128x256xf32, #tpu.memory_space<vmem>>, vector<1x1x16xf32>,
        %get3A_1857 = vector.shape_cast %get3A_1856 : vector<1x1x16xf32> to vector<16xf32>
        %mul3A_1858 = arith.constant 4 : i32
        %mul3A_1859 = arith.muli %mul3A_1858, %add3A_169 : i32
        %add3A_1860 = arith.constant 2 : i32
        %add3A_1861 = arith.addi %mul3A_1859, %add3A_1860 : i32
        %get3A_1862 = arith.constant 0 : i32
        %get3A_1863 = arith.index_cast %get3A_1862 : i32 to index
        %get3A_1864 = arith.index_cast %add3A_1861 : i32 to index
        %get3A_1865 = arith.constant 224 : index
        %get3A_1866 = tpu.vector_load %arg8[%get3A_1863, %get3A_1864, %get3A_1865] {strides = array<i32>} : memref<2x128x256xf32, #tpu.memory_space<vmem>>, vector<1x1x16xf32>,
        %get3A_1867 = vector.shape_cast %get3A_1866 : vector<1x1x16xf32> to vector<16xf32>
        %mul3A_1868 = arith.constant 4 : i32
        %mul3A_1869 = arith.muli %mul3A_1868, %add3A_169 : i32
        %add3A_1870 = arith.constant 3 : i32
        %add3A_1871 = arith.addi %mul3A_1869, %add3A_1870 : i32
        %get3A_1872 = arith.constant 0 : i32
        %get3A_1873 = arith.index_cast %get3A_1872 : i32 to index
        %get3A_1874 = arith.index_cast %add3A_1871 : i32 to index
        %get3A_1875 = arith.constant 224 : index
        %get3A_1876 = tpu.vector_load %arg8[%get3A_1873, %get3A_1874, %get3A_1875] {strides = array<i32>} : memref<2x128x256xf32, #tpu.memory_space<vmem>>, vector<1x1x16xf32>,
        %get3A_1877 = vector.shape_cast %get3A_1876 : vector<1x1x16xf32> to vector<16xf32>
        %sub3A_1878 = arith.subf %get3A_1857, %get3A_1847 : vector<16xf32>
        %mul3A_1879 = arith.mulf %sub3A_1878, %gather3A_1073 : vector<16xf32>
        %add3A_1880 = arith.addf %get3A_1847, %mul3A_1879 : vector<16xf32>
        %sub3A_1881 = arith.subf %get3A_1877, %get3A_1867 : vector<16xf32>
        %mul3A_1882 = arith.mulf %sub3A_1881, %gather3A_1073 : vector<16xf32>
        %add3A_1883 = arith.addf %get3A_1867, %mul3A_1882 : vector<16xf32>
        %sub3A_1884 = arith.subf %add3A_1883, %add3A_1880 : vector<16xf32>
        %mul3A_1885 = arith.mulf %sub3A_1884, %gather3A_1083 : vector<16xf32>
        %add3A_1886 = arith.addf %add3A_1880, %mul3A_1885 : vector<16xf32>
        %swap3A_1887 = arith.constant 0 : i32
        %swap3A_1888 = arith.index_cast %swap3A_1887 : i32 to index
        %swap3A_1889 = arith.index_cast %add3A_169 : i32 to index
        %swap3A_1890 = arith.constant 224 : index
        %swap3A_1891 = tpu.vector_load %arg9[%swap3A_1888, %swap3A_1889, %swap3A_1890] {strides = array<i32>} : memref<2x32x256xf32, #tpu.memory_space<vmem>>, vector<1x1x16xf32>,
        %swap3A_1892 = vector.shape_cast %swap3A_1891 : vector<1x1x16xf32> to vector<16xf32>
        %swap3A_1893 = vector.shape_cast %add3A_1886 : vector<16xf32> to vector<1x1x16xf32>
        tpu.vector_store %arg9[%swap3A_1888, %swap3A_1889, %swap3A_1890], %swap3A_1893 {strides = array<i32>} : memref<2x32x256xf32, #tpu.memory_space<vmem>>, vector<1x1x16xf32>,
        %mul3A_1894 = arith.constant 4 : i32
        %mul3A_1895 = arith.muli %mul3A_1894, %add3A_169 : i32
        %get3A_1896 = arith.constant 0 : i32
        %get3A_1897 = arith.index_cast %get3A_1896 : i32 to index
        %get3A_1898 = arith.index_cast %mul3A_1895 : i32 to index
        %get3A_1899 = arith.constant 240 : index
        %get3A_1900 = tpu.vector_load %arg8[%get3A_1897, %get3A_1898, %get3A_1899] {strides = array<i32>} : memref<2x128x256xf32, #tpu.memory_space<vmem>>, vector<1x1x16xf32>,
        %get3A_1901 = vector.shape_cast %get3A_1900 : vector<1x1x16xf32> to vector<16xf32>
        %mul3A_1902 = arith.constant 4 : i32
        %mul3A_1903 = arith.muli %mul3A_1902, %add3A_169 : i32
        %add3A_1904 = arith.constant 1 : i32
        %add3A_1905 = arith.addi %mul3A_1903, %add3A_1904 : i32
        %get3A_1906 = arith.constant 0 : i32
        %get3A_1907 = arith.index_cast %get3A_1906 : i32 to index
        %get3A_1908 = arith.index_cast %add3A_1905 : i32 to index
        %get3A_1909 = arith.constant 240 : index
        %get3A_1910 = tpu.vector_load %arg8[%get3A_1907, %get3A_1908, %get3A_1909] {strides = array<i32>} : memref<2x128x256xf32, #tpu.memory_space<vmem>>, vector<1x1x16xf32>,
        %get3A_1911 = vector.shape_cast %get3A_1910 : vector<1x1x16xf32> to vector<16xf32>
        %mul3A_1912 = arith.constant 4 : i32
        %mul3A_1913 = arith.muli %mul3A_1912, %add3A_169 : i32
        %add3A_1914 = arith.constant 2 : i32
        %add3A_1915 = arith.addi %mul3A_1913, %add3A_1914 : i32
        %get3A_1916 = arith.constant 0 : i32
        %get3A_1917 = arith.index_cast %get3A_1916 : i32 to index
        %get3A_1918 = arith.index_cast %add3A_1915 : i32 to index
        %get3A_1919 = arith.constant 240 : index
        %get3A_1920 = tpu.vector_load %arg8[%get3A_1917, %get3A_1918, %get3A_1919] {strides = array<i32>} : memref<2x128x256xf32, #tpu.memory_space<vmem>>, vector<1x1x16xf32>,
        %get3A_1921 = vector.shape_cast %get3A_1920 : vector<1x1x16xf32> to vector<16xf32>
        %mul3A_1922 = arith.constant 4 : i32
        %mul3A_1923 = arith.muli %mul3A_1922, %add3A_169 : i32
        %add3A_1924 = arith.constant 3 : i32
        %add3A_1925 = arith.addi %mul3A_1923, %add3A_1924 : i32
        %get3A_1926 = arith.constant 0 : i32
        %get3A_1927 = arith.index_cast %get3A_1926 : i32 to index
        %get3A_1928 = arith.index_cast %add3A_1925 : i32 to index
        %get3A_1929 = arith.constant 240 : index
        %get3A_1930 = tpu.vector_load %arg8[%get3A_1927, %get3A_1928, %get3A_1929] {strides = array<i32>} : memref<2x128x256xf32, #tpu.memory_space<vmem>>, vector<1x1x16xf32>,
        %get3A_1931 = vector.shape_cast %get3A_1930 : vector<1x1x16xf32> to vector<16xf32>
        %sub3A_1932 = arith.subf %get3A_1911, %get3A_1901 : vector<16xf32>
        %mul3A_1933 = arith.mulf %sub3A_1932, %gather3A_1073 : vector<16xf32>
        %add3A_1934 = arith.addf %get3A_1901, %mul3A_1933 : vector<16xf32>
        %sub3A_1935 = arith.subf %get3A_1931, %get3A_1921 : vector<16xf32>
        %mul3A_1936 = arith.mulf %sub3A_1935, %gather3A_1073 : vector<16xf32>
        %add3A_1937 = arith.addf %get3A_1921, %mul3A_1936 : vector<16xf32>
        %sub3A_1938 = arith.subf %add3A_1937, %add3A_1934 : vector<16xf32>
        %mul3A_1939 = arith.mulf %sub3A_1938, %gather3A_1083 : vector<16xf32>
        %add3A_1940 = arith.addf %add3A_1934, %mul3A_1939 : vector<16xf32>
        %swap3A_1941 = arith.constant 0 : i32
        %swap3A_1942 = arith.index_cast %swap3A_1941 : i32 to index
        %swap3A_1943 = arith.index_cast %add3A_169 : i32 to index
        %swap3A_1944 = arith.constant 240 : index
        %swap3A_1945 = tpu.vector_load %arg9[%swap3A_1942, %swap3A_1943, %swap3A_1944] {strides = array<i32>} : memref<2x32x256xf32, #tpu.memory_space<vmem>>, vector<1x1x16xf32>,
        %swap3A_1946 = vector.shape_cast %swap3A_1945 : vector<1x1x16xf32> to vector<16xf32>
        %swap3A_1947 = vector.shape_cast %add3A_1940 : vector<16xf32> to vector<1x1x16xf32>
        tpu.vector_store %arg9[%swap3A_1942, %swap3A_1943, %swap3A_1944], %swap3A_1947 {strides = array<i32>} : memref<2x32x256xf32, #tpu.memory_space<vmem>>, vector<1x1x16xf32>,
      }
      %scan3A_92 = arith.constant 16 : i32
      %mul3A_93 = arith.constant 32 : i32
      %mul3A_94 = arith.muli %add3A_72, %mul3A_93 : i32
      %add3A_95 = arith.addi %min3A_3, %mul3A_94 : i32
      %dma_start3A_96 = arith.constant 0 : i32
      %dma_start3A_97 = arith.constant 0 : i32
      %dma_start3A_98 = arith.constant 0 : i32
      %dma_start3A_99 = tpu.memref_slice %arg9[%dma_start3A_96, %dma_start3A_97, %dma_start3A_98] : memref<2x32x256xf32, #tpu.memory_space<vmem>> -> memref<1x32x256xf32, #tpu.memory_space<vmem>>
      %dma_start3A_100 = tpu.memref_squeeze %dma_start3A_99 : memref<1x32x256xf32, #tpu.memory_space<vmem>> -> memref<32x256xf32, #tpu.memory_space<vmem>>
      %dma_start3A_101 = arith.constant 0 : i32
      %dma_start3A_102 = tpu.memref_slice %arg5[%add3A_95, %dma_start3A_101] : memref<98000x256xf32, #tpu.memory_space<hbm>> -> memref<32x256xf32, #tpu.memory_space<hbm>>
      %dma_start3A_103 = arith.constant 0 : i32
      %dma_start3A_104 = tpu.memref_slice %arg5[%add3A_95, %dma_start3A_103] : memref<98000x256xf32, #tpu.memory_space<hbm>> -> memref<32x256xf32, #tpu.memory_space<hbm>>
      %dma_start3A_105 = arith.constant 0 : i32
      %dma_start3A_106 = arith.constant 0 : i32
      %dma_start3A_107 = tpu.memref_slice %arg9[%dma_start3A_96, %dma_start3A_105, %dma_start3A_106] : memref<2x32x256xf32, #tpu.memory_space<vmem>> -> memref<1x32x256xf32, #tpu.memory_space<vmem>>
      %dma_start3A_108 = tpu.memref_squeeze %dma_start3A_107 : memref<1x32x256xf32, #tpu.memory_space<vmem>> -> memref<32x256xf32, #tpu.memory_space<vmem>>
      tpu.enqueue_dma source(%dma_start3A_108 : memref<32x256xf32, #tpu.memory_space<vmem>>) target(%dma_start3A_104 : memref<32x256xf32, #tpu.memory_space<hbm>>) target_semaphore(%arg12 : memref<!tpu.dma_semaphore, #tpu.memory_space<semaphore_mem>>)
      %add3A_109 = arith.constant 2 : i32
      %add3A_110 = arith.addi %add3A_72, %add3A_109 : i32
      %lt3A = arith.constant 96 : i32
      %lt3A_111 = arith.cmpi slt, %add3A_110, %lt3A : i32
      %convert_element_type3A_112 = arith.extui %lt3A_111 : i1 to i32
      %cond3A_113 = arith.constant 0 : i32
      %cond3A_114 = arith.cmpi ne, %convert_element_type3A_112, %cond3A_113 : i32
      scf.if %cond3A_114 {
        %add3A_163 = arith.constant 2 : i32
        %add3A_164 = arith.addi %add3A_72, %add3A_163 : i32
        %mul3A_165 = arith.constant 4 : i32
        %mul3A_166 = arith.muli %add3A_164, %mul3A_165 : i32
        %mul3A_167 = arith.constant 32 : i32
        %mul3A_168 = arith.muli %mul3A_166, %mul3A_167 : i32
        %dma_start3A_169 = arith.constant 0 : i32
        %dma_start3A_170 = arith.constant 0 : i32
        %dma_start3A_171 = arith.constant 0 : i32
        %dma_start3A_172 = tpu.memref_slice %arg8[%dma_start3A_169, %dma_start3A_170, %dma_start3A_171] : memref<2x128x256xf32, #tpu.memory_space<vmem>> -> memref<1x128x256xf32, #tpu.memory_space<vmem>>
        %dma_start3A_173 = tpu.memref_squeeze %dma_start3A_172 : memref<1x128x256xf32, #tpu.memory_space<vmem>> -> memref<128x256xf32, #tpu.memory_space<vmem>>
        %dma_start3A_174 = tpu.memref_slice %arg6[%mul3A_168] : memref<12288xi32, #tpu.memory_space<vmem>> -> memref<128xi32, #tpu.memory_space<vmem>>
        %dma_start3A_175 = arith.constant 0 : i32
        %dma_start3A_176 = arith.constant 0 : i32
        %dma_start3A_177 = tpu.memref_slice %arg2[%dma_start3A_175, %dma_start3A_176] : memref<40960x256xf32, #tpu.memory_space<hbm>> -> memref<40960x256xf32, #tpu.memory_space<hbm>>
        tpu.enqueue_indirect_dma source(%dma_start3A_177 : memref<40960x256xf32, #tpu.memory_space<hbm>>) target(%dma_start3A_173 : memref<128x256xf32, #tpu.memory_space<vmem>>) offsets(%dma_start3A_174 : memref<128xi32, #tpu.memory_space<vmem>>) semaphore(%arg10 : memref<!tpu.dma_semaphore, #tpu.memory_space<semaphore_mem>>)
      } else {
      }
      %add3A_115 = arith.constant 1 : i32
      %add3A_116 = arith.addi %add3A_70, %add3A_115 : i32
      %mul3A_117 = arith.constant 4 : i32
      %mul3A_118 = arith.muli %add3A_116, %mul3A_117 : i32
      %mul3A_119 = arith.constant 32 : i32
      %mul3A_120 = arith.muli %mul3A_118, %mul3A_119 : i32
      %dma_wait3A_121 = arith.constant 1 : i32
      %dma_wait3A_122 = arith.constant 0 : i32
      %dma_wait3A_123 = arith.constant 0 : i32
      %dma_wait3A_124 = tpu.memref_slice %arg8[%dma_wait3A_121, %dma_wait3A_122, %dma_wait3A_123] : memref<2x128x256xf32, #tpu.memory_space<vmem>> -> memref<1x128x256xf32, #tpu.memory_space<vmem>>
      %dma_wait3A_125 = tpu.memref_squeeze %dma_wait3A_124 : memref<1x128x256xf32, #tpu.memory_space<vmem>> -> memref<128x256xf32, #tpu.memory_space<vmem>>
      %dma_wait3A_126 = tpu.memref_slice %arg6[%mul3A_120] : memref<12288xi32, #tpu.memory_space<vmem>> -> memref<128xi32, #tpu.memory_space<vmem>>
      %dma_wait3A_127 = arith.constant 0 : i32
      %dma_wait3A_128 = arith.constant 0 : i32
      %dma_wait3A_129 = tpu.memref_slice %arg2[%dma_wait3A_127, %dma_wait3A_128] : memref<40960x256xf32, #tpu.memory_space<hbm>> -> memref<40960x256xf32, #tpu.memory_space<hbm>>
      tpu.wait_indirect_dma semaphore(%arg11 : memref<!tpu.dma_semaphore, #tpu.memory_space<semaphore_mem>>) src(%dma_wait3A_129 : memref<40960x256xf32, #tpu.memory_space<hbm>>) dst(%dma_wait3A_125 : memref<128x256xf32, #tpu.memory_space<vmem>>)
      %ge3A_130 = arith.constant 2 : i32
      %ge3A_131 = arith.cmpi sge, %add3A_116, %ge3A_130 : i32
      %convert_element_type3A_132 = arith.extui %ge3A_131 : i1 to i32
      %cond3A_133 = arith.constant 0 : i32
      %cond3A_134 = arith.cmpi ne, %convert_element_type3A_132, %cond3A_133 : i32
      scf.if %cond3A_134 {
        %mul3A_163 = arith.constant 32 : i32
        %mul3A_164 = arith.muli %add3A_116, %mul3A_163 : i32
        %add3A_165 = arith.addi %min3A_3, %mul3A_164 : i32
        %dma_wait3A_166 = arith.constant 1 : i32
        %dma_wait3A_167 = arith.constant 0 : i32
        %dma_wait3A_168 = arith.constant 0 : i32
        %dma_wait3A_169 = tpu.memref_slice %arg9[%dma_wait3A_166, %dma_wait3A_167, %dma_wait3A_168] : memref<2x32x256xf32, #tpu.memory_space<vmem>> -> memref<1x32x256xf32, #tpu.memory_space<vmem>>
        %dma_wait3A_170 = tpu.memref_squeeze %dma_wait3A_169 : memref<1x32x256xf32, #tpu.memory_space<vmem>> -> memref<32x256xf32, #tpu.memory_space<vmem>>
        %dma_wait3A_171 = arith.constant 0 : i32
        %dma_wait3A_172 = tpu.memref_slice %arg5[%add3A_165, %dma_wait3A_171] : memref<98000x256xf32, #tpu.memory_space<hbm>> -> memref<32x256xf32, #tpu.memory_space<hbm>>
        %dma_wait3A_173 = arith.constant 0 : i32
        %dma_wait3A_174 = tpu.memref_slice %arg5[%add3A_165, %dma_wait3A_173] : memref<98000x256xf32, #tpu.memory_space<hbm>> -> memref<32x256xf32, #tpu.memory_space<hbm>>
        %dma_wait3A_175 = arith.constant 0 : i32
        %dma_wait3A_176 = arith.constant 0 : i32
        %dma_wait3A_177 = tpu.memref_slice %arg9[%dma_wait3A_166, %dma_wait3A_175, %dma_wait3A_176] : memref<2x32x256xf32, #tpu.memory_space<vmem>> -> memref<1x32x256xf32, #tpu.memory_space<vmem>>
        %dma_wait3A_178 = tpu.memref_squeeze %dma_wait3A_177 : memref<1x32x256xf32, #tpu.memory_space<vmem>> -> memref<32x256xf32, #tpu.memory_space<vmem>>
        tpu.wait_dma2 semaphore(%arg13 : memref<!tpu.dma_semaphore, #tpu.memory_space<semaphore_mem>>) src(%dma_wait3A_178 : memref<32x256xf32, #tpu.memory_space<vmem>>) dst(%dma_wait3A_174 : memref<32x256xf32, #tpu.memory_space<hbm>>)
      } else {
      }
      %scan3A_135 = arith.constant 0 : i32
      %scan3A_136 = arith.constant 16 : i32
      %scan3A_137 = arith.addi %scan3A_135, %scan3A_136 : i32
      %scan3A_138 = arith.constant 1 : i32
      scf.for %scan3A_163 = %scan3A_135 to %scan3A_137 step %scan3A_138  : i32 {
        %mul3A_164 = arith.constant 2 : i32
        %mul3A_165 = arith.muli %scan3A_163, %mul3A_164 : i32
        %add3A_166 = arith.constant 0 : i32
        %add3A_167 = arith.addi %add3A_166, %mul3A_165 : i32
        %add3A_168 = arith.constant 1 : i32
        %add3A_169 = arith.addi %add3A_167, %add3A_168 : i32
        %mul3A_170 = arith.constant 32 : i32
        %mul3A_171 = arith.muli %add3A_116, %mul3A_170 : i32
        %add3A_172 = arith.addi %mul3A_171, %add3A_167 : i32
        %mul3A_173 = arith.constant 2 : i32
        %mul3A_174 = arith.muli %add3A_172, %mul3A_173 : i32
        %get3A = arith.index_cast %mul3A_174 : i32 to index
        %get3A_175 = tpu.vector_load %arg7[%get3A] {strides = array<i32>} : memref<6160xf32, #tpu.memory_space<vmem>>, vector<16xf32>,
        %get3A_176 = vector.shape_cast %get3A_175 : vector<16xf32> to vector<16xf32>
        %lt3A_177 = arith.constant 0 : i32
        %lt3A_178 = vector.broadcast %lt3A_177 : i32 to vector<16xi32>
        %lt3A_179 = arith.cmpi slt, %mul3A_6, %lt3A_178 : vector<16xi32>
        %add3A_180 = arith.constant 16 : i32
        %add3A_181 = vector.broadcast %add3A_180 : i32 to vector<16xi32>
        %add3A_182 = arith.addi %mul3A_6, %add3A_181 : vector<16xi32>
        %select_n3A = arith.select %lt3A_179, %add3A_182, %mul3A_6 : vector<16xi1>, vector<16xi32>
        %broadcast_in_dim3A = vector.shape_cast %select_n3A : vector<16xi32> to vector<16x1xi32>
        %gather3A = vector.shape_cast %broadcast_in_dim3A : vector<16x1xi32> to vector<16xi32>
        %gather3A_183 = tpu.dynamic_gather %get3A_176[%gather3A] in [0] : vector<16xf32>, vector<16xi32> -> vector<16xf32>
        %lt3A_184 = arith.constant 0 : i32
        %lt3A_185 = vector.broadcast %lt3A_184 : i32 to vector<16xi32>
        %lt3A_186 = arith.cmpi slt, %add3A_9, %lt3A_185 : vector<16xi32>
        %add3A_187 = arith.constant 16 : i32
        %add3A_188 = vector.broadcast %add3A_187 : i32 to vector<16xi32>
        %add3A_189 = arith.addi %add3A_9, %add3A_188 : vector<16xi32>
        %select_n3A_190 = arith.select %lt3A_186, %add3A_189, %add3A_9 : vector<16xi1>, vector<16xi32>
        %broadcast_in_dim3A_191 = vector.shape_cast %select_n3A_190 : vector<16xi32> to vector<16x1xi32>
        %gather3A_192 = vector.shape_cast %broadcast_in_dim3A_191 : vector<16x1xi32> to vector<16xi32>
        %gather3A_193 = tpu.dynamic_gather %get3A_176[%gather3A_192] in [0] : vector<16xf32>, vector<16xi32> -> vector<16xf32>
        %mul3A_194 = arith.constant 4 : i32
        %mul3A_195 = arith.muli %mul3A_194, %add3A_167 : i32
        %get3A_196 = arith.constant 1 : i32
        %get3A_197 = arith.index_cast %get3A_196 : i32 to index
        %get3A_198 = arith.index_cast %mul3A_195 : i32 to index
        %get3A_199 = arith.constant 0 : index
        %get3A_200 = tpu.vector_load %arg8[%get3A_197, %get3A_198, %get3A_199] {strides = array<i32>} : memref<2x128x256xf32, #tpu.memory_space<vmem>>, vector<1x1x16xf32>,
        %get3A_201 = vector.shape_cast %get3A_200 : vector<1x1x16xf32> to vector<16xf32>
        %mul3A_202 = arith.constant 4 : i32
        %mul3A_203 = arith.muli %mul3A_202, %add3A_167 : i32
        %add3A_204 = arith.constant 1 : i32
        %add3A_205 = arith.addi %mul3A_203, %add3A_204 : i32
        %get3A_206 = arith.constant 1 : i32
        %get3A_207 = arith.index_cast %get3A_206 : i32 to index
        %get3A_208 = arith.index_cast %add3A_205 : i32 to index
        %get3A_209 = arith.constant 0 : index
        %get3A_210 = tpu.vector_load %arg8[%get3A_207, %get3A_208, %get3A_209] {strides = array<i32>} : memref<2x128x256xf32, #tpu.memory_space<vmem>>, vector<1x1x16xf32>,
        %get3A_211 = vector.shape_cast %get3A_210 : vector<1x1x16xf32> to vector<16xf32>
        %mul3A_212 = arith.constant 4 : i32
        %mul3A_213 = arith.muli %mul3A_212, %add3A_167 : i32
        %add3A_214 = arith.constant 2 : i32
        %add3A_215 = arith.addi %mul3A_213, %add3A_214 : i32
        %get3A_216 = arith.constant 1 : i32
        %get3A_217 = arith.index_cast %get3A_216 : i32 to index
        %get3A_218 = arith.index_cast %add3A_215 : i32 to index
        %get3A_219 = arith.constant 0 : index
        %get3A_220 = tpu.vector_load %arg8[%get3A_217, %get3A_218, %get3A_219] {strides = array<i32>} : memref<2x128x256xf32, #tpu.memory_space<vmem>>, vector<1x1x16xf32>,
        %get3A_221 = vector.shape_cast %get3A_220 : vector<1x1x16xf32> to vector<16xf32>
        %mul3A_222 = arith.constant 4 : i32
        %mul3A_223 = arith.muli %mul3A_222, %add3A_167 : i32
        %add3A_224 = arith.constant 3 : i32
        %add3A_225 = arith.addi %mul3A_223, %add3A_224 : i32
        %get3A_226 = arith.constant 1 : i32
        %get3A_227 = arith.index_cast %get3A_226 : i32 to index
        %get3A_228 = arith.index_cast %add3A_225 : i32 to index
        %get3A_229 = arith.constant 0 : index
        %get3A_230 = tpu.vector_load %arg8[%get3A_227, %get3A_228, %get3A_229] {strides = array<i32>} : memref<2x128x256xf32, #tpu.memory_space<vmem>>, vector<1x1x16xf32>,
        %get3A_231 = vector.shape_cast %get3A_230 : vector<1x1x16xf32> to vector<16xf32>
        %sub3A = arith.subf %get3A_211, %get3A_201 : vector<16xf32>
        %mul3A_232 = arith.mulf %sub3A, %gather3A_183 : vector<16xf32>
        %add3A_233 = arith.addf %get3A_201, %mul3A_232 : vector<16xf32>
        %sub3A_234 = arith.subf %get3A_231, %get3A_221 : vector<16xf32>
        %mul3A_235 = arith.mulf %sub3A_234, %gather3A_183 : vector<16xf32>
        %add3A_236 = arith.addf %get3A_221, %mul3A_235 : vector<16xf32>
        %sub3A_237 = arith.subf %add3A_236, %add3A_233 : vector<16xf32>
        %mul3A_238 = arith.mulf %sub3A_237, %gather3A_193 : vector<16xf32>
        %add3A_239 = arith.addf %add3A_233, %mul3A_238 : vector<16xf32>
        %swap3A = arith.constant 1 : i32
        %swap3A_240 = arith.index_cast %swap3A : i32 to index
        %swap3A_241 = arith.index_cast %add3A_167 : i32 to index
        %swap3A_242 = arith.constant 0 : index
        %swap3A_243 = tpu.vector_load %arg9[%swap3A_240, %swap3A_241, %swap3A_242] {strides = array<i32>} : memref<2x32x256xf32, #tpu.memory_space<vmem>>, vector<1x1x16xf32>,
        %swap3A_244 = vector.shape_cast %swap3A_243 : vector<1x1x16xf32> to vector<16xf32>
        %swap3A_245 = vector.shape_cast %add3A_239 : vector<16xf32> to vector<1x1x16xf32>
        tpu.vector_store %arg9[%swap3A_240, %swap3A_241, %swap3A_242], %swap3A_245 {strides = array<i32>} : memref<2x32x256xf32, #tpu.memory_space<vmem>>, vector<1x1x16xf32>,
        %mul3A_246 = arith.constant 4 : i32
        %mul3A_247 = arith.muli %mul3A_246, %add3A_167 : i32
        %get3A_248 = arith.constant 1 : i32
        %get3A_249 = arith.index_cast %get3A_248 : i32 to index
        %get3A_250 = arith.index_cast %mul3A_247 : i32 to index
        %get3A_251 = arith.constant 16 : index
        %get3A_252 = tpu.vector_load %arg8[%get3A_249, %get3A_250, %get3A_251] {strides = array<i32>} : memref<2x128x256xf32, #tpu.memory_space<vmem>>, vector<1x1x16xf32>,
        %get3A_253 = vector.shape_cast %get3A_252 : vector<1x1x16xf32> to vector<16xf32>
        %mul3A_254 = arith.constant 4 : i32
        %mul3A_255 = arith.muli %mul3A_254, %add3A_167 : i32
        %add3A_256 = arith.constant 1 : i32
        %add3A_257 = arith.addi %mul3A_255, %add3A_256 : i32
        %get3A_258 = arith.constant 1 : i32
        %get3A_259 = arith.index_cast %get3A_258 : i32 to index
        %get3A_260 = arith.index_cast %add3A_257 : i32 to index
        %get3A_261 = arith.constant 16 : index
        %get3A_262 = tpu.vector_load %arg8[%get3A_259, %get3A_260, %get3A_261] {strides = array<i32>} : memref<2x128x256xf32, #tpu.memory_space<vmem>>, vector<1x1x16xf32>,
        %get3A_263 = vector.shape_cast %get3A_262 : vector<1x1x16xf32> to vector<16xf32>
        %mul3A_264 = arith.constant 4 : i32
        %mul3A_265 = arith.muli %mul3A_264, %add3A_167 : i32
        %add3A_266 = arith.constant 2 : i32
        %add3A_267 = arith.addi %mul3A_265, %add3A_266 : i32
        %get3A_268 = arith.constant 1 : i32
        %get3A_269 = arith.index_cast %get3A_268 : i32 to index
        %get3A_270 = arith.index_cast %add3A_267 : i32 to index
        %get3A_271 = arith.constant 16 : index
        %get3A_272 = tpu.vector_load %arg8[%get3A_269, %get3A_270, %get3A_271] {strides = array<i32>} : memref<2x128x256xf32, #tpu.memory_space<vmem>>, vector<1x1x16xf32>,
        %get3A_273 = vector.shape_cast %get3A_272 : vector<1x1x16xf32> to vector<16xf32>
        %mul3A_274 = arith.constant 4 : i32
        %mul3A_275 = arith.muli %mul3A_274, %add3A_167 : i32
        %add3A_276 = arith.constant 3 : i32
        %add3A_277 = arith.addi %mul3A_275, %add3A_276 : i32
        %get3A_278 = arith.constant 1 : i32
        %get3A_279 = arith.index_cast %get3A_278 : i32 to index
        %get3A_280 = arith.index_cast %add3A_277 : i32 to index
        %get3A_281 = arith.constant 16 : index
        %get3A_282 = tpu.vector_load %arg8[%get3A_279, %get3A_280, %get3A_281] {strides = array<i32>} : memref<2x128x256xf32, #tpu.memory_space<vmem>>, vector<1x1x16xf32>,
        %get3A_283 = vector.shape_cast %get3A_282 : vector<1x1x16xf32> to vector<16xf32>
        %sub3A_284 = arith.subf %get3A_263, %get3A_253 : vector<16xf32>
        %mul3A_285 = arith.mulf %sub3A_284, %gather3A_183 : vector<16xf32>
        %add3A_286 = arith.addf %get3A_253, %mul3A_285 : vector<16xf32>
        %sub3A_287 = arith.subf %get3A_283, %get3A_273 : vector<16xf32>
        %mul3A_288 = arith.mulf %sub3A_287, %gather3A_183 : vector<16xf32>
        %add3A_289 = arith.addf %get3A_273, %mul3A_288 : vector<16xf32>
        %sub3A_290 = arith.subf %add3A_289, %add3A_286 : vector<16xf32>
        %mul3A_291 = arith.mulf %sub3A_290, %gather3A_193 : vector<16xf32>
        %add3A_292 = arith.addf %add3A_286, %mul3A_291 : vector<16xf32>
        %swap3A_293 = arith.constant 1 : i32
        %swap3A_294 = arith.index_cast %swap3A_293 : i32 to index
        %swap3A_295 = arith.index_cast %add3A_167 : i32 to index
        %swap3A_296 = arith.constant 16 : index
        %swap3A_297 = tpu.vector_load %arg9[%swap3A_294, %swap3A_295, %swap3A_296] {strides = array<i32>} : memref<2x32x256xf32, #tpu.memory_space<vmem>>, vector<1x1x16xf32>,
        %swap3A_298 = vector.shape_cast %swap3A_297 : vector<1x1x16xf32> to vector<16xf32>
        %swap3A_299 = vector.shape_cast %add3A_292 : vector<16xf32> to vector<1x1x16xf32>
        tpu.vector_store %arg9[%swap3A_294, %swap3A_295, %swap3A_296], %swap3A_299 {strides = array<i32>} : memref<2x32x256xf32, #tpu.memory_space<vmem>>, vector<1x1x16xf32>,
        %mul3A_300 = arith.constant 4 : i32
        %mul3A_301 = arith.muli %mul3A_300, %add3A_167 : i32
        %get3A_302 = arith.constant 1 : i32
        %get3A_303 = arith.index_cast %get3A_302 : i32 to index
        %get3A_304 = arith.index_cast %mul3A_301 : i32 to index
        %get3A_305 = arith.constant 32 : index
        %get3A_306 = tpu.vector_load %arg8[%get3A_303, %get3A_304, %get3A_305] {strides = array<i32>} : memref<2x128x256xf32, #tpu.memory_space<vmem>>, vector<1x1x16xf32>,
        %get3A_307 = vector.shape_cast %get3A_306 : vector<1x1x16xf32> to vector<16xf32>
        %mul3A_308 = arith.constant 4 : i32
        %mul3A_309 = arith.muli %mul3A_308, %add3A_167 : i32
        %add3A_310 = arith.constant 1 : i32
        %add3A_311 = arith.addi %mul3A_309, %add3A_310 : i32
        %get3A_312 = arith.constant 1 : i32
        %get3A_313 = arith.index_cast %get3A_312 : i32 to index
        %get3A_314 = arith.index_cast %add3A_311 : i32 to index
        %get3A_315 = arith.constant 32 : index
        %get3A_316 = tpu.vector_load %arg8[%get3A_313, %get3A_314, %get3A_315] {strides = array<i32>} : memref<2x128x256xf32, #tpu.memory_space<vmem>>, vector<1x1x16xf32>,
        %get3A_317 = vector.shape_cast %get3A_316 : vector<1x1x16xf32> to vector<16xf32>
        %mul3A_318 = arith.constant 4 : i32
        %mul3A_319 = arith.muli %mul3A_318, %add3A_167 : i32
        %add3A_320 = arith.constant 2 : i32
        %add3A_321 = arith.addi %mul3A_319, %add3A_320 : i32
        %get3A_322 = arith.constant 1 : i32
        %get3A_323 = arith.index_cast %get3A_322 : i32 to index
        %get3A_324 = arith.index_cast %add3A_321 : i32 to index
        %get3A_325 = arith.constant 32 : index
        %get3A_326 = tpu.vector_load %arg8[%get3A_323, %get3A_324, %get3A_325] {strides = array<i32>} : memref<2x128x256xf32, #tpu.memory_space<vmem>>, vector<1x1x16xf32>,
        %get3A_327 = vector.shape_cast %get3A_326 : vector<1x1x16xf32> to vector<16xf32>
        %mul3A_328 = arith.constant 4 : i32
        %mul3A_329 = arith.muli %mul3A_328, %add3A_167 : i32
        %add3A_330 = arith.constant 3 : i32
        %add3A_331 = arith.addi %mul3A_329, %add3A_330 : i32
        %get3A_332 = arith.constant 1 : i32
        %get3A_333 = arith.index_cast %get3A_332 : i32 to index
        %get3A_334 = arith.index_cast %add3A_331 : i32 to index
        %get3A_335 = arith.constant 32 : index
        %get3A_336 = tpu.vector_load %arg8[%get3A_333, %get3A_334, %get3A_335] {strides = array<i32>} : memref<2x128x256xf32, #tpu.memory_space<vmem>>, vector<1x1x16xf32>,
        %get3A_337 = vector.shape_cast %get3A_336 : vector<1x1x16xf32> to vector<16xf32>
        %sub3A_338 = arith.subf %get3A_317, %get3A_307 : vector<16xf32>
        %mul3A_339 = arith.mulf %sub3A_338, %gather3A_183 : vector<16xf32>
        %add3A_340 = arith.addf %get3A_307, %mul3A_339 : vector<16xf32>
        %sub3A_341 = arith.subf %get3A_337, %get3A_327 : vector<16xf32>
        %mul3A_342 = arith.mulf %sub3A_341, %gather3A_183 : vector<16xf32>
        %add3A_343 = arith.addf %get3A_327, %mul3A_342 : vector<16xf32>
        %sub3A_344 = arith.subf %add3A_343, %add3A_340 : vector<16xf32>
        %mul3A_345 = arith.mulf %sub3A_344, %gather3A_193 : vector<16xf32>
        %add3A_346 = arith.addf %add3A_340, %mul3A_345 : vector<16xf32>
        %swap3A_347 = arith.constant 1 : i32
        %swap3A_348 = arith.index_cast %swap3A_347 : i32 to index
        %swap3A_349 = arith.index_cast %add3A_167 : i32 to index
        %swap3A_350 = arith.constant 32 : index
        %swap3A_351 = tpu.vector_load %arg9[%swap3A_348, %swap3A_349, %swap3A_350] {strides = array<i32>} : memref<2x32x256xf32, #tpu.memory_space<vmem>>, vector<1x1x16xf32>,
        %swap3A_352 = vector.shape_cast %swap3A_351 : vector<1x1x16xf32> to vector<16xf32>
        %swap3A_353 = vector.shape_cast %add3A_346 : vector<16xf32> to vector<1x1x16xf32>
        tpu.vector_store %arg9[%swap3A_348, %swap3A_349, %swap3A_350], %swap3A_353 {strides = array<i32>} : memref<2x32x256xf32, #tpu.memory_space<vmem>>, vector<1x1x16xf32>,
        %mul3A_354 = arith.constant 4 : i32
        %mul3A_355 = arith.muli %mul3A_354, %add3A_167 : i32
        %get3A_356 = arith.constant 1 : i32
        %get3A_357 = arith.index_cast %get3A_356 : i32 to index
        %get3A_358 = arith.index_cast %mul3A_355 : i32 to index
        %get3A_359 = arith.constant 48 : index
        %get3A_360 = tpu.vector_load %arg8[%get3A_357, %get3A_358, %get3A_359] {strides = array<i32>} : memref<2x128x256xf32, #tpu.memory_space<vmem>>, vector<1x1x16xf32>,
        %get3A_361 = vector.shape_cast %get3A_360 : vector<1x1x16xf32> to vector<16xf32>
        %mul3A_362 = arith.constant 4 : i32
        %mul3A_363 = arith.muli %mul3A_362, %add3A_167 : i32
        %add3A_364 = arith.constant 1 : i32
        %add3A_365 = arith.addi %mul3A_363, %add3A_364 : i32
        %get3A_366 = arith.constant 1 : i32
        %get3A_367 = arith.index_cast %get3A_366 : i32 to index
        %get3A_368 = arith.index_cast %add3A_365 : i32 to index
        %get3A_369 = arith.constant 48 : index
        %get3A_370 = tpu.vector_load %arg8[%get3A_367, %get3A_368, %get3A_369] {strides = array<i32>} : memref<2x128x256xf32, #tpu.memory_space<vmem>>, vector<1x1x16xf32>,
        %get3A_371 = vector.shape_cast %get3A_370 : vector<1x1x16xf32> to vector<16xf32>
        %mul3A_372 = arith.constant 4 : i32
        %mul3A_373 = arith.muli %mul3A_372, %add3A_167 : i32
        %add3A_374 = arith.constant 2 : i32
        %add3A_375 = arith.addi %mul3A_373, %add3A_374 : i32
        %get3A_376 = arith.constant 1 : i32
        %get3A_377 = arith.index_cast %get3A_376 : i32 to index
        %get3A_378 = arith.index_cast %add3A_375 : i32 to index
        %get3A_379 = arith.constant 48 : index
        %get3A_380 = tpu.vector_load %arg8[%get3A_377, %get3A_378, %get3A_379] {strides = array<i32>} : memref<2x128x256xf32, #tpu.memory_space<vmem>>, vector<1x1x16xf32>,
        %get3A_381 = vector.shape_cast %get3A_380 : vector<1x1x16xf32> to vector<16xf32>
        %mul3A_382 = arith.constant 4 : i32
        %mul3A_383 = arith.muli %mul3A_382, %add3A_167 : i32
        %add3A_384 = arith.constant 3 : i32
        %add3A_385 = arith.addi %mul3A_383, %add3A_384 : i32
        %get3A_386 = arith.constant 1 : i32
        %get3A_387 = arith.index_cast %get3A_386 : i32 to index
        %get3A_388 = arith.index_cast %add3A_385 : i32 to index
        %get3A_389 = arith.constant 48 : index
        %get3A_390 = tpu.vector_load %arg8[%get3A_387, %get3A_388, %get3A_389] {strides = array<i32>} : memref<2x128x256xf32, #tpu.memory_space<vmem>>, vector<1x1x16xf32>,
        %get3A_391 = vector.shape_cast %get3A_390 : vector<1x1x16xf32> to vector<16xf32>
        %sub3A_392 = arith.subf %get3A_371, %get3A_361 : vector<16xf32>
        %mul3A_393 = arith.mulf %sub3A_392, %gather3A_183 : vector<16xf32>
        %add3A_394 = arith.addf %get3A_361, %mul3A_393 : vector<16xf32>
        %sub3A_395 = arith.subf %get3A_391, %get3A_381 : vector<16xf32>
        %mul3A_396 = arith.mulf %sub3A_395, %gather3A_183 : vector<16xf32>
        %add3A_397 = arith.addf %get3A_381, %mul3A_396 : vector<16xf32>
        %sub3A_398 = arith.subf %add3A_397, %add3A_394 : vector<16xf32>
        %mul3A_399 = arith.mulf %sub3A_398, %gather3A_193 : vector<16xf32>
        %add3A_400 = arith.addf %add3A_394, %mul3A_399 : vector<16xf32>
        %swap3A_401 = arith.constant 1 : i32
        %swap3A_402 = arith.index_cast %swap3A_401 : i32 to index
        %swap3A_403 = arith.index_cast %add3A_167 : i32 to index
        %swap3A_404 = arith.constant 48 : index
        %swap3A_405 = tpu.vector_load %arg9[%swap3A_402, %swap3A_403, %swap3A_404] {strides = array<i32>} : memref<2x32x256xf32, #tpu.memory_space<vmem>>, vector<1x1x16xf32>,
        %swap3A_406 = vector.shape_cast %swap3A_405 : vector<1x1x16xf32> to vector<16xf32>
        %swap3A_407 = vector.shape_cast %add3A_400 : vector<16xf32> to vector<1x1x16xf32>
        tpu.vector_store %arg9[%swap3A_402, %swap3A_403, %swap3A_404], %swap3A_407 {strides = array<i32>} : memref<2x32x256xf32, #tpu.memory_space<vmem>>, vector<1x1x16xf32>,
        %mul3A_408 = arith.constant 4 : i32
        %mul3A_409 = arith.muli %mul3A_408, %add3A_167 : i32
        %get3A_410 = arith.constant 1 : i32
        %get3A_411 = arith.index_cast %get3A_410 : i32 to index
        %get3A_412 = arith.index_cast %mul3A_409 : i32 to index
        %get3A_413 = arith.constant 64 : index
        %get3A_414 = tpu.vector_load %arg8[%get3A_411, %get3A_412, %get3A_413] {strides = array<i32>} : memref<2x128x256xf32, #tpu.memory_space<vmem>>, vector<1x1x16xf32>,
        %get3A_415 = vector.shape_cast %get3A_414 : vector<1x1x16xf32> to vector<16xf32>
        %mul3A_416 = arith.constant 4 : i32
        %mul3A_417 = arith.muli %mul3A_416, %add3A_167 : i32
        %add3A_418 = arith.constant 1 : i32
        %add3A_419 = arith.addi %mul3A_417, %add3A_418 : i32
        %get3A_420 = arith.constant 1 : i32
        %get3A_421 = arith.index_cast %get3A_420 : i32 to index
        %get3A_422 = arith.index_cast %add3A_419 : i32 to index
        %get3A_423 = arith.constant 64 : index
        %get3A_424 = tpu.vector_load %arg8[%get3A_421, %get3A_422, %get3A_423] {strides = array<i32>} : memref<2x128x256xf32, #tpu.memory_space<vmem>>, vector<1x1x16xf32>,
        %get3A_425 = vector.shape_cast %get3A_424 : vector<1x1x16xf32> to vector<16xf32>
        %mul3A_426 = arith.constant 4 : i32
        %mul3A_427 = arith.muli %mul3A_426, %add3A_167 : i32
        %add3A_428 = arith.constant 2 : i32
        %add3A_429 = arith.addi %mul3A_427, %add3A_428 : i32
        %get3A_430 = arith.constant 1 : i32
        %get3A_431 = arith.index_cast %get3A_430 : i32 to index
        %get3A_432 = arith.index_cast %add3A_429 : i32 to index
        %get3A_433 = arith.constant 64 : index
        %get3A_434 = tpu.vector_load %arg8[%get3A_431, %get3A_432, %get3A_433] {strides = array<i32>} : memref<2x128x256xf32, #tpu.memory_space<vmem>>, vector<1x1x16xf32>,
        %get3A_435 = vector.shape_cast %get3A_434 : vector<1x1x16xf32> to vector<16xf32>
        %mul3A_436 = arith.constant 4 : i32
        %mul3A_437 = arith.muli %mul3A_436, %add3A_167 : i32
        %add3A_438 = arith.constant 3 : i32
        %add3A_439 = arith.addi %mul3A_437, %add3A_438 : i32
        %get3A_440 = arith.constant 1 : i32
        %get3A_441 = arith.index_cast %get3A_440 : i32 to index
        %get3A_442 = arith.index_cast %add3A_439 : i32 to index
        %get3A_443 = arith.constant 64 : index
        %get3A_444 = tpu.vector_load %arg8[%get3A_441, %get3A_442, %get3A_443] {strides = array<i32>} : memref<2x128x256xf32, #tpu.memory_space<vmem>>, vector<1x1x16xf32>,
        %get3A_445 = vector.shape_cast %get3A_444 : vector<1x1x16xf32> to vector<16xf32>
        %sub3A_446 = arith.subf %get3A_425, %get3A_415 : vector<16xf32>
        %mul3A_447 = arith.mulf %sub3A_446, %gather3A_183 : vector<16xf32>
        %add3A_448 = arith.addf %get3A_415, %mul3A_447 : vector<16xf32>
        %sub3A_449 = arith.subf %get3A_445, %get3A_435 : vector<16xf32>
        %mul3A_450 = arith.mulf %sub3A_449, %gather3A_183 : vector<16xf32>
        %add3A_451 = arith.addf %get3A_435, %mul3A_450 : vector<16xf32>
        %sub3A_452 = arith.subf %add3A_451, %add3A_448 : vector<16xf32>
        %mul3A_453 = arith.mulf %sub3A_452, %gather3A_193 : vector<16xf32>
        %add3A_454 = arith.addf %add3A_448, %mul3A_453 : vector<16xf32>
        %swap3A_455 = arith.constant 1 : i32
        %swap3A_456 = arith.index_cast %swap3A_455 : i32 to index
        %swap3A_457 = arith.index_cast %add3A_167 : i32 to index
        %swap3A_458 = arith.constant 64 : index
        %swap3A_459 = tpu.vector_load %arg9[%swap3A_456, %swap3A_457, %swap3A_458] {strides = array<i32>} : memref<2x32x256xf32, #tpu.memory_space<vmem>>, vector<1x1x16xf32>,
        %swap3A_460 = vector.shape_cast %swap3A_459 : vector<1x1x16xf32> to vector<16xf32>
        %swap3A_461 = vector.shape_cast %add3A_454 : vector<16xf32> to vector<1x1x16xf32>
        tpu.vector_store %arg9[%swap3A_456, %swap3A_457, %swap3A_458], %swap3A_461 {strides = array<i32>} : memref<2x32x256xf32, #tpu.memory_space<vmem>>, vector<1x1x16xf32>,
        %mul3A_462 = arith.constant 4 : i32
        %mul3A_463 = arith.muli %mul3A_462, %add3A_167 : i32
        %get3A_464 = arith.constant 1 : i32
        %get3A_465 = arith.index_cast %get3A_464 : i32 to index
        %get3A_466 = arith.index_cast %mul3A_463 : i32 to index
        %get3A_467 = arith.constant 80 : index
        %get3A_468 = tpu.vector_load %arg8[%get3A_465, %get3A_466, %get3A_467] {strides = array<i32>} : memref<2x128x256xf32, #tpu.memory_space<vmem>>, vector<1x1x16xf32>,
        %get3A_469 = vector.shape_cast %get3A_468 : vector<1x1x16xf32> to vector<16xf32>
        %mul3A_470 = arith.constant 4 : i32
        %mul3A_471 = arith.muli %mul3A_470, %add3A_167 : i32
        %add3A_472 = arith.constant 1 : i32
        %add3A_473 = arith.addi %mul3A_471, %add3A_472 : i32
        %get3A_474 = arith.constant 1 : i32
        %get3A_475 = arith.index_cast %get3A_474 : i32 to index
        %get3A_476 = arith.index_cast %add3A_473 : i32 to index
        %get3A_477 = arith.constant 80 : index
        %get3A_478 = tpu.vector_load %arg8[%get3A_475, %get3A_476, %get3A_477] {strides = array<i32>} : memref<2x128x256xf32, #tpu.memory_space<vmem>>, vector<1x1x16xf32>,
        %get3A_479 = vector.shape_cast %get3A_478 : vector<1x1x16xf32> to vector<16xf32>
        %mul3A_480 = arith.constant 4 : i32
        %mul3A_481 = arith.muli %mul3A_480, %add3A_167 : i32
        %add3A_482 = arith.constant 2 : i32
        %add3A_483 = arith.addi %mul3A_481, %add3A_482 : i32
        %get3A_484 = arith.constant 1 : i32
        %get3A_485 = arith.index_cast %get3A_484 : i32 to index
        %get3A_486 = arith.index_cast %add3A_483 : i32 to index
        %get3A_487 = arith.constant 80 : index
        %get3A_488 = tpu.vector_load %arg8[%get3A_485, %get3A_486, %get3A_487] {strides = array<i32>} : memref<2x128x256xf32, #tpu.memory_space<vmem>>, vector<1x1x16xf32>,
        %get3A_489 = vector.shape_cast %get3A_488 : vector<1x1x16xf32> to vector<16xf32>
        %mul3A_490 = arith.constant 4 : i32
        %mul3A_491 = arith.muli %mul3A_490, %add3A_167 : i32
        %add3A_492 = arith.constant 3 : i32
        %add3A_493 = arith.addi %mul3A_491, %add3A_492 : i32
        %get3A_494 = arith.constant 1 : i32
        %get3A_495 = arith.index_cast %get3A_494 : i32 to index
        %get3A_496 = arith.index_cast %add3A_493 : i32 to index
        %get3A_497 = arith.constant 80 : index
        %get3A_498 = tpu.vector_load %arg8[%get3A_495, %get3A_496, %get3A_497] {strides = array<i32>} : memref<2x128x256xf32, #tpu.memory_space<vmem>>, vector<1x1x16xf32>,
        %get3A_499 = vector.shape_cast %get3A_498 : vector<1x1x16xf32> to vector<16xf32>
        %sub3A_500 = arith.subf %get3A_479, %get3A_469 : vector<16xf32>
        %mul3A_501 = arith.mulf %sub3A_500, %gather3A_183 : vector<16xf32>
        %add3A_502 = arith.addf %get3A_469, %mul3A_501 : vector<16xf32>
        %sub3A_503 = arith.subf %get3A_499, %get3A_489 : vector<16xf32>
        %mul3A_504 = arith.mulf %sub3A_503, %gather3A_183 : vector<16xf32>
        %add3A_505 = arith.addf %get3A_489, %mul3A_504 : vector<16xf32>
        %sub3A_506 = arith.subf %add3A_505, %add3A_502 : vector<16xf32>
        %mul3A_507 = arith.mulf %sub3A_506, %gather3A_193 : vector<16xf32>
        %add3A_508 = arith.addf %add3A_502, %mul3A_507 : vector<16xf32>
        %swap3A_509 = arith.constant 1 : i32
        %swap3A_510 = arith.index_cast %swap3A_509 : i32 to index
        %swap3A_511 = arith.index_cast %add3A_167 : i32 to index
        %swap3A_512 = arith.constant 80 : index
        %swap3A_513 = tpu.vector_load %arg9[%swap3A_510, %swap3A_511, %swap3A_512] {strides = array<i32>} : memref<2x32x256xf32, #tpu.memory_space<vmem>>, vector<1x1x16xf32>,
        %swap3A_514 = vector.shape_cast %swap3A_513 : vector<1x1x16xf32> to vector<16xf32>
        %swap3A_515 = vector.shape_cast %add3A_508 : vector<16xf32> to vector<1x1x16xf32>
        tpu.vector_store %arg9[%swap3A_510, %swap3A_511, %swap3A_512], %swap3A_515 {strides = array<i32>} : memref<2x32x256xf32, #tpu.memory_space<vmem>>, vector<1x1x16xf32>,
        %mul3A_516 = arith.constant 4 : i32
        %mul3A_517 = arith.muli %mul3A_516, %add3A_167 : i32
        %get3A_518 = arith.constant 1 : i32
        %get3A_519 = arith.index_cast %get3A_518 : i32 to index
        %get3A_520 = arith.index_cast %mul3A_517 : i32 to index
        %get3A_521 = arith.constant 96 : index
        %get3A_522 = tpu.vector_load %arg8[%get3A_519, %get3A_520, %get3A_521] {strides = array<i32>} : memref<2x128x256xf32, #tpu.memory_space<vmem>>, vector<1x1x16xf32>,
        %get3A_523 = vector.shape_cast %get3A_522 : vector<1x1x16xf32> to vector<16xf32>
        %mul3A_524 = arith.constant 4 : i32
        %mul3A_525 = arith.muli %mul3A_524, %add3A_167 : i32
        %add3A_526 = arith.constant 1 : i32
        %add3A_527 = arith.addi %mul3A_525, %add3A_526 : i32
        %get3A_528 = arith.constant 1 : i32
        %get3A_529 = arith.index_cast %get3A_528 : i32 to index
        %get3A_530 = arith.index_cast %add3A_527 : i32 to index
        %get3A_531 = arith.constant 96 : index
        %get3A_532 = tpu.vector_load %arg8[%get3A_529, %get3A_530, %get3A_531] {strides = array<i32>} : memref<2x128x256xf32, #tpu.memory_space<vmem>>, vector<1x1x16xf32>,
        %get3A_533 = vector.shape_cast %get3A_532 : vector<1x1x16xf32> to vector<16xf32>
        %mul3A_534 = arith.constant 4 : i32
        %mul3A_535 = arith.muli %mul3A_534, %add3A_167 : i32
        %add3A_536 = arith.constant 2 : i32
        %add3A_537 = arith.addi %mul3A_535, %add3A_536 : i32
        %get3A_538 = arith.constant 1 : i32
        %get3A_539 = arith.index_cast %get3A_538 : i32 to index
        %get3A_540 = arith.index_cast %add3A_537 : i32 to index
        %get3A_541 = arith.constant 96 : index
        %get3A_542 = tpu.vector_load %arg8[%get3A_539, %get3A_540, %get3A_541] {strides = array<i32>} : memref<2x128x256xf32, #tpu.memory_space<vmem>>, vector<1x1x16xf32>,
        %get3A_543 = vector.shape_cast %get3A_542 : vector<1x1x16xf32> to vector<16xf32>
        %mul3A_544 = arith.constant 4 : i32
        %mul3A_545 = arith.muli %mul3A_544, %add3A_167 : i32
        %add3A_546 = arith.constant 3 : i32
        %add3A_547 = arith.addi %mul3A_545, %add3A_546 : i32
        %get3A_548 = arith.constant 1 : i32
        %get3A_549 = arith.index_cast %get3A_548 : i32 to index
        %get3A_550 = arith.index_cast %add3A_547 : i32 to index
        %get3A_551 = arith.constant 96 : index
        %get3A_552 = tpu.vector_load %arg8[%get3A_549, %get3A_550, %get3A_551] {strides = array<i32>} : memref<2x128x256xf32, #tpu.memory_space<vmem>>, vector<1x1x16xf32>,
        %get3A_553 = vector.shape_cast %get3A_552 : vector<1x1x16xf32> to vector<16xf32>
        %sub3A_554 = arith.subf %get3A_533, %get3A_523 : vector<16xf32>
        %mul3A_555 = arith.mulf %sub3A_554, %gather3A_183 : vector<16xf32>
        %add3A_556 = arith.addf %get3A_523, %mul3A_555 : vector<16xf32>
        %sub3A_557 = arith.subf %get3A_553, %get3A_543 : vector<16xf32>
        %mul3A_558 = arith.mulf %sub3A_557, %gather3A_183 : vector<16xf32>
        %add3A_559 = arith.addf %get3A_543, %mul3A_558 : vector<16xf32>
        %sub3A_560 = arith.subf %add3A_559, %add3A_556 : vector<16xf32>
        %mul3A_561 = arith.mulf %sub3A_560, %gather3A_193 : vector<16xf32>
        %add3A_562 = arith.addf %add3A_556, %mul3A_561 : vector<16xf32>
        %swap3A_563 = arith.constant 1 : i32
        %swap3A_564 = arith.index_cast %swap3A_563 : i32 to index
        %swap3A_565 = arith.index_cast %add3A_167 : i32 to index
        %swap3A_566 = arith.constant 96 : index
        %swap3A_567 = tpu.vector_load %arg9[%swap3A_564, %swap3A_565, %swap3A_566] {strides = array<i32>} : memref<2x32x256xf32, #tpu.memory_space<vmem>>, vector<1x1x16xf32>,
        %swap3A_568 = vector.shape_cast %swap3A_567 : vector<1x1x16xf32> to vector<16xf32>
        %swap3A_569 = vector.shape_cast %add3A_562 : vector<16xf32> to vector<1x1x16xf32>
        tpu.vector_store %arg9[%swap3A_564, %swap3A_565, %swap3A_566], %swap3A_569 {strides = array<i32>} : memref<2x32x256xf32, #tpu.memory_space<vmem>>, vector<1x1x16xf32>,
        %mul3A_570 = arith.constant 4 : i32
        %mul3A_571 = arith.muli %mul3A_570, %add3A_167 : i32
        %get3A_572 = arith.constant 1 : i32
        %get3A_573 = arith.index_cast %get3A_572 : i32 to index
        %get3A_574 = arith.index_cast %mul3A_571 : i32 to index
        %get3A_575 = arith.constant 112 : index
        %get3A_576 = tpu.vector_load %arg8[%get3A_573, %get3A_574, %get3A_575] {strides = array<i32>} : memref<2x128x256xf32, #tpu.memory_space<vmem>>, vector<1x1x16xf32>,
        %get3A_577 = vector.shape_cast %get3A_576 : vector<1x1x16xf32> to vector<16xf32>
        %mul3A_578 = arith.constant 4 : i32
        %mul3A_579 = arith.muli %mul3A_578, %add3A_167 : i32
        %add3A_580 = arith.constant 1 : i32
        %add3A_581 = arith.addi %mul3A_579, %add3A_580 : i32
        %get3A_582 = arith.constant 1 : i32
        %get3A_583 = arith.index_cast %get3A_582 : i32 to index
        %get3A_584 = arith.index_cast %add3A_581 : i32 to index
        %get3A_585 = arith.constant 112 : index
        %get3A_586 = tpu.vector_load %arg8[%get3A_583, %get3A_584, %get3A_585] {strides = array<i32>} : memref<2x128x256xf32, #tpu.memory_space<vmem>>, vector<1x1x16xf32>,
        %get3A_587 = vector.shape_cast %get3A_586 : vector<1x1x16xf32> to vector<16xf32>
        %mul3A_588 = arith.constant 4 : i32
        %mul3A_589 = arith.muli %mul3A_588, %add3A_167 : i32
        %add3A_590 = arith.constant 2 : i32
        %add3A_591 = arith.addi %mul3A_589, %add3A_590 : i32
        %get3A_592 = arith.constant 1 : i32
        %get3A_593 = arith.index_cast %get3A_592 : i32 to index
        %get3A_594 = arith.index_cast %add3A_591 : i32 to index
        %get3A_595 = arith.constant 112 : index
        %get3A_596 = tpu.vector_load %arg8[%get3A_593, %get3A_594, %get3A_595] {strides = array<i32>} : memref<2x128x256xf32, #tpu.memory_space<vmem>>, vector<1x1x16xf32>,
        %get3A_597 = vector.shape_cast %get3A_596 : vector<1x1x16xf32> to vector<16xf32>
        %mul3A_598 = arith.constant 4 : i32
        %mul3A_599 = arith.muli %mul3A_598, %add3A_167 : i32
        %add3A_600 = arith.constant 3 : i32
        %add3A_601 = arith.addi %mul3A_599, %add3A_600 : i32
        %get3A_602 = arith.constant 1 : i32
        %get3A_603 = arith.index_cast %get3A_602 : i32 to index
        %get3A_604 = arith.index_cast %add3A_601 : i32 to index
        %get3A_605 = arith.constant 112 : index
        %get3A_606 = tpu.vector_load %arg8[%get3A_603, %get3A_604, %get3A_605] {strides = array<i32>} : memref<2x128x256xf32, #tpu.memory_space<vmem>>, vector<1x1x16xf32>,
        %get3A_607 = vector.shape_cast %get3A_606 : vector<1x1x16xf32> to vector<16xf32>
        %sub3A_608 = arith.subf %get3A_587, %get3A_577 : vector<16xf32>
        %mul3A_609 = arith.mulf %sub3A_608, %gather3A_183 : vector<16xf32>
        %add3A_610 = arith.addf %get3A_577, %mul3A_609 : vector<16xf32>
        %sub3A_611 = arith.subf %get3A_607, %get3A_597 : vector<16xf32>
        %mul3A_612 = arith.mulf %sub3A_611, %gather3A_183 : vector<16xf32>
        %add3A_613 = arith.addf %get3A_597, %mul3A_612 : vector<16xf32>
        %sub3A_614 = arith.subf %add3A_613, %add3A_610 : vector<16xf32>
        %mul3A_615 = arith.mulf %sub3A_614, %gather3A_193 : vector<16xf32>
        %add3A_616 = arith.addf %add3A_610, %mul3A_615 : vector<16xf32>
        %swap3A_617 = arith.constant 1 : i32
        %swap3A_618 = arith.index_cast %swap3A_617 : i32 to index
        %swap3A_619 = arith.index_cast %add3A_167 : i32 to index
        %swap3A_620 = arith.constant 112 : index
        %swap3A_621 = tpu.vector_load %arg9[%swap3A_618, %swap3A_619, %swap3A_620] {strides = array<i32>} : memref<2x32x256xf32, #tpu.memory_space<vmem>>, vector<1x1x16xf32>,
        %swap3A_622 = vector.shape_cast %swap3A_621 : vector<1x1x16xf32> to vector<16xf32>
        %swap3A_623 = vector.shape_cast %add3A_616 : vector<16xf32> to vector<1x1x16xf32>
        tpu.vector_store %arg9[%swap3A_618, %swap3A_619, %swap3A_620], %swap3A_623 {strides = array<i32>} : memref<2x32x256xf32, #tpu.memory_space<vmem>>, vector<1x1x16xf32>,
        %mul3A_624 = arith.constant 4 : i32
        %mul3A_625 = arith.muli %mul3A_624, %add3A_167 : i32
        %get3A_626 = arith.constant 1 : i32
        %get3A_627 = arith.index_cast %get3A_626 : i32 to index
        %get3A_628 = arith.index_cast %mul3A_625 : i32 to index
        %get3A_629 = arith.constant 128 : index
        %get3A_630 = tpu.vector_load %arg8[%get3A_627, %get3A_628, %get3A_629] {strides = array<i32>} : memref<2x128x256xf32, #tpu.memory_space<vmem>>, vector<1x1x16xf32>,
        %get3A_631 = vector.shape_cast %get3A_630 : vector<1x1x16xf32> to vector<16xf32>
        %mul3A_632 = arith.constant 4 : i32
        %mul3A_633 = arith.muli %mul3A_632, %add3A_167 : i32
        %add3A_634 = arith.constant 1 : i32
        %add3A_635 = arith.addi %mul3A_633, %add3A_634 : i32
        %get3A_636 = arith.constant 1 : i32
        %get3A_637 = arith.index_cast %get3A_636 : i32 to index
        %get3A_638 = arith.index_cast %add3A_635 : i32 to index
        %get3A_639 = arith.constant 128 : index
        %get3A_640 = tpu.vector_load %arg8[%get3A_637, %get3A_638, %get3A_639] {strides = array<i32>} : memref<2x128x256xf32, #tpu.memory_space<vmem>>, vector<1x1x16xf32>,
        %get3A_641 = vector.shape_cast %get3A_640 : vector<1x1x16xf32> to vector<16xf32>
        %mul3A_642 = arith.constant 4 : i32
        %mul3A_643 = arith.muli %mul3A_642, %add3A_167 : i32
        %add3A_644 = arith.constant 2 : i32
        %add3A_645 = arith.addi %mul3A_643, %add3A_644 : i32
        %get3A_646 = arith.constant 1 : i32
        %get3A_647 = arith.index_cast %get3A_646 : i32 to index
        %get3A_648 = arith.index_cast %add3A_645 : i32 to index
        %get3A_649 = arith.constant 128 : index
        %get3A_650 = tpu.vector_load %arg8[%get3A_647, %get3A_648, %get3A_649] {strides = array<i32>} : memref<2x128x256xf32, #tpu.memory_space<vmem>>, vector<1x1x16xf32>,
        %get3A_651 = vector.shape_cast %get3A_650 : vector<1x1x16xf32> to vector<16xf32>
        %mul3A_652 = arith.constant 4 : i32
        %mul3A_653 = arith.muli %mul3A_652, %add3A_167 : i32
        %add3A_654 = arith.constant 3 : i32
        %add3A_655 = arith.addi %mul3A_653, %add3A_654 : i32
        %get3A_656 = arith.constant 1 : i32
        %get3A_657 = arith.index_cast %get3A_656 : i32 to index
        %get3A_658 = arith.index_cast %add3A_655 : i32 to index
        %get3A_659 = arith.constant 128 : index
        %get3A_660 = tpu.vector_load %arg8[%get3A_657, %get3A_658, %get3A_659] {strides = array<i32>} : memref<2x128x256xf32, #tpu.memory_space<vmem>>, vector<1x1x16xf32>,
        %get3A_661 = vector.shape_cast %get3A_660 : vector<1x1x16xf32> to vector<16xf32>
        %sub3A_662 = arith.subf %get3A_641, %get3A_631 : vector<16xf32>
        %mul3A_663 = arith.mulf %sub3A_662, %gather3A_183 : vector<16xf32>
        %add3A_664 = arith.addf %get3A_631, %mul3A_663 : vector<16xf32>
        %sub3A_665 = arith.subf %get3A_661, %get3A_651 : vector<16xf32>
        %mul3A_666 = arith.mulf %sub3A_665, %gather3A_183 : vector<16xf32>
        %add3A_667 = arith.addf %get3A_651, %mul3A_666 : vector<16xf32>
        %sub3A_668 = arith.subf %add3A_667, %add3A_664 : vector<16xf32>
        %mul3A_669 = arith.mulf %sub3A_668, %gather3A_193 : vector<16xf32>
        %add3A_670 = arith.addf %add3A_664, %mul3A_669 : vector<16xf32>
        %swap3A_671 = arith.constant 1 : i32
        %swap3A_672 = arith.index_cast %swap3A_671 : i32 to index
        %swap3A_673 = arith.index_cast %add3A_167 : i32 to index
        %swap3A_674 = arith.constant 128 : index
        %swap3A_675 = tpu.vector_load %arg9[%swap3A_672, %swap3A_673, %swap3A_674] {strides = array<i32>} : memref<2x32x256xf32, #tpu.memory_space<vmem>>, vector<1x1x16xf32>,
        %swap3A_676 = vector.shape_cast %swap3A_675 : vector<1x1x16xf32> to vector<16xf32>
        %swap3A_677 = vector.shape_cast %add3A_670 : vector<16xf32> to vector<1x1x16xf32>
        tpu.vector_store %arg9[%swap3A_672, %swap3A_673, %swap3A_674], %swap3A_677 {strides = array<i32>} : memref<2x32x256xf32, #tpu.memory_space<vmem>>, vector<1x1x16xf32>,
        %mul3A_678 = arith.constant 4 : i32
        %mul3A_679 = arith.muli %mul3A_678, %add3A_167 : i32
        %get3A_680 = arith.constant 1 : i32
        %get3A_681 = arith.index_cast %get3A_680 : i32 to index
        %get3A_682 = arith.index_cast %mul3A_679 : i32 to index
        %get3A_683 = arith.constant 144 : index
        %get3A_684 = tpu.vector_load %arg8[%get3A_681, %get3A_682, %get3A_683] {strides = array<i32>} : memref<2x128x256xf32, #tpu.memory_space<vmem>>, vector<1x1x16xf32>,
        %get3A_685 = vector.shape_cast %get3A_684 : vector<1x1x16xf32> to vector<16xf32>
        %mul3A_686 = arith.constant 4 : i32
        %mul3A_687 = arith.muli %mul3A_686, %add3A_167 : i32
        %add3A_688 = arith.constant 1 : i32
        %add3A_689 = arith.addi %mul3A_687, %add3A_688 : i32
        %get3A_690 = arith.constant 1 : i32
        %get3A_691 = arith.index_cast %get3A_690 : i32 to index
        %get3A_692 = arith.index_cast %add3A_689 : i32 to index
        %get3A_693 = arith.constant 144 : index
        %get3A_694 = tpu.vector_load %arg8[%get3A_691, %get3A_692, %get3A_693] {strides = array<i32>} : memref<2x128x256xf32, #tpu.memory_space<vmem>>, vector<1x1x16xf32>,
        %get3A_695 = vector.shape_cast %get3A_694 : vector<1x1x16xf32> to vector<16xf32>
        %mul3A_696 = arith.constant 4 : i32
        %mul3A_697 = arith.muli %mul3A_696, %add3A_167 : i32
        %add3A_698 = arith.constant 2 : i32
        %add3A_699 = arith.addi %mul3A_697, %add3A_698 : i32
        %get3A_700 = arith.constant 1 : i32
        %get3A_701 = arith.index_cast %get3A_700 : i32 to index
        %get3A_702 = arith.index_cast %add3A_699 : i32 to index
        %get3A_703 = arith.constant 144 : index
        %get3A_704 = tpu.vector_load %arg8[%get3A_701, %get3A_702, %get3A_703] {strides = array<i32>} : memref<2x128x256xf32, #tpu.memory_space<vmem>>, vector<1x1x16xf32>,
        %get3A_705 = vector.shape_cast %get3A_704 : vector<1x1x16xf32> to vector<16xf32>
        %mul3A_706 = arith.constant 4 : i32
        %mul3A_707 = arith.muli %mul3A_706, %add3A_167 : i32
        %add3A_708 = arith.constant 3 : i32
        %add3A_709 = arith.addi %mul3A_707, %add3A_708 : i32
        %get3A_710 = arith.constant 1 : i32
        %get3A_711 = arith.index_cast %get3A_710 : i32 to index
        %get3A_712 = arith.index_cast %add3A_709 : i32 to index
        %get3A_713 = arith.constant 144 : index
        %get3A_714 = tpu.vector_load %arg8[%get3A_711, %get3A_712, %get3A_713] {strides = array<i32>} : memref<2x128x256xf32, #tpu.memory_space<vmem>>, vector<1x1x16xf32>,
        %get3A_715 = vector.shape_cast %get3A_714 : vector<1x1x16xf32> to vector<16xf32>
        %sub3A_716 = arith.subf %get3A_695, %get3A_685 : vector<16xf32>
        %mul3A_717 = arith.mulf %sub3A_716, %gather3A_183 : vector<16xf32>
        %add3A_718 = arith.addf %get3A_685, %mul3A_717 : vector<16xf32>
        %sub3A_719 = arith.subf %get3A_715, %get3A_705 : vector<16xf32>
        %mul3A_720 = arith.mulf %sub3A_719, %gather3A_183 : vector<16xf32>
        %add3A_721 = arith.addf %get3A_705, %mul3A_720 : vector<16xf32>
        %sub3A_722 = arith.subf %add3A_721, %add3A_718 : vector<16xf32>
        %mul3A_723 = arith.mulf %sub3A_722, %gather3A_193 : vector<16xf32>
        %add3A_724 = arith.addf %add3A_718, %mul3A_723 : vector<16xf32>
        %swap3A_725 = arith.constant 1 : i32
        %swap3A_726 = arith.index_cast %swap3A_725 : i32 to index
        %swap3A_727 = arith.index_cast %add3A_167 : i32 to index
        %swap3A_728 = arith.constant 144 : index
        %swap3A_729 = tpu.vector_load %arg9[%swap3A_726, %swap3A_727, %swap3A_728] {strides = array<i32>} : memref<2x32x256xf32, #tpu.memory_space<vmem>>, vector<1x1x16xf32>,
        %swap3A_730 = vector.shape_cast %swap3A_729 : vector<1x1x16xf32> to vector<16xf32>
        %swap3A_731 = vector.shape_cast %add3A_724 : vector<16xf32> to vector<1x1x16xf32>
        tpu.vector_store %arg9[%swap3A_726, %swap3A_727, %swap3A_728], %swap3A_731 {strides = array<i32>} : memref<2x32x256xf32, #tpu.memory_space<vmem>>, vector<1x1x16xf32>,
        %mul3A_732 = arith.constant 4 : i32
        %mul3A_733 = arith.muli %mul3A_732, %add3A_167 : i32
        %get3A_734 = arith.constant 1 : i32
        %get3A_735 = arith.index_cast %get3A_734 : i32 to index
        %get3A_736 = arith.index_cast %mul3A_733 : i32 to index
        %get3A_737 = arith.constant 160 : index
        %get3A_738 = tpu.vector_load %arg8[%get3A_735, %get3A_736, %get3A_737] {strides = array<i32>} : memref<2x128x256xf32, #tpu.memory_space<vmem>>, vector<1x1x16xf32>,
        %get3A_739 = vector.shape_cast %get3A_738 : vector<1x1x16xf32> to vector<16xf32>
        %mul3A_740 = arith.constant 4 : i32
        %mul3A_741 = arith.muli %mul3A_740, %add3A_167 : i32
        %add3A_742 = arith.constant 1 : i32
        %add3A_743 = arith.addi %mul3A_741, %add3A_742 : i32
        %get3A_744 = arith.constant 1 : i32
        %get3A_745 = arith.index_cast %get3A_744 : i32 to index
        %get3A_746 = arith.index_cast %add3A_743 : i32 to index
        %get3A_747 = arith.constant 160 : index
        %get3A_748 = tpu.vector_load %arg8[%get3A_745, %get3A_746, %get3A_747] {strides = array<i32>} : memref<2x128x256xf32, #tpu.memory_space<vmem>>, vector<1x1x16xf32>,
        %get3A_749 = vector.shape_cast %get3A_748 : vector<1x1x16xf32> to vector<16xf32>
        %mul3A_750 = arith.constant 4 : i32
        %mul3A_751 = arith.muli %mul3A_750, %add3A_167 : i32
        %add3A_752 = arith.constant 2 : i32
        %add3A_753 = arith.addi %mul3A_751, %add3A_752 : i32
        %get3A_754 = arith.constant 1 : i32
        %get3A_755 = arith.index_cast %get3A_754 : i32 to index
        %get3A_756 = arith.index_cast %add3A_753 : i32 to index
        %get3A_757 = arith.constant 160 : index
        %get3A_758 = tpu.vector_load %arg8[%get3A_755, %get3A_756, %get3A_757] {strides = array<i32>} : memref<2x128x256xf32, #tpu.memory_space<vmem>>, vector<1x1x16xf32>,
        %get3A_759 = vector.shape_cast %get3A_758 : vector<1x1x16xf32> to vector<16xf32>
        %mul3A_760 = arith.constant 4 : i32
        %mul3A_761 = arith.muli %mul3A_760, %add3A_167 : i32
        %add3A_762 = arith.constant 3 : i32
        %add3A_763 = arith.addi %mul3A_761, %add3A_762 : i32
        %get3A_764 = arith.constant 1 : i32
        %get3A_765 = arith.index_cast %get3A_764 : i32 to index
        %get3A_766 = arith.index_cast %add3A_763 : i32 to index
        %get3A_767 = arith.constant 160 : index
        %get3A_768 = tpu.vector_load %arg8[%get3A_765, %get3A_766, %get3A_767] {strides = array<i32>} : memref<2x128x256xf32, #tpu.memory_space<vmem>>, vector<1x1x16xf32>,
        %get3A_769 = vector.shape_cast %get3A_768 : vector<1x1x16xf32> to vector<16xf32>
        %sub3A_770 = arith.subf %get3A_749, %get3A_739 : vector<16xf32>
        %mul3A_771 = arith.mulf %sub3A_770, %gather3A_183 : vector<16xf32>
        %add3A_772 = arith.addf %get3A_739, %mul3A_771 : vector<16xf32>
        %sub3A_773 = arith.subf %get3A_769, %get3A_759 : vector<16xf32>
        %mul3A_774 = arith.mulf %sub3A_773, %gather3A_183 : vector<16xf32>
        %add3A_775 = arith.addf %get3A_759, %mul3A_774 : vector<16xf32>
        %sub3A_776 = arith.subf %add3A_775, %add3A_772 : vector<16xf32>
        %mul3A_777 = arith.mulf %sub3A_776, %gather3A_193 : vector<16xf32>
        %add3A_778 = arith.addf %add3A_772, %mul3A_777 : vector<16xf32>
        %swap3A_779 = arith.constant 1 : i32
        %swap3A_780 = arith.index_cast %swap3A_779 : i32 to index
        %swap3A_781 = arith.index_cast %add3A_167 : i32 to index
        %swap3A_782 = arith.constant 160 : index
        %swap3A_783 = tpu.vector_load %arg9[%swap3A_780, %swap3A_781, %swap3A_782] {strides = array<i32>} : memref<2x32x256xf32, #tpu.memory_space<vmem>>, vector<1x1x16xf32>,
        %swap3A_784 = vector.shape_cast %swap3A_783 : vector<1x1x16xf32> to vector<16xf32>
        %swap3A_785 = vector.shape_cast %add3A_778 : vector<16xf32> to vector<1x1x16xf32>
        tpu.vector_store %arg9[%swap3A_780, %swap3A_781, %swap3A_782], %swap3A_785 {strides = array<i32>} : memref<2x32x256xf32, #tpu.memory_space<vmem>>, vector<1x1x16xf32>,
        %mul3A_786 = arith.constant 4 : i32
        %mul3A_787 = arith.muli %mul3A_786, %add3A_167 : i32
        %get3A_788 = arith.constant 1 : i32
        %get3A_789 = arith.index_cast %get3A_788 : i32 to index
        %get3A_790 = arith.index_cast %mul3A_787 : i32 to index
        %get3A_791 = arith.constant 176 : index
        %get3A_792 = tpu.vector_load %arg8[%get3A_789, %get3A_790, %get3A_791] {strides = array<i32>} : memref<2x128x256xf32, #tpu.memory_space<vmem>>, vector<1x1x16xf32>,
        %get3A_793 = vector.shape_cast %get3A_792 : vector<1x1x16xf32> to vector<16xf32>
        %mul3A_794 = arith.constant 4 : i32
        %mul3A_795 = arith.muli %mul3A_794, %add3A_167 : i32
        %add3A_796 = arith.constant 1 : i32
        %add3A_797 = arith.addi %mul3A_795, %add3A_796 : i32
        %get3A_798 = arith.constant 1 : i32
        %get3A_799 = arith.index_cast %get3A_798 : i32 to index
        %get3A_800 = arith.index_cast %add3A_797 : i32 to index
        %get3A_801 = arith.constant 176 : index
        %get3A_802 = tpu.vector_load %arg8[%get3A_799, %get3A_800, %get3A_801] {strides = array<i32>} : memref<2x128x256xf32, #tpu.memory_space<vmem>>, vector<1x1x16xf32>,
        %get3A_803 = vector.shape_cast %get3A_802 : vector<1x1x16xf32> to vector<16xf32>
        %mul3A_804 = arith.constant 4 : i32
        %mul3A_805 = arith.muli %mul3A_804, %add3A_167 : i32
        %add3A_806 = arith.constant 2 : i32
        %add3A_807 = arith.addi %mul3A_805, %add3A_806 : i32
        %get3A_808 = arith.constant 1 : i32
        %get3A_809 = arith.index_cast %get3A_808 : i32 to index
        %get3A_810 = arith.index_cast %add3A_807 : i32 to index
        %get3A_811 = arith.constant 176 : index
        %get3A_812 = tpu.vector_load %arg8[%get3A_809, %get3A_810, %get3A_811] {strides = array<i32>} : memref<2x128x256xf32, #tpu.memory_space<vmem>>, vector<1x1x16xf32>,
        %get3A_813 = vector.shape_cast %get3A_812 : vector<1x1x16xf32> to vector<16xf32>
        %mul3A_814 = arith.constant 4 : i32
        %mul3A_815 = arith.muli %mul3A_814, %add3A_167 : i32
        %add3A_816 = arith.constant 3 : i32
        %add3A_817 = arith.addi %mul3A_815, %add3A_816 : i32
        %get3A_818 = arith.constant 1 : i32
        %get3A_819 = arith.index_cast %get3A_818 : i32 to index
        %get3A_820 = arith.index_cast %add3A_817 : i32 to index
        %get3A_821 = arith.constant 176 : index
        %get3A_822 = tpu.vector_load %arg8[%get3A_819, %get3A_820, %get3A_821] {strides = array<i32>} : memref<2x128x256xf32, #tpu.memory_space<vmem>>, vector<1x1x16xf32>,
        %get3A_823 = vector.shape_cast %get3A_822 : vector<1x1x16xf32> to vector<16xf32>
        %sub3A_824 = arith.subf %get3A_803, %get3A_793 : vector<16xf32>
        %mul3A_825 = arith.mulf %sub3A_824, %gather3A_183 : vector<16xf32>
        %add3A_826 = arith.addf %get3A_793, %mul3A_825 : vector<16xf32>
        %sub3A_827 = arith.subf %get3A_823, %get3A_813 : vector<16xf32>
        %mul3A_828 = arith.mulf %sub3A_827, %gather3A_183 : vector<16xf32>
        %add3A_829 = arith.addf %get3A_813, %mul3A_828 : vector<16xf32>
        %sub3A_830 = arith.subf %add3A_829, %add3A_826 : vector<16xf32>
        %mul3A_831 = arith.mulf %sub3A_830, %gather3A_193 : vector<16xf32>
        %add3A_832 = arith.addf %add3A_826, %mul3A_831 : vector<16xf32>
        %swap3A_833 = arith.constant 1 : i32
        %swap3A_834 = arith.index_cast %swap3A_833 : i32 to index
        %swap3A_835 = arith.index_cast %add3A_167 : i32 to index
        %swap3A_836 = arith.constant 176 : index
        %swap3A_837 = tpu.vector_load %arg9[%swap3A_834, %swap3A_835, %swap3A_836] {strides = array<i32>} : memref<2x32x256xf32, #tpu.memory_space<vmem>>, vector<1x1x16xf32>,
        %swap3A_838 = vector.shape_cast %swap3A_837 : vector<1x1x16xf32> to vector<16xf32>
        %swap3A_839 = vector.shape_cast %add3A_832 : vector<16xf32> to vector<1x1x16xf32>
        tpu.vector_store %arg9[%swap3A_834, %swap3A_835, %swap3A_836], %swap3A_839 {strides = array<i32>} : memref<2x32x256xf32, #tpu.memory_space<vmem>>, vector<1x1x16xf32>,
        %mul3A_840 = arith.constant 4 : i32
        %mul3A_841 = arith.muli %mul3A_840, %add3A_167 : i32
        %get3A_842 = arith.constant 1 : i32
        %get3A_843 = arith.index_cast %get3A_842 : i32 to index
        %get3A_844 = arith.index_cast %mul3A_841 : i32 to index
        %get3A_845 = arith.constant 192 : index
        %get3A_846 = tpu.vector_load %arg8[%get3A_843, %get3A_844, %get3A_845] {strides = array<i32>} : memref<2x128x256xf32, #tpu.memory_space<vmem>>, vector<1x1x16xf32>,
        %get3A_847 = vector.shape_cast %get3A_846 : vector<1x1x16xf32> to vector<16xf32>
        %mul3A_848 = arith.constant 4 : i32
        %mul3A_849 = arith.muli %mul3A_848, %add3A_167 : i32
        %add3A_850 = arith.constant 1 : i32
        %add3A_851 = arith.addi %mul3A_849, %add3A_850 : i32
        %get3A_852 = arith.constant 1 : i32
        %get3A_853 = arith.index_cast %get3A_852 : i32 to index
        %get3A_854 = arith.index_cast %add3A_851 : i32 to index
        %get3A_855 = arith.constant 192 : index
        %get3A_856 = tpu.vector_load %arg8[%get3A_853, %get3A_854, %get3A_855] {strides = array<i32>} : memref<2x128x256xf32, #tpu.memory_space<vmem>>, vector<1x1x16xf32>,
        %get3A_857 = vector.shape_cast %get3A_856 : vector<1x1x16xf32> to vector<16xf32>
        %mul3A_858 = arith.constant 4 : i32
        %mul3A_859 = arith.muli %mul3A_858, %add3A_167 : i32
        %add3A_860 = arith.constant 2 : i32
        %add3A_861 = arith.addi %mul3A_859, %add3A_860 : i32
        %get3A_862 = arith.constant 1 : i32
        %get3A_863 = arith.index_cast %get3A_862 : i32 to index
        %get3A_864 = arith.index_cast %add3A_861 : i32 to index
        %get3A_865 = arith.constant 192 : index
        %get3A_866 = tpu.vector_load %arg8[%get3A_863, %get3A_864, %get3A_865] {strides = array<i32>} : memref<2x128x256xf32, #tpu.memory_space<vmem>>, vector<1x1x16xf32>,
        %get3A_867 = vector.shape_cast %get3A_866 : vector<1x1x16xf32> to vector<16xf32>
        %mul3A_868 = arith.constant 4 : i32
        %mul3A_869 = arith.muli %mul3A_868, %add3A_167 : i32
        %add3A_870 = arith.constant 3 : i32
        %add3A_871 = arith.addi %mul3A_869, %add3A_870 : i32
        %get3A_872 = arith.constant 1 : i32
        %get3A_873 = arith.index_cast %get3A_872 : i32 to index
        %get3A_874 = arith.index_cast %add3A_871 : i32 to index
        %get3A_875 = arith.constant 192 : index
        %get3A_876 = tpu.vector_load %arg8[%get3A_873, %get3A_874, %get3A_875] {strides = array<i32>} : memref<2x128x256xf32, #tpu.memory_space<vmem>>, vector<1x1x16xf32>,
        %get3A_877 = vector.shape_cast %get3A_876 : vector<1x1x16xf32> to vector<16xf32>
        %sub3A_878 = arith.subf %get3A_857, %get3A_847 : vector<16xf32>
        %mul3A_879 = arith.mulf %sub3A_878, %gather3A_183 : vector<16xf32>
        %add3A_880 = arith.addf %get3A_847, %mul3A_879 : vector<16xf32>
        %sub3A_881 = arith.subf %get3A_877, %get3A_867 : vector<16xf32>
        %mul3A_882 = arith.mulf %sub3A_881, %gather3A_183 : vector<16xf32>
        %add3A_883 = arith.addf %get3A_867, %mul3A_882 : vector<16xf32>
        %sub3A_884 = arith.subf %add3A_883, %add3A_880 : vector<16xf32>
        %mul3A_885 = arith.mulf %sub3A_884, %gather3A_193 : vector<16xf32>
        %add3A_886 = arith.addf %add3A_880, %mul3A_885 : vector<16xf32>
        %swap3A_887 = arith.constant 1 : i32
        %swap3A_888 = arith.index_cast %swap3A_887 : i32 to index
        %swap3A_889 = arith.index_cast %add3A_167 : i32 to index
        %swap3A_890 = arith.constant 192 : index
        %swap3A_891 = tpu.vector_load %arg9[%swap3A_888, %swap3A_889, %swap3A_890] {strides = array<i32>} : memref<2x32x256xf32, #tpu.memory_space<vmem>>, vector<1x1x16xf32>,
        %swap3A_892 = vector.shape_cast %swap3A_891 : vector<1x1x16xf32> to vector<16xf32>
        %swap3A_893 = vector.shape_cast %add3A_886 : vector<16xf32> to vector<1x1x16xf32>
        tpu.vector_store %arg9[%swap3A_888, %swap3A_889, %swap3A_890], %swap3A_893 {strides = array<i32>} : memref<2x32x256xf32, #tpu.memory_space<vmem>>, vector<1x1x16xf32>,
        %mul3A_894 = arith.constant 4 : i32
        %mul3A_895 = arith.muli %mul3A_894, %add3A_167 : i32
        %get3A_896 = arith.constant 1 : i32
        %get3A_897 = arith.index_cast %get3A_896 : i32 to index
        %get3A_898 = arith.index_cast %mul3A_895 : i32 to index
        %get3A_899 = arith.constant 208 : index
        %get3A_900 = tpu.vector_load %arg8[%get3A_897, %get3A_898, %get3A_899] {strides = array<i32>} : memref<2x128x256xf32, #tpu.memory_space<vmem>>, vector<1x1x16xf32>,
        %get3A_901 = vector.shape_cast %get3A_900 : vector<1x1x16xf32> to vector<16xf32>
        %mul3A_902 = arith.constant 4 : i32
        %mul3A_903 = arith.muli %mul3A_902, %add3A_167 : i32
        %add3A_904 = arith.constant 1 : i32
        %add3A_905 = arith.addi %mul3A_903, %add3A_904 : i32
        %get3A_906 = arith.constant 1 : i32
        %get3A_907 = arith.index_cast %get3A_906 : i32 to index
        %get3A_908 = arith.index_cast %add3A_905 : i32 to index
        %get3A_909 = arith.constant 208 : index
        %get3A_910 = tpu.vector_load %arg8[%get3A_907, %get3A_908, %get3A_909] {strides = array<i32>} : memref<2x128x256xf32, #tpu.memory_space<vmem>>, vector<1x1x16xf32>,
        %get3A_911 = vector.shape_cast %get3A_910 : vector<1x1x16xf32> to vector<16xf32>
        %mul3A_912 = arith.constant 4 : i32
        %mul3A_913 = arith.muli %mul3A_912, %add3A_167 : i32
        %add3A_914 = arith.constant 2 : i32
        %add3A_915 = arith.addi %mul3A_913, %add3A_914 : i32
        %get3A_916 = arith.constant 1 : i32
        %get3A_917 = arith.index_cast %get3A_916 : i32 to index
        %get3A_918 = arith.index_cast %add3A_915 : i32 to index
        %get3A_919 = arith.constant 208 : index
        %get3A_920 = tpu.vector_load %arg8[%get3A_917, %get3A_918, %get3A_919] {strides = array<i32>} : memref<2x128x256xf32, #tpu.memory_space<vmem>>, vector<1x1x16xf32>,
        %get3A_921 = vector.shape_cast %get3A_920 : vector<1x1x16xf32> to vector<16xf32>
        %mul3A_922 = arith.constant 4 : i32
        %mul3A_923 = arith.muli %mul3A_922, %add3A_167 : i32
        %add3A_924 = arith.constant 3 : i32
        %add3A_925 = arith.addi %mul3A_923, %add3A_924 : i32
        %get3A_926 = arith.constant 1 : i32
        %get3A_927 = arith.index_cast %get3A_926 : i32 to index
        %get3A_928 = arith.index_cast %add3A_925 : i32 to index
        %get3A_929 = arith.constant 208 : index
        %get3A_930 = tpu.vector_load %arg8[%get3A_927, %get3A_928, %get3A_929] {strides = array<i32>} : memref<2x128x256xf32, #tpu.memory_space<vmem>>, vector<1x1x16xf32>,
        %get3A_931 = vector.shape_cast %get3A_930 : vector<1x1x16xf32> to vector<16xf32>
        %sub3A_932 = arith.subf %get3A_911, %get3A_901 : vector<16xf32>
        %mul3A_933 = arith.mulf %sub3A_932, %gather3A_183 : vector<16xf32>
        %add3A_934 = arith.addf %get3A_901, %mul3A_933 : vector<16xf32>
        %sub3A_935 = arith.subf %get3A_931, %get3A_921 : vector<16xf32>
        %mul3A_936 = arith.mulf %sub3A_935, %gather3A_183 : vector<16xf32>
        %add3A_937 = arith.addf %get3A_921, %mul3A_936 : vector<16xf32>
        %sub3A_938 = arith.subf %add3A_937, %add3A_934 : vector<16xf32>
        %mul3A_939 = arith.mulf %sub3A_938, %gather3A_193 : vector<16xf32>
        %add3A_940 = arith.addf %add3A_934, %mul3A_939 : vector<16xf32>
        %swap3A_941 = arith.constant 1 : i32
        %swap3A_942 = arith.index_cast %swap3A_941 : i32 to index
        %swap3A_943 = arith.index_cast %add3A_167 : i32 to index
        %swap3A_944 = arith.constant 208 : index
        %swap3A_945 = tpu.vector_load %arg9[%swap3A_942, %swap3A_943, %swap3A_944] {strides = array<i32>} : memref<2x32x256xf32, #tpu.memory_space<vmem>>, vector<1x1x16xf32>,
        %swap3A_946 = vector.shape_cast %swap3A_945 : vector<1x1x16xf32> to vector<16xf32>
        %swap3A_947 = vector.shape_cast %add3A_940 : vector<16xf32> to vector<1x1x16xf32>
        tpu.vector_store %arg9[%swap3A_942, %swap3A_943, %swap3A_944], %swap3A_947 {strides = array<i32>} : memref<2x32x256xf32, #tpu.memory_space<vmem>>, vector<1x1x16xf32>,
        %mul3A_948 = arith.constant 4 : i32
        %mul3A_949 = arith.muli %mul3A_948, %add3A_167 : i32
        %get3A_950 = arith.constant 1 : i32
        %get3A_951 = arith.index_cast %get3A_950 : i32 to index
        %get3A_952 = arith.index_cast %mul3A_949 : i32 to index
        %get3A_953 = arith.constant 224 : index
        %get3A_954 = tpu.vector_load %arg8[%get3A_951, %get3A_952, %get3A_953] {strides = array<i32>} : memref<2x128x256xf32, #tpu.memory_space<vmem>>, vector<1x1x16xf32>,
        %get3A_955 = vector.shape_cast %get3A_954 : vector<1x1x16xf32> to vector<16xf32>
        %mul3A_956 = arith.constant 4 : i32
        %mul3A_957 = arith.muli %mul3A_956, %add3A_167 : i32
        %add3A_958 = arith.constant 1 : i32
        %add3A_959 = arith.addi %mul3A_957, %add3A_958 : i32
        %get3A_960 = arith.constant 1 : i32
        %get3A_961 = arith.index_cast %get3A_960 : i32 to index
        %get3A_962 = arith.index_cast %add3A_959 : i32 to index
        %get3A_963 = arith.constant 224 : index
        %get3A_964 = tpu.vector_load %arg8[%get3A_961, %get3A_962, %get3A_963] {strides = array<i32>} : memref<2x128x256xf32, #tpu.memory_space<vmem>>, vector<1x1x16xf32>,
        %get3A_965 = vector.shape_cast %get3A_964 : vector<1x1x16xf32> to vector<16xf32>
        %mul3A_966 = arith.constant 4 : i32
        %mul3A_967 = arith.muli %mul3A_966, %add3A_167 : i32
        %add3A_968 = arith.constant 2 : i32
        %add3A_969 = arith.addi %mul3A_967, %add3A_968 : i32
        %get3A_970 = arith.constant 1 : i32
        %get3A_971 = arith.index_cast %get3A_970 : i32 to index
        %get3A_972 = arith.index_cast %add3A_969 : i32 to index
        %get3A_973 = arith.constant 224 : index
        %get3A_974 = tpu.vector_load %arg8[%get3A_971, %get3A_972, %get3A_973] {strides = array<i32>} : memref<2x128x256xf32, #tpu.memory_space<vmem>>, vector<1x1x16xf32>,
        %get3A_975 = vector.shape_cast %get3A_974 : vector<1x1x16xf32> to vector<16xf32>
        %mul3A_976 = arith.constant 4 : i32
        %mul3A_977 = arith.muli %mul3A_976, %add3A_167 : i32
        %add3A_978 = arith.constant 3 : i32
        %add3A_979 = arith.addi %mul3A_977, %add3A_978 : i32
        %get3A_980 = arith.constant 1 : i32
        %get3A_981 = arith.index_cast %get3A_980 : i32 to index
        %get3A_982 = arith.index_cast %add3A_979 : i32 to index
        %get3A_983 = arith.constant 224 : index
        %get3A_984 = tpu.vector_load %arg8[%get3A_981, %get3A_982, %get3A_983] {strides = array<i32>} : memref<2x128x256xf32, #tpu.memory_space<vmem>>, vector<1x1x16xf32>,
        %get3A_985 = vector.shape_cast %get3A_984 : vector<1x1x16xf32> to vector<16xf32>
        %sub3A_986 = arith.subf %get3A_965, %get3A_955 : vector<16xf32>
        %mul3A_987 = arith.mulf %sub3A_986, %gather3A_183 : vector<16xf32>
        %add3A_988 = arith.addf %get3A_955, %mul3A_987 : vector<16xf32>
        %sub3A_989 = arith.subf %get3A_985, %get3A_975 : vector<16xf32>
        %mul3A_990 = arith.mulf %sub3A_989, %gather3A_183 : vector<16xf32>
        %add3A_991 = arith.addf %get3A_975, %mul3A_990 : vector<16xf32>
        %sub3A_992 = arith.subf %add3A_991, %add3A_988 : vector<16xf32>
        %mul3A_993 = arith.mulf %sub3A_992, %gather3A_193 : vector<16xf32>
        %add3A_994 = arith.addf %add3A_988, %mul3A_993 : vector<16xf32>
        %swap3A_995 = arith.constant 1 : i32
        %swap3A_996 = arith.index_cast %swap3A_995 : i32 to index
        %swap3A_997 = arith.index_cast %add3A_167 : i32 to index
        %swap3A_998 = arith.constant 224 : index
        %swap3A_999 = tpu.vector_load %arg9[%swap3A_996, %swap3A_997, %swap3A_998] {strides = array<i32>} : memref<2x32x256xf32, #tpu.memory_space<vmem>>, vector<1x1x16xf32>,
        %swap3A_1000 = vector.shape_cast %swap3A_999 : vector<1x1x16xf32> to vector<16xf32>
        %swap3A_1001 = vector.shape_cast %add3A_994 : vector<16xf32> to vector<1x1x16xf32>
        tpu.vector_store %arg9[%swap3A_996, %swap3A_997, %swap3A_998], %swap3A_1001 {strides = array<i32>} : memref<2x32x256xf32, #tpu.memory_space<vmem>>, vector<1x1x16xf32>,
        %mul3A_1002 = arith.constant 4 : i32
        %mul3A_1003 = arith.muli %mul3A_1002, %add3A_167 : i32
        %get3A_1004 = arith.constant 1 : i32
        %get3A_1005 = arith.index_cast %get3A_1004 : i32 to index
        %get3A_1006 = arith.index_cast %mul3A_1003 : i32 to index
        %get3A_1007 = arith.constant 240 : index
        %get3A_1008 = tpu.vector_load %arg8[%get3A_1005, %get3A_1006, %get3A_1007] {strides = array<i32>} : memref<2x128x256xf32, #tpu.memory_space<vmem>>, vector<1x1x16xf32>,
        %get3A_1009 = vector.shape_cast %get3A_1008 : vector<1x1x16xf32> to vector<16xf32>
        %mul3A_1010 = arith.constant 4 : i32
        %mul3A_1011 = arith.muli %mul3A_1010, %add3A_167 : i32
        %add3A_1012 = arith.constant 1 : i32
        %add3A_1013 = arith.addi %mul3A_1011, %add3A_1012 : i32
        %get3A_1014 = arith.constant 1 : i32
        %get3A_1015 = arith.index_cast %get3A_1014 : i32 to index
        %get3A_1016 = arith.index_cast %add3A_1013 : i32 to index
        %get3A_1017 = arith.constant 240 : index
        %get3A_1018 = tpu.vector_load %arg8[%get3A_1015, %get3A_1016, %get3A_1017] {strides = array<i32>} : memref<2x128x256xf32, #tpu.memory_space<vmem>>, vector<1x1x16xf32>,
        %get3A_1019 = vector.shape_cast %get3A_1018 : vector<1x1x16xf32> to vector<16xf32>
        %mul3A_1020 = arith.constant 4 : i32
        %mul3A_1021 = arith.muli %mul3A_1020, %add3A_167 : i32
        %add3A_1022 = arith.constant 2 : i32
        %add3A_1023 = arith.addi %mul3A_1021, %add3A_1022 : i32
        %get3A_1024 = arith.constant 1 : i32
        %get3A_1025 = arith.index_cast %get3A_1024 : i32 to index
        %get3A_1026 = arith.index_cast %add3A_1023 : i32 to index
        %get3A_1027 = arith.constant 240 : index
        %get3A_1028 = tpu.vector_load %arg8[%get3A_1025, %get3A_1026, %get3A_1027] {strides = array<i32>} : memref<2x128x256xf32, #tpu.memory_space<vmem>>, vector<1x1x16xf32>,
        %get3A_1029 = vector.shape_cast %get3A_1028 : vector<1x1x16xf32> to vector<16xf32>
        %mul3A_1030 = arith.constant 4 : i32
        %mul3A_1031 = arith.muli %mul3A_1030, %add3A_167 : i32
        %add3A_1032 = arith.constant 3 : i32
        %add3A_1033 = arith.addi %mul3A_1031, %add3A_1032 : i32
        %get3A_1034 = arith.constant 1 : i32
        %get3A_1035 = arith.index_cast %get3A_1034 : i32 to index
        %get3A_1036 = arith.index_cast %add3A_1033 : i32 to index
        %get3A_1037 = arith.constant 240 : index
        %get3A_1038 = tpu.vector_load %arg8[%get3A_1035, %get3A_1036, %get3A_1037] {strides = array<i32>} : memref<2x128x256xf32, #tpu.memory_space<vmem>>, vector<1x1x16xf32>,
        %get3A_1039 = vector.shape_cast %get3A_1038 : vector<1x1x16xf32> to vector<16xf32>
        %sub3A_1040 = arith.subf %get3A_1019, %get3A_1009 : vector<16xf32>
        %mul3A_1041 = arith.mulf %sub3A_1040, %gather3A_183 : vector<16xf32>
        %add3A_1042 = arith.addf %get3A_1009, %mul3A_1041 : vector<16xf32>
        %sub3A_1043 = arith.subf %get3A_1039, %get3A_1029 : vector<16xf32>
        %mul3A_1044 = arith.mulf %sub3A_1043, %gather3A_183 : vector<16xf32>
        %add3A_1045 = arith.addf %get3A_1029, %mul3A_1044 : vector<16xf32>
        %sub3A_1046 = arith.subf %add3A_1045, %add3A_1042 : vector<16xf32>
        %mul3A_1047 = arith.mulf %sub3A_1046, %gather3A_193 : vector<16xf32>
        %add3A_1048 = arith.addf %add3A_1042, %mul3A_1047 : vector<16xf32>
        %swap3A_1049 = arith.constant 1 : i32
        %swap3A_1050 = arith.index_cast %swap3A_1049 : i32 to index
        %swap3A_1051 = arith.index_cast %add3A_167 : i32 to index
        %swap3A_1052 = arith.constant 240 : index
        %swap3A_1053 = tpu.vector_load %arg9[%swap3A_1050, %swap3A_1051, %swap3A_1052] {strides = array<i32>} : memref<2x32x256xf32, #tpu.memory_space<vmem>>, vector<1x1x16xf32>,
        %swap3A_1054 = vector.shape_cast %swap3A_1053 : vector<1x1x16xf32> to vector<16xf32>
        %swap3A_1055 = vector.shape_cast %add3A_1048 : vector<16xf32> to vector<1x1x16xf32>
        tpu.vector_store %arg9[%swap3A_1050, %swap3A_1051, %swap3A_1052], %swap3A_1055 {strides = array<i32>} : memref<2x32x256xf32, #tpu.memory_space<vmem>>, vector<1x1x16xf32>,
        %mul3A_1056 = arith.constant 32 : i32
        %mul3A_1057 = arith.muli %add3A_116, %mul3A_1056 : i32
        %add3A_1058 = arith.addi %mul3A_1057, %add3A_169 : i32
        %mul3A_1059 = arith.constant 2 : i32
        %mul3A_1060 = arith.muli %add3A_1058, %mul3A_1059 : i32
        %get3A_1061 = arith.index_cast %mul3A_1060 : i32 to index
        %get3A_1062 = tpu.vector_load %arg7[%get3A_1061] {strides = array<i32>} : memref<6160xf32, #tpu.memory_space<vmem>>, vector<16xf32>,
        %get3A_1063 = vector.shape_cast %get3A_1062 : vector<16xf32> to vector<16xf32>
        %lt3A_1064 = arith.constant 0 : i32
        %lt3A_1065 = vector.broadcast %lt3A_1064 : i32 to vector<16xi32>
        %lt3A_1066 = arith.cmpi slt, %mul3A_6, %lt3A_1065 : vector<16xi32>
        %add3A_1067 = arith.constant 16 : i32
        %add3A_1068 = vector.broadcast %add3A_1067 : i32 to vector<16xi32>
        %add3A_1069 = arith.addi %mul3A_6, %add3A_1068 : vector<16xi32>
        %select_n3A_1070 = arith.select %lt3A_1066, %add3A_1069, %mul3A_6 : vector<16xi1>, vector<16xi32>
        %broadcast_in_dim3A_1071 = vector.shape_cast %select_n3A_1070 : vector<16xi32> to vector<16x1xi32>
        %gather3A_1072 = vector.shape_cast %broadcast_in_dim3A_1071 : vector<16x1xi32> to vector<16xi32>
        %gather3A_1073 = tpu.dynamic_gather %get3A_1063[%gather3A_1072] in [0] : vector<16xf32>, vector<16xi32> -> vector<16xf32>
        %lt3A_1074 = arith.constant 0 : i32
        %lt3A_1075 = vector.broadcast %lt3A_1074 : i32 to vector<16xi32>
        %lt3A_1076 = arith.cmpi slt, %add3A_9, %lt3A_1075 : vector<16xi32>
        %add3A_1077 = arith.constant 16 : i32
        %add3A_1078 = vector.broadcast %add3A_1077 : i32 to vector<16xi32>
        %add3A_1079 = arith.addi %add3A_9, %add3A_1078 : vector<16xi32>
        %select_n3A_1080 = arith.select %lt3A_1076, %add3A_1079, %add3A_9 : vector<16xi1>, vector<16xi32>
        %broadcast_in_dim3A_1081 = vector.shape_cast %select_n3A_1080 : vector<16xi32> to vector<16x1xi32>
        %gather3A_1082 = vector.shape_cast %broadcast_in_dim3A_1081 : vector<16x1xi32> to vector<16xi32>
        %gather3A_1083 = tpu.dynamic_gather %get3A_1063[%gather3A_1082] in [0] : vector<16xf32>, vector<16xi32> -> vector<16xf32>
        %mul3A_1084 = arith.constant 4 : i32
        %mul3A_1085 = arith.muli %mul3A_1084, %add3A_169 : i32
        %get3A_1086 = arith.constant 1 : i32
        %get3A_1087 = arith.index_cast %get3A_1086 : i32 to index
        %get3A_1088 = arith.index_cast %mul3A_1085 : i32 to index
        %get3A_1089 = arith.constant 0 : index
        %get3A_1090 = tpu.vector_load %arg8[%get3A_1087, %get3A_1088, %get3A_1089] {strides = array<i32>} : memref<2x128x256xf32, #tpu.memory_space<vmem>>, vector<1x1x16xf32>,
        %get3A_1091 = vector.shape_cast %get3A_1090 : vector<1x1x16xf32> to vector<16xf32>
        %mul3A_1092 = arith.constant 4 : i32
        %mul3A_1093 = arith.muli %mul3A_1092, %add3A_169 : i32
        %add3A_1094 = arith.constant 1 : i32
        %add3A_1095 = arith.addi %mul3A_1093, %add3A_1094 : i32
        %get3A_1096 = arith.constant 1 : i32
        %get3A_1097 = arith.index_cast %get3A_1096 : i32 to index
        %get3A_1098 = arith.index_cast %add3A_1095 : i32 to index
        %get3A_1099 = arith.constant 0 : index
        %get3A_1100 = tpu.vector_load %arg8[%get3A_1097, %get3A_1098, %get3A_1099] {strides = array<i32>} : memref<2x128x256xf32, #tpu.memory_space<vmem>>, vector<1x1x16xf32>,
        %get3A_1101 = vector.shape_cast %get3A_1100 : vector<1x1x16xf32> to vector<16xf32>
        %mul3A_1102 = arith.constant 4 : i32
        %mul3A_1103 = arith.muli %mul3A_1102, %add3A_169 : i32
        %add3A_1104 = arith.constant 2 : i32
        %add3A_1105 = arith.addi %mul3A_1103, %add3A_1104 : i32
        %get3A_1106 = arith.constant 1 : i32
        %get3A_1107 = arith.index_cast %get3A_1106 : i32 to index
        %get3A_1108 = arith.index_cast %add3A_1105 : i32 to index
        %get3A_1109 = arith.constant 0 : index
        %get3A_1110 = tpu.vector_load %arg8[%get3A_1107, %get3A_1108, %get3A_1109] {strides = array<i32>} : memref<2x128x256xf32, #tpu.memory_space<vmem>>, vector<1x1x16xf32>,
        %get3A_1111 = vector.shape_cast %get3A_1110 : vector<1x1x16xf32> to vector<16xf32>
        %mul3A_1112 = arith.constant 4 : i32
        %mul3A_1113 = arith.muli %mul3A_1112, %add3A_169 : i32
        %add3A_1114 = arith.constant 3 : i32
        %add3A_1115 = arith.addi %mul3A_1113, %add3A_1114 : i32
        %get3A_1116 = arith.constant 1 : i32
        %get3A_1117 = arith.index_cast %get3A_1116 : i32 to index
        %get3A_1118 = arith.index_cast %add3A_1115 : i32 to index
        %get3A_1119 = arith.constant 0 : index
        %get3A_1120 = tpu.vector_load %arg8[%get3A_1117, %get3A_1118, %get3A_1119] {strides = array<i32>} : memref<2x128x256xf32, #tpu.memory_space<vmem>>, vector<1x1x16xf32>,
        %get3A_1121 = vector.shape_cast %get3A_1120 : vector<1x1x16xf32> to vector<16xf32>
        %sub3A_1122 = arith.subf %get3A_1101, %get3A_1091 : vector<16xf32>
        %mul3A_1123 = arith.mulf %sub3A_1122, %gather3A_1073 : vector<16xf32>
        %add3A_1124 = arith.addf %get3A_1091, %mul3A_1123 : vector<16xf32>
        %sub3A_1125 = arith.subf %get3A_1121, %get3A_1111 : vector<16xf32>
        %mul3A_1126 = arith.mulf %sub3A_1125, %gather3A_1073 : vector<16xf32>
        %add3A_1127 = arith.addf %get3A_1111, %mul3A_1126 : vector<16xf32>
        %sub3A_1128 = arith.subf %add3A_1127, %add3A_1124 : vector<16xf32>
        %mul3A_1129 = arith.mulf %sub3A_1128, %gather3A_1083 : vector<16xf32>
        %add3A_1130 = arith.addf %add3A_1124, %mul3A_1129 : vector<16xf32>
        %swap3A_1131 = arith.constant 1 : i32
        %swap3A_1132 = arith.index_cast %swap3A_1131 : i32 to index
        %swap3A_1133 = arith.index_cast %add3A_169 : i32 to index
        %swap3A_1134 = arith.constant 0 : index
        %swap3A_1135 = tpu.vector_load %arg9[%swap3A_1132, %swap3A_1133, %swap3A_1134] {strides = array<i32>} : memref<2x32x256xf32, #tpu.memory_space<vmem>>, vector<1x1x16xf32>,
        %swap3A_1136 = vector.shape_cast %swap3A_1135 : vector<1x1x16xf32> to vector<16xf32>
        %swap3A_1137 = vector.shape_cast %add3A_1130 : vector<16xf32> to vector<1x1x16xf32>
        tpu.vector_store %arg9[%swap3A_1132, %swap3A_1133, %swap3A_1134], %swap3A_1137 {strides = array<i32>} : memref<2x32x256xf32, #tpu.memory_space<vmem>>, vector<1x1x16xf32>,
        %mul3A_1138 = arith.constant 4 : i32
        %mul3A_1139 = arith.muli %mul3A_1138, %add3A_169 : i32
        %get3A_1140 = arith.constant 1 : i32
        %get3A_1141 = arith.index_cast %get3A_1140 : i32 to index
        %get3A_1142 = arith.index_cast %mul3A_1139 : i32 to index
        %get3A_1143 = arith.constant 16 : index
        %get3A_1144 = tpu.vector_load %arg8[%get3A_1141, %get3A_1142, %get3A_1143] {strides = array<i32>} : memref<2x128x256xf32, #tpu.memory_space<vmem>>, vector<1x1x16xf32>,
        %get3A_1145 = vector.shape_cast %get3A_1144 : vector<1x1x16xf32> to vector<16xf32>
        %mul3A_1146 = arith.constant 4 : i32
        %mul3A_1147 = arith.muli %mul3A_1146, %add3A_169 : i32
        %add3A_1148 = arith.constant 1 : i32
        %add3A_1149 = arith.addi %mul3A_1147, %add3A_1148 : i32
        %get3A_1150 = arith.constant 1 : i32
        %get3A_1151 = arith.index_cast %get3A_1150 : i32 to index
        %get3A_1152 = arith.index_cast %add3A_1149 : i32 to index
        %get3A_1153 = arith.constant 16 : index
        %get3A_1154 = tpu.vector_load %arg8[%get3A_1151, %get3A_1152, %get3A_1153] {strides = array<i32>} : memref<2x128x256xf32, #tpu.memory_space<vmem>>, vector<1x1x16xf32>,
        %get3A_1155 = vector.shape_cast %get3A_1154 : vector<1x1x16xf32> to vector<16xf32>
        %mul3A_1156 = arith.constant 4 : i32
        %mul3A_1157 = arith.muli %mul3A_1156, %add3A_169 : i32
        %add3A_1158 = arith.constant 2 : i32
        %add3A_1159 = arith.addi %mul3A_1157, %add3A_1158 : i32
        %get3A_1160 = arith.constant 1 : i32
        %get3A_1161 = arith.index_cast %get3A_1160 : i32 to index
        %get3A_1162 = arith.index_cast %add3A_1159 : i32 to index
        %get3A_1163 = arith.constant 16 : index
        %get3A_1164 = tpu.vector_load %arg8[%get3A_1161, %get3A_1162, %get3A_1163] {strides = array<i32>} : memref<2x128x256xf32, #tpu.memory_space<vmem>>, vector<1x1x16xf32>,
        %get3A_1165 = vector.shape_cast %get3A_1164 : vector<1x1x16xf32> to vector<16xf32>
        %mul3A_1166 = arith.constant 4 : i32
        %mul3A_1167 = arith.muli %mul3A_1166, %add3A_169 : i32
        %add3A_1168 = arith.constant 3 : i32
        %add3A_1169 = arith.addi %mul3A_1167, %add3A_1168 : i32
        %get3A_1170 = arith.constant 1 : i32
        %get3A_1171 = arith.index_cast %get3A_1170 : i32 to index
        %get3A_1172 = arith.index_cast %add3A_1169 : i32 to index
        %get3A_1173 = arith.constant 16 : index
        %get3A_1174 = tpu.vector_load %arg8[%get3A_1171, %get3A_1172, %get3A_1173] {strides = array<i32>} : memref<2x128x256xf32, #tpu.memory_space<vmem>>, vector<1x1x16xf32>,
        %get3A_1175 = vector.shape_cast %get3A_1174 : vector<1x1x16xf32> to vector<16xf32>
        %sub3A_1176 = arith.subf %get3A_1155, %get3A_1145 : vector<16xf32>
        %mul3A_1177 = arith.mulf %sub3A_1176, %gather3A_1073 : vector<16xf32>
        %add3A_1178 = arith.addf %get3A_1145, %mul3A_1177 : vector<16xf32>
        %sub3A_1179 = arith.subf %get3A_1175, %get3A_1165 : vector<16xf32>
        %mul3A_1180 = arith.mulf %sub3A_1179, %gather3A_1073 : vector<16xf32>
        %add3A_1181 = arith.addf %get3A_1165, %mul3A_1180 : vector<16xf32>
        %sub3A_1182 = arith.subf %add3A_1181, %add3A_1178 : vector<16xf32>
        %mul3A_1183 = arith.mulf %sub3A_1182, %gather3A_1083 : vector<16xf32>
        %add3A_1184 = arith.addf %add3A_1178, %mul3A_1183 : vector<16xf32>
        %swap3A_1185 = arith.constant 1 : i32
        %swap3A_1186 = arith.index_cast %swap3A_1185 : i32 to index
        %swap3A_1187 = arith.index_cast %add3A_169 : i32 to index
        %swap3A_1188 = arith.constant 16 : index
        %swap3A_1189 = tpu.vector_load %arg9[%swap3A_1186, %swap3A_1187, %swap3A_1188] {strides = array<i32>} : memref<2x32x256xf32, #tpu.memory_space<vmem>>, vector<1x1x16xf32>,
        %swap3A_1190 = vector.shape_cast %swap3A_1189 : vector<1x1x16xf32> to vector<16xf32>
        %swap3A_1191 = vector.shape_cast %add3A_1184 : vector<16xf32> to vector<1x1x16xf32>
        tpu.vector_store %arg9[%swap3A_1186, %swap3A_1187, %swap3A_1188], %swap3A_1191 {strides = array<i32>} : memref<2x32x256xf32, #tpu.memory_space<vmem>>, vector<1x1x16xf32>,
        %mul3A_1192 = arith.constant 4 : i32
        %mul3A_1193 = arith.muli %mul3A_1192, %add3A_169 : i32
        %get3A_1194 = arith.constant 1 : i32
        %get3A_1195 = arith.index_cast %get3A_1194 : i32 to index
        %get3A_1196 = arith.index_cast %mul3A_1193 : i32 to index
        %get3A_1197 = arith.constant 32 : index
        %get3A_1198 = tpu.vector_load %arg8[%get3A_1195, %get3A_1196, %get3A_1197] {strides = array<i32>} : memref<2x128x256xf32, #tpu.memory_space<vmem>>, vector<1x1x16xf32>,
        %get3A_1199 = vector.shape_cast %get3A_1198 : vector<1x1x16xf32> to vector<16xf32>
        %mul3A_1200 = arith.constant 4 : i32
        %mul3A_1201 = arith.muli %mul3A_1200, %add3A_169 : i32
        %add3A_1202 = arith.constant 1 : i32
        %add3A_1203 = arith.addi %mul3A_1201, %add3A_1202 : i32
        %get3A_1204 = arith.constant 1 : i32
        %get3A_1205 = arith.index_cast %get3A_1204 : i32 to index
        %get3A_1206 = arith.index_cast %add3A_1203 : i32 to index
        %get3A_1207 = arith.constant 32 : index
        %get3A_1208 = tpu.vector_load %arg8[%get3A_1205, %get3A_1206, %get3A_1207] {strides = array<i32>} : memref<2x128x256xf32, #tpu.memory_space<vmem>>, vector<1x1x16xf32>,
        %get3A_1209 = vector.shape_cast %get3A_1208 : vector<1x1x16xf32> to vector<16xf32>
        %mul3A_1210 = arith.constant 4 : i32
        %mul3A_1211 = arith.muli %mul3A_1210, %add3A_169 : i32
        %add3A_1212 = arith.constant 2 : i32
        %add3A_1213 = arith.addi %mul3A_1211, %add3A_1212 : i32
        %get3A_1214 = arith.constant 1 : i32
        %get3A_1215 = arith.index_cast %get3A_1214 : i32 to index
        %get3A_1216 = arith.index_cast %add3A_1213 : i32 to index
        %get3A_1217 = arith.constant 32 : index
        %get3A_1218 = tpu.vector_load %arg8[%get3A_1215, %get3A_1216, %get3A_1217] {strides = array<i32>} : memref<2x128x256xf32, #tpu.memory_space<vmem>>, vector<1x1x16xf32>,
        %get3A_1219 = vector.shape_cast %get3A_1218 : vector<1x1x16xf32> to vector<16xf32>
        %mul3A_1220 = arith.constant 4 : i32
        %mul3A_1221 = arith.muli %mul3A_1220, %add3A_169 : i32
        %add3A_1222 = arith.constant 3 : i32
        %add3A_1223 = arith.addi %mul3A_1221, %add3A_1222 : i32
        %get3A_1224 = arith.constant 1 : i32
        %get3A_1225 = arith.index_cast %get3A_1224 : i32 to index
        %get3A_1226 = arith.index_cast %add3A_1223 : i32 to index
        %get3A_1227 = arith.constant 32 : index
        %get3A_1228 = tpu.vector_load %arg8[%get3A_1225, %get3A_1226, %get3A_1227] {strides = array<i32>} : memref<2x128x256xf32, #tpu.memory_space<vmem>>, vector<1x1x16xf32>,
        %get3A_1229 = vector.shape_cast %get3A_1228 : vector<1x1x16xf32> to vector<16xf32>
        %sub3A_1230 = arith.subf %get3A_1209, %get3A_1199 : vector<16xf32>
        %mul3A_1231 = arith.mulf %sub3A_1230, %gather3A_1073 : vector<16xf32>
        %add3A_1232 = arith.addf %get3A_1199, %mul3A_1231 : vector<16xf32>
        %sub3A_1233 = arith.subf %get3A_1229, %get3A_1219 : vector<16xf32>
        %mul3A_1234 = arith.mulf %sub3A_1233, %gather3A_1073 : vector<16xf32>
        %add3A_1235 = arith.addf %get3A_1219, %mul3A_1234 : vector<16xf32>
        %sub3A_1236 = arith.subf %add3A_1235, %add3A_1232 : vector<16xf32>
        %mul3A_1237 = arith.mulf %sub3A_1236, %gather3A_1083 : vector<16xf32>
        %add3A_1238 = arith.addf %add3A_1232, %mul3A_1237 : vector<16xf32>
        %swap3A_1239 = arith.constant 1 : i32
        %swap3A_1240 = arith.index_cast %swap3A_1239 : i32 to index
        %swap3A_1241 = arith.index_cast %add3A_169 : i32 to index
        %swap3A_1242 = arith.constant 32 : index
        %swap3A_1243 = tpu.vector_load %arg9[%swap3A_1240, %swap3A_1241, %swap3A_1242] {strides = array<i32>} : memref<2x32x256xf32, #tpu.memory_space<vmem>>, vector<1x1x16xf32>,
        %swap3A_1244 = vector.shape_cast %swap3A_1243 : vector<1x1x16xf32> to vector<16xf32>
        %swap3A_1245 = vector.shape_cast %add3A_1238 : vector<16xf32> to vector<1x1x16xf32>
        tpu.vector_store %arg9[%swap3A_1240, %swap3A_1241, %swap3A_1242], %swap3A_1245 {strides = array<i32>} : memref<2x32x256xf32, #tpu.memory_space<vmem>>, vector<1x1x16xf32>,
        %mul3A_1246 = arith.constant 4 : i32
        %mul3A_1247 = arith.muli %mul3A_1246, %add3A_169 : i32
        %get3A_1248 = arith.constant 1 : i32
        %get3A_1249 = arith.index_cast %get3A_1248 : i32 to index
        %get3A_1250 = arith.index_cast %mul3A_1247 : i32 to index
        %get3A_1251 = arith.constant 48 : index
        %get3A_1252 = tpu.vector_load %arg8[%get3A_1249, %get3A_1250, %get3A_1251] {strides = array<i32>} : memref<2x128x256xf32, #tpu.memory_space<vmem>>, vector<1x1x16xf32>,
        %get3A_1253 = vector.shape_cast %get3A_1252 : vector<1x1x16xf32> to vector<16xf32>
        %mul3A_1254 = arith.constant 4 : i32
        %mul3A_1255 = arith.muli %mul3A_1254, %add3A_169 : i32
        %add3A_1256 = arith.constant 1 : i32
        %add3A_1257 = arith.addi %mul3A_1255, %add3A_1256 : i32
        %get3A_1258 = arith.constant 1 : i32
        %get3A_1259 = arith.index_cast %get3A_1258 : i32 to index
        %get3A_1260 = arith.index_cast %add3A_1257 : i32 to index
        %get3A_1261 = arith.constant 48 : index
        %get3A_1262 = tpu.vector_load %arg8[%get3A_1259, %get3A_1260, %get3A_1261] {strides = array<i32>} : memref<2x128x256xf32, #tpu.memory_space<vmem>>, vector<1x1x16xf32>,
        %get3A_1263 = vector.shape_cast %get3A_1262 : vector<1x1x16xf32> to vector<16xf32>
        %mul3A_1264 = arith.constant 4 : i32
        %mul3A_1265 = arith.muli %mul3A_1264, %add3A_169 : i32
        %add3A_1266 = arith.constant 2 : i32
        %add3A_1267 = arith.addi %mul3A_1265, %add3A_1266 : i32
        %get3A_1268 = arith.constant 1 : i32
        %get3A_1269 = arith.index_cast %get3A_1268 : i32 to index
        %get3A_1270 = arith.index_cast %add3A_1267 : i32 to index
        %get3A_1271 = arith.constant 48 : index
        %get3A_1272 = tpu.vector_load %arg8[%get3A_1269, %get3A_1270, %get3A_1271] {strides = array<i32>} : memref<2x128x256xf32, #tpu.memory_space<vmem>>, vector<1x1x16xf32>,
        %get3A_1273 = vector.shape_cast %get3A_1272 : vector<1x1x16xf32> to vector<16xf32>
        %mul3A_1274 = arith.constant 4 : i32
        %mul3A_1275 = arith.muli %mul3A_1274, %add3A_169 : i32
        %add3A_1276 = arith.constant 3 : i32
        %add3A_1277 = arith.addi %mul3A_1275, %add3A_1276 : i32
        %get3A_1278 = arith.constant 1 : i32
        %get3A_1279 = arith.index_cast %get3A_1278 : i32 to index
        %get3A_1280 = arith.index_cast %add3A_1277 : i32 to index
        %get3A_1281 = arith.constant 48 : index
        %get3A_1282 = tpu.vector_load %arg8[%get3A_1279, %get3A_1280, %get3A_1281] {strides = array<i32>} : memref<2x128x256xf32, #tpu.memory_space<vmem>>, vector<1x1x16xf32>,
        %get3A_1283 = vector.shape_cast %get3A_1282 : vector<1x1x16xf32> to vector<16xf32>
        %sub3A_1284 = arith.subf %get3A_1263, %get3A_1253 : vector<16xf32>
        %mul3A_1285 = arith.mulf %sub3A_1284, %gather3A_1073 : vector<16xf32>
        %add3A_1286 = arith.addf %get3A_1253, %mul3A_1285 : vector<16xf32>
        %sub3A_1287 = arith.subf %get3A_1283, %get3A_1273 : vector<16xf32>
        %mul3A_1288 = arith.mulf %sub3A_1287, %gather3A_1073 : vector<16xf32>
        %add3A_1289 = arith.addf %get3A_1273, %mul3A_1288 : vector<16xf32>
        %sub3A_1290 = arith.subf %add3A_1289, %add3A_1286 : vector<16xf32>
        %mul3A_1291 = arith.mulf %sub3A_1290, %gather3A_1083 : vector<16xf32>
        %add3A_1292 = arith.addf %add3A_1286, %mul3A_1291 : vector<16xf32>
        %swap3A_1293 = arith.constant 1 : i32
        %swap3A_1294 = arith.index_cast %swap3A_1293 : i32 to index
        %swap3A_1295 = arith.index_cast %add3A_169 : i32 to index
        %swap3A_1296 = arith.constant 48 : index
        %swap3A_1297 = tpu.vector_load %arg9[%swap3A_1294, %swap3A_1295, %swap3A_1296] {strides = array<i32>} : memref<2x32x256xf32, #tpu.memory_space<vmem>>, vector<1x1x16xf32>,
        %swap3A_1298 = vector.shape_cast %swap3A_1297 : vector<1x1x16xf32> to vector<16xf32>
        %swap3A_1299 = vector.shape_cast %add3A_1292 : vector<16xf32> to vector<1x1x16xf32>
        tpu.vector_store %arg9[%swap3A_1294, %swap3A_1295, %swap3A_1296], %swap3A_1299 {strides = array<i32>} : memref<2x32x256xf32, #tpu.memory_space<vmem>>, vector<1x1x16xf32>,
        %mul3A_1300 = arith.constant 4 : i32
        %mul3A_1301 = arith.muli %mul3A_1300, %add3A_169 : i32
        %get3A_1302 = arith.constant 1 : i32
        %get3A_1303 = arith.index_cast %get3A_1302 : i32 to index
        %get3A_1304 = arith.index_cast %mul3A_1301 : i32 to index
        %get3A_1305 = arith.constant 64 : index
        %get3A_1306 = tpu.vector_load %arg8[%get3A_1303, %get3A_1304, %get3A_1305] {strides = array<i32>} : memref<2x128x256xf32, #tpu.memory_space<vmem>>, vector<1x1x16xf32>,
        %get3A_1307 = vector.shape_cast %get3A_1306 : vector<1x1x16xf32> to vector<16xf32>
        %mul3A_1308 = arith.constant 4 : i32
        %mul3A_1309 = arith.muli %mul3A_1308, %add3A_169 : i32
        %add3A_1310 = arith.constant 1 : i32
        %add3A_1311 = arith.addi %mul3A_1309, %add3A_1310 : i32
        %get3A_1312 = arith.constant 1 : i32
        %get3A_1313 = arith.index_cast %get3A_1312 : i32 to index
        %get3A_1314 = arith.index_cast %add3A_1311 : i32 to index
        %get3A_1315 = arith.constant 64 : index
        %get3A_1316 = tpu.vector_load %arg8[%get3A_1313, %get3A_1314, %get3A_1315] {strides = array<i32>} : memref<2x128x256xf32, #tpu.memory_space<vmem>>, vector<1x1x16xf32>,
        %get3A_1317 = vector.shape_cast %get3A_1316 : vector<1x1x16xf32> to vector<16xf32>
        %mul3A_1318 = arith.constant 4 : i32
        %mul3A_1319 = arith.muli %mul3A_1318, %add3A_169 : i32
        %add3A_1320 = arith.constant 2 : i32
        %add3A_1321 = arith.addi %mul3A_1319, %add3A_1320 : i32
        %get3A_1322 = arith.constant 1 : i32
        %get3A_1323 = arith.index_cast %get3A_1322 : i32 to index
        %get3A_1324 = arith.index_cast %add3A_1321 : i32 to index
        %get3A_1325 = arith.constant 64 : index
        %get3A_1326 = tpu.vector_load %arg8[%get3A_1323, %get3A_1324, %get3A_1325] {strides = array<i32>} : memref<2x128x256xf32, #tpu.memory_space<vmem>>, vector<1x1x16xf32>,
        %get3A_1327 = vector.shape_cast %get3A_1326 : vector<1x1x16xf32> to vector<16xf32>
        %mul3A_1328 = arith.constant 4 : i32
        %mul3A_1329 = arith.muli %mul3A_1328, %add3A_169 : i32
        %add3A_1330 = arith.constant 3 : i32
        %add3A_1331 = arith.addi %mul3A_1329, %add3A_1330 : i32
        %get3A_1332 = arith.constant 1 : i32
        %get3A_1333 = arith.index_cast %get3A_1332 : i32 to index
        %get3A_1334 = arith.index_cast %add3A_1331 : i32 to index
        %get3A_1335 = arith.constant 64 : index
        %get3A_1336 = tpu.vector_load %arg8[%get3A_1333, %get3A_1334, %get3A_1335] {strides = array<i32>} : memref<2x128x256xf32, #tpu.memory_space<vmem>>, vector<1x1x16xf32>,
        %get3A_1337 = vector.shape_cast %get3A_1336 : vector<1x1x16xf32> to vector<16xf32>
        %sub3A_1338 = arith.subf %get3A_1317, %get3A_1307 : vector<16xf32>
        %mul3A_1339 = arith.mulf %sub3A_1338, %gather3A_1073 : vector<16xf32>
        %add3A_1340 = arith.addf %get3A_1307, %mul3A_1339 : vector<16xf32>
        %sub3A_1341 = arith.subf %get3A_1337, %get3A_1327 : vector<16xf32>
        %mul3A_1342 = arith.mulf %sub3A_1341, %gather3A_1073 : vector<16xf32>
        %add3A_1343 = arith.addf %get3A_1327, %mul3A_1342 : vector<16xf32>
        %sub3A_1344 = arith.subf %add3A_1343, %add3A_1340 : vector<16xf32>
        %mul3A_1345 = arith.mulf %sub3A_1344, %gather3A_1083 : vector<16xf32>
        %add3A_1346 = arith.addf %add3A_1340, %mul3A_1345 : vector<16xf32>
        %swap3A_1347 = arith.constant 1 : i32
        %swap3A_1348 = arith.index_cast %swap3A_1347 : i32 to index
        %swap3A_1349 = arith.index_cast %add3A_169 : i32 to index
        %swap3A_1350 = arith.constant 64 : index
        %swap3A_1351 = tpu.vector_load %arg9[%swap3A_1348, %swap3A_1349, %swap3A_1350] {strides = array<i32>} : memref<2x32x256xf32, #tpu.memory_space<vmem>>, vector<1x1x16xf32>,
        %swap3A_1352 = vector.shape_cast %swap3A_1351 : vector<1x1x16xf32> to vector<16xf32>
        %swap3A_1353 = vector.shape_cast %add3A_1346 : vector<16xf32> to vector<1x1x16xf32>
        tpu.vector_store %arg9[%swap3A_1348, %swap3A_1349, %swap3A_1350], %swap3A_1353 {strides = array<i32>} : memref<2x32x256xf32, #tpu.memory_space<vmem>>, vector<1x1x16xf32>,
        %mul3A_1354 = arith.constant 4 : i32
        %mul3A_1355 = arith.muli %mul3A_1354, %add3A_169 : i32
        %get3A_1356 = arith.constant 1 : i32
        %get3A_1357 = arith.index_cast %get3A_1356 : i32 to index
        %get3A_1358 = arith.index_cast %mul3A_1355 : i32 to index
        %get3A_1359 = arith.constant 80 : index
        %get3A_1360 = tpu.vector_load %arg8[%get3A_1357, %get3A_1358, %get3A_1359] {strides = array<i32>} : memref<2x128x256xf32, #tpu.memory_space<vmem>>, vector<1x1x16xf32>,
        %get3A_1361 = vector.shape_cast %get3A_1360 : vector<1x1x16xf32> to vector<16xf32>
        %mul3A_1362 = arith.constant 4 : i32
        %mul3A_1363 = arith.muli %mul3A_1362, %add3A_169 : i32
        %add3A_1364 = arith.constant 1 : i32
        %add3A_1365 = arith.addi %mul3A_1363, %add3A_1364 : i32
        %get3A_1366 = arith.constant 1 : i32
        %get3A_1367 = arith.index_cast %get3A_1366 : i32 to index
        %get3A_1368 = arith.index_cast %add3A_1365 : i32 to index
        %get3A_1369 = arith.constant 80 : index
        %get3A_1370 = tpu.vector_load %arg8[%get3A_1367, %get3A_1368, %get3A_1369] {strides = array<i32>} : memref<2x128x256xf32, #tpu.memory_space<vmem>>, vector<1x1x16xf32>,
        %get3A_1371 = vector.shape_cast %get3A_1370 : vector<1x1x16xf32> to vector<16xf32>
        %mul3A_1372 = arith.constant 4 : i32
        %mul3A_1373 = arith.muli %mul3A_1372, %add3A_169 : i32
        %add3A_1374 = arith.constant 2 : i32
        %add3A_1375 = arith.addi %mul3A_1373, %add3A_1374 : i32
        %get3A_1376 = arith.constant 1 : i32
        %get3A_1377 = arith.index_cast %get3A_1376 : i32 to index
        %get3A_1378 = arith.index_cast %add3A_1375 : i32 to index
        %get3A_1379 = arith.constant 80 : index
        %get3A_1380 = tpu.vector_load %arg8[%get3A_1377, %get3A_1378, %get3A_1379] {strides = array<i32>} : memref<2x128x256xf32, #tpu.memory_space<vmem>>, vector<1x1x16xf32>,
        %get3A_1381 = vector.shape_cast %get3A_1380 : vector<1x1x16xf32> to vector<16xf32>
        %mul3A_1382 = arith.constant 4 : i32
        %mul3A_1383 = arith.muli %mul3A_1382, %add3A_169 : i32
        %add3A_1384 = arith.constant 3 : i32
        %add3A_1385 = arith.addi %mul3A_1383, %add3A_1384 : i32
        %get3A_1386 = arith.constant 1 : i32
        %get3A_1387 = arith.index_cast %get3A_1386 : i32 to index
        %get3A_1388 = arith.index_cast %add3A_1385 : i32 to index
        %get3A_1389 = arith.constant 80 : index
        %get3A_1390 = tpu.vector_load %arg8[%get3A_1387, %get3A_1388, %get3A_1389] {strides = array<i32>} : memref<2x128x256xf32, #tpu.memory_space<vmem>>, vector<1x1x16xf32>,
        %get3A_1391 = vector.shape_cast %get3A_1390 : vector<1x1x16xf32> to vector<16xf32>
        %sub3A_1392 = arith.subf %get3A_1371, %get3A_1361 : vector<16xf32>
        %mul3A_1393 = arith.mulf %sub3A_1392, %gather3A_1073 : vector<16xf32>
        %add3A_1394 = arith.addf %get3A_1361, %mul3A_1393 : vector<16xf32>
        %sub3A_1395 = arith.subf %get3A_1391, %get3A_1381 : vector<16xf32>
        %mul3A_1396 = arith.mulf %sub3A_1395, %gather3A_1073 : vector<16xf32>
        %add3A_1397 = arith.addf %get3A_1381, %mul3A_1396 : vector<16xf32>
        %sub3A_1398 = arith.subf %add3A_1397, %add3A_1394 : vector<16xf32>
        %mul3A_1399 = arith.mulf %sub3A_1398, %gather3A_1083 : vector<16xf32>
        %add3A_1400 = arith.addf %add3A_1394, %mul3A_1399 : vector<16xf32>
        %swap3A_1401 = arith.constant 1 : i32
        %swap3A_1402 = arith.index_cast %swap3A_1401 : i32 to index
        %swap3A_1403 = arith.index_cast %add3A_169 : i32 to index
        %swap3A_1404 = arith.constant 80 : index
        %swap3A_1405 = tpu.vector_load %arg9[%swap3A_1402, %swap3A_1403, %swap3A_1404] {strides = array<i32>} : memref<2x32x256xf32, #tpu.memory_space<vmem>>, vector<1x1x16xf32>,
        %swap3A_1406 = vector.shape_cast %swap3A_1405 : vector<1x1x16xf32> to vector<16xf32>
        %swap3A_1407 = vector.shape_cast %add3A_1400 : vector<16xf32> to vector<1x1x16xf32>
        tpu.vector_store %arg9[%swap3A_1402, %swap3A_1403, %swap3A_1404], %swap3A_1407 {strides = array<i32>} : memref<2x32x256xf32, #tpu.memory_space<vmem>>, vector<1x1x16xf32>,
        %mul3A_1408 = arith.constant 4 : i32
        %mul3A_1409 = arith.muli %mul3A_1408, %add3A_169 : i32
        %get3A_1410 = arith.constant 1 : i32
        %get3A_1411 = arith.index_cast %get3A_1410 : i32 to index
        %get3A_1412 = arith.index_cast %mul3A_1409 : i32 to index
        %get3A_1413 = arith.constant 96 : index
        %get3A_1414 = tpu.vector_load %arg8[%get3A_1411, %get3A_1412, %get3A_1413] {strides = array<i32>} : memref<2x128x256xf32, #tpu.memory_space<vmem>>, vector<1x1x16xf32>,
        %get3A_1415 = vector.shape_cast %get3A_1414 : vector<1x1x16xf32> to vector<16xf32>
        %mul3A_1416 = arith.constant 4 : i32
        %mul3A_1417 = arith.muli %mul3A_1416, %add3A_169 : i32
        %add3A_1418 = arith.constant 1 : i32
        %add3A_1419 = arith.addi %mul3A_1417, %add3A_1418 : i32
        %get3A_1420 = arith.constant 1 : i32
        %get3A_1421 = arith.index_cast %get3A_1420 : i32 to index
        %get3A_1422 = arith.index_cast %add3A_1419 : i32 to index
        %get3A_1423 = arith.constant 96 : index
        %get3A_1424 = tpu.vector_load %arg8[%get3A_1421, %get3A_1422, %get3A_1423] {strides = array<i32>} : memref<2x128x256xf32, #tpu.memory_space<vmem>>, vector<1x1x16xf32>,
        %get3A_1425 = vector.shape_cast %get3A_1424 : vector<1x1x16xf32> to vector<16xf32>
        %mul3A_1426 = arith.constant 4 : i32
        %mul3A_1427 = arith.muli %mul3A_1426, %add3A_169 : i32
        %add3A_1428 = arith.constant 2 : i32
        %add3A_1429 = arith.addi %mul3A_1427, %add3A_1428 : i32
        %get3A_1430 = arith.constant 1 : i32
        %get3A_1431 = arith.index_cast %get3A_1430 : i32 to index
        %get3A_1432 = arith.index_cast %add3A_1429 : i32 to index
        %get3A_1433 = arith.constant 96 : index
        %get3A_1434 = tpu.vector_load %arg8[%get3A_1431, %get3A_1432, %get3A_1433] {strides = array<i32>} : memref<2x128x256xf32, #tpu.memory_space<vmem>>, vector<1x1x16xf32>,
        %get3A_1435 = vector.shape_cast %get3A_1434 : vector<1x1x16xf32> to vector<16xf32>
        %mul3A_1436 = arith.constant 4 : i32
        %mul3A_1437 = arith.muli %mul3A_1436, %add3A_169 : i32
        %add3A_1438 = arith.constant 3 : i32
        %add3A_1439 = arith.addi %mul3A_1437, %add3A_1438 : i32
        %get3A_1440 = arith.constant 1 : i32
        %get3A_1441 = arith.index_cast %get3A_1440 : i32 to index
        %get3A_1442 = arith.index_cast %add3A_1439 : i32 to index
        %get3A_1443 = arith.constant 96 : index
        %get3A_1444 = tpu.vector_load %arg8[%get3A_1441, %get3A_1442, %get3A_1443] {strides = array<i32>} : memref<2x128x256xf32, #tpu.memory_space<vmem>>, vector<1x1x16xf32>,
        %get3A_1445 = vector.shape_cast %get3A_1444 : vector<1x1x16xf32> to vector<16xf32>
        %sub3A_1446 = arith.subf %get3A_1425, %get3A_1415 : vector<16xf32>
        %mul3A_1447 = arith.mulf %sub3A_1446, %gather3A_1073 : vector<16xf32>
        %add3A_1448 = arith.addf %get3A_1415, %mul3A_1447 : vector<16xf32>
        %sub3A_1449 = arith.subf %get3A_1445, %get3A_1435 : vector<16xf32>
        %mul3A_1450 = arith.mulf %sub3A_1449, %gather3A_1073 : vector<16xf32>
        %add3A_1451 = arith.addf %get3A_1435, %mul3A_1450 : vector<16xf32>
        %sub3A_1452 = arith.subf %add3A_1451, %add3A_1448 : vector<16xf32>
        %mul3A_1453 = arith.mulf %sub3A_1452, %gather3A_1083 : vector<16xf32>
        %add3A_1454 = arith.addf %add3A_1448, %mul3A_1453 : vector<16xf32>
        %swap3A_1455 = arith.constant 1 : i32
        %swap3A_1456 = arith.index_cast %swap3A_1455 : i32 to index
        %swap3A_1457 = arith.index_cast %add3A_169 : i32 to index
        %swap3A_1458 = arith.constant 96 : index
        %swap3A_1459 = tpu.vector_load %arg9[%swap3A_1456, %swap3A_1457, %swap3A_1458] {strides = array<i32>} : memref<2x32x256xf32, #tpu.memory_space<vmem>>, vector<1x1x16xf32>,
        %swap3A_1460 = vector.shape_cast %swap3A_1459 : vector<1x1x16xf32> to vector<16xf32>
        %swap3A_1461 = vector.shape_cast %add3A_1454 : vector<16xf32> to vector<1x1x16xf32>
        tpu.vector_store %arg9[%swap3A_1456, %swap3A_1457, %swap3A_1458], %swap3A_1461 {strides = array<i32>} : memref<2x32x256xf32, #tpu.memory_space<vmem>>, vector<1x1x16xf32>,
        %mul3A_1462 = arith.constant 4 : i32
        %mul3A_1463 = arith.muli %mul3A_1462, %add3A_169 : i32
        %get3A_1464 = arith.constant 1 : i32
        %get3A_1465 = arith.index_cast %get3A_1464 : i32 to index
        %get3A_1466 = arith.index_cast %mul3A_1463 : i32 to index
        %get3A_1467 = arith.constant 112 : index
        %get3A_1468 = tpu.vector_load %arg8[%get3A_1465, %get3A_1466, %get3A_1467] {strides = array<i32>} : memref<2x128x256xf32, #tpu.memory_space<vmem>>, vector<1x1x16xf32>,
        %get3A_1469 = vector.shape_cast %get3A_1468 : vector<1x1x16xf32> to vector<16xf32>
        %mul3A_1470 = arith.constant 4 : i32
        %mul3A_1471 = arith.muli %mul3A_1470, %add3A_169 : i32
        %add3A_1472 = arith.constant 1 : i32
        %add3A_1473 = arith.addi %mul3A_1471, %add3A_1472 : i32
        %get3A_1474 = arith.constant 1 : i32
        %get3A_1475 = arith.index_cast %get3A_1474 : i32 to index
        %get3A_1476 = arith.index_cast %add3A_1473 : i32 to index
        %get3A_1477 = arith.constant 112 : index
        %get3A_1478 = tpu.vector_load %arg8[%get3A_1475, %get3A_1476, %get3A_1477] {strides = array<i32>} : memref<2x128x256xf32, #tpu.memory_space<vmem>>, vector<1x1x16xf32>,
        %get3A_1479 = vector.shape_cast %get3A_1478 : vector<1x1x16xf32> to vector<16xf32>
        %mul3A_1480 = arith.constant 4 : i32
        %mul3A_1481 = arith.muli %mul3A_1480, %add3A_169 : i32
        %add3A_1482 = arith.constant 2 : i32
        %add3A_1483 = arith.addi %mul3A_1481, %add3A_1482 : i32
        %get3A_1484 = arith.constant 1 : i32
        %get3A_1485 = arith.index_cast %get3A_1484 : i32 to index
        %get3A_1486 = arith.index_cast %add3A_1483 : i32 to index
        %get3A_1487 = arith.constant 112 : index
        %get3A_1488 = tpu.vector_load %arg8[%get3A_1485, %get3A_1486, %get3A_1487] {strides = array<i32>} : memref<2x128x256xf32, #tpu.memory_space<vmem>>, vector<1x1x16xf32>,
        %get3A_1489 = vector.shape_cast %get3A_1488 : vector<1x1x16xf32> to vector<16xf32>
        %mul3A_1490 = arith.constant 4 : i32
        %mul3A_1491 = arith.muli %mul3A_1490, %add3A_169 : i32
        %add3A_1492 = arith.constant 3 : i32
        %add3A_1493 = arith.addi %mul3A_1491, %add3A_1492 : i32
        %get3A_1494 = arith.constant 1 : i32
        %get3A_1495 = arith.index_cast %get3A_1494 : i32 to index
        %get3A_1496 = arith.index_cast %add3A_1493 : i32 to index
        %get3A_1497 = arith.constant 112 : index
        %get3A_1498 = tpu.vector_load %arg8[%get3A_1495, %get3A_1496, %get3A_1497] {strides = array<i32>} : memref<2x128x256xf32, #tpu.memory_space<vmem>>, vector<1x1x16xf32>,
        %get3A_1499 = vector.shape_cast %get3A_1498 : vector<1x1x16xf32> to vector<16xf32>
        %sub3A_1500 = arith.subf %get3A_1479, %get3A_1469 : vector<16xf32>
        %mul3A_1501 = arith.mulf %sub3A_1500, %gather3A_1073 : vector<16xf32>
        %add3A_1502 = arith.addf %get3A_1469, %mul3A_1501 : vector<16xf32>
        %sub3A_1503 = arith.subf %get3A_1499, %get3A_1489 : vector<16xf32>
        %mul3A_1504 = arith.mulf %sub3A_1503, %gather3A_1073 : vector<16xf32>
        %add3A_1505 = arith.addf %get3A_1489, %mul3A_1504 : vector<16xf32>
        %sub3A_1506 = arith.subf %add3A_1505, %add3A_1502 : vector<16xf32>
        %mul3A_1507 = arith.mulf %sub3A_1506, %gather3A_1083 : vector<16xf32>
        %add3A_1508 = arith.addf %add3A_1502, %mul3A_1507 : vector<16xf32>
        %swap3A_1509 = arith.constant 1 : i32
        %swap3A_1510 = arith.index_cast %swap3A_1509 : i32 to index
        %swap3A_1511 = arith.index_cast %add3A_169 : i32 to index
        %swap3A_1512 = arith.constant 112 : index
        %swap3A_1513 = tpu.vector_load %arg9[%swap3A_1510, %swap3A_1511, %swap3A_1512] {strides = array<i32>} : memref<2x32x256xf32, #tpu.memory_space<vmem>>, vector<1x1x16xf32>,
        %swap3A_1514 = vector.shape_cast %swap3A_1513 : vector<1x1x16xf32> to vector<16xf32>
        %swap3A_1515 = vector.shape_cast %add3A_1508 : vector<16xf32> to vector<1x1x16xf32>
        tpu.vector_store %arg9[%swap3A_1510, %swap3A_1511, %swap3A_1512], %swap3A_1515 {strides = array<i32>} : memref<2x32x256xf32, #tpu.memory_space<vmem>>, vector<1x1x16xf32>,
        %mul3A_1516 = arith.constant 4 : i32
        %mul3A_1517 = arith.muli %mul3A_1516, %add3A_169 : i32
        %get3A_1518 = arith.constant 1 : i32
        %get3A_1519 = arith.index_cast %get3A_1518 : i32 to index
        %get3A_1520 = arith.index_cast %mul3A_1517 : i32 to index
        %get3A_1521 = arith.constant 128 : index
        %get3A_1522 = tpu.vector_load %arg8[%get3A_1519, %get3A_1520, %get3A_1521] {strides = array<i32>} : memref<2x128x256xf32, #tpu.memory_space<vmem>>, vector<1x1x16xf32>,
        %get3A_1523 = vector.shape_cast %get3A_1522 : vector<1x1x16xf32> to vector<16xf32>
        %mul3A_1524 = arith.constant 4 : i32
        %mul3A_1525 = arith.muli %mul3A_1524, %add3A_169 : i32
        %add3A_1526 = arith.constant 1 : i32
        %add3A_1527 = arith.addi %mul3A_1525, %add3A_1526 : i32
        %get3A_1528 = arith.constant 1 : i32
        %get3A_1529 = arith.index_cast %get3A_1528 : i32 to index
        %get3A_1530 = arith.index_cast %add3A_1527 : i32 to index
        %get3A_1531 = arith.constant 128 : index
        %get3A_1532 = tpu.vector_load %arg8[%get3A_1529, %get3A_1530, %get3A_1531] {strides = array<i32>} : memref<2x128x256xf32, #tpu.memory_space<vmem>>, vector<1x1x16xf32>,
        %get3A_1533 = vector.shape_cast %get3A_1532 : vector<1x1x16xf32> to vector<16xf32>
        %mul3A_1534 = arith.constant 4 : i32
        %mul3A_1535 = arith.muli %mul3A_1534, %add3A_169 : i32
        %add3A_1536 = arith.constant 2 : i32
        %add3A_1537 = arith.addi %mul3A_1535, %add3A_1536 : i32
        %get3A_1538 = arith.constant 1 : i32
        %get3A_1539 = arith.index_cast %get3A_1538 : i32 to index
        %get3A_1540 = arith.index_cast %add3A_1537 : i32 to index
        %get3A_1541 = arith.constant 128 : index
        %get3A_1542 = tpu.vector_load %arg8[%get3A_1539, %get3A_1540, %get3A_1541] {strides = array<i32>} : memref<2x128x256xf32, #tpu.memory_space<vmem>>, vector<1x1x16xf32>,
        %get3A_1543 = vector.shape_cast %get3A_1542 : vector<1x1x16xf32> to vector<16xf32>
        %mul3A_1544 = arith.constant 4 : i32
        %mul3A_1545 = arith.muli %mul3A_1544, %add3A_169 : i32
        %add3A_1546 = arith.constant 3 : i32
        %add3A_1547 = arith.addi %mul3A_1545, %add3A_1546 : i32
        %get3A_1548 = arith.constant 1 : i32
        %get3A_1549 = arith.index_cast %get3A_1548 : i32 to index
        %get3A_1550 = arith.index_cast %add3A_1547 : i32 to index
        %get3A_1551 = arith.constant 128 : index
        %get3A_1552 = tpu.vector_load %arg8[%get3A_1549, %get3A_1550, %get3A_1551] {strides = array<i32>} : memref<2x128x256xf32, #tpu.memory_space<vmem>>, vector<1x1x16xf32>,
        %get3A_1553 = vector.shape_cast %get3A_1552 : vector<1x1x16xf32> to vector<16xf32>
        %sub3A_1554 = arith.subf %get3A_1533, %get3A_1523 : vector<16xf32>
        %mul3A_1555 = arith.mulf %sub3A_1554, %gather3A_1073 : vector<16xf32>
        %add3A_1556 = arith.addf %get3A_1523, %mul3A_1555 : vector<16xf32>
        %sub3A_1557 = arith.subf %get3A_1553, %get3A_1543 : vector<16xf32>
        %mul3A_1558 = arith.mulf %sub3A_1557, %gather3A_1073 : vector<16xf32>
        %add3A_1559 = arith.addf %get3A_1543, %mul3A_1558 : vector<16xf32>
        %sub3A_1560 = arith.subf %add3A_1559, %add3A_1556 : vector<16xf32>
        %mul3A_1561 = arith.mulf %sub3A_1560, %gather3A_1083 : vector<16xf32>
        %add3A_1562 = arith.addf %add3A_1556, %mul3A_1561 : vector<16xf32>
        %swap3A_1563 = arith.constant 1 : i32
        %swap3A_1564 = arith.index_cast %swap3A_1563 : i32 to index
        %swap3A_1565 = arith.index_cast %add3A_169 : i32 to index
        %swap3A_1566 = arith.constant 128 : index
        %swap3A_1567 = tpu.vector_load %arg9[%swap3A_1564, %swap3A_1565, %swap3A_1566] {strides = array<i32>} : memref<2x32x256xf32, #tpu.memory_space<vmem>>, vector<1x1x16xf32>,
        %swap3A_1568 = vector.shape_cast %swap3A_1567 : vector<1x1x16xf32> to vector<16xf32>
        %swap3A_1569 = vector.shape_cast %add3A_1562 : vector<16xf32> to vector<1x1x16xf32>
        tpu.vector_store %arg9[%swap3A_1564, %swap3A_1565, %swap3A_1566], %swap3A_1569 {strides = array<i32>} : memref<2x32x256xf32, #tpu.memory_space<vmem>>, vector<1x1x16xf32>,
        %mul3A_1570 = arith.constant 4 : i32
        %mul3A_1571 = arith.muli %mul3A_1570, %add3A_169 : i32
        %get3A_1572 = arith.constant 1 : i32
        %get3A_1573 = arith.index_cast %get3A_1572 : i32 to index
        %get3A_1574 = arith.index_cast %mul3A_1571 : i32 to index
        %get3A_1575 = arith.constant 144 : index
        %get3A_1576 = tpu.vector_load %arg8[%get3A_1573, %get3A_1574, %get3A_1575] {strides = array<i32>} : memref<2x128x256xf32, #tpu.memory_space<vmem>>, vector<1x1x16xf32>,
        %get3A_1577 = vector.shape_cast %get3A_1576 : vector<1x1x16xf32> to vector<16xf32>
        %mul3A_1578 = arith.constant 4 : i32
        %mul3A_1579 = arith.muli %mul3A_1578, %add3A_169 : i32
        %add3A_1580 = arith.constant 1 : i32
        %add3A_1581 = arith.addi %mul3A_1579, %add3A_1580 : i32
        %get3A_1582 = arith.constant 1 : i32
        %get3A_1583 = arith.index_cast %get3A_1582 : i32 to index
        %get3A_1584 = arith.index_cast %add3A_1581 : i32 to index
        %get3A_1585 = arith.constant 144 : index
        %get3A_1586 = tpu.vector_load %arg8[%get3A_1583, %get3A_1584, %get3A_1585] {strides = array<i32>} : memref<2x128x256xf32, #tpu.memory_space<vmem>>, vector<1x1x16xf32>,
        %get3A_1587 = vector.shape_cast %get3A_1586 : vector<1x1x16xf32> to vector<16xf32>
        %mul3A_1588 = arith.constant 4 : i32
        %mul3A_1589 = arith.muli %mul3A_1588, %add3A_169 : i32
        %add3A_1590 = arith.constant 2 : i32
        %add3A_1591 = arith.addi %mul3A_1589, %add3A_1590 : i32
        %get3A_1592 = arith.constant 1 : i32
        %get3A_1593 = arith.index_cast %get3A_1592 : i32 to index
        %get3A_1594 = arith.index_cast %add3A_1591 : i32 to index
        %get3A_1595 = arith.constant 144 : index
        %get3A_1596 = tpu.vector_load %arg8[%get3A_1593, %get3A_1594, %get3A_1595] {strides = array<i32>} : memref<2x128x256xf32, #tpu.memory_space<vmem>>, vector<1x1x16xf32>,
        %get3A_1597 = vector.shape_cast %get3A_1596 : vector<1x1x16xf32> to vector<16xf32>
        %mul3A_1598 = arith.constant 4 : i32
        %mul3A_1599 = arith.muli %mul3A_1598, %add3A_169 : i32
        %add3A_1600 = arith.constant 3 : i32
        %add3A_1601 = arith.addi %mul3A_1599, %add3A_1600 : i32
        %get3A_1602 = arith.constant 1 : i32
        %get3A_1603 = arith.index_cast %get3A_1602 : i32 to index
        %get3A_1604 = arith.index_cast %add3A_1601 : i32 to index
        %get3A_1605 = arith.constant 144 : index
        %get3A_1606 = tpu.vector_load %arg8[%get3A_1603, %get3A_1604, %get3A_1605] {strides = array<i32>} : memref<2x128x256xf32, #tpu.memory_space<vmem>>, vector<1x1x16xf32>,
        %get3A_1607 = vector.shape_cast %get3A_1606 : vector<1x1x16xf32> to vector<16xf32>
        %sub3A_1608 = arith.subf %get3A_1587, %get3A_1577 : vector<16xf32>
        %mul3A_1609 = arith.mulf %sub3A_1608, %gather3A_1073 : vector<16xf32>
        %add3A_1610 = arith.addf %get3A_1577, %mul3A_1609 : vector<16xf32>
        %sub3A_1611 = arith.subf %get3A_1607, %get3A_1597 : vector<16xf32>
        %mul3A_1612 = arith.mulf %sub3A_1611, %gather3A_1073 : vector<16xf32>
        %add3A_1613 = arith.addf %get3A_1597, %mul3A_1612 : vector<16xf32>
        %sub3A_1614 = arith.subf %add3A_1613, %add3A_1610 : vector<16xf32>
        %mul3A_1615 = arith.mulf %sub3A_1614, %gather3A_1083 : vector<16xf32>
        %add3A_1616 = arith.addf %add3A_1610, %mul3A_1615 : vector<16xf32>
        %swap3A_1617 = arith.constant 1 : i32
        %swap3A_1618 = arith.index_cast %swap3A_1617 : i32 to index
        %swap3A_1619 = arith.index_cast %add3A_169 : i32 to index
        %swap3A_1620 = arith.constant 144 : index
        %swap3A_1621 = tpu.vector_load %arg9[%swap3A_1618, %swap3A_1619, %swap3A_1620] {strides = array<i32>} : memref<2x32x256xf32, #tpu.memory_space<vmem>>, vector<1x1x16xf32>,
        %swap3A_1622 = vector.shape_cast %swap3A_1621 : vector<1x1x16xf32> to vector<16xf32>
        %swap3A_1623 = vector.shape_cast %add3A_1616 : vector<16xf32> to vector<1x1x16xf32>
        tpu.vector_store %arg9[%swap3A_1618, %swap3A_1619, %swap3A_1620], %swap3A_1623 {strides = array<i32>} : memref<2x32x256xf32, #tpu.memory_space<vmem>>, vector<1x1x16xf32>,
        %mul3A_1624 = arith.constant 4 : i32
        %mul3A_1625 = arith.muli %mul3A_1624, %add3A_169 : i32
        %get3A_1626 = arith.constant 1 : i32
        %get3A_1627 = arith.index_cast %get3A_1626 : i32 to index
        %get3A_1628 = arith.index_cast %mul3A_1625 : i32 to index
        %get3A_1629 = arith.constant 160 : index
        %get3A_1630 = tpu.vector_load %arg8[%get3A_1627, %get3A_1628, %get3A_1629] {strides = array<i32>} : memref<2x128x256xf32, #tpu.memory_space<vmem>>, vector<1x1x16xf32>,
        %get3A_1631 = vector.shape_cast %get3A_1630 : vector<1x1x16xf32> to vector<16xf32>
        %mul3A_1632 = arith.constant 4 : i32
        %mul3A_1633 = arith.muli %mul3A_1632, %add3A_169 : i32
        %add3A_1634 = arith.constant 1 : i32
        %add3A_1635 = arith.addi %mul3A_1633, %add3A_1634 : i32
        %get3A_1636 = arith.constant 1 : i32
        %get3A_1637 = arith.index_cast %get3A_1636 : i32 to index
        %get3A_1638 = arith.index_cast %add3A_1635 : i32 to index
        %get3A_1639 = arith.constant 160 : index
        %get3A_1640 = tpu.vector_load %arg8[%get3A_1637, %get3A_1638, %get3A_1639] {strides = array<i32>} : memref<2x128x256xf32, #tpu.memory_space<vmem>>, vector<1x1x16xf32>,
        %get3A_1641 = vector.shape_cast %get3A_1640 : vector<1x1x16xf32> to vector<16xf32>
        %mul3A_1642 = arith.constant 4 : i32
        %mul3A_1643 = arith.muli %mul3A_1642, %add3A_169 : i32
        %add3A_1644 = arith.constant 2 : i32
        %add3A_1645 = arith.addi %mul3A_1643, %add3A_1644 : i32
        %get3A_1646 = arith.constant 1 : i32
        %get3A_1647 = arith.index_cast %get3A_1646 : i32 to index
        %get3A_1648 = arith.index_cast %add3A_1645 : i32 to index
        %get3A_1649 = arith.constant 160 : index
        %get3A_1650 = tpu.vector_load %arg8[%get3A_1647, %get3A_1648, %get3A_1649] {strides = array<i32>} : memref<2x128x256xf32, #tpu.memory_space<vmem>>, vector<1x1x16xf32>,
        %get3A_1651 = vector.shape_cast %get3A_1650 : vector<1x1x16xf32> to vector<16xf32>
        %mul3A_1652 = arith.constant 4 : i32
        %mul3A_1653 = arith.muli %mul3A_1652, %add3A_169 : i32
        %add3A_1654 = arith.constant 3 : i32
        %add3A_1655 = arith.addi %mul3A_1653, %add3A_1654 : i32
        %get3A_1656 = arith.constant 1 : i32
        %get3A_1657 = arith.index_cast %get3A_1656 : i32 to index
        %get3A_1658 = arith.index_cast %add3A_1655 : i32 to index
        %get3A_1659 = arith.constant 160 : index
        %get3A_1660 = tpu.vector_load %arg8[%get3A_1657, %get3A_1658, %get3A_1659] {strides = array<i32>} : memref<2x128x256xf32, #tpu.memory_space<vmem>>, vector<1x1x16xf32>,
        %get3A_1661 = vector.shape_cast %get3A_1660 : vector<1x1x16xf32> to vector<16xf32>
        %sub3A_1662 = arith.subf %get3A_1641, %get3A_1631 : vector<16xf32>
        %mul3A_1663 = arith.mulf %sub3A_1662, %gather3A_1073 : vector<16xf32>
        %add3A_1664 = arith.addf %get3A_1631, %mul3A_1663 : vector<16xf32>
        %sub3A_1665 = arith.subf %get3A_1661, %get3A_1651 : vector<16xf32>
        %mul3A_1666 = arith.mulf %sub3A_1665, %gather3A_1073 : vector<16xf32>
        %add3A_1667 = arith.addf %get3A_1651, %mul3A_1666 : vector<16xf32>
        %sub3A_1668 = arith.subf %add3A_1667, %add3A_1664 : vector<16xf32>
        %mul3A_1669 = arith.mulf %sub3A_1668, %gather3A_1083 : vector<16xf32>
        %add3A_1670 = arith.addf %add3A_1664, %mul3A_1669 : vector<16xf32>
        %swap3A_1671 = arith.constant 1 : i32
        %swap3A_1672 = arith.index_cast %swap3A_1671 : i32 to index
        %swap3A_1673 = arith.index_cast %add3A_169 : i32 to index
        %swap3A_1674 = arith.constant 160 : index
        %swap3A_1675 = tpu.vector_load %arg9[%swap3A_1672, %swap3A_1673, %swap3A_1674] {strides = array<i32>} : memref<2x32x256xf32, #tpu.memory_space<vmem>>, vector<1x1x16xf32>,
        %swap3A_1676 = vector.shape_cast %swap3A_1675 : vector<1x1x16xf32> to vector<16xf32>
        %swap3A_1677 = vector.shape_cast %add3A_1670 : vector<16xf32> to vector<1x1x16xf32>
        tpu.vector_store %arg9[%swap3A_1672, %swap3A_1673, %swap3A_1674], %swap3A_1677 {strides = array<i32>} : memref<2x32x256xf32, #tpu.memory_space<vmem>>, vector<1x1x16xf32>,
        %mul3A_1678 = arith.constant 4 : i32
        %mul3A_1679 = arith.muli %mul3A_1678, %add3A_169 : i32
        %get3A_1680 = arith.constant 1 : i32
        %get3A_1681 = arith.index_cast %get3A_1680 : i32 to index
        %get3A_1682 = arith.index_cast %mul3A_1679 : i32 to index
        %get3A_1683 = arith.constant 176 : index
        %get3A_1684 = tpu.vector_load %arg8[%get3A_1681, %get3A_1682, %get3A_1683] {strides = array<i32>} : memref<2x128x256xf32, #tpu.memory_space<vmem>>, vector<1x1x16xf32>,
        %get3A_1685 = vector.shape_cast %get3A_1684 : vector<1x1x16xf32> to vector<16xf32>
        %mul3A_1686 = arith.constant 4 : i32
        %mul3A_1687 = arith.muli %mul3A_1686, %add3A_169 : i32
        %add3A_1688 = arith.constant 1 : i32
        %add3A_1689 = arith.addi %mul3A_1687, %add3A_1688 : i32
        %get3A_1690 = arith.constant 1 : i32
        %get3A_1691 = arith.index_cast %get3A_1690 : i32 to index
        %get3A_1692 = arith.index_cast %add3A_1689 : i32 to index
        %get3A_1693 = arith.constant 176 : index
        %get3A_1694 = tpu.vector_load %arg8[%get3A_1691, %get3A_1692, %get3A_1693] {strides = array<i32>} : memref<2x128x256xf32, #tpu.memory_space<vmem>>, vector<1x1x16xf32>,
        %get3A_1695 = vector.shape_cast %get3A_1694 : vector<1x1x16xf32> to vector<16xf32>
        %mul3A_1696 = arith.constant 4 : i32
        %mul3A_1697 = arith.muli %mul3A_1696, %add3A_169 : i32
        %add3A_1698 = arith.constant 2 : i32
        %add3A_1699 = arith.addi %mul3A_1697, %add3A_1698 : i32
        %get3A_1700 = arith.constant 1 : i32
        %get3A_1701 = arith.index_cast %get3A_1700 : i32 to index
        %get3A_1702 = arith.index_cast %add3A_1699 : i32 to index
        %get3A_1703 = arith.constant 176 : index
        %get3A_1704 = tpu.vector_load %arg8[%get3A_1701, %get3A_1702, %get3A_1703] {strides = array<i32>} : memref<2x128x256xf32, #tpu.memory_space<vmem>>, vector<1x1x16xf32>,
        %get3A_1705 = vector.shape_cast %get3A_1704 : vector<1x1x16xf32> to vector<16xf32>
        %mul3A_1706 = arith.constant 4 : i32
        %mul3A_1707 = arith.muli %mul3A_1706, %add3A_169 : i32
        %add3A_1708 = arith.constant 3 : i32
        %add3A_1709 = arith.addi %mul3A_1707, %add3A_1708 : i32
        %get3A_1710 = arith.constant 1 : i32
        %get3A_1711 = arith.index_cast %get3A_1710 : i32 to index
        %get3A_1712 = arith.index_cast %add3A_1709 : i32 to index
        %get3A_1713 = arith.constant 176 : index
        %get3A_1714 = tpu.vector_load %arg8[%get3A_1711, %get3A_1712, %get3A_1713] {strides = array<i32>} : memref<2x128x256xf32, #tpu.memory_space<vmem>>, vector<1x1x16xf32>,
        %get3A_1715 = vector.shape_cast %get3A_1714 : vector<1x1x16xf32> to vector<16xf32>
        %sub3A_1716 = arith.subf %get3A_1695, %get3A_1685 : vector<16xf32>
        %mul3A_1717 = arith.mulf %sub3A_1716, %gather3A_1073 : vector<16xf32>
        %add3A_1718 = arith.addf %get3A_1685, %mul3A_1717 : vector<16xf32>
        %sub3A_1719 = arith.subf %get3A_1715, %get3A_1705 : vector<16xf32>
        %mul3A_1720 = arith.mulf %sub3A_1719, %gather3A_1073 : vector<16xf32>
        %add3A_1721 = arith.addf %get3A_1705, %mul3A_1720 : vector<16xf32>
        %sub3A_1722 = arith.subf %add3A_1721, %add3A_1718 : vector<16xf32>
        %mul3A_1723 = arith.mulf %sub3A_1722, %gather3A_1083 : vector<16xf32>
        %add3A_1724 = arith.addf %add3A_1718, %mul3A_1723 : vector<16xf32>
        %swap3A_1725 = arith.constant 1 : i32
        %swap3A_1726 = arith.index_cast %swap3A_1725 : i32 to index
        %swap3A_1727 = arith.index_cast %add3A_169 : i32 to index
        %swap3A_1728 = arith.constant 176 : index
        %swap3A_1729 = tpu.vector_load %arg9[%swap3A_1726, %swap3A_1727, %swap3A_1728] {strides = array<i32>} : memref<2x32x256xf32, #tpu.memory_space<vmem>>, vector<1x1x16xf32>,
        %swap3A_1730 = vector.shape_cast %swap3A_1729 : vector<1x1x16xf32> to vector<16xf32>
        %swap3A_1731 = vector.shape_cast %add3A_1724 : vector<16xf32> to vector<1x1x16xf32>
        tpu.vector_store %arg9[%swap3A_1726, %swap3A_1727, %swap3A_1728], %swap3A_1731 {strides = array<i32>} : memref<2x32x256xf32, #tpu.memory_space<vmem>>, vector<1x1x16xf32>,
        %mul3A_1732 = arith.constant 4 : i32
        %mul3A_1733 = arith.muli %mul3A_1732, %add3A_169 : i32
        %get3A_1734 = arith.constant 1 : i32
        %get3A_1735 = arith.index_cast %get3A_1734 : i32 to index
        %get3A_1736 = arith.index_cast %mul3A_1733 : i32 to index
        %get3A_1737 = arith.constant 192 : index
        %get3A_1738 = tpu.vector_load %arg8[%get3A_1735, %get3A_1736, %get3A_1737] {strides = array<i32>} : memref<2x128x256xf32, #tpu.memory_space<vmem>>, vector<1x1x16xf32>,
        %get3A_1739 = vector.shape_cast %get3A_1738 : vector<1x1x16xf32> to vector<16xf32>
        %mul3A_1740 = arith.constant 4 : i32
        %mul3A_1741 = arith.muli %mul3A_1740, %add3A_169 : i32
        %add3A_1742 = arith.constant 1 : i32
        %add3A_1743 = arith.addi %mul3A_1741, %add3A_1742 : i32
        %get3A_1744 = arith.constant 1 : i32
        %get3A_1745 = arith.index_cast %get3A_1744 : i32 to index
        %get3A_1746 = arith.index_cast %add3A_1743 : i32 to index
        %get3A_1747 = arith.constant 192 : index
        %get3A_1748 = tpu.vector_load %arg8[%get3A_1745, %get3A_1746, %get3A_1747] {strides = array<i32>} : memref<2x128x256xf32, #tpu.memory_space<vmem>>, vector<1x1x16xf32>,
        %get3A_1749 = vector.shape_cast %get3A_1748 : vector<1x1x16xf32> to vector<16xf32>
        %mul3A_1750 = arith.constant 4 : i32
        %mul3A_1751 = arith.muli %mul3A_1750, %add3A_169 : i32
        %add3A_1752 = arith.constant 2 : i32
        %add3A_1753 = arith.addi %mul3A_1751, %add3A_1752 : i32
        %get3A_1754 = arith.constant 1 : i32
        %get3A_1755 = arith.index_cast %get3A_1754 : i32 to index
        %get3A_1756 = arith.index_cast %add3A_1753 : i32 to index
        %get3A_1757 = arith.constant 192 : index
        %get3A_1758 = tpu.vector_load %arg8[%get3A_1755, %get3A_1756, %get3A_1757] {strides = array<i32>} : memref<2x128x256xf32, #tpu.memory_space<vmem>>, vector<1x1x16xf32>,
        %get3A_1759 = vector.shape_cast %get3A_1758 : vector<1x1x16xf32> to vector<16xf32>
        %mul3A_1760 = arith.constant 4 : i32
        %mul3A_1761 = arith.muli %mul3A_1760, %add3A_169 : i32
        %add3A_1762 = arith.constant 3 : i32
        %add3A_1763 = arith.addi %mul3A_1761, %add3A_1762 : i32
        %get3A_1764 = arith.constant 1 : i32
        %get3A_1765 = arith.index_cast %get3A_1764 : i32 to index
        %get3A_1766 = arith.index_cast %add3A_1763 : i32 to index
        %get3A_1767 = arith.constant 192 : index
        %get3A_1768 = tpu.vector_load %arg8[%get3A_1765, %get3A_1766, %get3A_1767] {strides = array<i32>} : memref<2x128x256xf32, #tpu.memory_space<vmem>>, vector<1x1x16xf32>,
        %get3A_1769 = vector.shape_cast %get3A_1768 : vector<1x1x16xf32> to vector<16xf32>
        %sub3A_1770 = arith.subf %get3A_1749, %get3A_1739 : vector<16xf32>
        %mul3A_1771 = arith.mulf %sub3A_1770, %gather3A_1073 : vector<16xf32>
        %add3A_1772 = arith.addf %get3A_1739, %mul3A_1771 : vector<16xf32>
        %sub3A_1773 = arith.subf %get3A_1769, %get3A_1759 : vector<16xf32>
        %mul3A_1774 = arith.mulf %sub3A_1773, %gather3A_1073 : vector<16xf32>
        %add3A_1775 = arith.addf %get3A_1759, %mul3A_1774 : vector<16xf32>
        %sub3A_1776 = arith.subf %add3A_1775, %add3A_1772 : vector<16xf32>
        %mul3A_1777 = arith.mulf %sub3A_1776, %gather3A_1083 : vector<16xf32>
        %add3A_1778 = arith.addf %add3A_1772, %mul3A_1777 : vector<16xf32>
        %swap3A_1779 = arith.constant 1 : i32
        %swap3A_1780 = arith.index_cast %swap3A_1779 : i32 to index
        %swap3A_1781 = arith.index_cast %add3A_169 : i32 to index
        %swap3A_1782 = arith.constant 192 : index
        %swap3A_1783 = tpu.vector_load %arg9[%swap3A_1780, %swap3A_1781, %swap3A_1782] {strides = array<i32>} : memref<2x32x256xf32, #tpu.memory_space<vmem>>, vector<1x1x16xf32>,
        %swap3A_1784 = vector.shape_cast %swap3A_1783 : vector<1x1x16xf32> to vector<16xf32>
        %swap3A_1785 = vector.shape_cast %add3A_1778 : vector<16xf32> to vector<1x1x16xf32>
        tpu.vector_store %arg9[%swap3A_1780, %swap3A_1781, %swap3A_1782], %swap3A_1785 {strides = array<i32>} : memref<2x32x256xf32, #tpu.memory_space<vmem>>, vector<1x1x16xf32>,
        %mul3A_1786 = arith.constant 4 : i32
        %mul3A_1787 = arith.muli %mul3A_1786, %add3A_169 : i32
        %get3A_1788 = arith.constant 1 : i32
        %get3A_1789 = arith.index_cast %get3A_1788 : i32 to index
        %get3A_1790 = arith.index_cast %mul3A_1787 : i32 to index
        %get3A_1791 = arith.constant 208 : index
        %get3A_1792 = tpu.vector_load %arg8[%get3A_1789, %get3A_1790, %get3A_1791] {strides = array<i32>} : memref<2x128x256xf32, #tpu.memory_space<vmem>>, vector<1x1x16xf32>,
        %get3A_1793 = vector.shape_cast %get3A_1792 : vector<1x1x16xf32> to vector<16xf32>
        %mul3A_1794 = arith.constant 4 : i32
        %mul3A_1795 = arith.muli %mul3A_1794, %add3A_169 : i32
        %add3A_1796 = arith.constant 1 : i32
        %add3A_1797 = arith.addi %mul3A_1795, %add3A_1796 : i32
        %get3A_1798 = arith.constant 1 : i32
        %get3A_1799 = arith.index_cast %get3A_1798 : i32 to index
        %get3A_1800 = arith.index_cast %add3A_1797 : i32 to index
        %get3A_1801 = arith.constant 208 : index
        %get3A_1802 = tpu.vector_load %arg8[%get3A_1799, %get3A_1800, %get3A_1801] {strides = array<i32>} : memref<2x128x256xf32, #tpu.memory_space<vmem>>, vector<1x1x16xf32>,
        %get3A_1803 = vector.shape_cast %get3A_1802 : vector<1x1x16xf32> to vector<16xf32>
        %mul3A_1804 = arith.constant 4 : i32
        %mul3A_1805 = arith.muli %mul3A_1804, %add3A_169 : i32
        %add3A_1806 = arith.constant 2 : i32
        %add3A_1807 = arith.addi %mul3A_1805, %add3A_1806 : i32
        %get3A_1808 = arith.constant 1 : i32
        %get3A_1809 = arith.index_cast %get3A_1808 : i32 to index
        %get3A_1810 = arith.index_cast %add3A_1807 : i32 to index
        %get3A_1811 = arith.constant 208 : index
        %get3A_1812 = tpu.vector_load %arg8[%get3A_1809, %get3A_1810, %get3A_1811] {strides = array<i32>} : memref<2x128x256xf32, #tpu.memory_space<vmem>>, vector<1x1x16xf32>,
        %get3A_1813 = vector.shape_cast %get3A_1812 : vector<1x1x16xf32> to vector<16xf32>
        %mul3A_1814 = arith.constant 4 : i32
        %mul3A_1815 = arith.muli %mul3A_1814, %add3A_169 : i32
        %add3A_1816 = arith.constant 3 : i32
        %add3A_1817 = arith.addi %mul3A_1815, %add3A_1816 : i32
        %get3A_1818 = arith.constant 1 : i32
        %get3A_1819 = arith.index_cast %get3A_1818 : i32 to index
        %get3A_1820 = arith.index_cast %add3A_1817 : i32 to index
        %get3A_1821 = arith.constant 208 : index
        %get3A_1822 = tpu.vector_load %arg8[%get3A_1819, %get3A_1820, %get3A_1821] {strides = array<i32>} : memref<2x128x256xf32, #tpu.memory_space<vmem>>, vector<1x1x16xf32>,
        %get3A_1823 = vector.shape_cast %get3A_1822 : vector<1x1x16xf32> to vector<16xf32>
        %sub3A_1824 = arith.subf %get3A_1803, %get3A_1793 : vector<16xf32>
        %mul3A_1825 = arith.mulf %sub3A_1824, %gather3A_1073 : vector<16xf32>
        %add3A_1826 = arith.addf %get3A_1793, %mul3A_1825 : vector<16xf32>
        %sub3A_1827 = arith.subf %get3A_1823, %get3A_1813 : vector<16xf32>
        %mul3A_1828 = arith.mulf %sub3A_1827, %gather3A_1073 : vector<16xf32>
        %add3A_1829 = arith.addf %get3A_1813, %mul3A_1828 : vector<16xf32>
        %sub3A_1830 = arith.subf %add3A_1829, %add3A_1826 : vector<16xf32>
        %mul3A_1831 = arith.mulf %sub3A_1830, %gather3A_1083 : vector<16xf32>
        %add3A_1832 = arith.addf %add3A_1826, %mul3A_1831 : vector<16xf32>
        %swap3A_1833 = arith.constant 1 : i32
        %swap3A_1834 = arith.index_cast %swap3A_1833 : i32 to index
        %swap3A_1835 = arith.index_cast %add3A_169 : i32 to index
        %swap3A_1836 = arith.constant 208 : index
        %swap3A_1837 = tpu.vector_load %arg9[%swap3A_1834, %swap3A_1835, %swap3A_1836] {strides = array<i32>} : memref<2x32x256xf32, #tpu.memory_space<vmem>>, vector<1x1x16xf32>,
        %swap3A_1838 = vector.shape_cast %swap3A_1837 : vector<1x1x16xf32> to vector<16xf32>
        %swap3A_1839 = vector.shape_cast %add3A_1832 : vector<16xf32> to vector<1x1x16xf32>
        tpu.vector_store %arg9[%swap3A_1834, %swap3A_1835, %swap3A_1836], %swap3A_1839 {strides = array<i32>} : memref<2x32x256xf32, #tpu.memory_space<vmem>>, vector<1x1x16xf32>,
        %mul3A_1840 = arith.constant 4 : i32
        %mul3A_1841 = arith.muli %mul3A_1840, %add3A_169 : i32
        %get3A_1842 = arith.constant 1 : i32
        %get3A_1843 = arith.index_cast %get3A_1842 : i32 to index
        %get3A_1844 = arith.index_cast %mul3A_1841 : i32 to index
        %get3A_1845 = arith.constant 224 : index
        %get3A_1846 = tpu.vector_load %arg8[%get3A_1843, %get3A_1844, %get3A_1845] {strides = array<i32>} : memref<2x128x256xf32, #tpu.memory_space<vmem>>, vector<1x1x16xf32>,
        %get3A_1847 = vector.shape_cast %get3A_1846 : vector<1x1x16xf32> to vector<16xf32>
        %mul3A_1848 = arith.constant 4 : i32
        %mul3A_1849 = arith.muli %mul3A_1848, %add3A_169 : i32
        %add3A_1850 = arith.constant 1 : i32
        %add3A_1851 = arith.addi %mul3A_1849, %add3A_1850 : i32
        %get3A_1852 = arith.constant 1 : i32
        %get3A_1853 = arith.index_cast %get3A_1852 : i32 to index
        %get3A_1854 = arith.index_cast %add3A_1851 : i32 to index
        %get3A_1855 = arith.constant 224 : index
        %get3A_1856 = tpu.vector_load %arg8[%get3A_1853, %get3A_1854, %get3A_1855] {strides = array<i32>} : memref<2x128x256xf32, #tpu.memory_space<vmem>>, vector<1x1x16xf32>,
        %get3A_1857 = vector.shape_cast %get3A_1856 : vector<1x1x16xf32> to vector<16xf32>
        %mul3A_1858 = arith.constant 4 : i32
        %mul3A_1859 = arith.muli %mul3A_1858, %add3A_169 : i32
        %add3A_1860 = arith.constant 2 : i32
        %add3A_1861 = arith.addi %mul3A_1859, %add3A_1860 : i32
        %get3A_1862 = arith.constant 1 : i32
        %get3A_1863 = arith.index_cast %get3A_1862 : i32 to index
        %get3A_1864 = arith.index_cast %add3A_1861 : i32 to index
        %get3A_1865 = arith.constant 224 : index
        %get3A_1866 = tpu.vector_load %arg8[%get3A_1863, %get3A_1864, %get3A_1865] {strides = array<i32>} : memref<2x128x256xf32, #tpu.memory_space<vmem>>, vector<1x1x16xf32>,
        %get3A_1867 = vector.shape_cast %get3A_1866 : vector<1x1x16xf32> to vector<16xf32>
        %mul3A_1868 = arith.constant 4 : i32
        %mul3A_1869 = arith.muli %mul3A_1868, %add3A_169 : i32
        %add3A_1870 = arith.constant 3 : i32
        %add3A_1871 = arith.addi %mul3A_1869, %add3A_1870 : i32
        %get3A_1872 = arith.constant 1 : i32
        %get3A_1873 = arith.index_cast %get3A_1872 : i32 to index
        %get3A_1874 = arith.index_cast %add3A_1871 : i32 to index
        %get3A_1875 = arith.constant 224 : index
        %get3A_1876 = tpu.vector_load %arg8[%get3A_1873, %get3A_1874, %get3A_1875] {strides = array<i32>} : memref<2x128x256xf32, #tpu.memory_space<vmem>>, vector<1x1x16xf32>,
        %get3A_1877 = vector.shape_cast %get3A_1876 : vector<1x1x16xf32> to vector<16xf32>
        %sub3A_1878 = arith.subf %get3A_1857, %get3A_1847 : vector<16xf32>
        %mul3A_1879 = arith.mulf %sub3A_1878, %gather3A_1073 : vector<16xf32>
        %add3A_1880 = arith.addf %get3A_1847, %mul3A_1879 : vector<16xf32>
        %sub3A_1881 = arith.subf %get3A_1877, %get3A_1867 : vector<16xf32>
        %mul3A_1882 = arith.mulf %sub3A_1881, %gather3A_1073 : vector<16xf32>
        %add3A_1883 = arith.addf %get3A_1867, %mul3A_1882 : vector<16xf32>
        %sub3A_1884 = arith.subf %add3A_1883, %add3A_1880 : vector<16xf32>
        %mul3A_1885 = arith.mulf %sub3A_1884, %gather3A_1083 : vector<16xf32>
        %add3A_1886 = arith.addf %add3A_1880, %mul3A_1885 : vector<16xf32>
        %swap3A_1887 = arith.constant 1 : i32
        %swap3A_1888 = arith.index_cast %swap3A_1887 : i32 to index
        %swap3A_1889 = arith.index_cast %add3A_169 : i32 to index
        %swap3A_1890 = arith.constant 224 : index
        %swap3A_1891 = tpu.vector_load %arg9[%swap3A_1888, %swap3A_1889, %swap3A_1890] {strides = array<i32>} : memref<2x32x256xf32, #tpu.memory_space<vmem>>, vector<1x1x16xf32>,
        %swap3A_1892 = vector.shape_cast %swap3A_1891 : vector<1x1x16xf32> to vector<16xf32>
        %swap3A_1893 = vector.shape_cast %add3A_1886 : vector<16xf32> to vector<1x1x16xf32>
        tpu.vector_store %arg9[%swap3A_1888, %swap3A_1889, %swap3A_1890], %swap3A_1893 {strides = array<i32>} : memref<2x32x256xf32, #tpu.memory_space<vmem>>, vector<1x1x16xf32>,
        %mul3A_1894 = arith.constant 4 : i32
        %mul3A_1895 = arith.muli %mul3A_1894, %add3A_169 : i32
        %get3A_1896 = arith.constant 1 : i32
        %get3A_1897 = arith.index_cast %get3A_1896 : i32 to index
        %get3A_1898 = arith.index_cast %mul3A_1895 : i32 to index
        %get3A_1899 = arith.constant 240 : index
        %get3A_1900 = tpu.vector_load %arg8[%get3A_1897, %get3A_1898, %get3A_1899] {strides = array<i32>} : memref<2x128x256xf32, #tpu.memory_space<vmem>>, vector<1x1x16xf32>,
        %get3A_1901 = vector.shape_cast %get3A_1900 : vector<1x1x16xf32> to vector<16xf32>
        %mul3A_1902 = arith.constant 4 : i32
        %mul3A_1903 = arith.muli %mul3A_1902, %add3A_169 : i32
        %add3A_1904 = arith.constant 1 : i32
        %add3A_1905 = arith.addi %mul3A_1903, %add3A_1904 : i32
        %get3A_1906 = arith.constant 1 : i32
        %get3A_1907 = arith.index_cast %get3A_1906 : i32 to index
        %get3A_1908 = arith.index_cast %add3A_1905 : i32 to index
        %get3A_1909 = arith.constant 240 : index
        %get3A_1910 = tpu.vector_load %arg8[%get3A_1907, %get3A_1908, %get3A_1909] {strides = array<i32>} : memref<2x128x256xf32, #tpu.memory_space<vmem>>, vector<1x1x16xf32>,
        %get3A_1911 = vector.shape_cast %get3A_1910 : vector<1x1x16xf32> to vector<16xf32>
        %mul3A_1912 = arith.constant 4 : i32
        %mul3A_1913 = arith.muli %mul3A_1912, %add3A_169 : i32
        %add3A_1914 = arith.constant 2 : i32
        %add3A_1915 = arith.addi %mul3A_1913, %add3A_1914 : i32
        %get3A_1916 = arith.constant 1 : i32
        %get3A_1917 = arith.index_cast %get3A_1916 : i32 to index
        %get3A_1918 = arith.index_cast %add3A_1915 : i32 to index
        %get3A_1919 = arith.constant 240 : index
        %get3A_1920 = tpu.vector_load %arg8[%get3A_1917, %get3A_1918, %get3A_1919] {strides = array<i32>} : memref<2x128x256xf32, #tpu.memory_space<vmem>>, vector<1x1x16xf32>,
        %get3A_1921 = vector.shape_cast %get3A_1920 : vector<1x1x16xf32> to vector<16xf32>
        %mul3A_1922 = arith.constant 4 : i32
        %mul3A_1923 = arith.muli %mul3A_1922, %add3A_169 : i32
        %add3A_1924 = arith.constant 3 : i32
        %add3A_1925 = arith.addi %mul3A_1923, %add3A_1924 : i32
        %get3A_1926 = arith.constant 1 : i32
        %get3A_1927 = arith.index_cast %get3A_1926 : i32 to index
        %get3A_1928 = arith.index_cast %add3A_1925 : i32 to index
        %get3A_1929 = arith.constant 240 : index
        %get3A_1930 = tpu.vector_load %arg8[%get3A_1927, %get3A_1928, %get3A_1929] {strides = array<i32>} : memref<2x128x256xf32, #tpu.memory_space<vmem>>, vector<1x1x16xf32>,
        %get3A_1931 = vector.shape_cast %get3A_1930 : vector<1x1x16xf32> to vector<16xf32>
        %sub3A_1932 = arith.subf %get3A_1911, %get3A_1901 : vector<16xf32>
        %mul3A_1933 = arith.mulf %sub3A_1932, %gather3A_1073 : vector<16xf32>
        %add3A_1934 = arith.addf %get3A_1901, %mul3A_1933 : vector<16xf32>
        %sub3A_1935 = arith.subf %get3A_1931, %get3A_1921 : vector<16xf32>
        %mul3A_1936 = arith.mulf %sub3A_1935, %gather3A_1073 : vector<16xf32>
        %add3A_1937 = arith.addf %get3A_1921, %mul3A_1936 : vector<16xf32>
        %sub3A_1938 = arith.subf %add3A_1937, %add3A_1934 : vector<16xf32>
        %mul3A_1939 = arith.mulf %sub3A_1938, %gather3A_1083 : vector<16xf32>
        %add3A_1940 = arith.addf %add3A_1934, %mul3A_1939 : vector<16xf32>
        %swap3A_1941 = arith.constant 1 : i32
        %swap3A_1942 = arith.index_cast %swap3A_1941 : i32 to index
        %swap3A_1943 = arith.index_cast %add3A_169 : i32 to index
        %swap3A_1944 = arith.constant 240 : index
        %swap3A_1945 = tpu.vector_load %arg9[%swap3A_1942, %swap3A_1943, %swap3A_1944] {strides = array<i32>} : memref<2x32x256xf32, #tpu.memory_space<vmem>>, vector<1x1x16xf32>,
        %swap3A_1946 = vector.shape_cast %swap3A_1945 : vector<1x1x16xf32> to vector<16xf32>
        %swap3A_1947 = vector.shape_cast %add3A_1940 : vector<16xf32> to vector<1x1x16xf32>
        tpu.vector_store %arg9[%swap3A_1942, %swap3A_1943, %swap3A_1944], %swap3A_1947 {strides = array<i32>} : memref<2x32x256xf32, #tpu.memory_space<vmem>>, vector<1x1x16xf32>,
      }
      %scan3A_139 = arith.constant 16 : i32
      %mul3A_140 = arith.constant 32 : i32
      %mul3A_141 = arith.muli %add3A_116, %mul3A_140 : i32
      %add3A_142 = arith.addi %min3A_3, %mul3A_141 : i32
      %dma_start3A_143 = arith.constant 1 : i32
      %dma_start3A_144 = arith.constant 0 : i32
      %dma_start3A_145 = arith.constant 0 : i32
      %dma_start3A_146 = tpu.memref_slice %arg9[%dma_start3A_143, %dma_start3A_144, %dma_start3A_145] : memref<2x32x256xf32, #tpu.memory_space<vmem>> -> memref<1x32x256xf32, #tpu.memory_space<vmem>>
      %dma_start3A_147 = tpu.memref_squeeze %dma_start3A_146 : memref<1x32x256xf32, #tpu.memory_space<vmem>> -> memref<32x256xf32, #tpu.memory_space<vmem>>
      %dma_start3A_148 = arith.constant 0 : i32
      %dma_start3A_149 = tpu.memref_slice %arg5[%add3A_142, %dma_start3A_148] : memref<98000x256xf32, #tpu.memory_space<hbm>> -> memref<32x256xf32, #tpu.memory_space<hbm>>
      %dma_start3A_150 = arith.constant 0 : i32
      %dma_start3A_151 = tpu.memref_slice %arg5[%add3A_142, %dma_start3A_150] : memref<98000x256xf32, #tpu.memory_space<hbm>> -> memref<32x256xf32, #tpu.memory_space<hbm>>
      %dma_start3A_152 = arith.constant 0 : i32
      %dma_start3A_153 = arith.constant 0 : i32
      %dma_start3A_154 = tpu.memref_slice %arg9[%dma_start3A_143, %dma_start3A_152, %dma_start3A_153] : memref<2x32x256xf32, #tpu.memory_space<vmem>> -> memref<1x32x256xf32, #tpu.memory_space<vmem>>
      %dma_start3A_155 = tpu.memref_squeeze %dma_start3A_154 : memref<1x32x256xf32, #tpu.memory_space<vmem>> -> memref<32x256xf32, #tpu.memory_space<vmem>>
      tpu.enqueue_dma source(%dma_start3A_155 : memref<32x256xf32, #tpu.memory_space<vmem>>) target(%dma_start3A_151 : memref<32x256xf32, #tpu.memory_space<hbm>>) target_semaphore(%arg13 : memref<!tpu.dma_semaphore, #tpu.memory_space<semaphore_mem>>)
      %add3A_156 = arith.constant 2 : i32
      %add3A_157 = arith.addi %add3A_116, %add3A_156 : i32
      %lt3A_158 = arith.constant 96 : i32
      %lt3A_159 = arith.cmpi slt, %add3A_157, %lt3A_158 : i32
      %convert_element_type3A_160 = arith.extui %lt3A_159 : i1 to i32
      %cond3A_161 = arith.constant 0 : i32
      %cond3A_162 = arith.cmpi ne, %convert_element_type3A_160, %cond3A_161 : i32
      scf.if %cond3A_162 {
        %add3A_163 = arith.constant 2 : i32
        %add3A_164 = arith.addi %add3A_116, %add3A_163 : i32
        %mul3A_165 = arith.constant 4 : i32
        %mul3A_166 = arith.muli %add3A_164, %mul3A_165 : i32
        %mul3A_167 = arith.constant 32 : i32
        %mul3A_168 = arith.muli %mul3A_166, %mul3A_167 : i32
        %dma_start3A_169 = arith.constant 1 : i32
        %dma_start3A_170 = arith.constant 0 : i32
        %dma_start3A_171 = arith.constant 0 : i32
        %dma_start3A_172 = tpu.memref_slice %arg8[%dma_start3A_169, %dma_start3A_170, %dma_start3A_171] : memref<2x128x256xf32, #tpu.memory_space<vmem>> -> memref<1x128x256xf32, #tpu.memory_space<vmem>>
        %dma_start3A_173 = tpu.memref_squeeze %dma_start3A_172 : memref<1x128x256xf32, #tpu.memory_space<vmem>> -> memref<128x256xf32, #tpu.memory_space<vmem>>
        %dma_start3A_174 = tpu.memref_slice %arg6[%mul3A_168] : memref<12288xi32, #tpu.memory_space<vmem>> -> memref<128xi32, #tpu.memory_space<vmem>>
        %dma_start3A_175 = arith.constant 0 : i32
        %dma_start3A_176 = arith.constant 0 : i32
        %dma_start3A_177 = tpu.memref_slice %arg2[%dma_start3A_175, %dma_start3A_176] : memref<40960x256xf32, #tpu.memory_space<hbm>> -> memref<40960x256xf32, #tpu.memory_space<hbm>>
        tpu.enqueue_indirect_dma source(%dma_start3A_177 : memref<40960x256xf32, #tpu.memory_space<hbm>>) target(%dma_start3A_173 : memref<128x256xf32, #tpu.memory_space<vmem>>) offsets(%dma_start3A_174 : memref<128xi32, #tpu.memory_space<vmem>>) semaphore(%arg11 : memref<!tpu.dma_semaphore, #tpu.memory_space<semaphore_mem>>)
      } else {
      }
    }
    %scan3A_36 = arith.constant 48 : i32
    %add3A_37 = arith.constant 3008 : i32
    %add3A_38 = arith.addi %min3A_3, %add3A_37 : i32
    %dma_wait3A = arith.constant 0 : i32
    %dma_wait3A_39 = arith.constant 0 : i32
    %dma_wait3A_40 = arith.constant 0 : i32
    %dma_wait3A_41 = tpu.memref_slice %arg9[%dma_wait3A, %dma_wait3A_39, %dma_wait3A_40] : memref<2x32x256xf32, #tpu.memory_space<vmem>> -> memref<1x32x256xf32, #tpu.memory_space<vmem>>
    %dma_wait3A_42 = tpu.memref_squeeze %dma_wait3A_41 : memref<1x32x256xf32, #tpu.memory_space<vmem>> -> memref<32x256xf32, #tpu.memory_space<vmem>>
    %dma_wait3A_43 = arith.constant 0 : i32
    %dma_wait3A_44 = tpu.memref_slice %arg5[%add3A_38, %dma_wait3A_43] : memref<98000x256xf32, #tpu.memory_space<hbm>> -> memref<32x256xf32, #tpu.memory_space<hbm>>
    %dma_wait3A_45 = arith.constant 0 : i32
    %dma_wait3A_46 = tpu.memref_slice %arg5[%add3A_38, %dma_wait3A_45] : memref<98000x256xf32, #tpu.memory_space<hbm>> -> memref<32x256xf32, #tpu.memory_space<hbm>>
    %dma_wait3A_47 = arith.constant 0 : i32
    %dma_wait3A_48 = arith.constant 0 : i32
    %dma_wait3A_49 = tpu.memref_slice %arg9[%dma_wait3A, %dma_wait3A_47, %dma_wait3A_48] : memref<2x32x256xf32, #tpu.memory_space<vmem>> -> memref<1x32x256xf32, #tpu.memory_space<vmem>>
    %dma_wait3A_50 = tpu.memref_squeeze %dma_wait3A_49 : memref<1x32x256xf32, #tpu.memory_space<vmem>> -> memref<32x256xf32, #tpu.memory_space<vmem>>
    tpu.wait_dma2 semaphore(%arg12 : memref<!tpu.dma_semaphore, #tpu.memory_space<semaphore_mem>>) src(%dma_wait3A_50 : memref<32x256xf32, #tpu.memory_space<vmem>>) dst(%dma_wait3A_46 : memref<32x256xf32, #tpu.memory_space<hbm>>)
    %add3A_51 = arith.constant 3040 : i32
    %add3A_52 = arith.addi %min3A_3, %add3A_51 : i32
    %dma_wait3A_53 = arith.constant 1 : i32
    %dma_wait3A_54 = arith.constant 0 : i32
    %dma_wait3A_55 = arith.constant 0 : i32
    %dma_wait3A_56 = tpu.memref_slice %arg9[%dma_wait3A_53, %dma_wait3A_54, %dma_wait3A_55] : memref<2x32x256xf32, #tpu.memory_space<vmem>> -> memref<1x32x256xf32, #tpu.memory_space<vmem>>
    %dma_wait3A_57 = tpu.memref_squeeze %dma_wait3A_56 : memref<1x32x256xf32, #tpu.memory_space<vmem>> -> memref<32x256xf32, #tpu.memory_space<vmem>>
    %dma_wait3A_58 = arith.constant 0 : i32
    %dma_wait3A_59 = tpu.memref_slice %arg5[%add3A_52, %dma_wait3A_58] : memref<98000x256xf32, #tpu.memory_space<hbm>> -> memref<32x256xf32, #tpu.memory_space<hbm>>
    %dma_wait3A_60 = arith.constant 0 : i32
    %dma_wait3A_61 = tpu.memref_slice %arg5[%add3A_52, %dma_wait3A_60] : memref<98000x256xf32, #tpu.memory_space<hbm>> -> memref<32x256xf32, #tpu.memory_space<hbm>>
    %dma_wait3A_62 = arith.constant 0 : i32
    %dma_wait3A_63 = arith.constant 0 : i32
    %dma_wait3A_64 = tpu.memref_slice %arg9[%dma_wait3A_53, %dma_wait3A_62, %dma_wait3A_63] : memref<2x32x256xf32, #tpu.memory_space<vmem>> -> memref<1x32x256xf32, #tpu.memory_space<vmem>>
    %dma_wait3A_65 = tpu.memref_squeeze %dma_wait3A_64 : memref<1x32x256xf32, #tpu.memory_space<vmem>> -> memref<32x256xf32, #tpu.memory_space<vmem>>
    tpu.wait_dma2 semaphore(%arg13 : memref<!tpu.dma_semaphore, #tpu.memory_space<semaphore_mem>>) src(%dma_wait3A_65 : memref<32x256xf32, #tpu.memory_space<vmem>>) dst(%dma_wait3A_61 : memref<32x256xf32, #tpu.memory_space<hbm>>)
    return
  }
}

module attributes {stable_mosaic.version = 14 : i64} {
  func.func @body(%arg0: i32, %arg1: memref<1024x256xf32, #tpu.memory_space<vmem>>, %arg2: memref<1024x256xf32, #tpu.memory_space<vmem>>, %arg3: memref<1024x256xf32, #tpu.memory_space<vmem>>) attributes {dimension_semantics = [#tpu.dimension_semantics<arbitrary>], iteration_bounds = array<i64: 40>, scalar_prefetch = 0 : i64, scratch_operands = 0 : i64, tpu.core_type = #tpu.core_type<tc>, window_params = [{transform_indices = @transform_0, window_bounds = array<i64: 1024, 256>}, {transform_indices = @transform_1, window_bounds = array<i64: 1024, 256>}, {transform_indices = @transform_2, window_bounds = array<i64: 1024, 256>}]} {
    %lt3A = arith.constant 32 : i32
    %lt3A_0 = arith.cmpi slt, %arg0, %lt3A : i32
    %convert_element_type3A = arith.extui %lt3A_0 : i1 to i32
    %cond3A = arith.constant 0 : i32
    %cond3A_1 = arith.cmpi ne, %convert_element_type3A, %cond3A : i32
    scf.if %cond3A_1 {
      %get3A = arith.constant 0 : index
      %get3A_6 = arith.constant 0 : index
      %get3A_7 = vector.load %arg1[%get3A, %get3A_6] : memref<1024x256xf32, #tpu.memory_space<vmem>>, vector<1024x256xf32>
      %swap3A = arith.constant 0 : index
      %swap3A_8 = arith.constant 0 : index
      %swap3A_9 = vector.load %arg3[%swap3A, %swap3A_8] : memref<1024x256xf32, #tpu.memory_space<vmem>>, vector<1024x256xf32>
      tpu.vector_store %arg3[%swap3A, %swap3A_8], %get3A_7 {strides = array<i32>} : memref<1024x256xf32, #tpu.memory_space<vmem>>, vector<1024x256xf32>,
    } else {
    }
    %ge3A = arith.constant 32 : i32
    %ge3A_2 = arith.cmpi sge, %arg0, %ge3A : i32
    %convert_element_type3A_3 = arith.extui %ge3A_2 : i1 to i32
    %cond3A_4 = arith.constant 0 : i32
    %cond3A_5 = arith.cmpi ne, %convert_element_type3A_3, %cond3A_4 : i32
    scf.if %cond3A_5 {
      %get3A = arith.constant 0 : index
      %get3A_6 = arith.constant 0 : index
      %get3A_7 = vector.load %arg2[%get3A, %get3A_6] : memref<1024x256xf32, #tpu.memory_space<vmem>>, vector<1024x256xf32>
      %swap3A = arith.constant 0 : index
      %swap3A_8 = arith.constant 0 : index
      %swap3A_9 = vector.load %arg3[%swap3A, %swap3A_8] : memref<1024x256xf32, #tpu.memory_space<vmem>>, vector<1024x256xf32>
      tpu.vector_store %arg3[%swap3A, %swap3A_8], %get3A_7 {strides = array<i32>} : memref<1024x256xf32, #tpu.memory_space<vmem>>, vector<1024x256xf32>,
    } else {
    }
    return
  }
  func.func @transform_0(%arg0: i32) -> (i32, i32) {
    %min3A = arith.constant 31 : i32
    %min3A_0 = arith.minsi %arg0, %min3A : i32
    %c0_i32 = arith.constant 0 : i32
    %c0_i32_1 = arith.constant 0 : i32
    return %min3A_0, %c0_i32 : i32, i32
  }
  func.func @transform_1(%arg0: i32) -> (i32, i32) {
    %sub3A = arith.constant 32 : i32
    %sub3A_0 = arith.subi %arg0, %sub3A : i32
    %max3A = arith.constant 0 : i32
    %max3A_1 = arith.maxsi %sub3A_0, %max3A : i32
    %c0_i32 = arith.constant 0 : i32
    %c0_i32_2 = arith.constant 0 : i32
    return %max3A_1, %c0_i32 : i32, i32
  }
  func.func @transform_2(%arg0: i32) -> (i32, i32) {
    %c0_i32 = arith.constant 0 : i32
    %c0_i32_0 = arith.constant 0 : i32
    return %arg0, %c0_i32 : i32, i32
  }
}

</mosaic_0001>

<sc_bundles>
// kernel: kernel.4.cloned.1.call-start
scs
__scs_entry_jumppad:
0x0: {  	(pc) =	sbr.rel $0x88, $3  }
0x1: {  	(tag) =	ssettag $0x0;
	lr =	simm.s32 $0x1  }
0x2: {  	[smem:$0x3F9E] =	sst lr;
	_ =	strace $0xD0000000  }
0x3: {  	_ = 	snop  }
0x4: {  	_ = 	snop  }
0x5: {  	_ = 	snop  }
0x6: {  	_ = 	snop  }
0x7: {  	_ = 	snop  }
__scs_overlays_trampoline_lowered:
0x8: {  	[smem:$0x3FAD] =	sst s0  }
0x9: {  	[smem:$0x3FAE] =	sst s1  }
0xa: {  	[smem:$0x3FAF] =	sst s2  }
0xb: {  	[smem:$0x3FB0] =	sst s3  }
0xc: {  	[smem:$0x3FB1] =	sst s4  }
0xd: {  	[smem:$0x3FB2] =	sst s5  }
0xe: {  	[smem:$0x3FB3] =	sst s6  }
0xf: {  	[smem:$0x3FB4] =	sst s7  }
0x10: {  	[smem:$0x3FB5] =	sst s8  }
0x11: {  	[smem:$0x3FB6] =	sst s9;
	s0 =	simm.s32 @!p0 $0x0  }
0x12: {  	s1 =	sld [smem:$0x3F9C];
	s0 =	simm.s32 @p0 $0x1  }
0x13: {  	[smem:$0x3FB7] =	sst s0;
	s0 =	simm.s32 @!p1 $0x0  }
0x14: {  	s2 =	sld [smem:$0x3F9B];
	s0 =	simm.s32 @p1 $0x1  }
0x15: {  	[smem:$0x3FB8] =	sst s0;
	s0 =	simm.s32 @!p2 $0x0  }
0x16: {  	s3 =	sld [smem:$0x3FDB];
	s0 =	simm.s32 @p2 $0x1  }
0x17: {  	s4 =	simm.s32 $0x1BF5;
	[smem:$0x3FBA] =	sst s0  }
0x18: {  	s0 =	sld [smem:$0x3F9D];
	_ =	swait.ge [sflag:s4], $0x0  }
0x19: {  	s7 =	sld [smem:$0x3F9E]  }
0x1a: {  	s8 =	sadd.s32 $0xFFFFE003, lr  }
0x1b: {  	s9 =	sadd.s32 $0xFFFFFEF7, lr;
	s5 =	simm.s32 $0xFFFFFFFF;
	p2 =	slt.u32 s8, $0xFFFFF086  }
0x1c: {  	p1 =	slt.u32 s9, $0xF7A;
	s5 =	simm.s32 @!p2 $0x0  }
0x1d: {  	s5 =	simm.s32 @p1 $0x1;
	p0 =	seq.s32 s7, s2  }
0x1e: {  	s7 =	smul.u32 @!p0 $0xF7A, s2;
	p2 =	seq.s32 @!p0 s5, $0x0  }
0x1f: {  	s9 =	smul.u32 $0xF7A, s1;
	s8 =	simm.s32 @!p0 $0x1BF5;
	p2 =	por !p2, p0  }
0x20: {  	[sflag:s8] =	ssyncset.s32 @!p0 $0xFFFFF086;
	s6 =	sadd.s32 @!p0 s3, s7;
	s7 =	simm.s32 @!p0 $0x108  }
0x21: {  	s3 =	sadd.s32 s3, s9;
	s6 =	sadd.s32 @!p0 $0x88, s6;
	s7 =	simm.s32 @p2 $0x1082  }
0x22: {  	[simem:s7], [sflag:s8] =	dma.local @!p0 [hbm:s6], $0xF7A  }
0x23: {  	s9 =	sor.u32 $0xD0000000, s2;
	s6 =	simm.s32 $0x108;
	_ =	swait.ge @!p0 [sflag:s8], $0x0  }
0x24: {  	s3 =	sadd.s32 $0x88, s3;
	s6 =	simm.s32 @!p1 $0x1082;
	[sflag:s4] =	ssyncset.s32 $0xFFFFF086  }
0x25: {  	[simem:s6], [sflag:s4] =	dma.local [hbm:s3], $0xF7A  }
0x26: {  	[smem:$0x3F9E] =	sst s1;
	(tag) =	ssettag s2;
	_ =	strace s9  }
0x27: {  	s1 =	sld [smem:$0x3FAE]  }
0x28: {  	s2 =	sld [smem:$0x3FAF]  }
0x29: {  	s4 =	sld [smem:$0x3FB1]  }
0x2a: {  	p0 =	seq.s32 s5, $0x0;
	s5 =	sld [smem:$0x3FB2]  }
0x2b: {  	s6 =	sld [smem:$0x3FB3]  }
0x2c: {  	s7 =	sld [smem:$0x3FB4]  }
0x2d: {  	s3 =	simm.s32 $0x108;
	s8 =	sld [smem:$0x3FB5]  }
0x2e: {  	s3 =	simm.s32 @!p0 $0x1082;
	s9 =	sld [smem:$0x3FB6]  }
0x2f: {  	lr =	sadd.s32 s0, s3;
	s0 =	sld [smem:$0x3FAD]  }
0x30: {  	s3 =	sld [smem:$0x3FB0]  }
0x31: {  	[smem:$0x3FB9] =	sst s10  }
0x32: {  	s10 =	sld [smem:$0x3FB7];
	_ =	sdelay $0x3  }
0x33: {  	p0 =	seq.s32 s10, $0x1;
	s10 =	sld [smem:$0x3FB9];
	_ =	sdelay $0x3  }
0x34: {  	[smem:$0x3FB9] =	sst s10  }
0x35: {  	s10 =	sld [smem:$0x3FB8];
	_ =	sdelay $0x3  }
0x36: {  	p1 =	seq.s32 s10, $0x1;
	s10 =	sld [smem:$0x3FB9];
	_ =	sdelay $0x3  }
0x37: {  	[smem:$0x3FB9] =	sst s10  }
0x38: {  	s10 =	sld [smem:$0x3FBA]  }
0x39: {  	_ = 	snop;
	(pc) =	sbr.ind lr, $3  }
0x3a: {  	_ = 	snop  }
0x3b: {  	_ = 	snop  }
0x3c: {  	p2 =	seq.s32 s10, $0x1;
	s10 =	sld [smem:$0x3FB9]  }
0x3d: {  	_ =	shalt  }
0x3e: {  	_ =	shalt  }
0x3f: {  	_ =	shalt  }
0x40: {  	_ =	shalt  }
0x41: {  	_ =	shalt  }
0x42: {  	_ =	shalt  }
0x43: {  	_ =	shalt  }
0x44: {  	_ =	shalt  }
0x45: {  	_ =	shalt  }
0x46: {  	_ =	shalt  }
0x47: {  	_ =	shalt  }
0x48: {  	_ =	shalt  }
0x49: {  	_ =	shalt  }
0x4a: {  	_ =	shalt  }
0x4b: {  	_ =	shalt  }
0x4c: {  	_ =	shalt  }
0x4d: {  	_ =	shalt  }
0x4e: {  	_ =	shalt  }
0x4f: {  	_ =	shalt  }
0x50: {  	_ =	shalt  }
0x51: {  	_ =	shalt  }
0x52: {  	_ =	shalt  }
0x53: {  	_ =	shalt  }
0x54: {  	_ =	shalt  }
0x55: {  	_ =	shalt  }
0x56: {  	_ =	shalt  }
0x57: {  	_ =	shalt  }
0x58: {  	_ =	shalt  }
0x59: {  	_ =	shalt  }
0x5a: {  	_ =	shalt  }
0x5b: {  	_ =	shalt  }
0x5c: {  	_ =	shalt  }
0x5d: {  	_ =	shalt  }
0x5e: {  	_ =	shalt  }
0x5f: {  	_ =	shalt  }
0x60: {  	_ =	shalt  }
0x61: {  	_ =	shalt  }
0x62: {  	_ =	shalt  }
0x63: {  	_ =	shalt  }
0x64: {  	_ =	shalt  }
0x65: {  	_ =	shalt  }
0x66: {  	_ =	shalt  }
0x67: {  	_ =	shalt  }
0x68: {  	_ =	shalt  }
0x69: {  	_ =	shalt  }
0x6a: {  	_ =	shalt  }
0x6b: {  	_ =	shalt  }
0x6c: {  	_ =	shalt  }
0x6d: {  	_ =	shalt  }
0x6e: {  	_ =	shalt  }
0x6f: {  	_ =	shalt  }
0x70: {  	_ =	shalt  }
0x71: {  	_ =	shalt  }
0x72: {  	_ =	shalt  }
0x73: {  	_ =	shalt  }
0x74: {  	_ =	shalt  }
0x75: {  	_ =	shalt  }
0x76: {  	_ =	shalt  }
0x77: {  	_ =	shalt  }
0x78: {  	_ =	shalt  }
0x79: {  	_ =	shalt  }
0x7a: {  	_ =	shalt  }
0x7b: {  	_ =	shalt  }
0x7c: {  	_ =	shalt  }
0x7d: {  	_ =	shalt  }
0x7e: {  	_ =	shalt  }
0x7f: {  	_ =	shalt  }
0x80: {  	_ =	shalt  }
0x81: {  	_ =	shalt  }
0x82: {  	_ =	shalt  }
0x83: {  	_ =	shalt  }
0x84: {  	_ =	shalt  }
0x85: {  	_ =	shalt  }
0x86: {  	_ =	shalt  }
0x87: {  	_ =	shalt  }
.Lfunc_end0:
.L_simem_size_0:
called_computation.1_lowered:
.L_overlay_start_0:
0x88: {  	s2 =	sld [smem:$0x3FD9]  }
0x89: {  	s3 =	sld [smem:$0x3FFE];
	_ =	sdelay $0x1  }
0x8a: {  	s1 =	srdreg.scid  }
0x8b: {  	s0 =	sand.u32 $0x1, s1  }
0x8c: {  	s17 =	sshll.u32 s0, $0xA;
	s2 =	sadd.s32 s3, s2  }
0x8d: {  	s2 =	sadd.s32 s2, s17  }
0x8e: {  	[smem:$0x3FC5] =	sst s2  }
0x8f: {  	_ = 	snop  }
0x90: {  	s2 =	sld [smem:$0x3FD0];
	(tm) =	ssettm $0x1  }
0x91: {  	s18 =	sld [smem:$0x3FFB];
	_ =	sdelay $0x3  }
0x92: {  	_ =	strace s18  }
0x93: {  	s3 =	sld [smem:$0x3FFC];
	_ =	sdelay $0x3  }
0x94: {  	_ =	strace s3  }
0x95: {  	s3 =	sld [smem:$0x3FFD];
	_ =	sdelay $0x3  }
0x96: {  	_ =	strace s3  }
0x97: {  	_ =	strace $0x8FFFFFFF  }
0x98: {  	s19 =	sld [smem:$0x3FDB];
	_ =	sdelay $0x1  }
0x99: {  	s4 =	simm.s32 $_scs_section_size  }
0x9a: {  	s5 =	simm.s32 $_size__tile_overlayer_lowered;
	s6 =	simm.s32 $_tile_overlayer_lowered  }
0x9b: {  	s22 =	simm.s32 $0x1BFF;
	s21 =	sshll.u32 s6, $0x1;
	s3 =	sadd.s32 s4, s19  }
0x9c: {  	s7 =	simm.s32 $0x0;
	s20 =	sshll.u32 s5, $0x1;
	s5 =	sadd.s32 s21, s3  }
0x9d: {  	[timem:s7], [sflag:s22] =	dma.local [hbm:s5], s20  }
0x9e: {  	_ =	swait.ge [sflag:s22], s20  }
0x9f: {  	s4 =	ssub.s32 $0x0, s20;
	[sflag:s22] =	ssyncset.done $0x0  }
0xa0: {  	[sflag:s22] =	ssyncadd.s32 s4;
	_ =	sdelay $0x1  }
0xa1: {  	s23 =	simm.s32 $0x1B8B  }
0xa2: {  	_ =	swait.ge [sflag:s23], $0x1  }
0xa3: {  	[sflag:s23] =	ssyncset.done $0x0  }
0xa4: {  	s25 =	simm.s32 $0x1B8E;
	s24 =	sld [smem:$0x3FFE];
	[sflag:s23] =	ssyncadd.s32 $0xFFFFFFFF  }
0xa5: {  	s26 =	simm.s32 $execute0_lowered;
	[smem:$0x3FD2] =	sst s25  }
0xa6: {  	s5 =	sshll.u32 s26, $0x1;
	_ =	strace $0x80000046;
	[dreg:$0x1] =	wrdreg $0xFFFFFFFF  }
0xa7: {  	s28 =	simm.s32 $_size_execute0_lowered;
	s3 =	sadd.s32 s3, s5;
	[dreg:$0x0] =	wrdreg $0x0  }
0xa8: {  	s5 =	sshll.u32 s28, $0x1;
	[dreg:$0x2] =	wrdreg s3  }
0xa9: {  	[dreg:$0x3] =	wrdreg s5  }
0xaa: {  	[dreg:$0x4] =	wrdreg $0xC0  }
0xab: {  	_ =	task [dreg:s7], $0x5FFFF  }
0xac: {  	[dreg:$0x1] =	wrdreg $0xFFFFFFFF  }
0xad: {  	[dreg:$0x0] =	wrdreg $0x60  }
0xae: {  	[dreg:$0x2] =	wrdreg s24  }
0xaf: {  	[dreg:$0x3] =	wrdreg s2  }
0xb0: {  	[dreg:$0x4] =	wrdreg $0x9  }
0xb1: {  	_ =	task.clear_ibuf [dreg:s7], $0x5FFFF;
	_ =	strace $0x90000046  }
0xb2: {  	s29 =	simm.s32 $0x9;
	_ =	strace $0x80000048  }
0xb3: {  	_ =	swait.ge [sflag:s29], $0x1  }
0xb4: {  	[sflag:s29] =	ssyncadd.s32 $0xFFFFFFFF  }
0xb5: {  	_ =	strace $0x90000048  }
0xb6: {  	_ =	sfence  }
0xb7: {  	s30 =	sld [smem:$0x0];
	_ =	sdelay $0x2  }
0xb8: {  	s31 =	sshll.u32 s1, $0xD;
	s1 =	sshrl.u32 s1, $0x2  }
0xb9: {  	s3 =	sand.u32 $0x4000, s31;
	s1 =	sadd.s32 s1, s30  }
0xba: {  	s0 =	sor.u32 s3, s0;
	s1 =	sshll.u32 s1, $0x11  }
0xbb: {  	s0 =	sor.u32 s1, s0  }
0xbc: {  	s0 =	sadd.s32 $0x8F2B, s0  }
0xbd: {  	[sflag:s0] =	ssyncadd.remote.s32 $0x1  }
0xbe: {  	_ =	sfence.sel $0xFFFF  }
0xbf: {  	[dreg:$0x0] =	wrdreg $0xFFFFFFFF;
	(pc) =	sbr.abs _section_cstart, $3  }
0xc0: {  	[dreg:$0x1] =	wrdreg $0xFFFFFFFF  }
0xc1: {  	_ =	task.clear_ibuf [dreg:s7], $0x2FFFF;
	_ =	strace $0x9FFFFFFF  }
0xc2: {  	(tm) =	ssettm $0x7FFFFFFF  }
0xc3: {  	_ =	shalt  }
tec
execute0_lowered:
.L_overlay_start_1:
0x0: {  	(tag) =	ssettag $0x1  }
0x1: {  	s0 =	srdreg.scid;
	s1 =	rddreg [dreg:$0x0]  }
0x2: {  	s3 =	stileid.u32;
	s4 =	rddreg [dreg:$0x1];
	s30 =	simm.s32 $0xE080  }
0x3: {  	s31 =	simm.s32 $0xE880;
	s9 =	simm.s32 $0x10080;
	s10 =	simm.s32 $0x12880  }
0x4: {  	s11 =	simm.s32 $0x13080;
	s12 =	simm.s32 $0x13880;
	s13 =	simm.s32 $0x14080  }
0x5: {  	s14 =	simm.s32 $0x1;
	s15 =	simm.s32 $0x14880;
	s0 =	sand.u32 $0x1, s0  }
0x6: {  	s16 =	simm.s32 $0x2;
	s17 =	simm.s32 $0x16880;
	s2 =	sshll.u32 s0, $0x4  }
0x7: {  	s20 =	simm.s32 $0x0;
	s0 =	ssub.s32 $0x2, s0;
	s3 =	sor.u32 s3, s2  }
0x8: {  	s2 =	simm.s32 $0x0;
	s8 =	sshrl.u32 s0, $0x1;
	s3 =	smul.u32 $0xBF8, s3  }
0x9: {  	[smem:$0x7FF] =	sst s2;
	s0 =	ssub.s32 s0, s8;
	s8 =	simm.s32 $0x12080  }
0xa: {  	_ =	strace $0x80000047;
	s0 =	smax.u32 s0, $0x1;
	s5 =	smin.u32 s3, $0x172D0  }
0xb: {  	s3 =	sadd.s32 $0x13C00, s1;
	[dreg:$0x5] =	wrdreg s0;
	s6 =	sshrl.u32 s5, $0x1  }
.Ltmp0:
0xc: {  	s7 =	sshrl.u32 s5, $0x2;
	s6 =	sadd.s32 s6, s1;
	(pc) =	sbr.rel .LBB2_1-.Ltmp0, $4  }
0xd: {  	s0 =	simm.s32 $0xF880;
	s1 =	sadd.s32 s7, s1;
	s6 =	sadd.s32 $0x7C00, s6  }
0xe: {  	v2 =	vlaneseq.u32;
	vm0 =	vmmov $0xffff;
	s5 =	sshll.u32 s5, $0x5;
	s1 =	sadd.s32 $0x1C00, s1;
	[dreg:$0x3] =	wrdreg s6  }
0xf: {  	v3 =	vimm.s32 $0x0;
	v4 =	vimm.s32 $0x1;
	v1 =	vshrl.u32 v2, $0x3;
	s7 =	simm.s32 $0x11880;
	[dreg:$0x4] =	wrdreg s1;
	s6 =	sadd.s32 s4, s5  }
0x10: {  	v0 =	vand.u32 $0x7, v2;
	v2 =	vor.u32 $0x8, v2;
	v1 =	vmul.u32 $0x8, v1;
	s1 =	simm.s32 $0xF080;
	s4 =	simm.s32 $0x10880;
	s5 =	simm.s32 $0x11080  }
.LBB2_10:
0x11: {  	s18 =	simm.s32 $0x3  }
0x12: {  	_ =	swait.ge [sflag:s18], $0x2000  }
0x13: {  	[sflag:s18] =	ssyncset.done $0x0  }
0x14: {  	s19 =	simm.s32 $0x4;
	[sflag:s18] =	ssyncadd.s32 $0xFFFFE000  }
0x15: {  	_ =	swait.ge [sflag:s19], $0x2000  }
0x16: {  	s20 =	rddreg [dreg:$0x6]  }
0x17: {  	s29 =	rddreg [dreg:$0x5];
	s20 =	sadd.s32 $0x1, s20  }
0x18: {  	p0 =	sne.s32 s20, s29  }
.Ltmp1:
0x19: {  	_ = 	snop;
	(pc) =	sbr.rel @!p0 .LBB2_11-.Ltmp1, $3  }
0x1a: {  	_ =	sdelay $0x1  }
0x1b: {  	[sflag:s19] =	ssyncset.done $0x0  }
0x1c: {  	[sflag:s19] =	ssyncadd.s32 $0xFFFFE000  }
.LBB2_1:
0x1d: {  	[dreg:$0x6] =	wrdreg s20  }
0x1e: {  	s18 =	rddreg [dreg:$0x3];
	s19 =	simm.s32 $0x5  }
0x1f: {  	[tilespmem:s2], [sflag:$0x5] =	stream.linear.gather [hbm4b:s18+s2], $0x3000, $0x38;
	[tilespmem:$0x18880] =	vst v63  }
0x20: {  	_ =	swait.ge [sflag:s19], $0x3000  }
0x21: {  	[sflag:s19] =	ssyncset.done $0x0  }
0x22: {  	s29 =	simm.s32 $0x3000;
	s28 =	rddreg [dreg:$0x4];
	[sflag:s19] =	ssyncadd.s32 $0xFFFFD000  }
0x23: {  	[tilespmem:s29], [sflag:$0x5] =	stream.linear.gather [hbm4b:s28+s2], $0x1800, $0x38;
	[tilespmem:$0x18880] =	vst v63  }
0x24: {  	_ =	swait.ge [sflag:s19], $0x1800  }
0x25: {  	[sflag:s19] =	ssyncset.done $0x0  }
0x26: {  	[sflag:s19] =	ssyncadd.s32 $0xFFFFE800  }
0x27: {  	v5 =	vld [tilespmem:$0x0];
	_ =	sdelay $0x4  }
0x28: {  	v6 =	vshll.u32 v5, $0x1  }
0x29: {  	v5 =	vand.u32 $0x7, v5;
	v6 =	vand.u32 $0xFFFFFFF0, v6  }
0x2a: {  	v5 =	vor.u32 v5, v6  }
0x2b: {  	v6 =	vperm.xlane v5, v0;
	_ =	sdelay $0x1  }
0x2c: {  	v5 =	vperm.xlane v5, v2;
	v6 =	vadd.s32 v1, v6;
	_ =	sdelay $0x1  }
0x2d: {  	v5 =	vadd.s32 v1, v5;
	_ =	sdelay $0x1  }
0x2e: {  	s20 =	simm.s32 $0x4880  }
0x2f: {  	[tilespmem:s20], [sflag:$0x1] =	stream.indirect_vreg.gather [hbm4b:s3+s2], $0x80, v6, vm0, $0xb8;
	[tilespmem:$0x18880] =	vst v63  }
0x30: {  	s21 =	simm.s32 $0x5080  }
0x31: {  	[tilespmem:s21], [sflag:$0x1] =	stream.indirect_vreg.gather [hbm4b:s3+s2], $0x80, v5, vm0, $0xb8;
	[tilespmem:$0x18880] =	vst v63  }
0x32: {  	v5 =	vld [tilespmem:$0x10];
	_ =	sdelay $0x4  }
0x33: {  	v6 =	vshll.u32 v5, $0x1  }
0x34: {  	v5 =	vand.u32 $0x7, v5;
	v6 =	vand.u32 $0xFFFFFFF0, v6  }
0x35: {  	v5 =	vor.u32 v5, v6  }
0x36: {  	v6 =	vperm.xlane v5, v0;
	_ =	sdelay $0x1  }
0x37: {  	v5 =	vperm.xlane v5, v2;
	v6 =	vadd.s32 v1, v6;
	_ =	sdelay $0x1  }
0x38: {  	v5 =	vadd.s32 v1, v5;
	_ =	sdelay $0x1  }
0x39: {  	s22 =	simm.s32 $0x5880  }
0x3a: {  	[tilespmem:s22], [sflag:$0x1] =	stream.indirect_vreg.gather [hbm4b:s3+s2], $0x80, v6, vm0, $0xb8;
	[tilespmem:$0x18880] =	vst v63  }
0x3b: {  	s23 =	simm.s32 $0x6080  }
0x3c: {  	[tilespmem:s23], [sflag:$0x1] =	stream.indirect_vreg.gather [hbm4b:s3+s2], $0x80, v5, vm0, $0xb8;
	[tilespmem:$0x18880] =	vst v63  }
0x3d: {  	v5 =	vld [tilespmem:$0x20];
	_ =	sdelay $0x4  }
0x3e: {  	v6 =	vshll.u32 v5, $0x1  }
0x3f: {  	v5 =	vand.u32 $0x7, v5;
	v6 =	vand.u32 $0xFFFFFFF0, v6  }
0x40: {  	v5 =	vor.u32 v5, v6  }
0x41: {  	v6 =	vperm.xlane v5, v0;
	_ =	sdelay $0x1  }
0x42: {  	v5 =	vperm.xlane v5, v2;
	v6 =	vadd.s32 v1, v6;
	_ =	sdelay $0x1  }
0x43: {  	v5 =	vadd.s32 v1, v5;
	_ =	sdelay $0x1  }
0x44: {  	s24 =	simm.s32 $0x6880  }
0x45: {  	[tilespmem:s24], [sflag:$0x1] =	stream.indirect_vreg.gather [hbm4b:s3+s2], $0x80, v6, vm0, $0xb8;
	[tilespmem:$0x18880] =	vst v63  }
0x46: {  	s25 =	simm.s32 $0x7080  }
0x47: {  	[tilespmem:s25], [sflag:$0x1] =	stream.indirect_vreg.gather [hbm4b:s3+s2], $0x80, v5, vm0, $0xb8;
	[tilespmem:$0x18880] =	vst v63  }
0x48: {  	v5 =	vld [tilespmem:$0x30];
	_ =	sdelay $0x4  }
0x49: {  	v6 =	vshll.u32 v5, $0x1  }
0x4a: {  	v5 =	vand.u32 $0x7, v5;
	v6 =	vand.u32 $0xFFFFFFF0, v6  }
0x4b: {  	v5 =	vor.u32 v5, v6  }
0x4c: {  	v6 =	vperm.xlane v5, v0;
	_ =	sdelay $0x1  }
0x4d: {  	v5 =	vperm.xlane v5, v2;
	v6 =	vadd.s32 v1, v6;
	_ =	sdelay $0x1  }
0x4e: {  	v5 =	vadd.s32 v1, v5;
	_ =	sdelay $0x1  }
0x4f: {  	s26 =	simm.s32 $0x7880  }
0x50: {  	[tilespmem:s26], [sflag:$0x1] =	stream.indirect_vreg.gather [hbm4b:s3+s2], $0x80, v6, vm0, $0xb8;
	[tilespmem:$0x18880] =	vst v63  }
0x51: {  	s28 =	simm.s32 $0x8080  }
0x52: {  	[tilespmem:s28], [sflag:$0x1] =	stream.indirect_vreg.gather [hbm4b:s3+s2], $0x80, v5, vm0, $0xb8;
	[tilespmem:$0x18880] =	vst v63  }
0x53: {  	v5 =	vld [tilespmem:$0x40];
	_ =	sdelay $0x4  }
0x54: {  	v6 =	vshll.u32 v5, $0x1  }
0x55: {  	v5 =	vand.u32 $0x7, v5;
	v6 =	vand.u32 $0xFFFFFFF0, v6  }
0x56: {  	v5 =	vor.u32 v5, v6  }
0x57: {  	v6 =	vperm.xlane v5, v0;
	_ =	sdelay $0x1  }
0x58: {  	v5 =	vperm.xlane v5, v2;
	v6 =	vadd.s32 v1, v6;
	_ =	sdelay $0x1  }
0x59: {  	v5 =	vadd.s32 v1, v5;
	_ =	sdelay $0x1  }
0x5a: {  	s29 =	simm.s32 $0x8880  }
0x5b: {  	[tilespmem:s29], [sflag:$0x1] =	stream.indirect_vreg.gather [hbm4b:s3+s2], $0x80, v6, vm0, $0xb8;
	[tilespmem:$0x18880] =	vst v63  }
0x5c: {  	s19 =	simm.s32 $0x9080  }
0x5d: {  	[tilespmem:s19], [sflag:$0x1] =	stream.indirect_vreg.gather [hbm4b:s3+s2], $0x80, v5, vm0, $0xb8;
	[tilespmem:$0x18880] =	vst v63  }
0x5e: {  	v5 =	vld [tilespmem:$0x50];
	_ =	sdelay $0x4  }
0x5f: {  	v6 =	vshll.u32 v5, $0x1  }
0x60: {  	v5 =	vand.u32 $0x7, v5;
	v6 =	vand.u32 $0xFFFFFFF0, v6  }
0x61: {  	v5 =	vor.u32 v5, v6  }
0x62: {  	v6 =	vperm.xlane v5, v0;
	_ =	sdelay $0x1  }
0x63: {  	v5 =	vperm.xlane v5, v2;
	v6 =	vadd.s32 v1, v6;
	_ =	sdelay $0x1  }
0x64: {  	v5 =	vadd.s32 v1, v5;
	_ =	sdelay $0x1  }
0x65: {  	s20 =	simm.s32 $0x9880  }
0x66: {  	[tilespmem:s20], [sflag:$0x1] =	stream.indirect_vreg.gather [hbm4b:s3+s2], $0x80, v6, vm0, $0xb8;
	[tilespmem:$0x18880] =	vst v63  }
0x67: {  	s21 =	simm.s32 $0xA080  }
0x68: {  	[tilespmem:s21], [sflag:$0x1] =	stream.indirect_vreg.gather [hbm4b:s3+s2], $0x80, v5, vm0, $0xb8;
	[tilespmem:$0x18880] =	vst v63  }
0x69: {  	v5 =	vld [tilespmem:$0x60];
	_ =	sdelay $0x4  }
0x6a: {  	v6 =	vshll.u32 v5, $0x1  }
0x6b: {  	v5 =	vand.u32 $0x7, v5;
	v6 =	vand.u32 $0xFFFFFFF0, v6  }
0x6c: {  	v5 =	vor.u32 v5, v6  }
0x6d: {  	v6 =	vperm.xlane v5, v0;
	_ =	sdelay $0x1  }
0x6e: {  	v5 =	vperm.xlane v5, v2;
	v6 =	vadd.s32 v1, v6;
	_ =	sdelay $0x1  }
0x6f: {  	v5 =	vadd.s32 v1, v5;
	_ =	sdelay $0x1  }
0x70: {  	s22 =	simm.s32 $0xA880  }
0x71: {  	[tilespmem:s22], [sflag:$0x1] =	stream.indirect_vreg.gather [hbm4b:s3+s2], $0x80, v6, vm0, $0xb8;
	[tilespmem:$0x18880] =	vst v63  }
0x72: {  	s23 =	simm.s32 $0xB080  }
0x73: {  	[tilespmem:s23], [sflag:$0x1] =	stream.indirect_vreg.gather [hbm4b:s3+s2], $0x80, v5, vm0, $0xb8;
	[tilespmem:$0x18880] =	vst v63  }
0x74: {  	v5 =	vld [tilespmem:$0x70];
	_ =	sdelay $0x4  }
0x75: {  	v6 =	vshll.u32 v5, $0x1  }
0x76: {  	v5 =	vand.u32 $0x7, v5;
	v6 =	vand.u32 $0xFFFFFFF0, v6  }
0x77: {  	v5 =	vor.u32 v5, v6  }
0x78: {  	v6 =	vperm.xlane v5, v0;
	_ =	sdelay $0x1  }
0x79: {  	v5 =	vperm.xlane v5, v2;
	v6 =	vadd.s32 v1, v6;
	_ =	sdelay $0x1  }
0x7a: {  	v5 =	vadd.s32 v1, v5;
	_ =	sdelay $0x1  }
0x7b: {  	s24 =	simm.s32 $0xB880  }
0x7c: {  	[tilespmem:s24], [sflag:$0x1] =	stream.indirect_vreg.gather [hbm4b:s3+s2], $0x80, v6, vm0, $0xb8;
	[tilespmem:$0x18880] =	vst v63  }
0x7d: {  	s25 =	simm.s32 $0xC080  }
0x7e: {  	[tilespmem:s25], [sflag:$0x1] =	stream.indirect_vreg.gather [hbm4b:s3+s2], $0x80, v5, vm0, $0xb8;
	[tilespmem:$0x18880] =	vst v63  }
0x7f: {  	v5 =	vld [tilespmem:$0x80];
	_ =	sdelay $0x4  }
0x80: {  	v6 =	vshll.u32 v5, $0x1  }
0x81: {  	v5 =	vand.u32 $0x7, v5;
	v6 =	vand.u32 $0xFFFFFFF0, v6  }
0x82: {  	v5 =	vor.u32 v5, v6  }
0x83: {  	v6 =	vperm.xlane v5, v0;
	_ =	sdelay $0x1  }
0x84: {  	v5 =	vperm.xlane v5, v2;
	v6 =	vadd.s32 v1, v6;
	_ =	sdelay $0x1  }
0x85: {  	v5 =	vadd.s32 v1, v5;
	_ =	sdelay $0x1  }
0x86: {  	s26 =	simm.s32 $0xC880  }
0x87: {  	[tilespmem:s26], [sflag:$0x2] =	stream.indirect_vreg.gather [hbm4b:s3+s2], $0x80, v6, vm0, $0xb8;
	[tilespmem:$0x18880] =	vst v63  }
0x88: {  	s28 =	simm.s32 $0xD080  }
0x89: {  	[tilespmem:s28], [sflag:$0x2] =	stream.indirect_vreg.gather [hbm4b:s3+s2], $0x80, v5, vm0, $0xb8;
	[tilespmem:$0x18880] =	vst v63  }
0x8a: {  	v5 =	vld [tilespmem:$0x90];
	_ =	sdelay $0x4  }
0x8b: {  	v6 =	vshll.u32 v5, $0x1  }
0x8c: {  	v5 =	vand.u32 $0x7, v5;
	v6 =	vand.u32 $0xFFFFFFF0, v6  }
0x8d: {  	v5 =	vor.u32 v5, v6  }
0x8e: {  	v6 =	vperm.xlane v5, v0;
	_ =	sdelay $0x1  }
0x8f: {  	v5 =	vperm.xlane v5, v2;
	v6 =	vadd.s32 v1, v6;
	_ =	sdelay $0x1  }
0x90: {  	v5 =	vadd.s32 v1, v5;
	_ =	sdelay $0x1  }
0x91: {  	s29 =	simm.s32 $0xD880  }
0x92: {  	[tilespmem:s29], [sflag:$0x2] =	stream.indirect_vreg.gather [hbm4b:s3+s2], $0x80, v6, vm0, $0xb8;
	[tilespmem:$0x18880] =	vst v63  }
0x93: {  	_ = 	snop  }
0x94: {  	[tilespmem:s30], [sflag:$0x2] =	stream.indirect_vreg.gather [hbm4b:s3+s2], $0x80, v5, vm0, $0xb8;
	[tilespmem:$0x18880] =	vst v63  }
0x95: {  	v5 =	vld [tilespmem:$0xA0];
	_ =	sdelay $0x4  }
0x96: {  	v6 =	vshll.u32 v5, $0x1  }
0x97: {  	v5 =	vand.u32 $0x7, v5;
	v6 =	vand.u32 $0xFFFFFFF0, v6  }
0x98: {  	v5 =	vor.u32 v5, v6  }
0x99: {  	v6 =	vperm.xlane v5, v0;
	_ =	sdelay $0x1  }
0x9a: {  	v5 =	vperm.xlane v5, v2;
	v6 =	vadd.s32 v1, v6;
	_ =	sdelay $0x1  }
0x9b: {  	v5 =	vadd.s32 v1, v5;
	_ =	sdelay $0x2  }
0x9c: {  	[tilespmem:s31], [sflag:$0x2] =	stream.indirect_vreg.gather [hbm4b:s3+s2], $0x80, v6, vm0, $0xb8;
	[tilespmem:$0x18880] =	vst v63  }
0x9d: {  	_ = 	snop  }
0x9e: {  	[tilespmem:s1], [sflag:$0x2] =	stream.indirect_vreg.gather [hbm4b:s3+s2], $0x80, v5, vm0, $0xb8;
	[tilespmem:$0x18880] =	vst v63  }
0x9f: {  	v5 =	vld [tilespmem:$0xB0];
	_ =	sdelay $0x4  }
0xa0: {  	v6 =	vshll.u32 v5, $0x1  }
0xa1: {  	v5 =	vand.u32 $0x7, v5;
	v6 =	vand.u32 $0xFFFFFFF0, v6  }
0xa2: {  	v5 =	vor.u32 v5, v6  }
0xa3: {  	v6 =	vperm.xlane v5, v0;
	_ =	sdelay $0x1  }
0xa4: {  	v5 =	vperm.xlane v5, v2;
	v6 =	vadd.s32 v1, v6;
	_ =	sdelay $0x1  }
0xa5: {  	v5 =	vadd.s32 v1, v5;
	_ =	sdelay $0x2  }
0xa6: {  	[tilespmem:s0], [sflag:$0x2] =	stream.indirect_vreg.gather [hbm4b:s3+s2], $0x80, v6, vm0, $0xb8;
	[tilespmem:$0x18880] =	vst v63  }
0xa7: {  	_ = 	snop  }
0xa8: {  	[tilespmem:s9], [sflag:$0x2] =	stream.indirect_vreg.gather [hbm4b:s3+s2], $0x80, v5, vm0, $0xb8;
	[tilespmem:$0x18880] =	vst v63  }
0xa9: {  	v5 =	vld [tilespmem:$0xC0];
	_ =	sdelay $0x4  }
0xaa: {  	v6 =	vshll.u32 v5, $0x1  }
0xab: {  	v5 =	vand.u32 $0x7, v5;
	v6 =	vand.u32 $0xFFFFFFF0, v6  }
0xac: {  	v5 =	vor.u32 v5, v6  }
0xad: {  	v6 =	vperm.xlane v5, v0;
	_ =	sdelay $0x1  }
0xae: {  	v5 =	vperm.xlane v5, v2;
	v6 =	vadd.s32 v1, v6;
	_ =	sdelay $0x1  }
0xaf: {  	v5 =	vadd.s32 v1, v5;
	_ =	sdelay $0x2  }
0xb0: {  	[tilespmem:s4], [sflag:$0x2] =	stream.indirect_vreg.gather [hbm4b:s3+s2], $0x80, v6, vm0, $0xb8;
	[tilespmem:$0x18880] =	vst v63  }
0xb1: {  	_ = 	snop  }
0xb2: {  	[tilespmem:s5], [sflag:$0x2] =	stream.indirect_vreg.gather [hbm4b:s3+s2], $0x80, v5, vm0, $0xb8;
	[tilespmem:$0x18880] =	vst v63  }
0xb3: {  	v5 =	vld [tilespmem:$0xD0];
	_ =	sdelay $0x4  }
0xb4: {  	v6 =	vshll.u32 v5, $0x1  }
0xb5: {  	v5 =	vand.u32 $0x7, v5;
	v6 =	vand.u32 $0xFFFFFFF0, v6  }
0xb6: {  	v5 =	vor.u32 v5, v6  }
0xb7: {  	v6 =	vperm.xlane v5, v0;
	_ =	sdelay $0x1  }
0xb8: {  	v5 =	vperm.xlane v5, v2;
	v6 =	vadd.s32 v1, v6;
	_ =	sdelay $0x1  }
0xb9: {  	v5 =	vadd.s32 v1, v5;
	_ =	sdelay $0x2  }
0xba: {  	[tilespmem:s7], [sflag:$0x2] =	stream.indirect_vreg.gather [hbm4b:s3+s2], $0x80, v6, vm0, $0xb8;
	[tilespmem:$0x18880] =	vst v63  }
0xbb: {  	_ = 	snop  }
0xbc: {  	[tilespmem:s8], [sflag:$0x2] =	stream.indirect_vreg.gather [hbm4b:s3+s2], $0x80, v5, vm0, $0xb8;
	[tilespmem:$0x18880] =	vst v63  }
0xbd: {  	v5 =	vld [tilespmem:$0xE0];
	_ =	sdelay $0x4  }
0xbe: {  	v6 =	vshll.u32 v5, $0x1  }
0xbf: {  	v5 =	vand.u32 $0x7, v5;
	v6 =	vand.u32 $0xFFFFFFF0, v6  }
0xc0: {  	v5 =	vor.u32 v5, v6  }
0xc1: {  	v6 =	vperm.xlane v5, v0;
	_ =	sdelay $0x1  }
0xc2: {  	v5 =	vperm.xlane v5, v2;
	v6 =	vadd.s32 v1, v6;
	_ =	sdelay $0x1  }
0xc3: {  	v5 =	vadd.s32 v1, v5;
	_ =	sdelay $0x2  }
0xc4: {  	[tilespmem:s10], [sflag:$0x2] =	stream.indirect_vreg.gather [hbm4b:s3+s2], $0x80, v6, vm0, $0xb8;
	[tilespmem:$0x18880] =	vst v63  }
0xc5: {  	_ = 	snop  }
0xc6: {  	[tilespmem:s11], [sflag:$0x2] =	stream.indirect_vreg.gather [hbm4b:s3+s2], $0x80, v5, vm0, $0xb8;
	[tilespmem:$0x18880] =	vst v63  }
0xc7: {  	v5 =	vld [tilespmem:$0xF0];
	_ =	sdelay $0x4  }
0xc8: {  	v6 =	vshll.u32 v5, $0x1  }
0xc9: {  	v5 =	vand.u32 $0x7, v5;
	v6 =	vand.u32 $0xFFFFFFF0, v6  }
0xca: {  	v5 =	vor.u32 v5, v6  }
0xcb: {  	v6 =	vperm.xlane v5, v0;
	_ =	sdelay $0x1  }
0xcc: {  	v5 =	vperm.xlane v5, v2;
	v6 =	vadd.s32 v1, v6;
	_ =	sdelay $0x1  }
0xcd: {  	v5 =	vadd.s32 v1, v5;
	_ =	sdelay $0x2  }
0xce: {  	[tilespmem:s12], [sflag:$0x2] =	stream.indirect_vreg.gather [hbm4b:s3+s2], $0x80, v6, vm0, $0xb8;
	[tilespmem:$0x18880] =	vst v63  }
0xcf: {  	s18 =	simm.s32 $0x3002;
	s20 =	simm.s32 $0x0;
	s23 =	simm.s32 $0x3042  }
0xd0: {  	[tilespmem:s13], [sflag:$0x2] =	stream.indirect_vreg.gather [hbm4b:s3+s2], $0x80, v5, vm0, $0xb8;
	[tilespmem:$0x18880] =	vst v63  }
.LBB2_2:
0xd1: {  	_ =	swait.ge [sflag:s14], $0x8000  }
0xd2: {  	p0 =	seq.s32 s20, $0x0;
	[sflag:s14] =	ssyncset.done $0x0  }
0xd3: {  	s19 =	simm.s32 @!p0 $0x3;
	[sflag:s14] =	ssyncadd.s32 $0xFFFF8000  }
0xd4: {  	s21 =	sshll.u32 s20, $0x1;
	_ =	swait.ge @!p0 [sflag:s19], $0x2000  }
0xd5: {  	s22 =	simm.s32 $0x80;
	s24 =	simm.s32 $0x4C80;
	[sflag:s19] =	ssyncset.done @!p0 $0x0  }
0xd6: {  	s25 =	smov.u32 s18;
	[sflag:s19] =	ssyncadd.s32 @!p0 $0xFFFFE000;
	s19 =	simm.s32 $0x0  }
.LBB2_3:
0xd7: {  	v6 =	vld [tilespmem:s25+$0xFFFFFFFE]  }
0xd8: {  	v7 =	vld [tilespmem:s24+$0xFFFFFC00]  }
0xd9: {  	v8 =	vld [tilespmem:s24+$0xFFFFFC80]  }
0xda: {  	v9 =	vld [tilespmem:s24+$0xFFFFFD00]  }
0xdb: {  	v10 =	vld [tilespmem:s24+$0xFFFFFD80];
	_ =	sdelay $0x4  }
0xdc: {  	v5 =	vperm.xlane v6, v3;
	v8 =	vsub.f32 v8, v7;
	v10 =	vsub.f32 v10, v9;
	_ =	sdelay $0x1  }
0xdd: {  	v8 =	vmul.f32 v8, v5;
	v10 =	vmul.f32 v10, v5;
	_ =	sdelay $0x1  }
0xde: {  	v7 =	vadd.f32 v8, v7;
	v45 =	vadd.f32 v10, v9;
	_ =	sdelay $0x1  }
0xdf: {  	v6 =	vperm.xlane v6, v4;
	v8 =	vsub.f32 v45, v7;
	_ =	sdelay $0x1  }
0xe0: {  	v8 =	vmul.f32 v8, v6  }
0xe1: {  	s26 =	sand.u32 $0x1800, s19;
	s28 =	sadd.s32 $0xFFFFFF80, s22  }
0xe2: {  	s28 =	sand.u32 $0x300, s28;
	s26 =	sadd.s32 $0x14880, s26;
	v7 =	vadd.f32 v8, v7  }
0xe3: {  	s28 =	sor.u32 s28, s26  }
0xe4: {  	[tilespmem:s28+$0x0] =	vst v7  }
0xe5: {  	v7 =	vld [tilespmem:s24+$0xFFFFFC10]  }
0xe6: {  	v46 =	vld [tilespmem:s24+$0xFFFFFC90]  }
0xe7: {  	v47 =	vld [tilespmem:s24+$0xFFFFFD10]  }
0xe8: {  	v48 =	vld [tilespmem:s24+$0xFFFFFD90];
	_ =	sdelay $0x4  }
0xe9: {  	v8 =	vsub.f32 v46, v7;
	v10 =	vsub.f32 v48, v47;
	_ =	sdelay $0x1  }
0xea: {  	v8 =	vmul.f32 v8, v5;
	v10 =	vmul.f32 v10, v5;
	_ =	sdelay $0x1  }
0xeb: {  	v7 =	vadd.f32 v8, v7;
	v49 =	vadd.f32 v10, v47;
	_ =	sdelay $0x1  }
0xec: {  	v8 =	vsub.f32 v49, v7;
	_ =	sdelay $0x1  }
0xed: {  	v8 =	vmul.f32 v8, v6;
	_ =	sdelay $0x1  }
0xee: {  	v7 =	vadd.f32 v8, v7;
	_ =	sdelay $0x1  }
0xef: {  	[tilespmem:s28+$0x10] =	vst v7  }
0xf0: {  	v7 =	vld [tilespmem:s24+$0xFFFFFC20]  }
0xf1: {  	v50 =	vld [tilespmem:s24+$0xFFFFFCA0]  }
0xf2: {  	v51 =	vld [tilespmem:s24+$0xFFFFFD20]  }
0xf3: {  	v52 =	vld [tilespmem:s24+$0xFFFFFDA0];
	_ =	sdelay $0x4  }
0xf4: {  	v8 =	vsub.f32 v50, v7;
	v10 =	vsub.f32 v52, v51;
	_ =	sdelay $0x1  }
0xf5: {  	v8 =	vmul.f32 v8, v5;
	v10 =	vmul.f32 v10, v5;
	_ =	sdelay $0x1  }
0xf6: {  	v7 =	vadd.f32 v8, v7;
	v53 =	vadd.f32 v10, v51;
	_ =	sdelay $0x1  }
0xf7: {  	v8 =	vsub.f32 v53, v7;
	_ =	sdelay $0x1  }
0xf8: {  	v8 =	vmul.f32 v8, v6;
	_ =	sdelay $0x1  }
0xf9: {  	v7 =	vadd.f32 v8, v7;
	_ =	sdelay $0x1  }
0xfa: {  	[tilespmem:s28+$0x20] =	vst v7  }
0xfb: {  	v7 =	vld [tilespmem:s24+$0xFFFFFC30]  }
0xfc: {  	v54 =	vld [tilespmem:s24+$0xFFFFFCB0]  }
0xfd: {  	v55 =	vld [tilespmem:s24+$0xFFFFFD30]  }
0xfe: {  	v56 =	vld [tilespmem:s24+$0xFFFFFDB0];
	_ =	sdelay $0x4  }
0xff: {  	v8 =	vsub.f32 v54, v7;
	v10 =	vsub.f32 v56, v55;
	_ =	sdelay $0x1  }
0x100: {  	v8 =	vmul.f32 v8, v5;
	v10 =	vmul.f32 v10, v5;
	_ =	sdelay $0x1  }
0x101: {  	v7 =	vadd.f32 v8, v7;
	v57 =	vadd.f32 v10, v55;
	_ =	sdelay $0x1  }
0x102: {  	v8 =	vsub.f32 v57, v7;
	_ =	sdelay $0x1  }
0x103: {  	v8 =	vmul.f32 v8, v6;
	_ =	sdelay $0x1  }
0x104: {  	v7 =	vadd.f32 v8, v7;
	_ =	sdelay $0x1  }
0x105: {  	[tilespmem:s28+$0x30] =	vst v7  }
0x106: {  	v7 =	vld [tilespmem:s24+$0xFFFFFC40]  }
0x107: {  	v58 =	vld [tilespmem:s24+$0xFFFFFCC0]  }
0x108: {  	v59 =	vld [tilespmem:s24+$0xFFFFFD40]  }
0x109: {  	v60 =	vld [tilespmem:s24+$0xFFFFFDC0];
	_ =	sdelay $0x4  }
0x10a: {  	v8 =	vsub.f32 v58, v7;
	v10 =	vsub.f32 v60, v59;
	_ =	sdelay $0x1  }
0x10b: {  	v8 =	vmul.f32 v8, v5;
	v10 =	vmul.f32 v10, v5;
	_ =	sdelay $0x1  }
0x10c: {  	v7 =	vadd.f32 v8, v7;
	v61 =	vadd.f32 v10, v59;
	_ =	sdelay $0x1  }
0x10d: {  	v8 =	vsub.f32 v61, v7;
	_ =	sdelay $0x1  }
0x10e: {  	v8 =	vmul.f32 v8, v6;
	_ =	sdelay $0x1  }
0x10f: {  	v7 =	vadd.f32 v8, v7;
	_ =	sdelay $0x1  }
0x110: {  	[tilespmem:s28+$0x40] =	vst v7  }
0x111: {  	v7 =	vld [tilespmem:s24+$0xFFFFFC50]  }
0x112: {  	v62 =	vld [tilespmem:s24+$0xFFFFFCD0]  }
0x113: {  	v63 =	vld [tilespmem:s24+$0xFFFFFD50]  }
0x114: {  	v12 =	vld [tilespmem:s24+$0xFFFFFDD0];
	_ =	sdelay $0x4  }
0x115: {  	v8 =	vsub.f32 v62, v7;
	v10 =	vsub.f32 v12, v63;
	_ =	sdelay $0x1  }
0x116: {  	v8 =	vmul.f32 v8, v5;
	v10 =	vmul.f32 v10, v5;
	_ =	sdelay $0x1  }
0x117: {  	v7 =	vadd.f32 v8, v7;
	v13 =	vadd.f32 v10, v63;
	_ =	sdelay $0x1  }
0x118: {  	v8 =	vsub.f32 v13, v7;
	_ =	sdelay $0x1  }
0x119: {  	v8 =	vmul.f32 v8, v6;
	_ =	sdelay $0x1  }
0x11a: {  	v7 =	vadd.f32 v8, v7;
	_ =	sdelay $0x1  }
0x11b: {  	[tilespmem:s28+$0x50] =	vst v7  }
0x11c: {  	v7 =	vld [tilespmem:s24+$0xFFFFFC60]  }
0x11d: {  	v14 =	vld [tilespmem:s24+$0xFFFFFCE0]  }
0x11e: {  	v15 =	vld [tilespmem:s24+$0xFFFFFD60]  }
0x11f: {  	v16 =	vld [tilespmem:s24+$0xFFFFFDE0];
	_ =	sdelay $0x4  }
0x120: {  	v8 =	vsub.f32 v14, v7;
	v10 =	vsub.f32 v16, v15;
	_ =	sdelay $0x1  }
0x121: {  	v8 =	vmul.f32 v8, v5;
	v10 =	vmul.f32 v10, v5;
	_ =	sdelay $0x1  }
0x122: {  	v7 =	vadd.f32 v8, v7;
	v17 =	vadd.f32 v10, v15;
	_ =	sdelay $0x1  }
0x123: {  	v8 =	vsub.f32 v17, v7;
	_ =	sdelay $0x1  }
0x124: {  	v8 =	vmul.f32 v8, v6;
	_ =	sdelay $0x1  }
0x125: {  	v7 =	vadd.f32 v8, v7;
	_ =	sdelay $0x1  }
0x126: {  	[tilespmem:s28+$0x60] =	vst v7  }
0x127: {  	v7 =	vld [tilespmem:s24+$0xFFFFFC70]  }
0x128: {  	v18 =	vld [tilespmem:s24+$0xFFFFFCF0]  }
0x129: {  	v19 =	vld [tilespmem:s24+$0xFFFFFD70]  }
0x12a: {  	v20 =	vld [tilespmem:s24+$0xFFFFFDF0];
	_ =	sdelay $0x4  }
0x12b: {  	v8 =	vsub.f32 v18, v7;
	v10 =	vsub.f32 v20, v19;
	_ =	sdelay $0x1  }
0x12c: {  	v8 =	vmul.f32 v8, v5;
	v10 =	vmul.f32 v10, v5;
	_ =	sdelay $0x1  }
0x12d: {  	v7 =	vadd.f32 v8, v7;
	v21 =	vadd.f32 v10, v19;
	_ =	sdelay $0x1  }
0x12e: {  	v8 =	vsub.f32 v21, v7;
	_ =	sdelay $0x1  }
0x12f: {  	v8 =	vmul.f32 v8, v6;
	_ =	sdelay $0x1  }
0x130: {  	v7 =	vadd.f32 v8, v7;
	_ =	sdelay $0x1  }
0x131: {  	[tilespmem:s28+$0x70] =	vst v7  }
0x132: {  	v7 =	vld [tilespmem:s24+$0x0]  }
0x133: {  	v22 =	vld [tilespmem:s24+$0x80]  }
0x134: {  	v23 =	vld [tilespmem:s24+$0x100]  }
0x135: {  	v24 =	vld [tilespmem:s24+$0x180];
	_ =	sdelay $0x4  }
0x136: {  	v8 =	vsub.f32 v22, v7;
	v10 =	vsub.f32 v24, v23;
	_ =	sdelay $0x1  }
0x137: {  	v8 =	vmul.f32 v8, v5;
	v10 =	vmul.f32 v10, v5;
	_ =	sdelay $0x1  }
0x138: {  	v7 =	vadd.f32 v8, v7;
	v25 =	vadd.f32 v10, v23;
	_ =	sdelay $0x1  }
0x139: {  	v8 =	vsub.f32 v25, v7;
	_ =	sdelay $0x1  }
0x13a: {  	v8 =	vmul.f32 v8, v6;
	_ =	sdelay $0x1  }
0x13b: {  	v7 =	vadd.f32 v8, v7;
	_ =	sdelay $0x1  }
0x13c: {  	[tilespmem:s28+$0x400] =	vst v7  }
0x13d: {  	v7 =	vld [tilespmem:s24+$0x10]  }
0x13e: {  	v26 =	vld [tilespmem:s24+$0x90]  }
0x13f: {  	v27 =	vld [tilespmem:s24+$0x110]  }
0x140: {  	v28 =	vld [tilespmem:s24+$0x190];
	_ =	sdelay $0x4  }
0x141: {  	v8 =	vsub.f32 v26, v7;
	v10 =	vsub.f32 v28, v27;
	_ =	sdelay $0x1  }
0x142: {  	v8 =	vmul.f32 v8, v5;
	v10 =	vmul.f32 v10, v5;
	_ =	sdelay $0x1  }
0x143: {  	v7 =	vadd.f32 v8, v7;
	v29 =	vadd.f32 v10, v27;
	_ =	sdelay $0x1  }
0x144: {  	v8 =	vsub.f32 v29, v7;
	_ =	sdelay $0x1  }
0x145: {  	v8 =	vmul.f32 v8, v6;
	_ =	sdelay $0x1  }
0x146: {  	v7 =	vadd.f32 v8, v7;
	_ =	sdelay $0x1  }
0x147: {  	[tilespmem:s28+$0x410] =	vst v7  }
0x148: {  	v7 =	vld [tilespmem:s24+$0x20]  }
0x149: {  	v30 =	vld [tilespmem:s24+$0xA0]  }
0x14a: {  	v31 =	vld [tilespmem:s24+$0x120]  }
0x14b: {  	v32 =	vld [tilespmem:s24+$0x1A0];
	_ =	sdelay $0x4  }
0x14c: {  	v8 =	vsub.f32 v30, v7;
	v10 =	vsub.f32 v32, v31;
	_ =	sdelay $0x1  }
0x14d: {  	v8 =	vmul.f32 v8, v5;
	v10 =	vmul.f32 v10, v5;
	_ =	sdelay $0x1  }
0x14e: {  	v7 =	vadd.f32 v8, v7;
	v33 =	vadd.f32 v10, v31;
	_ =	sdelay $0x1  }
0x14f: {  	v8 =	vsub.f32 v33, v7;
	_ =	sdelay $0x1  }
0x150: {  	v8 =	vmul.f32 v8, v6;
	_ =	sdelay $0x1  }
0x151: {  	v7 =	vadd.f32 v8, v7;
	_ =	sdelay $0x1  }
0x152: {  	[tilespmem:s28+$0x420] =	vst v7  }
0x153: {  	v7 =	vld [tilespmem:s24+$0x30]  }
0x154: {  	v34 =	vld [tilespmem:s24+$0xB0]  }
0x155: {  	v35 =	vld [tilespmem:s24+$0x130]  }
0x156: {  	v36 =	vld [tilespmem:s24+$0x1B0];
	_ =	sdelay $0x4  }
0x157: {  	v8 =	vsub.f32 v34, v7;
	v10 =	vsub.f32 v36, v35;
	_ =	sdelay $0x1  }
0x158: {  	v8 =	vmul.f32 v8, v5;
	v10 =	vmul.f32 v10, v5;
	_ =	sdelay $0x1  }
0x159: {  	v7 =	vadd.f32 v8, v7;
	v37 =	vadd.f32 v10, v35;
	_ =	sdelay $0x1  }
0x15a: {  	v8 =	vsub.f32 v37, v7;
	_ =	sdelay $0x1  }
0x15b: {  	v8 =	vmul.f32 v8, v6;
	_ =	sdelay $0x1  }
0x15c: {  	v7 =	vadd.f32 v8, v7;
	_ =	sdelay $0x1  }
0x15d: {  	[tilespmem:s28+$0x430] =	vst v7  }
0x15e: {  	v7 =	vld [tilespmem:s24+$0x40]  }
0x15f: {  	v38 =	vld [tilespmem:s24+$0xC0]  }
0x160: {  	v39 =	vld [tilespmem:s24+$0x140]  }
0x161: {  	v40 =	vld [tilespmem:s24+$0x1C0];
	_ =	sdelay $0x4  }
0x162: {  	v8 =	vsub.f32 v38, v7;
	v10 =	vsub.f32 v40, v39;
	_ =	sdelay $0x1  }
0x163: {  	v8 =	vmul.f32 v8, v5;
	v10 =	vmul.f32 v10, v5;
	_ =	sdelay $0x1  }
0x164: {  	v7 =	vadd.f32 v8, v7;
	v41 =	vadd.f32 v10, v39;
	_ =	sdelay $0x1  }
0x165: {  	v8 =	vsub.f32 v41, v7;
	_ =	sdelay $0x1  }
0x166: {  	v8 =	vmul.f32 v8, v6;
	_ =	sdelay $0x1  }
0x167: {  	v7 =	vadd.f32 v8, v7;
	_ =	sdelay $0x1  }
0x168: {  	[tilespmem:s28+$0x440] =	vst v7  }
0x169: {  	v7 =	vld [tilespmem:s24+$0x50]  }
0x16a: {  	v42 =	vld [tilespmem:s24+$0xD0]  }
0x16b: {  	v43 =	vld [tilespmem:s24+$0x150]  }
0x16c: {  	v44 =	vld [tilespmem:s24+$0x1D0];
	_ =	sdelay $0x4  }
0x16d: {  	v8 =	vsub.f32 v42, v7;
	v10 =	vsub.f32 v44, v43;
	_ =	sdelay $0x1  }
0x16e: {  	v8 =	vmul.f32 v8, v5;
	v10 =	vmul.f32 v10, v5;
	_ =	sdelay $0x1  }
0x16f: {  	v7 =	vadd.f32 v8, v7;
	v45 =	vadd.f32 v10, v43;
	_ =	sdelay $0x1  }
0x170: {  	v8 =	vsub.f32 v45, v7;
	_ =	sdelay $0x1  }
0x171: {  	v8 =	vmul.f32 v8, v6;
	_ =	sdelay $0x1  }
0x172: {  	v7 =	vadd.f32 v8, v7;
	_ =	sdelay $0x1  }
0x173: {  	[tilespmem:s28+$0x450] =	vst v7  }
0x174: {  	v7 =	vld [tilespmem:s24+$0x60]  }
0x175: {  	v46 =	vld [tilespmem:s24+$0xE0]  }
0x176: {  	v47 =	vld [tilespmem:s24+$0x160]  }
0x177: {  	v48 =	vld [tilespmem:s24+$0x1E0];
	_ =	sdelay $0x4  }
0x178: {  	v8 =	vsub.f32 v46, v7;
	v10 =	vsub.f32 v48, v47;
	_ =	sdelay $0x1  }
0x179: {  	v8 =	vmul.f32 v8, v5;
	v10 =	vmul.f32 v10, v5;
	_ =	sdelay $0x1  }
0x17a: {  	v7 =	vadd.f32 v8, v7;
	v49 =	vadd.f32 v10, v47;
	_ =	sdelay $0x1  }
0x17b: {  	v8 =	vsub.f32 v49, v7;
	_ =	sdelay $0x1  }
0x17c: {  	v8 =	vmul.f32 v8, v6;
	_ =	sdelay $0x1  }
0x17d: {  	v7 =	vadd.f32 v8, v7;
	_ =	sdelay $0x1  }
0x17e: {  	[tilespmem:s28+$0x460] =	vst v7  }
0x17f: {  	v7 =	vld [tilespmem:s24+$0x70]  }
0x180: {  	v50 =	vld [tilespmem:s24+$0xF0]  }
0x181: {  	v51 =	vld [tilespmem:s24+$0x170]  }
0x182: {  	v52 =	vld [tilespmem:s24+$0x1F0];
	_ =	sdelay $0x4  }
0x183: {  	v8 =	vsub.f32 v50, v7;
	v10 =	vsub.f32 v52, v51;
	_ =	sdelay $0x1  }
0x184: {  	v8 =	vmul.f32 v8, v5;
	v5 =	vmul.f32 v10, v5;
	_ =	sdelay $0x1  }
0x185: {  	v7 =	vadd.f32 v8, v7;
	v5 =	vadd.f32 v5, v51;
	_ =	sdelay $0x1  }
0x186: {  	v5 =	vsub.f32 v5, v7;
	_ =	sdelay $0x1  }
0x187: {  	v5 =	vmul.f32 v5, v6;
	_ =	sdelay $0x1  }
0x188: {  	v5 =	vadd.f32 v5, v7;
	_ =	sdelay $0x1  }
0x189: {  	[tilespmem:s28+$0x470] =	vst v5  }
0x18a: {  	v6 =	vld [tilespmem:s25+$0x0]  }
0x18b: {  	v7 =	vld [tilespmem:s24+$0xFFFFFE00]  }
0x18c: {  	v53 =	vld [tilespmem:s24+$0xFFFFFE80]  }
0x18d: {  	v54 =	vld [tilespmem:s24+$0xFFFFFF00]  }
0x18e: {  	v55 =	vld [tilespmem:s24+$0xFFFFFF80];
	_ =	sdelay $0x4  }
0x18f: {  	v5 =	vperm.xlane v6, v3;
	v8 =	vsub.f32 v53, v7;
	v10 =	vsub.f32 v55, v54;
	_ =	sdelay $0x1  }
0x190: {  	v8 =	vmul.f32 v8, v5;
	v10 =	vmul.f32 v10, v5;
	_ =	sdelay $0x1  }
0x191: {  	v7 =	vadd.f32 v8, v7;
	v56 =	vadd.f32 v10, v54;
	_ =	sdelay $0x1  }
0x192: {  	v6 =	vperm.xlane v6, v4;
	v8 =	vsub.f32 v56, v7;
	_ =	sdelay $0x1  }
0x193: {  	v8 =	vmul.f32 v8, v6;
	_ =	sdelay $0x1  }
0x194: {  	s29 =	sand.u32 $0x380, s22;
	v7 =	vadd.f32 v8, v7  }
0x195: {  	s26 =	sadd.s32 s29, s26  }
0x196: {  	[tilespmem:s26+$0x0] =	vst v7  }
0x197: {  	v7 =	vld [tilespmem:s24+$0xFFFFFE10]  }
0x198: {  	v57 =	vld [tilespmem:s24+$0xFFFFFE90]  }
0x199: {  	v58 =	vld [tilespmem:s24+$0xFFFFFF10]  }
0x19a: {  	v59 =	vld [tilespmem:s24+$0xFFFFFF90];
	_ =	sdelay $0x4  }
0x19b: {  	v8 =	vsub.f32 v57, v7;
	v10 =	vsub.f32 v59, v58;
	_ =	sdelay $0x1  }
0x19c: {  	v8 =	vmul.f32 v8, v5;
	v10 =	vmul.f32 v10, v5;
	_ =	sdelay $0x1  }
0x19d: {  	v7 =	vadd.f32 v8, v7;
	v60 =	vadd.f32 v10, v58;
	_ =	sdelay $0x1  }
0x19e: {  	v8 =	vsub.f32 v60, v7;
	_ =	sdelay $0x1  }
0x19f: {  	v8 =	vmul.f32 v8, v6;
	_ =	sdelay $0x1  }
0x1a0: {  	v7 =	vadd.f32 v8, v7;
	_ =	sdelay $0x1  }
0x1a1: {  	[tilespmem:s26+$0x10] =	vst v7  }
0x1a2: {  	v7 =	vld [tilespmem:s24+$0xFFFFFE20]  }
0x1a3: {  	v61 =	vld [tilespmem:s24+$0xFFFFFEA0]  }
0x1a4: {  	v62 =	vld [tilespmem:s24+$0xFFFFFF20]  }
0x1a5: {  	v63 =	vld [tilespmem:s24+$0xFFFFFFA0];
	_ =	sdelay $0x4  }
0x1a6: {  	v8 =	vsub.f32 v61, v7;
	v10 =	vsub.f32 v63, v62;
	_ =	sdelay $0x1  }
0x1a7: {  	v8 =	vmul.f32 v8, v5;
	v10 =	vmul.f32 v10, v5;
	_ =	sdelay $0x1  }
0x1a8: {  	v7 =	vadd.f32 v8, v7;
	v12 =	vadd.f32 v10, v62;
	_ =	sdelay $0x1  }
0x1a9: {  	v8 =	vsub.f32 v12, v7;
	_ =	sdelay $0x1  }
0x1aa: {  	v8 =	vmul.f32 v8, v6;
	_ =	sdelay $0x1  }
0x1ab: {  	v7 =	vadd.f32 v8, v7;
	_ =	sdelay $0x1  }
0x1ac: {  	[tilespmem:s26+$0x20] =	vst v7  }
0x1ad: {  	v7 =	vld [tilespmem:s24+$0xFFFFFE30]  }
0x1ae: {  	v13 =	vld [tilespmem:s24+$0xFFFFFEB0]  }
0x1af: {  	v14 =	vld [tilespmem:s24+$0xFFFFFF30]  }
0x1b0: {  	v15 =	vld [tilespmem:s24+$0xFFFFFFB0];
	_ =	sdelay $0x4  }
0x1b1: {  	v8 =	vsub.f32 v13, v7;
	v10 =	vsub.f32 v15, v14;
	_ =	sdelay $0x1  }
0x1b2: {  	v8 =	vmul.f32 v8, v5;
	v10 =	vmul.f32 v10, v5;
	_ =	sdelay $0x1  }
0x1b3: {  	v7 =	vadd.f32 v8, v7;
	v16 =	vadd.f32 v10, v14;
	_ =	sdelay $0x1  }
0x1b4: {  	v8 =	vsub.f32 v16, v7;
	_ =	sdelay $0x1  }
0x1b5: {  	v8 =	vmul.f32 v8, v6;
	_ =	sdelay $0x1  }
0x1b6: {  	v7 =	vadd.f32 v8, v7;
	_ =	sdelay $0x1  }
0x1b7: {  	[tilespmem:s26+$0x30] =	vst v7  }
0x1b8: {  	v7 =	vld [tilespmem:s24+$0xFFFFFE40]  }
0x1b9: {  	v17 =	vld [tilespmem:s24+$0xFFFFFEC0]  }
0x1ba: {  	v18 =	vld [tilespmem:s24+$0xFFFFFF40]  }
0x1bb: {  	v19 =	vld [tilespmem:s24+$0xFFFFFFC0];
	_ =	sdelay $0x4  }
0x1bc: {  	v8 =	vsub.f32 v17, v7;
	v10 =	vsub.f32 v19, v18;
	_ =	sdelay $0x1  }
0x1bd: {  	v8 =	vmul.f32 v8, v5;
	v10 =	vmul.f32 v10, v5;
	_ =	sdelay $0x1  }
0x1be: {  	v7 =	vadd.f32 v8, v7;
	v20 =	vadd.f32 v10, v18;
	_ =	sdelay $0x1  }
0x1bf: {  	v8 =	vsub.f32 v20, v7;
	_ =	sdelay $0x1  }
0x1c0: {  	v8 =	vmul.f32 v8, v6;
	_ =	sdelay $0x1  }
0x1c1: {  	v7 =	vadd.f32 v8, v7;
	_ =	sdelay $0x1  }
0x1c2: {  	[tilespmem:s26+$0x40] =	vst v7  }
0x1c3: {  	v7 =	vld [tilespmem:s24+$0xFFFFFE50]  }
0x1c4: {  	v21 =	vld [tilespmem:s24+$0xFFFFFED0]  }
0x1c5: {  	v22 =	vld [tilespmem:s24+$0xFFFFFF50]  }
0x1c6: {  	v23 =	vld [tilespmem:s24+$0xFFFFFFD0];
	_ =	sdelay $0x4  }
0x1c7: {  	v8 =	vsub.f32 v21, v7;
	v10 =	vsub.f32 v23, v22;
	_ =	sdelay $0x1  }
0x1c8: {  	v8 =	vmul.f32 v8, v5;
	v10 =	vmul.f32 v10, v5;
	_ =	sdelay $0x1  }
0x1c9: {  	v7 =	vadd.f32 v8, v7;
	v24 =	vadd.f32 v10, v22;
	_ =	sdelay $0x1  }
0x1ca: {  	v8 =	vsub.f32 v24, v7;
	_ =	sdelay $0x1  }
0x1cb: {  	v8 =	vmul.f32 v8, v6;
	_ =	sdelay $0x1  }
0x1cc: {  	v7 =	vadd.f32 v8, v7;
	_ =	sdelay $0x1  }
0x1cd: {  	[tilespmem:s26+$0x50] =	vst v7  }
0x1ce: {  	v7 =	vld [tilespmem:s24+$0xFFFFFE60]  }
0x1cf: {  	v25 =	vld [tilespmem:s24+$0xFFFFFEE0]  }
0x1d0: {  	v26 =	vld [tilespmem:s24+$0xFFFFFF60]  }
0x1d1: {  	v27 =	vld [tilespmem:s24+$0xFFFFFFE0];
	_ =	sdelay $0x4  }
0x1d2: {  	v8 =	vsub.f32 v25, v7;
	v10 =	vsub.f32 v27, v26;
	_ =	sdelay $0x1  }
0x1d3: {  	v8 =	vmul.f32 v8, v5;
	v10 =	vmul.f32 v10, v5;
	_ =	sdelay $0x1  }
0x1d4: {  	v7 =	vadd.f32 v8, v7;
	v28 =	vadd.f32 v10, v26;
	_ =	sdelay $0x1  }
0x1d5: {  	v8 =	vsub.f32 v28, v7;
	_ =	sdelay $0x1  }
0x1d6: {  	v8 =	vmul.f32 v8, v6;
	_ =	sdelay $0x1  }
0x1d7: {  	v7 =	vadd.f32 v8, v7;
	_ =	sdelay $0x1  }
0x1d8: {  	[tilespmem:s26+$0x60] =	vst v7  }
0x1d9: {  	v7 =	vld [tilespmem:s24+$0xFFFFFE70]  }
0x1da: {  	v29 =	vld [tilespmem:s24+$0xFFFFFEF0]  }
0x1db: {  	v30 =	vld [tilespmem:s24+$0xFFFFFF70]  }
0x1dc: {  	v31 =	vld [tilespmem:s24+$0xFFFFFFF0];
	_ =	sdelay $0x4  }
0x1dd: {  	v8 =	vsub.f32 v29, v7;
	v10 =	vsub.f32 v31, v30;
	_ =	sdelay $0x1  }
0x1de: {  	v8 =	vmul.f32 v8, v5;
	v10 =	vmul.f32 v10, v5;
	_ =	sdelay $0x1  }
0x1df: {  	v7 =	vadd.f32 v8, v7;
	v32 =	vadd.f32 v10, v30;
	_ =	sdelay $0x1  }
0x1e0: {  	v8 =	vsub.f32 v32, v7;
	_ =	sdelay $0x1  }
0x1e1: {  	v8 =	vmul.f32 v8, v6;
	_ =	sdelay $0x1  }
0x1e2: {  	v7 =	vadd.f32 v8, v7;
	_ =	sdelay $0x1  }
0x1e3: {  	[tilespmem:s26+$0x70] =	vst v7  }
0x1e4: {  	v7 =	vld [tilespmem:s24+$0x200]  }
0x1e5: {  	v33 =	vld [tilespmem:s24+$0x280]  }
0x1e6: {  	v34 =	vld [tilespmem:s24+$0x300]  }
0x1e7: {  	v35 =	vld [tilespmem:s24+$0x380];
	_ =	sdelay $0x4  }
0x1e8: {  	v8 =	vsub.f32 v33, v7;
	v10 =	vsub.f32 v35, v34;
	_ =	sdelay $0x1  }
0x1e9: {  	v8 =	vmul.f32 v8, v5;
	v10 =	vmul.f32 v10, v5;
	_ =	sdelay $0x1  }
0x1ea: {  	v7 =	vadd.f32 v8, v7;
	v36 =	vadd.f32 v10, v34;
	_ =	sdelay $0x1  }
0x1eb: {  	v8 =	vsub.f32 v36, v7;
	_ =	sdelay $0x1  }
0x1ec: {  	v8 =	vmul.f32 v8, v6;
	_ =	sdelay $0x1  }
0x1ed: {  	v7 =	vadd.f32 v8, v7;
	_ =	sdelay $0x1  }
0x1ee: {  	[tilespmem:s26+$0x400] =	vst v7  }
0x1ef: {  	v7 =	vld [tilespmem:s24+$0x210]  }
0x1f0: {  	v37 =	vld [tilespmem:s24+$0x290]  }
0x1f1: {  	v38 =	vld [tilespmem:s24+$0x310]  }
0x1f2: {  	v39 =	vld [tilespmem:s24+$0x390];
	_ =	sdelay $0x4  }
0x1f3: {  	v8 =	vsub.f32 v37, v7;
	v10 =	vsub.f32 v39, v38;
	_ =	sdelay $0x1  }
0x1f4: {  	v8 =	vmul.f32 v8, v5;
	v10 =	vmul.f32 v10, v5;
	_ =	sdelay $0x1  }
0x1f5: {  	v7 =	vadd.f32 v8, v7;
	v40 =	vadd.f32 v10, v38;
	_ =	sdelay $0x1  }
0x1f6: {  	v8 =	vsub.f32 v40, v7;
	_ =	sdelay $0x1  }
0x1f7: {  	v8 =	vmul.f32 v8, v6;
	_ =	sdelay $0x1  }
0x1f8: {  	v7 =	vadd.f32 v8, v7;
	_ =	sdelay $0x1  }
0x1f9: {  	[tilespmem:s26+$0x410] =	vst v7  }
0x1fa: {  	v7 =	vld [tilespmem:s24+$0x220]  }
0x1fb: {  	v41 =	vld [tilespmem:s24+$0x2A0]  }
0x1fc: {  	v42 =	vld [tilespmem:s24+$0x320]  }
0x1fd: {  	v43 =	vld [tilespmem:s24+$0x3A0];
	_ =	sdelay $0x4  }
0x1fe: {  	v8 =	vsub.f32 v41, v7;
	v10 =	vsub.f32 v43, v42;
	_ =	sdelay $0x1  }
0x1ff: {  	v8 =	vmul.f32 v8, v5;
	v10 =	vmul.f32 v10, v5;
	_ =	sdelay $0x1  }
0x200: {  	v7 =	vadd.f32 v8, v7;
	v44 =	vadd.f32 v10, v42;
	_ =	sdelay $0x1  }
0x201: {  	v8 =	vsub.f32 v44, v7;
	_ =	sdelay $0x1  }
0x202: {  	v8 =	vmul.f32 v8, v6;
	_ =	sdelay $0x1  }
0x203: {  	v7 =	vadd.f32 v8, v7;
	_ =	sdelay $0x1  }
0x204: {  	[tilespmem:s26+$0x420] =	vst v7  }
0x205: {  	v7 =	vld [tilespmem:s24+$0x230]  }
0x206: {  	v45 =	vld [tilespmem:s24+$0x2B0]  }
0x207: {  	v46 =	vld [tilespmem:s24+$0x330]  }
0x208: {  	v47 =	vld [tilespmem:s24+$0x3B0];
	_ =	sdelay $0x4  }
0x209: {  	v8 =	vsub.f32 v45, v7;
	v10 =	vsub.f32 v47, v46;
	_ =	sdelay $0x1  }
0x20a: {  	v8 =	vmul.f32 v8, v5;
	v10 =	vmul.f32 v10, v5;
	_ =	sdelay $0x1  }
0x20b: {  	v7 =	vadd.f32 v8, v7;
	v48 =	vadd.f32 v10, v46;
	_ =	sdelay $0x1  }
0x20c: {  	v8 =	vsub.f32 v48, v7;
	_ =	sdelay $0x1  }
0x20d: {  	v8 =	vmul.f32 v8, v6;
	_ =	sdelay $0x1  }
0x20e: {  	v7 =	vadd.f32 v8, v7;
	_ =	sdelay $0x1  }
0x20f: {  	[tilespmem:s26+$0x430] =	vst v7  }
0x210: {  	v7 =	vld [tilespmem:s24+$0x240]  }
0x211: {  	v49 =	vld [tilespmem:s24+$0x2C0]  }
0x212: {  	v50 =	vld [tilespmem:s24+$0x340]  }
0x213: {  	v51 =	vld [tilespmem:s24+$0x3C0];
	_ =	sdelay $0x4  }
0x214: {  	v8 =	vsub.f32 v49, v7;
	v10 =	vsub.f32 v51, v50;
	_ =	sdelay $0x1  }
0x215: {  	v8 =	vmul.f32 v8, v5;
	v10 =	vmul.f32 v10, v5;
	_ =	sdelay $0x1  }
0x216: {  	v7 =	vadd.f32 v8, v7;
	v52 =	vadd.f32 v10, v50;
	_ =	sdelay $0x1  }
0x217: {  	v8 =	vsub.f32 v52, v7;
	_ =	sdelay $0x1  }
0x218: {  	v8 =	vmul.f32 v8, v6;
	_ =	sdelay $0x1  }
0x219: {  	v7 =	vadd.f32 v8, v7;
	_ =	sdelay $0x1  }
0x21a: {  	[tilespmem:s26+$0x440] =	vst v7  }
0x21b: {  	v7 =	vld [tilespmem:s24+$0x250]  }
0x21c: {  	v53 =	vld [tilespmem:s24+$0x2D0]  }
0x21d: {  	v54 =	vld [tilespmem:s24+$0x350]  }
0x21e: {  	v55 =	vld [tilespmem:s24+$0x3D0];
	_ =	sdelay $0x4  }
0x21f: {  	v8 =	vsub.f32 v53, v7;
	v10 =	vsub.f32 v55, v54;
	_ =	sdelay $0x1  }
0x220: {  	v8 =	vmul.f32 v8, v5;
	v10 =	vmul.f32 v10, v5;
	_ =	sdelay $0x1  }
0x221: {  	v7 =	vadd.f32 v8, v7;
	v56 =	vadd.f32 v10, v54;
	_ =	sdelay $0x1  }
0x222: {  	v8 =	vsub.f32 v56, v7;
	_ =	sdelay $0x1  }
0x223: {  	v8 =	vmul.f32 v8, v6;
	_ =	sdelay $0x1  }
0x224: {  	v7 =	vadd.f32 v8, v7;
	_ =	sdelay $0x1  }
0x225: {  	[tilespmem:s26+$0x450] =	vst v7  }
0x226: {  	v7 =	vld [tilespmem:s24+$0x260]  }
0x227: {  	v57 =	vld [tilespmem:s24+$0x2E0]  }
0x228: {  	v58 =	vld [tilespmem:s24+$0x360]  }
0x229: {  	v59 =	vld [tilespmem:s24+$0x3E0];
	_ =	sdelay $0x4  }
0x22a: {  	v8 =	vsub.f32 v57, v7;
	v10 =	vsub.f32 v59, v58;
	_ =	sdelay $0x1  }
0x22b: {  	v8 =	vmul.f32 v8, v5;
	v10 =	vmul.f32 v10, v5;
	_ =	sdelay $0x1  }
0x22c: {  	v7 =	vadd.f32 v8, v7;
	v60 =	vadd.f32 v10, v58;
	_ =	sdelay $0x1  }
0x22d: {  	v8 =	vsub.f32 v60, v7;
	_ =	sdelay $0x1  }
0x22e: {  	v8 =	vmul.f32 v8, v6;
	_ =	sdelay $0x1  }
0x22f: {  	v7 =	vadd.f32 v8, v7;
	_ =	sdelay $0x1  }
0x230: {  	[tilespmem:s26+$0x460] =	vst v7  }
0x231: {  	v7 =	vld [tilespmem:s24+$0x270]  }
0x232: {  	v61 =	vld [tilespmem:s24+$0x2F0]  }
0x233: {  	v62 =	vld [tilespmem:s24+$0x370]  }
0x234: {  	v63 =	vld [tilespmem:s24+$0x3F0];
	_ =	sdelay $0x4  }
0x235: {  	v8 =	vsub.f32 v61, v7;
	v10 =	vsub.f32 v63, v62;
	_ =	sdelay $0x1  }
0x236: {  	v8 =	vmul.f32 v8, v5;
	v5 =	vmul.f32 v10, v5;
	_ =	sdelay $0x1  }
0x237: {  	v7 =	vadd.f32 v8, v7;
	v5 =	vadd.f32 v5, v62;
	_ =	sdelay $0x1  }
0x238: {  	v5 =	vsub.f32 v5, v7  }
0x239: {  	p1 =	sne.s32 s22, $0xF80  }
.Ltmp2:
0x23a: {  	v5 =	vmul.f32 v5, v6;
	(pc) =	sbr.rel @p1 .LBB2_3-.Ltmp2, $4  }
0x23b: {  	_ = 	snop  }
0x23c: {  	v5 =	vadd.f32 v5, v7  }
0x23d: {  	s19 =	sadd.s32 $0x200, s19  }
0x23e: {  	s22 =	sadd.s32 $0x100, s22;
	s25 =	sadd.s32 $0x4, s25;
	s24 =	sadd.s32 $0x800, s24;
	[tilespmem:s26+$0x470] =	vst v5  }
0x23f: {  	p1 =	seq.s32 s20, $0x2F  }
.Ltmp3:
0x240: {  	_ = 	snop;
	(pc) =	sbr.rel @p1 .LBB2_6-.Ltmp3, $4  }
0x241: {  	_ = 	snop  }
0x242: {  	s19 =	sshll.u32 s20, $0xB  }
0x243: {  	s19 =	sadd.s32 s19, s6  }
0x244: {  	[hbm4b:s19+s2] =	stream.linear.scatter [tilespmem:s15], [sflag:$0x3], $0x2000, $0x38;
	[tilespmem:$0x18880] =	vst v63  }
0x245: {  	s19 =	sshll.u32 s20, $0x8  }
0x246: {  	s19 =	sand.u32 $0x3FFFFF00, s19  }
0x247: {  	v5 =	vld [tilespmem:s19+$0x100];
	_ =	sdelay $0x4  }
0x248: {  	v6 =	vshll.u32 v5, $0x1  }
0x249: {  	v5 =	vand.u32 $0x7, v5;
	v6 =	vand.u32 $0xFFFFFFF0, v6  }
0x24a: {  	v5 =	vor.u32 v5, v6  }
0x24b: {  	v6 =	vperm.xlane v5, v0;
	_ =	sdelay $0x1  }
0x24c: {  	v5 =	vperm.xlane v5, v2;
	v6 =	vadd.s32 v1, v6;
	_ =	sdelay $0x1  }
0x24d: {  	v5 =	vadd.s32 v1, v5;
	_ =	sdelay $0x1  }
0x24e: {  	s22 =	simm.s32 $0x4880  }
0x24f: {  	[tilespmem:s22], [sflag:$0x1] =	stream.indirect_vreg.gather [hbm4b:s3+s2], $0x80, v6, vm0, $0xb8;
	[tilespmem:$0x18880] =	vst v63  }
0x250: {  	s24 =	simm.s32 $0x5080  }
0x251: {  	[tilespmem:s24], [sflag:$0x1] =	stream.indirect_vreg.gather [hbm4b:s3+s2], $0x80, v5, vm0, $0xb8;
	[tilespmem:$0x18880] =	vst v63  }
0x252: {  	v5 =	vld [tilespmem:s19+$0x110];
	_ =	sdelay $0x4  }
0x253: {  	v6 =	vshll.u32 v5, $0x1  }
0x254: {  	v5 =	vand.u32 $0x7, v5;
	v6 =	vand.u32 $0xFFFFFFF0, v6  }
0x255: {  	v5 =	vor.u32 v5, v6  }
0x256: {  	v6 =	vperm.xlane v5, v0;
	_ =	sdelay $0x1  }
0x257: {  	v5 =	vperm.xlane v5, v2;
	v6 =	vadd.s32 v1, v6;
	_ =	sdelay $0x1  }
0x258: {  	v5 =	vadd.s32 v1, v5;
	_ =	sdelay $0x1  }
0x259: {  	s25 =	simm.s32 $0x5880  }
0x25a: {  	[tilespmem:s25], [sflag:$0x1] =	stream.indirect_vreg.gather [hbm4b:s3+s2], $0x80, v6, vm0, $0xb8;
	[tilespmem:$0x18880] =	vst v63  }
0x25b: {  	s26 =	simm.s32 $0x6080  }
0x25c: {  	[tilespmem:s26], [sflag:$0x1] =	stream.indirect_vreg.gather [hbm4b:s3+s2], $0x80, v5, vm0, $0xb8;
	[tilespmem:$0x18880] =	vst v63  }
0x25d: {  	v5 =	vld [tilespmem:s19+$0x120];
	_ =	sdelay $0x4  }
0x25e: {  	v6 =	vshll.u32 v5, $0x1  }
0x25f: {  	v5 =	vand.u32 $0x7, v5;
	v6 =	vand.u32 $0xFFFFFFF0, v6  }
0x260: {  	v5 =	vor.u32 v5, v6  }
0x261: {  	v6 =	vperm.xlane v5, v0;
	_ =	sdelay $0x1  }
0x262: {  	v5 =	vperm.xlane v5, v2;
	v6 =	vadd.s32 v1, v6;
	_ =	sdelay $0x1  }
0x263: {  	v5 =	vadd.s32 v1, v5;
	_ =	sdelay $0x1  }
0x264: {  	s28 =	simm.s32 $0x6880  }
0x265: {  	[tilespmem:s28], [sflag:$0x1] =	stream.indirect_vreg.gather [hbm4b:s3+s2], $0x80, v6, vm0, $0xb8;
	[tilespmem:$0x18880] =	vst v63  }
0x266: {  	s29 =	simm.s32 $0x7080  }
0x267: {  	[tilespmem:s29], [sflag:$0x1] =	stream.indirect_vreg.gather [hbm4b:s3+s2], $0x80, v5, vm0, $0xb8;
	[tilespmem:$0x18880] =	vst v63  }
0x268: {  	v5 =	vld [tilespmem:s19+$0x130];
	_ =	sdelay $0x4  }
0x269: {  	v6 =	vshll.u32 v5, $0x1  }
0x26a: {  	v5 =	vand.u32 $0x7, v5;
	v6 =	vand.u32 $0xFFFFFFF0, v6  }
0x26b: {  	v5 =	vor.u32 v5, v6  }
0x26c: {  	v6 =	vperm.xlane v5, v0;
	_ =	sdelay $0x1  }
0x26d: {  	v5 =	vperm.xlane v5, v2;
	v6 =	vadd.s32 v1, v6;
	_ =	sdelay $0x1  }
0x26e: {  	v5 =	vadd.s32 v1, v5;
	_ =	sdelay $0x1  }
0x26f: {  	s24 =	simm.s32 $0x7880  }
0x270: {  	[tilespmem:s24], [sflag:$0x1] =	stream.indirect_vreg.gather [hbm4b:s3+s2], $0x80, v6, vm0, $0xb8;
	[tilespmem:$0x18880] =	vst v63  }
0x271: {  	s25 =	simm.s32 $0x8080  }
0x272: {  	[tilespmem:s25], [sflag:$0x1] =	stream.indirect_vreg.gather [hbm4b:s3+s2], $0x80, v5, vm0, $0xb8;
	[tilespmem:$0x18880] =	vst v63  }
0x273: {  	v5 =	vld [tilespmem:s19+$0x140];
	_ =	sdelay $0x4  }
0x274: {  	v6 =	vshll.u32 v5, $0x1  }
0x275: {  	v5 =	vand.u32 $0x7, v5;
	v6 =	vand.u32 $0xFFFFFFF0, v6  }
0x276: {  	v5 =	vor.u32 v5, v6  }
0x277: {  	v6 =	vperm.xlane v5, v0;
	_ =	sdelay $0x1  }
0x278: {  	v5 =	vperm.xlane v5, v2;
	v6 =	vadd.s32 v1, v6;
	_ =	sdelay $0x1  }
0x279: {  	v5 =	vadd.s32 v1, v5;
	_ =	sdelay $0x1  }
0x27a: {  	s26 =	simm.s32 $0x8880  }
0x27b: {  	[tilespmem:s26], [sflag:$0x1] =	stream.indirect_vreg.gather [hbm4b:s3+s2], $0x80, v6, vm0, $0xb8;
	[tilespmem:$0x18880] =	vst v63  }
0x27c: {  	s28 =	simm.s32 $0x9080  }
0x27d: {  	[tilespmem:s28], [sflag:$0x1] =	stream.indirect_vreg.gather [hbm4b:s3+s2], $0x80, v5, vm0, $0xb8;
	[tilespmem:$0x18880] =	vst v63  }
0x27e: {  	v5 =	vld [tilespmem:s19+$0x150];
	_ =	sdelay $0x4  }
0x27f: {  	v6 =	vshll.u32 v5, $0x1  }
0x280: {  	v5 =	vand.u32 $0x7, v5;
	v6 =	vand.u32 $0xFFFFFFF0, v6  }
0x281: {  	v5 =	vor.u32 v5, v6  }
0x282: {  	v6 =	vperm.xlane v5, v0;
	_ =	sdelay $0x1  }
0x283: {  	v5 =	vperm.xlane v5, v2;
	v6 =	vadd.s32 v1, v6;
	_ =	sdelay $0x1  }
0x284: {  	v5 =	vadd.s32 v1, v5;
	_ =	sdelay $0x1  }
0x285: {  	s29 =	simm.s32 $0x9880  }
0x286: {  	[tilespmem:s29], [sflag:$0x1] =	stream.indirect_vreg.gather [hbm4b:s3+s2], $0x80, v6, vm0, $0xb8;
	[tilespmem:$0x18880] =	vst v63  }
0x287: {  	s24 =	simm.s32 $0xA080  }
0x288: {  	[tilespmem:s24], [sflag:$0x1] =	stream.indirect_vreg.gather [hbm4b:s3+s2], $0x80, v5, vm0, $0xb8;
	[tilespmem:$0x18880] =	vst v63  }
0x289: {  	v5 =	vld [tilespmem:s19+$0x160];
	_ =	sdelay $0x4  }
0x28a: {  	v6 =	vshll.u32 v5, $0x1  }
0x28b: {  	v5 =	vand.u32 $0x7, v5;
	v6 =	vand.u32 $0xFFFFFFF0, v6  }
0x28c: {  	v5 =	vor.u32 v5, v6  }
0x28d: {  	v6 =	vperm.xlane v5, v0;
	_ =	sdelay $0x1  }
0x28e: {  	v5 =	vperm.xlane v5, v2;
	v6 =	vadd.s32 v1, v6;
	_ =	sdelay $0x1  }
0x28f: {  	v5 =	vadd.s32 v1, v5;
	_ =	sdelay $0x1  }
0x290: {  	s25 =	simm.s32 $0xA880  }
0x291: {  	[tilespmem:s25], [sflag:$0x1] =	stream.indirect_vreg.gather [hbm4b:s3+s2], $0x80, v6, vm0, $0xb8;
	[tilespmem:$0x18880] =	vst v63  }
0x292: {  	s26 =	simm.s32 $0xB080  }
0x293: {  	[tilespmem:s26], [sflag:$0x1] =	stream.indirect_vreg.gather [hbm4b:s3+s2], $0x80, v5, vm0, $0xb8;
	[tilespmem:$0x18880] =	vst v63  }
0x294: {  	v5 =	vld [tilespmem:s19+$0x170];
	_ =	sdelay $0x4  }
0x295: {  	v6 =	vshll.u32 v5, $0x1  }
0x296: {  	v5 =	vand.u32 $0x7, v5;
	v6 =	vand.u32 $0xFFFFFFF0, v6  }
0x297: {  	v5 =	vor.u32 v5, v6  }
0x298: {  	v6 =	vperm.xlane v5, v0;
	_ =	sdelay $0x1  }
0x299: {  	v5 =	vperm.xlane v5, v2;
	v6 =	vadd.s32 v1, v6;
	_ =	sdelay $0x1  }
0x29a: {  	v5 =	vadd.s32 v1, v5;
	_ =	sdelay $0x1  }
0x29b: {  	s28 =	simm.s32 $0xB880  }
0x29c: {  	[tilespmem:s28], [sflag:$0x1] =	stream.indirect_vreg.gather [hbm4b:s3+s2], $0x80, v6, vm0, $0xb8;
	[tilespmem:$0x18880] =	vst v63  }
0x29d: {  	s29 =	simm.s32 $0xC080  }
0x29e: {  	[tilespmem:s29], [sflag:$0x1] =	stream.indirect_vreg.gather [hbm4b:s3+s2], $0x80, v5, vm0, $0xb8;
	[tilespmem:$0x18880] =	vst v63  }
.LBB2_6:
0x29f: {  	_ =	swait.ge [sflag:s16], $0x8000  }
0x2a0: {  	[sflag:s16] =	ssyncset.done $0x0  }
0x2a1: {  	s19 =	simm.s32 @!p0 $0x4;
	[sflag:s16] =	ssyncadd.s32 $0xFFFF8000  }
0x2a2: {  	s21 =	sor.u32 $0x1, s21;
	_ =	swait.ge @!p0 [sflag:s19], $0x2000  }
0x2a3: {  	s22 =	simm.s32 $0x0;
	s24 =	simm.s32 $0x0;
	[sflag:s19] =	ssyncset.done @!p0 $0x0  }
0x2a4: {  	s25 =	simm.s32 $0x0;
	[sflag:s19] =	ssyncadd.s32 @!p0 $0xFFFFE000;
	s19 =	smov.u32 s23  }
.LBB2_7:
0x2a5: {  	v6 =	vld [tilespmem:s19+$0xFFFFFFFE];
	s26 =	sshra.s32 s25, $0x2  }
0x2a6: {  	v7 =	vld [tilespmem:s26+$0xC880]  }
0x2a7: {  	v8 =	vld [tilespmem:s26+$0xC900]  }
0x2a8: {  	v9 =	vld [tilespmem:s26+$0xC980]  }
0x2a9: {  	v10 =	vld [tilespmem:s26+$0xCA00];
	_ =	sdelay $0x4  }
0x2aa: {  	v5 =	vperm.xlane v6, v3;
	v8 =	vsub.f32 v8, v7;
	v10 =	vsub.f32 v10, v9;
	_ =	sdelay $0x1  }
0x2ab: {  	v8 =	vmul.f32 v8, v5;
	v10 =	vmul.f32 v10, v5;
	_ =	sdelay $0x1  }
0x2ac: {  	v7 =	vadd.f32 v8, v7;
	v45 =	vadd.f32 v10, v9;
	_ =	sdelay $0x1  }
0x2ad: {  	v6 =	vperm.xlane v6, v4;
	v8 =	vsub.f32 v45, v7;
	_ =	sdelay $0x1  }
0x2ae: {  	v8 =	vmul.f32 v8, v6  }
0x2af: {  	s28 =	sand.u32 $0x1800, s22  }
0x2b0: {  	s29 =	sand.u32 $0x300, s24;
	s28 =	sadd.s32 $0x14880, s28;
	v7 =	vadd.f32 v8, v7  }
0x2b1: {  	s29 =	sor.u32 s29, s28  }
0x2b2: {  	[tilespmem:s29+$0x2000] =	vst v7  }
0x2b3: {  	v7 =	vld [tilespmem:s26+$0xC890]  }
0x2b4: {  	v46 =	vld [tilespmem:s26+$0xC910]  }
0x2b5: {  	v47 =	vld [tilespmem:s26+$0xC990]  }
0x2b6: {  	v48 =	vld [tilespmem:s26+$0xCA10];
	_ =	sdelay $0x4  }
0x2b7: {  	v8 =	vsub.f32 v46, v7;
	v10 =	vsub.f32 v48, v47;
	_ =	sdelay $0x1  }
0x2b8: {  	v8 =	vmul.f32 v8, v5;
	v10 =	vmul.f32 v10, v5;
	_ =	sdelay $0x1  }
0x2b9: {  	v7 =	vadd.f32 v8, v7;
	v49 =	vadd.f32 v10, v47;
	_ =	sdelay $0x1  }
0x2ba: {  	v8 =	vsub.f32 v49, v7;
	_ =	sdelay $0x1  }
0x2bb: {  	v8 =	vmul.f32 v8, v6;
	_ =	sdelay $0x1  }
0x2bc: {  	v7 =	vadd.f32 v8, v7;
	_ =	sdelay $0x1  }
0x2bd: {  	[tilespmem:s29+$0x2010] =	vst v7  }
0x2be: {  	v7 =	vld [tilespmem:s26+$0xC8A0]  }
0x2bf: {  	v50 =	vld [tilespmem:s26+$0xC920]  }
0x2c0: {  	v51 =	vld [tilespmem:s26+$0xC9A0]  }
0x2c1: {  	v52 =	vld [tilespmem:s26+$0xCA20];
	_ =	sdelay $0x4  }
0x2c2: {  	v8 =	vsub.f32 v50, v7;
	v10 =	vsub.f32 v52, v51;
	_ =	sdelay $0x1  }
0x2c3: {  	v8 =	vmul.f32 v8, v5;
	v10 =	vmul.f32 v10, v5;
	_ =	sdelay $0x1  }
0x2c4: {  	v7 =	vadd.f32 v8, v7;
	v53 =	vadd.f32 v10, v51;
	_ =	sdelay $0x1  }
0x2c5: {  	v8 =	vsub.f32 v53, v7;
	_ =	sdelay $0x1  }
0x2c6: {  	v8 =	vmul.f32 v8, v6;
	_ =	sdelay $0x1  }
0x2c7: {  	v7 =	vadd.f32 v8, v7;
	_ =	sdelay $0x1  }
0x2c8: {  	[tilespmem:s29+$0x2020] =	vst v7  }
0x2c9: {  	v7 =	vld [tilespmem:s26+$0xC8B0]  }
0x2ca: {  	v54 =	vld [tilespmem:s26+$0xC930]  }
0x2cb: {  	v55 =	vld [tilespmem:s26+$0xC9B0]  }
0x2cc: {  	v56 =	vld [tilespmem:s26+$0xCA30];
	_ =	sdelay $0x4  }
0x2cd: {  	v8 =	vsub.f32 v54, v7;
	v10 =	vsub.f32 v56, v55;
	_ =	sdelay $0x1  }
0x2ce: {  	v8 =	vmul.f32 v8, v5;
	v10 =	vmul.f32 v10, v5;
	_ =	sdelay $0x1  }
0x2cf: {  	v7 =	vadd.f32 v8, v7;
	v57 =	vadd.f32 v10, v55;
	_ =	sdelay $0x1  }
0x2d0: {  	v8 =	vsub.f32 v57, v7;
	_ =	sdelay $0x1  }
0x2d1: {  	v8 =	vmul.f32 v8, v6;
	_ =	sdelay $0x1  }
0x2d2: {  	v7 =	vadd.f32 v8, v7;
	_ =	sdelay $0x1  }
0x2d3: {  	[tilespmem:s29+$0x2030] =	vst v7  }
0x2d4: {  	v7 =	vld [tilespmem:s26+$0xC8C0]  }
0x2d5: {  	v58 =	vld [tilespmem:s26+$0xC940]  }
0x2d6: {  	v59 =	vld [tilespmem:s26+$0xC9C0]  }
0x2d7: {  	v60 =	vld [tilespmem:s26+$0xCA40];
	_ =	sdelay $0x4  }
0x2d8: {  	v8 =	vsub.f32 v58, v7;
	v10 =	vsub.f32 v60, v59;
	_ =	sdelay $0x1  }
0x2d9: {  	v8 =	vmul.f32 v8, v5;
	v10 =	vmul.f32 v10, v5;
	_ =	sdelay $0x1  }
0x2da: {  	v7 =	vadd.f32 v8, v7;
	v61 =	vadd.f32 v10, v59;
	_ =	sdelay $0x1  }
0x2db: {  	v8 =	vsub.f32 v61, v7;
	_ =	sdelay $0x1  }
0x2dc: {  	v8 =	vmul.f32 v8, v6;
	_ =	sdelay $0x1  }
0x2dd: {  	v7 =	vadd.f32 v8, v7;
	_ =	sdelay $0x1  }
0x2de: {  	[tilespmem:s29+$0x2040] =	vst v7  }
0x2df: {  	v7 =	vld [tilespmem:s26+$0xC8D0]  }
0x2e0: {  	v62 =	vld [tilespmem:s26+$0xC950]  }
0x2e1: {  	v63 =	vld [tilespmem:s26+$0xC9D0]  }
0x2e2: {  	v12 =	vld [tilespmem:s26+$0xCA50];
	_ =	sdelay $0x4  }
0x2e3: {  	v8 =	vsub.f32 v62, v7;
	v10 =	vsub.f32 v12, v63;
	_ =	sdelay $0x1  }
0x2e4: {  	v8 =	vmul.f32 v8, v5;
	v10 =	vmul.f32 v10, v5;
	_ =	sdelay $0x1  }
0x2e5: {  	v7 =	vadd.f32 v8, v7;
	v13 =	vadd.f32 v10, v63;
	_ =	sdelay $0x1  }
0x2e6: {  	v8 =	vsub.f32 v13, v7;
	_ =	sdelay $0x1  }
0x2e7: {  	v8 =	vmul.f32 v8, v6;
	_ =	sdelay $0x1  }
0x2e8: {  	v7 =	vadd.f32 v8, v7;
	_ =	sdelay $0x1  }
0x2e9: {  	[tilespmem:s29+$0x2050] =	vst v7  }
0x2ea: {  	v7 =	vld [tilespmem:s26+$0xC8E0]  }
0x2eb: {  	v14 =	vld [tilespmem:s26+$0xC960]  }
0x2ec: {  	v15 =	vld [tilespmem:s26+$0xC9E0]  }
0x2ed: {  	v16 =	vld [tilespmem:s26+$0xCA60];
	_ =	sdelay $0x4  }
0x2ee: {  	v8 =	vsub.f32 v14, v7;
	v10 =	vsub.f32 v16, v15;
	_ =	sdelay $0x1  }
0x2ef: {  	v8 =	vmul.f32 v8, v5;
	v10 =	vmul.f32 v10, v5;
	_ =	sdelay $0x1  }
0x2f0: {  	v7 =	vadd.f32 v8, v7;
	v17 =	vadd.f32 v10, v15;
	_ =	sdelay $0x1  }
0x2f1: {  	v8 =	vsub.f32 v17, v7;
	_ =	sdelay $0x1  }
0x2f2: {  	v8 =	vmul.f32 v8, v6;
	_ =	sdelay $0x1  }
0x2f3: {  	v7 =	vadd.f32 v8, v7;
	_ =	sdelay $0x1  }
0x2f4: {  	[tilespmem:s29+$0x2060] =	vst v7  }
0x2f5: {  	v7 =	vld [tilespmem:s26+$0xC8F0]  }
0x2f6: {  	v18 =	vld [tilespmem:s26+$0xC970]  }
0x2f7: {  	v19 =	vld [tilespmem:s26+$0xC9F0]  }
0x2f8: {  	v20 =	vld [tilespmem:s26+$0xCA70];
	_ =	sdelay $0x4  }
0x2f9: {  	v8 =	vsub.f32 v18, v7;
	v10 =	vsub.f32 v20, v19;
	_ =	sdelay $0x1  }
0x2fa: {  	v8 =	vmul.f32 v8, v5;
	v10 =	vmul.f32 v10, v5;
	_ =	sdelay $0x1  }
0x2fb: {  	v7 =	vadd.f32 v8, v7;
	v21 =	vadd.f32 v10, v19;
	_ =	sdelay $0x1  }
0x2fc: {  	v8 =	vsub.f32 v21, v7;
	_ =	sdelay $0x1  }
0x2fd: {  	v8 =	vmul.f32 v8, v6;
	_ =	sdelay $0x1  }
0x2fe: {  	v7 =	vadd.f32 v8, v7;
	_ =	sdelay $0x1  }
0x2ff: {  	[tilespmem:s29+$0x2070] =	vst v7  }
0x300: {  	v7 =	vld [tilespmem:s26+$0xCC80]  }
0x301: {  	v22 =	vld [tilespmem:s26+$0xCD00]  }
0x302: {  	v23 =	vld [tilespmem:s26+$0xCD80]  }
0x303: {  	v24 =	vld [tilespmem:s26+$0xCE00];
	_ =	sdelay $0x4  }
0x304: {  	v8 =	vsub.f32 v22, v7;
	v10 =	vsub.f32 v24, v23;
	_ =	sdelay $0x1  }
0x305: {  	v8 =	vmul.f32 v8, v5;
	v10 =	vmul.f32 v10, v5;
	_ =	sdelay $0x1  }
0x306: {  	v7 =	vadd.f32 v8, v7;
	v25 =	vadd.f32 v10, v23;
	_ =	sdelay $0x1  }
0x307: {  	v8 =	vsub.f32 v25, v7;
	_ =	sdelay $0x1  }
0x308: {  	v8 =	vmul.f32 v8, v6;
	_ =	sdelay $0x1  }
0x309: {  	v7 =	vadd.f32 v8, v7;
	_ =	sdelay $0x1  }
0x30a: {  	[tilespmem:s29+$0x2400] =	vst v7  }
0x30b: {  	v7 =	vld [tilespmem:s26+$0xCC90]  }
0x30c: {  	v26 =	vld [tilespmem:s26+$0xCD10]  }
0x30d: {  	v27 =	vld [tilespmem:s26+$0xCD90]  }
0x30e: {  	v28 =	vld [tilespmem:s26+$0xCE10];
	_ =	sdelay $0x4  }
0x30f: {  	v8 =	vsub.f32 v26, v7;
	v10 =	vsub.f32 v28, v27;
	_ =	sdelay $0x1  }
0x310: {  	v8 =	vmul.f32 v8, v5;
	v10 =	vmul.f32 v10, v5;
	_ =	sdelay $0x1  }
0x311: {  	v7 =	vadd.f32 v8, v7;
	v29 =	vadd.f32 v10, v27;
	_ =	sdelay $0x1  }
0x312: {  	v8 =	vsub.f32 v29, v7;
	_ =	sdelay $0x1  }
0x313: {  	v8 =	vmul.f32 v8, v6;
	_ =	sdelay $0x1  }
0x314: {  	v7 =	vadd.f32 v8, v7;
	_ =	sdelay $0x1  }
0x315: {  	[tilespmem:s29+$0x2410] =	vst v7  }
0x316: {  	v7 =	vld [tilespmem:s26+$0xCCA0]  }
0x317: {  	v30 =	vld [tilespmem:s26+$0xCD20]  }
0x318: {  	v31 =	vld [tilespmem:s26+$0xCDA0]  }
0x319: {  	v32 =	vld [tilespmem:s26+$0xCE20];
	_ =	sdelay $0x4  }
0x31a: {  	v8 =	vsub.f32 v30, v7;
	v10 =	vsub.f32 v32, v31;
	_ =	sdelay $0x1  }
0x31b: {  	v8 =	vmul.f32 v8, v5;
	v10 =	vmul.f32 v10, v5;
	_ =	sdelay $0x1  }
0x31c: {  	v7 =	vadd.f32 v8, v7;
	v33 =	vadd.f32 v10, v31;
	_ =	sdelay $0x1  }
0x31d: {  	v8 =	vsub.f32 v33, v7;
	_ =	sdelay $0x1  }
0x31e: {  	v8 =	vmul.f32 v8, v6;
	_ =	sdelay $0x1  }
0x31f: {  	v7 =	vadd.f32 v8, v7;
	_ =	sdelay $0x1  }
0x320: {  	[tilespmem:s29+$0x2420] =	vst v7  }
0x321: {  	v7 =	vld [tilespmem:s26+$0xCCB0]  }
0x322: {  	v34 =	vld [tilespmem:s26+$0xCD30]  }
0x323: {  	v35 =	vld [tilespmem:s26+$0xCDB0]  }
0x324: {  	v36 =	vld [tilespmem:s26+$0xCE30];
	_ =	sdelay $0x4  }
0x325: {  	v8 =	vsub.f32 v34, v7;
	v10 =	vsub.f32 v36, v35;
	_ =	sdelay $0x1  }
0x326: {  	v8 =	vmul.f32 v8, v5;
	v10 =	vmul.f32 v10, v5;
	_ =	sdelay $0x1  }
0x327: {  	v7 =	vadd.f32 v8, v7;
	v37 =	vadd.f32 v10, v35;
	_ =	sdelay $0x1  }
0x328: {  	v8 =	vsub.f32 v37, v7;
	_ =	sdelay $0x1  }
0x329: {  	v8 =	vmul.f32 v8, v6;
	_ =	sdelay $0x1  }
0x32a: {  	v7 =	vadd.f32 v8, v7;
	_ =	sdelay $0x1  }
0x32b: {  	[tilespmem:s29+$0x2430] =	vst v7  }
0x32c: {  	v7 =	vld [tilespmem:s26+$0xCCC0]  }
0x32d: {  	v38 =	vld [tilespmem:s26+$0xCD40]  }
0x32e: {  	v39 =	vld [tilespmem:s26+$0xCDC0]  }
0x32f: {  	v40 =	vld [tilespmem:s26+$0xCE40];
	_ =	sdelay $0x4  }
0x330: {  	v8 =	vsub.f32 v38, v7;
	v10 =	vsub.f32 v40, v39;
	_ =	sdelay $0x1  }
0x331: {  	v8 =	vmul.f32 v8, v5;
	v10 =	vmul.f32 v10, v5;
	_ =	sdelay $0x1  }
0x332: {  	v7 =	vadd.f32 v8, v7;
	v41 =	vadd.f32 v10, v39;
	_ =	sdelay $0x1  }
0x333: {  	v8 =	vsub.f32 v41, v7;
	_ =	sdelay $0x1  }
0x334: {  	v8 =	vmul.f32 v8, v6;
	_ =	sdelay $0x1  }
0x335: {  	v7 =	vadd.f32 v8, v7;
	_ =	sdelay $0x1  }
0x336: {  	[tilespmem:s29+$0x2440] =	vst v7  }
0x337: {  	v7 =	vld [tilespmem:s26+$0xCCD0]  }
0x338: {  	v42 =	vld [tilespmem:s26+$0xCD50]  }
0x339: {  	v43 =	vld [tilespmem:s26+$0xCDD0]  }
0x33a: {  	v44 =	vld [tilespmem:s26+$0xCE50];
	_ =	sdelay $0x4  }
0x33b: {  	v8 =	vsub.f32 v42, v7;
	v10 =	vsub.f32 v44, v43;
	_ =	sdelay $0x1  }
0x33c: {  	v8 =	vmul.f32 v8, v5;
	v10 =	vmul.f32 v10, v5;
	_ =	sdelay $0x1  }
0x33d: {  	v7 =	vadd.f32 v8, v7;
	v45 =	vadd.f32 v10, v43;
	_ =	sdelay $0x1  }
0x33e: {  	v8 =	vsub.f32 v45, v7;
	_ =	sdelay $0x1  }
0x33f: {  	v8 =	vmul.f32 v8, v6;
	_ =	sdelay $0x1  }
0x340: {  	v7 =	vadd.f32 v8, v7;
	_ =	sdelay $0x1  }
0x341: {  	[tilespmem:s29+$0x2450] =	vst v7  }
0x342: {  	v7 =	vld [tilespmem:s26+$0xCCE0]  }
0x343: {  	v46 =	vld [tilespmem:s26+$0xCD60]  }
0x344: {  	v47 =	vld [tilespmem:s26+$0xCDE0]  }
0x345: {  	v48 =	vld [tilespmem:s26+$0xCE60];
	_ =	sdelay $0x4  }
0x346: {  	v8 =	vsub.f32 v46, v7;
	v10 =	vsub.f32 v48, v47;
	_ =	sdelay $0x1  }
0x347: {  	v8 =	vmul.f32 v8, v5;
	v10 =	vmul.f32 v10, v5;
	_ =	sdelay $0x1  }
0x348: {  	v7 =	vadd.f32 v8, v7;
	v49 =	vadd.f32 v10, v47;
	_ =	sdelay $0x1  }
0x349: {  	v8 =	vsub.f32 v49, v7;
	_ =	sdelay $0x1  }
0x34a: {  	v8 =	vmul.f32 v8, v6;
	_ =	sdelay $0x1  }
0x34b: {  	v7 =	vadd.f32 v8, v7;
	_ =	sdelay $0x1  }
0x34c: {  	[tilespmem:s29+$0x2460] =	vst v7  }
0x34d: {  	v7 =	vld [tilespmem:s26+$0xCCF0]  }
0x34e: {  	v50 =	vld [tilespmem:s26+$0xCD70]  }
0x34f: {  	v51 =	vld [tilespmem:s26+$0xCDF0]  }
0x350: {  	v52 =	vld [tilespmem:s26+$0xCE70];
	_ =	sdelay $0x4  }
0x351: {  	v8 =	vsub.f32 v50, v7;
	v10 =	vsub.f32 v52, v51;
	_ =	sdelay $0x1  }
0x352: {  	v8 =	vmul.f32 v8, v5;
	v5 =	vmul.f32 v10, v5;
	_ =	sdelay $0x1  }
0x353: {  	v7 =	vadd.f32 v8, v7;
	v5 =	vadd.f32 v5, v51;
	_ =	sdelay $0x1  }
0x354: {  	v5 =	vsub.f32 v5, v7;
	_ =	sdelay $0x1  }
0x355: {  	v5 =	vmul.f32 v5, v6;
	_ =	sdelay $0x1  }
0x356: {  	v5 =	vadd.f32 v5, v7;
	_ =	sdelay $0x1  }
0x357: {  	[tilespmem:s29+$0x2470] =	vst v5  }
0x358: {  	v6 =	vld [tilespmem:s19+$0x0]  }
0x359: {  	v7 =	vld [tilespmem:s26+$0xCA80]  }
0x35a: {  	v53 =	vld [tilespmem:s26+$0xCB00]  }
0x35b: {  	v54 =	vld [tilespmem:s26+$0xCB80]  }
0x35c: {  	v55 =	vld [tilespmem:s26+$0xCC00];
	_ =	sdelay $0x4  }
0x35d: {  	v5 =	vperm.xlane v6, v3;
	v8 =	vsub.f32 v53, v7;
	v10 =	vsub.f32 v55, v54;
	_ =	sdelay $0x1  }
0x35e: {  	v8 =	vmul.f32 v8, v5;
	v10 =	vmul.f32 v10, v5;
	_ =	sdelay $0x1  }
0x35f: {  	v7 =	vadd.f32 v8, v7;
	v56 =	vadd.f32 v10, v54;
	_ =	sdelay $0x1  }
0x360: {  	v6 =	vperm.xlane v6, v4;
	v8 =	vsub.f32 v56, v7;
	_ =	sdelay $0x1  }
0x361: {  	v8 =	vmul.f32 v8, v6  }
0x362: {  	s29 =	sadd.s32 $0x80, s24  }
0x363: {  	s29 =	sand.u32 $0x380, s29;
	v7 =	vadd.f32 v8, v7  }
0x364: {  	s28 =	sadd.s32 s29, s28  }
0x365: {  	[tilespmem:s28+$0x2000] =	vst v7  }
0x366: {  	v7 =	vld [tilespmem:s26+$0xCA90]  }
0x367: {  	v57 =	vld [tilespmem:s26+$0xCB10]  }
0x368: {  	v58 =	vld [tilespmem:s26+$0xCB90]  }
0x369: {  	v59 =	vld [tilespmem:s26+$0xCC10];
	_ =	sdelay $0x4  }
0x36a: {  	v8 =	vsub.f32 v57, v7;
	v10 =	vsub.f32 v59, v58;
	_ =	sdelay $0x1  }
0x36b: {  	v8 =	vmul.f32 v8, v5;
	v10 =	vmul.f32 v10, v5;
	_ =	sdelay $0x1  }
0x36c: {  	v7 =	vadd.f32 v8, v7;
	v60 =	vadd.f32 v10, v58;
	_ =	sdelay $0x1  }
0x36d: {  	v8 =	vsub.f32 v60, v7;
	_ =	sdelay $0x1  }
0x36e: {  	v8 =	vmul.f32 v8, v6;
	_ =	sdelay $0x1  }
0x36f: {  	v7 =	vadd.f32 v8, v7;
	_ =	sdelay $0x1  }
0x370: {  	[tilespmem:s28+$0x2010] =	vst v7  }
0x371: {  	v7 =	vld [tilespmem:s26+$0xCAA0]  }
0x372: {  	v61 =	vld [tilespmem:s26+$0xCB20]  }
0x373: {  	v62 =	vld [tilespmem:s26+$0xCBA0]  }
0x374: {  	v63 =	vld [tilespmem:s26+$0xCC20];
	_ =	sdelay $0x4  }
0x375: {  	v8 =	vsub.f32 v61, v7;
	v10 =	vsub.f32 v63, v62;
	_ =	sdelay $0x1  }
0x376: {  	v8 =	vmul.f32 v8, v5;
	v10 =	vmul.f32 v10, v5;
	_ =	sdelay $0x1  }
0x377: {  	v7 =	vadd.f32 v8, v7;
	v12 =	vadd.f32 v10, v62;
	_ =	sdelay $0x1  }
0x378: {  	v8 =	vsub.f32 v12, v7;
	_ =	sdelay $0x1  }
0x379: {  	v8 =	vmul.f32 v8, v6;
	_ =	sdelay $0x1  }
0x37a: {  	v7 =	vadd.f32 v8, v7;
	_ =	sdelay $0x1  }
0x37b: {  	[tilespmem:s28+$0x2020] =	vst v7  }
0x37c: {  	v7 =	vld [tilespmem:s26+$0xCAB0]  }
0x37d: {  	v13 =	vld [tilespmem:s26+$0xCB30]  }
0x37e: {  	v14 =	vld [tilespmem:s26+$0xCBB0]  }
0x37f: {  	v15 =	vld [tilespmem:s26+$0xCC30];
	_ =	sdelay $0x4  }
0x380: {  	v8 =	vsub.f32 v13, v7;
	v10 =	vsub.f32 v15, v14;
	_ =	sdelay $0x1  }
0x381: {  	v8 =	vmul.f32 v8, v5;
	v10 =	vmul.f32 v10, v5;
	_ =	sdelay $0x1  }
0x382: {  	v7 =	vadd.f32 v8, v7;
	v16 =	vadd.f32 v10, v14;
	_ =	sdelay $0x1  }
0x383: {  	v8 =	vsub.f32 v16, v7;
	_ =	sdelay $0x1  }
0x384: {  	v8 =	vmul.f32 v8, v6;
	_ =	sdelay $0x1  }
0x385: {  	v7 =	vadd.f32 v8, v7;
	_ =	sdelay $0x1  }
0x386: {  	[tilespmem:s28+$0x2030] =	vst v7  }
0x387: {  	v7 =	vld [tilespmem:s26+$0xCAC0]  }
0x388: {  	v17 =	vld [tilespmem:s26+$0xCB40]  }
0x389: {  	v18 =	vld [tilespmem:s26+$0xCBC0]  }
0x38a: {  	v19 =	vld [tilespmem:s26+$0xCC40];
	_ =	sdelay $0x4  }
0x38b: {  	v8 =	vsub.f32 v17, v7;
	v10 =	vsub.f32 v19, v18;
	_ =	sdelay $0x1  }
0x38c: {  	v8 =	vmul.f32 v8, v5;
	v10 =	vmul.f32 v10, v5;
	_ =	sdelay $0x1  }
0x38d: {  	v7 =	vadd.f32 v8, v7;
	v20 =	vadd.f32 v10, v18;
	_ =	sdelay $0x1  }
0x38e: {  	v8 =	vsub.f32 v20, v7;
	_ =	sdelay $0x1  }
0x38f: {  	v8 =	vmul.f32 v8, v6;
	_ =	sdelay $0x1  }
0x390: {  	v7 =	vadd.f32 v8, v7;
	_ =	sdelay $0x1  }
0x391: {  	[tilespmem:s28+$0x2040] =	vst v7  }
0x392: {  	v7 =	vld [tilespmem:s26+$0xCAD0]  }
0x393: {  	v21 =	vld [tilespmem:s26+$0xCB50]  }
0x394: {  	v22 =	vld [tilespmem:s26+$0xCBD0]  }
0x395: {  	v23 =	vld [tilespmem:s26+$0xCC50];
	_ =	sdelay $0x4  }
0x396: {  	v8 =	vsub.f32 v21, v7;
	v10 =	vsub.f32 v23, v22;
	_ =	sdelay $0x1  }
0x397: {  	v8 =	vmul.f32 v8, v5;
	v10 =	vmul.f32 v10, v5;
	_ =	sdelay $0x1  }
0x398: {  	v7 =	vadd.f32 v8, v7;
	v24 =	vadd.f32 v10, v22;
	_ =	sdelay $0x1  }
0x399: {  	v8 =	vsub.f32 v24, v7;
	_ =	sdelay $0x1  }
0x39a: {  	v8 =	vmul.f32 v8, v6;
	_ =	sdelay $0x1  }
0x39b: {  	v7 =	vadd.f32 v8, v7;
	_ =	sdelay $0x1  }
0x39c: {  	[tilespmem:s28+$0x2050] =	vst v7  }
0x39d: {  	v7 =	vld [tilespmem:s26+$0xCAE0]  }
0x39e: {  	v25 =	vld [tilespmem:s26+$0xCB60]  }
0x39f: {  	v26 =	vld [tilespmem:s26+$0xCBE0]  }
0x3a0: {  	v27 =	vld [tilespmem:s26+$0xCC60];
	_ =	sdelay $0x4  }
0x3a1: {  	v8 =	vsub.f32 v25, v7;
	v10 =	vsub.f32 v27, v26;
	_ =	sdelay $0x1  }
0x3a2: {  	v8 =	vmul.f32 v8, v5;
	v10 =	vmul.f32 v10, v5;
	_ =	sdelay $0x1  }
0x3a3: {  	v7 =	vadd.f32 v8, v7;
	v28 =	vadd.f32 v10, v26;
	_ =	sdelay $0x1  }
0x3a4: {  	v8 =	vsub.f32 v28, v7;
	_ =	sdelay $0x1  }
0x3a5: {  	v8 =	vmul.f32 v8, v6;
	_ =	sdelay $0x1  }
0x3a6: {  	v7 =	vadd.f32 v8, v7;
	_ =	sdelay $0x1  }
0x3a7: {  	[tilespmem:s28+$0x2060] =	vst v7  }
0x3a8: {  	v7 =	vld [tilespmem:s26+$0xCAF0]  }
0x3a9: {  	v29 =	vld [tilespmem:s26+$0xCB70]  }
0x3aa: {  	v30 =	vld [tilespmem:s26+$0xCBF0]  }
0x3ab: {  	v31 =	vld [tilespmem:s26+$0xCC70];
	_ =	sdelay $0x4  }
0x3ac: {  	v8 =	vsub.f32 v29, v7;
	v10 =	vsub.f32 v31, v30;
	_ =	sdelay $0x1  }
0x3ad: {  	v8 =	vmul.f32 v8, v5;
	v10 =	vmul.f32 v10, v5;
	_ =	sdelay $0x1  }
0x3ae: {  	v7 =	vadd.f32 v8, v7;
	v32 =	vadd.f32 v10, v30;
	_ =	sdelay $0x1  }
0x3af: {  	v8 =	vsub.f32 v32, v7;
	_ =	sdelay $0x1  }
0x3b0: {  	v8 =	vmul.f32 v8, v6;
	_ =	sdelay $0x1  }
0x3b1: {  	v7 =	vadd.f32 v8, v7;
	_ =	sdelay $0x1  }
0x3b2: {  	[tilespmem:s28+$0x2070] =	vst v7  }
0x3b3: {  	v7 =	vld [tilespmem:s26+$0xCE80]  }
0x3b4: {  	v33 =	vld [tilespmem:s26+$0xCF00]  }
0x3b5: {  	v34 =	vld [tilespmem:s26+$0xCF80]  }
0x3b6: {  	v35 =	vld [tilespmem:s26+$0xD000];
	_ =	sdelay $0x4  }
0x3b7: {  	v8 =	vsub.f32 v33, v7;
	v10 =	vsub.f32 v35, v34;
	_ =	sdelay $0x1  }
0x3b8: {  	v8 =	vmul.f32 v8, v5;
	v10 =	vmul.f32 v10, v5;
	_ =	sdelay $0x1  }
0x3b9: {  	v7 =	vadd.f32 v8, v7;
	v36 =	vadd.f32 v10, v34;
	_ =	sdelay $0x1  }
0x3ba: {  	v8 =	vsub.f32 v36, v7;
	_ =	sdelay $0x1  }
0x3bb: {  	v8 =	vmul.f32 v8, v6;
	_ =	sdelay $0x1  }
0x3bc: {  	v7 =	vadd.f32 v8, v7;
	_ =	sdelay $0x1  }
0x3bd: {  	[tilespmem:s28+$0x2400] =	vst v7  }
0x3be: {  	v7 =	vld [tilespmem:s26+$0xCE90]  }
0x3bf: {  	v37 =	vld [tilespmem:s26+$0xCF10]  }
0x3c0: {  	v38 =	vld [tilespmem:s26+$0xCF90]  }
0x3c1: {  	v39 =	vld [tilespmem:s26+$0xD010];
	_ =	sdelay $0x4  }
0x3c2: {  	v8 =	vsub.f32 v37, v7;
	v10 =	vsub.f32 v39, v38;
	_ =	sdelay $0x1  }
0x3c3: {  	v8 =	vmul.f32 v8, v5;
	v10 =	vmul.f32 v10, v5;
	_ =	sdelay $0x1  }
0x3c4: {  	v7 =	vadd.f32 v8, v7;
	v40 =	vadd.f32 v10, v38;
	_ =	sdelay $0x1  }
0x3c5: {  	v8 =	vsub.f32 v40, v7;
	_ =	sdelay $0x1  }
0x3c6: {  	v8 =	vmul.f32 v8, v6;
	_ =	sdelay $0x1  }
0x3c7: {  	v7 =	vadd.f32 v8, v7;
	_ =	sdelay $0x1  }
0x3c8: {  	[tilespmem:s28+$0x2410] =	vst v7  }
0x3c9: {  	v7 =	vld [tilespmem:s26+$0xCEA0]  }
0x3ca: {  	v41 =	vld [tilespmem:s26+$0xCF20]  }
0x3cb: {  	v42 =	vld [tilespmem:s26+$0xCFA0]  }
0x3cc: {  	v43 =	vld [tilespmem:s26+$0xD020];
	_ =	sdelay $0x4  }
0x3cd: {  	v8 =	vsub.f32 v41, v7;
	v10 =	vsub.f32 v43, v42;
	_ =	sdelay $0x1  }
0x3ce: {  	v8 =	vmul.f32 v8, v5;
	v10 =	vmul.f32 v10, v5;
	_ =	sdelay $0x1  }
0x3cf: {  	v7 =	vadd.f32 v8, v7;
	v44 =	vadd.f32 v10, v42;
	_ =	sdelay $0x1  }
0x3d0: {  	v8 =	vsub.f32 v44, v7;
	_ =	sdelay $0x1  }
0x3d1: {  	v8 =	vmul.f32 v8, v6;
	_ =	sdelay $0x1  }
0x3d2: {  	v7 =	vadd.f32 v8, v7;
	_ =	sdelay $0x1  }
0x3d3: {  	[tilespmem:s28+$0x2420] =	vst v7  }
0x3d4: {  	v7 =	vld [tilespmem:s26+$0xCEB0]  }
0x3d5: {  	v45 =	vld [tilespmem:s26+$0xCF30]  }
0x3d6: {  	v46 =	vld [tilespmem:s26+$0xCFB0]  }
0x3d7: {  	v47 =	vld [tilespmem:s26+$0xD030];
	_ =	sdelay $0x4  }
0x3d8: {  	v8 =	vsub.f32 v45, v7;
	v10 =	vsub.f32 v47, v46;
	_ =	sdelay $0x1  }
0x3d9: {  	v8 =	vmul.f32 v8, v5;
	v10 =	vmul.f32 v10, v5;
	_ =	sdelay $0x1  }
0x3da: {  	v7 =	vadd.f32 v8, v7;
	v48 =	vadd.f32 v10, v46;
	_ =	sdelay $0x1  }
0x3db: {  	v8 =	vsub.f32 v48, v7;
	_ =	sdelay $0x1  }
0x3dc: {  	v8 =	vmul.f32 v8, v6;
	_ =	sdelay $0x1  }
0x3dd: {  	v7 =	vadd.f32 v8, v7;
	_ =	sdelay $0x1  }
0x3de: {  	[tilespmem:s28+$0x2430] =	vst v7  }
0x3df: {  	v7 =	vld [tilespmem:s26+$0xCEC0]  }
0x3e0: {  	v49 =	vld [tilespmem:s26+$0xCF40]  }
0x3e1: {  	v50 =	vld [tilespmem:s26+$0xCFC0]  }
0x3e2: {  	v51 =	vld [tilespmem:s26+$0xD040];
	_ =	sdelay $0x4  }
0x3e3: {  	v8 =	vsub.f32 v49, v7;
	v10 =	vsub.f32 v51, v50;
	_ =	sdelay $0x1  }
0x3e4: {  	v8 =	vmul.f32 v8, v5;
	v10 =	vmul.f32 v10, v5;
	_ =	sdelay $0x1  }
0x3e5: {  	v7 =	vadd.f32 v8, v7;
	v52 =	vadd.f32 v10, v50;
	_ =	sdelay $0x1  }
0x3e6: {  	v8 =	vsub.f32 v52, v7;
	_ =	sdelay $0x1  }
0x3e7: {  	v8 =	vmul.f32 v8, v6;
	_ =	sdelay $0x1  }
0x3e8: {  	v7 =	vadd.f32 v8, v7;
	_ =	sdelay $0x1  }
0x3e9: {  	[tilespmem:s28+$0x2440] =	vst v7  }
0x3ea: {  	v7 =	vld [tilespmem:s26+$0xCED0]  }
0x3eb: {  	v53 =	vld [tilespmem:s26+$0xCF50]  }
0x3ec: {  	v54 =	vld [tilespmem:s26+$0xCFD0]  }
0x3ed: {  	v55 =	vld [tilespmem:s26+$0xD050];
	_ =	sdelay $0x4  }
0x3ee: {  	v8 =	vsub.f32 v53, v7;
	v10 =	vsub.f32 v55, v54;
	_ =	sdelay $0x1  }
0x3ef: {  	v8 =	vmul.f32 v8, v5;
	v10 =	vmul.f32 v10, v5;
	_ =	sdelay $0x1  }
0x3f0: {  	v7 =	vadd.f32 v8, v7;
	v56 =	vadd.f32 v10, v54;
	_ =	sdelay $0x1  }
0x3f1: {  	v8 =	vsub.f32 v56, v7;
	_ =	sdelay $0x1  }
0x3f2: {  	v8 =	vmul.f32 v8, v6;
	_ =	sdelay $0x1  }
0x3f3: {  	v7 =	vadd.f32 v8, v7;
	_ =	sdelay $0x1  }
0x3f4: {  	[tilespmem:s28+$0x2450] =	vst v7  }
0x3f5: {  	v7 =	vld [tilespmem:s26+$0xCEE0]  }
0x3f6: {  	v57 =	vld [tilespmem:s26+$0xCF60]  }
0x3f7: {  	v58 =	vld [tilespmem:s26+$0xCFE0]  }
0x3f8: {  	v59 =	vld [tilespmem:s26+$0xD060];
	_ =	sdelay $0x4  }
0x3f9: {  	v8 =	vsub.f32 v57, v7;
	v10 =	vsub.f32 v59, v58;
	_ =	sdelay $0x1  }
0x3fa: {  	v8 =	vmul.f32 v8, v5;
	v10 =	vmul.f32 v10, v5;
	_ =	sdelay $0x1  }
0x3fb: {  	v7 =	vadd.f32 v8, v7;
	v60 =	vadd.f32 v10, v58;
	_ =	sdelay $0x1  }
0x3fc: {  	v8 =	vsub.f32 v60, v7;
	_ =	sdelay $0x1  }
0x3fd: {  	v8 =	vmul.f32 v8, v6;
	_ =	sdelay $0x1  }
0x3fe: {  	v7 =	vadd.f32 v8, v7;
	_ =	sdelay $0x1  }
0x3ff: {  	[tilespmem:s28+$0x2460] =	vst v7  }
0x400: {  	v7 =	vld [tilespmem:s26+$0xCEF0]  }
0x401: {  	v61 =	vld [tilespmem:s26+$0xCF70]  }
0x402: {  	v62 =	vld [tilespmem:s26+$0xCFF0]  }
0x403: {  	v63 =	vld [tilespmem:s26+$0xD070];
	_ =	sdelay $0x4  }
0x404: {  	v8 =	vsub.f32 v61, v7;
	v10 =	vsub.f32 v63, v62;
	_ =	sdelay $0x1  }
0x405: {  	v8 =	vmul.f32 v8, v5;
	v5 =	vmul.f32 v10, v5;
	_ =	sdelay $0x1  }
0x406: {  	v7 =	vadd.f32 v8, v7;
	v5 =	vadd.f32 v5, v62;
	_ =	sdelay $0x1  }
0x407: {  	v5 =	vsub.f32 v5, v7  }
0x408: {  	p0 =	sne.s32 s25, $0x1E000  }
.Ltmp4:
0x409: {  	v5 =	vmul.f32 v5, v6;
	(pc) =	sbr.rel @p0 .LBB2_7-.Ltmp4, $4  }
0x40a: {  	_ = 	snop  }
0x40b: {  	v5 =	vadd.f32 v5, v7  }
0x40c: {  	s22 =	sadd.s32 $0x200, s22  }
0x40d: {  	s25 =	sadd.s32 $0x2000, s25;
	s24 =	sadd.s32 $0x100, s24;
	s19 =	sadd.s32 $0x4, s19;
	[tilespmem:s28+$0x2470] =	vst v5  }
.Ltmp5:
0x40e: {  	(pc) =	sbr.rel @p1 .LBB2_10-.Ltmp5, $4  }
0x40f: {  	_ = 	snop  }
0x410: {  	s19 =	sshll.u32 s21, $0xA  }
0x411: {  	s19 =	sadd.s32 s19, s6  }
0x412: {  	[hbm4b:s19+s2] =	stream.linear.scatter [tilespmem:s17], [sflag:$0x4], $0x2000, $0x38;
	[tilespmem:$0x18880] =	vst v63  }
0x413: {  	s19 =	sshll.u32 s20, $0x8  }
0x414: {  	s19 =	sand.u32 $0x3FFFFF00, s19  }
0x415: {  	v5 =	vld [tilespmem:s19+$0x180];
	_ =	sdelay $0x4  }
0x416: {  	v6 =	vshll.u32 v5, $0x1  }
0x417: {  	v5 =	vand.u32 $0x7, v5;
	v6 =	vand.u32 $0xFFFFFFF0, v6  }
0x418: {  	v5 =	vor.u32 v5, v6  }
0x419: {  	v6 =	vperm.xlane v5, v0;
	_ =	sdelay $0x1  }
0x41a: {  	v5 =	vperm.xlane v5, v2;
	v6 =	vadd.s32 v1, v6;
	_ =	sdelay $0x1  }
0x41b: {  	v5 =	vadd.s32 v1, v5;
	_ =	sdelay $0x1  }
0x41c: {  	s21 =	simm.s32 $0xC880  }
0x41d: {  	[tilespmem:s21], [sflag:$0x2] =	stream.indirect_vreg.gather [hbm4b:s3+s2], $0x80, v6, vm0, $0xb8;
	[tilespmem:$0x18880] =	vst v63  }
0x41e: {  	s28 =	simm.s32 $0xD080  }
0x41f: {  	[tilespmem:s28], [sflag:$0x2] =	stream.indirect_vreg.gather [hbm4b:s3+s2], $0x80, v5, vm0, $0xb8;
	[tilespmem:$0x18880] =	vst v63  }
0x420: {  	v5 =	vld [tilespmem:s19+$0x190];
	_ =	sdelay $0x4  }
0x421: {  	v6 =	vshll.u32 v5, $0x1  }
0x422: {  	v5 =	vand.u32 $0x7, v5;
	v6 =	vand.u32 $0xFFFFFFF0, v6  }
0x423: {  	v5 =	vor.u32 v5, v6  }
0x424: {  	v6 =	vperm.xlane v5, v0;
	_ =	sdelay $0x1  }
0x425: {  	v5 =	vperm.xlane v5, v2;
	v6 =	vadd.s32 v1, v6;
	_ =	sdelay $0x1  }
0x426: {  	v5 =	vadd.s32 v1, v5;
	_ =	sdelay $0x1  }
0x427: {  	s29 =	simm.s32 $0xD880  }
0x428: {  	[tilespmem:s29], [sflag:$0x2] =	stream.indirect_vreg.gather [hbm4b:s3+s2], $0x80, v6, vm0, $0xb8;
	[tilespmem:$0x18880] =	vst v63  }
0x429: {  	_ = 	snop  }
0x42a: {  	[tilespmem:s30], [sflag:$0x2] =	stream.indirect_vreg.gather [hbm4b:s3+s2], $0x80, v5, vm0, $0xb8;
	[tilespmem:$0x18880] =	vst v63  }
0x42b: {  	v5 =	vld [tilespmem:s19+$0x1A0];
	_ =	sdelay $0x4  }
0x42c: {  	v6 =	vshll.u32 v5, $0x1  }
0x42d: {  	v5 =	vand.u32 $0x7, v5;
	v6 =	vand.u32 $0xFFFFFFF0, v6  }
0x42e: {  	v5 =	vor.u32 v5, v6  }
0x42f: {  	v6 =	vperm.xlane v5, v0;
	_ =	sdelay $0x1  }
0x430: {  	v5 =	vperm.xlane v5, v2;
	v6 =	vadd.s32 v1, v6;
	_ =	sdelay $0x1  }
0x431: {  	v5 =	vadd.s32 v1, v5;
	_ =	sdelay $0x2  }
0x432: {  	[tilespmem:s31], [sflag:$0x2] =	stream.indirect_vreg.gather [hbm4b:s3+s2], $0x80, v6, vm0, $0xb8;
	[tilespmem:$0x18880] =	vst v63  }
0x433: {  	_ = 	snop  }
0x434: {  	[tilespmem:s1], [sflag:$0x2] =	stream.indirect_vreg.gather [hbm4b:s3+s2], $0x80, v5, vm0, $0xb8;
	[tilespmem:$0x18880] =	vst v63  }
0x435: {  	v5 =	vld [tilespmem:s19+$0x1B0];
	_ =	sdelay $0x4  }
0x436: {  	v6 =	vshll.u32 v5, $0x1  }
0x437: {  	v5 =	vand.u32 $0x7, v5;
	v6 =	vand.u32 $0xFFFFFFF0, v6  }
0x438: {  	v5 =	vor.u32 v5, v6  }
0x439: {  	v6 =	vperm.xlane v5, v0;
	_ =	sdelay $0x1  }
0x43a: {  	v5 =	vperm.xlane v5, v2;
	v6 =	vadd.s32 v1, v6;
	_ =	sdelay $0x1  }
0x43b: {  	v5 =	vadd.s32 v1, v5;
	_ =	sdelay $0x2  }
0x43c: {  	[tilespmem:s0], [sflag:$0x2] =	stream.indirect_vreg.gather [hbm4b:s3+s2], $0x80, v6, vm0, $0xb8;
	[tilespmem:$0x18880] =	vst v63  }
0x43d: {  	_ = 	snop  }
0x43e: {  	[tilespmem:s9], [sflag:$0x2] =	stream.indirect_vreg.gather [hbm4b:s3+s2], $0x80, v5, vm0, $0xb8;
	[tilespmem:$0x18880] =	vst v63  }
0x43f: {  	v5 =	vld [tilespmem:s19+$0x1C0];
	_ =	sdelay $0x4  }
0x440: {  	v6 =	vshll.u32 v5, $0x1  }
0x441: {  	v5 =	vand.u32 $0x7, v5;
	v6 =	vand.u32 $0xFFFFFFF0, v6  }
0x442: {  	v5 =	vor.u32 v5, v6  }
0x443: {  	v6 =	vperm.xlane v5, v0;
	_ =	sdelay $0x1  }
0x444: {  	v5 =	vperm.xlane v5, v2;
	v6 =	vadd.s32 v1, v6;
	_ =	sdelay $0x1  }
0x445: {  	v5 =	vadd.s32 v1, v5;
	_ =	sdelay $0x2  }
0x446: {  	[tilespmem:s4], [sflag:$0x2] =	stream.indirect_vreg.gather [hbm4b:s3+s2], $0x80, v6, vm0, $0xb8;
	[tilespmem:$0x18880] =	vst v63  }
0x447: {  	_ = 	snop  }
0x448: {  	[tilespmem:s5], [sflag:$0x2] =	stream.indirect_vreg.gather [hbm4b:s3+s2], $0x80, v5, vm0, $0xb8;
	[tilespmem:$0x18880] =	vst v63  }
0x449: {  	v5 =	vld [tilespmem:s19+$0x1D0];
	_ =	sdelay $0x4  }
0x44a: {  	v6 =	vshll.u32 v5, $0x1  }
0x44b: {  	v5 =	vand.u32 $0x7, v5;
	v6 =	vand.u32 $0xFFFFFFF0, v6  }
0x44c: {  	v5 =	vor.u32 v5, v6  }
0x44d: {  	v6 =	vperm.xlane v5, v0;
	_ =	sdelay $0x1  }
0x44e: {  	v5 =	vperm.xlane v5, v2;
	v6 =	vadd.s32 v1, v6;
	_ =	sdelay $0x1  }
0x44f: {  	v5 =	vadd.s32 v1, v5;
	_ =	sdelay $0x2  }
0x450: {  	[tilespmem:s7], [sflag:$0x2] =	stream.indirect_vreg.gather [hbm4b:s3+s2], $0x80, v6, vm0, $0xb8;
	[tilespmem:$0x18880] =	vst v63  }
0x451: {  	_ = 	snop  }
0x452: {  	[tilespmem:s8], [sflag:$0x2] =	stream.indirect_vreg.gather [hbm4b:s3+s2], $0x80, v5, vm0, $0xb8;
	[tilespmem:$0x18880] =	vst v63  }
0x453: {  	v5 =	vld [tilespmem:s19+$0x1E0];
	_ =	sdelay $0x4  }
0x454: {  	v6 =	vshll.u32 v5, $0x1  }
0x455: {  	v5 =	vand.u32 $0x7, v5;
	v6 =	vand.u32 $0xFFFFFFF0, v6  }
0x456: {  	v5 =	vor.u32 v5, v6  }
0x457: {  	v6 =	vperm.xlane v5, v0;
	_ =	sdelay $0x1  }
0x458: {  	v5 =	vperm.xlane v5, v2;
	v6 =	vadd.s32 v1, v6;
	_ =	sdelay $0x1  }
0x459: {  	v5 =	vadd.s32 v1, v5;
	_ =	sdelay $0x2  }
0x45a: {  	[tilespmem:s10], [sflag:$0x2] =	stream.indirect_vreg.gather [hbm4b:s3+s2], $0x80, v6, vm0, $0xb8;
	[tilespmem:$0x18880] =	vst v63  }
0x45b: {  	_ = 	snop  }
0x45c: {  	[tilespmem:s11], [sflag:$0x2] =	stream.indirect_vreg.gather [hbm4b:s3+s2], $0x80, v5, vm0, $0xb8;
	[tilespmem:$0x18880] =	vst v63  }
0x45d: {  	v5 =	vld [tilespmem:s19+$0x1F0];
	_ =	sdelay $0x4  }
0x45e: {  	v6 =	vshll.u32 v5, $0x1  }
0x45f: {  	v5 =	vand.u32 $0x7, v5;
	v6 =	vand.u32 $0xFFFFFFF0, v6  }
0x460: {  	v5 =	vor.u32 v5, v6  }
0x461: {  	v6 =	vperm.xlane v5, v0;
	_ =	sdelay $0x1  }
0x462: {  	v5 =	vperm.xlane v5, v2;
	v6 =	vadd.s32 v1, v6;
	_ =	sdelay $0x1  }
0x463: {  	v5 =	vadd.s32 v1, v5  }
.Ltmp6:
0x464: {  	_ = 	snop;
	(pc) =	sbr.rel .LBB2_2-.Ltmp6, $4  }
0x465: {  	_ = 	snop  }
0x466: {  	[tilespmem:s12], [sflag:$0x2] =	stream.indirect_vreg.gather [hbm4b:s3+s2], $0x80, v6, vm0, $0xb8;
	[tilespmem:$0x18880] =	vst v63  }
0x467: {  	s20 =	sadd.s32 $0x1, s20;
	s18 =	sadd.s32 $0x80, s18;
	s23 =	sadd.s32 $0x80, s23  }
0x468: {  	[tilespmem:s13], [sflag:$0x2] =	stream.indirect_vreg.gather [hbm4b:s3+s2], $0x80, v5, vm0, $0xb8;
	[tilespmem:$0x18880] =	vst v63  }
.LBB2_11:
0x469: {  	_ =	sfence.sel $0x180000  }
0x46a: {  	[bflag:$0x0] =	sbarrier.arrive $0xFFFF  }
0x46b: {  	_ =	strace $0x90000047  }
0x46c: {  	s0 =	stileid.u32;
	[bflag:$0x2] =	sbarrier.arrive $0xFFFF  }
0x46d: {  	p0 =	sne.s32 s0, $0x0;
	s0 =	rddreg [dreg:$0x2]  }
0x46e: {  	s0 =	sadd.s32 @!p0 $0x100000, s0  }
0x46f: {  	[sflag:s0] =	ssyncadd.tile.s32 @!p0 $0x1;
	_ =	shalt  }
.Lfunc_end2:
_tile_overlayer_lowered:
.L_overlay_start_2:
0x470: {  	(tag) =	ssettag $0x2  }
0x471: {  	s0 =	rddreg [dreg:$0x0];
	s2 =	stileid.u32  }
0x472: {  	s1 =	rddreg [dreg:$0x1];
	p0 =	sne.s32 s2, $0x0  }
0x473: {  	s3 =	rddreg [dreg:$0x2];
	[bflag:$0x3] =	sbarrier.arrive $0xFFFF;
	s2 =	simm.s32 @!p0 $0x1C05  }
0x474: {  	[timem:s3], [sflag:s2] =	dma.local @!p0 [hbm:s0], s1  }
0x475: {  	s0 =	simm.s32 @!p0 $0x5  }
0x476: {  	_ =	swait.ge @!p0 [sflag:s0], s1  }
0x477: {  	s1 =	ssub.s32 @!p0 $0x0, s1;
	[sflag:s0] =	ssyncset.done @!p0 $0x0  }
0x478: {  	[sflag:s0] =	ssyncadd.s32 @!p0 s1  }
0x479: {  	[bflag:$0x3] =	sbarrier.arrive $0xFFFF  }
0x47a: {  	_ =	shalt  }

// kernel: sparse-core-data-format-call.cloned.1.call-start
scs
called_computation_lowered:
.L_overlay_start_0:
0x0: {  	s2 =	sld [smem:$0x3FD9]  }
0x1: {  	s3 =	sld [smem:$0x3FFE];
	_ =	sdelay $0x1  }
0x2: {  	s1 =	srdreg.scid  }
0x3: {  	s0 =	sand.u32 $0x1, s1  }
0x4: {  	s18 =	sshll.u32 s0, $0xA;
	s2 =	sadd.s32 s3, s2  }
0x5: {  	s2 =	sadd.s32 s2, s18  }
0x6: {  	[smem:$0x3FC5] =	sst s2  }
0x7: {  	_ = 	snop  }
0x8: {  	s2 =	sld [smem:$0x3FD0];
	(tm) =	ssettm $0x1  }
0x9: {  	s19 =	sld [smem:$0x3FFB];
	_ =	sdelay $0x3  }
0xa: {  	_ =	strace s19  }
0xb: {  	s3 =	sld [smem:$0x3FFC];
	_ =	sdelay $0x3  }
0xc: {  	_ =	strace s3  }
0xd: {  	s3 =	sld [smem:$0x3FFD];
	_ =	sdelay $0x3  }
0xe: {  	_ =	strace s3  }
0xf: {  	_ =	strace $0x8FFFFFFF  }
0x10: {  	s20 =	sld [smem:$0x3FDB];
	_ =	sdelay $0x1  }
0x11: {  	s4 =	simm.s32 $_scs_section_size  }
0x12: {  	s5 =	simm.s32 $_size__tile_overlayer_lowered;
	s6 =	simm.s32 $_tile_overlayer_lowered  }
0x13: {  	s23 =	simm.s32 $0x1BFF;
	s22 =	sshll.u32 s6, $0x1;
	s3 =	sadd.s32 s4, s20  }
0x14: {  	s7 =	simm.s32 $0x0;
	s21 =	sshll.u32 s5, $0x1;
	s5 =	sadd.s32 s22, s3  }
0x15: {  	[timem:s7], [sflag:s23] =	dma.local [hbm:s5], s21  }
0x16: {  	_ =	swait.ge [sflag:s23], s21  }
0x17: {  	s4 =	ssub.s32 $0x0, s21;
	[sflag:s23] =	ssyncset.done $0x0  }
0x18: {  	[sflag:s23] =	ssyncadd.s32 s4;
	_ =	sdelay $0x1  }
0x19: {  	s24 =	simm.s32 $0x1B8B  }
0x1a: {  	_ =	swait.ge [sflag:s24], $0x1  }
0x1b: {  	[sflag:s24] =	ssyncset.done $0x0  }
0x1c: {  	s26 =	simm.s32 $0x1B8E;
	s25 =	sld [smem:$0x3FFE];
	[sflag:s24] =	ssyncadd.s32 $0xFFFFFFFF  }
0x1d: {  	s27 =	simm.s32 $execute0_lowered;
	[smem:$0x3FD2] =	sst s26  }
0x1e: {  	s5 =	sshll.u32 s27, $0x1;
	_ =	strace $0x80000049;
	[dreg:$0x1] =	wrdreg $0xFFFFFFFF  }
0x1f: {  	s28 =	simm.s32 $_size_execute0_lowered;
	s3 =	sadd.s32 s3, s5;
	[dreg:$0x0] =	wrdreg $0x0  }
0x20: {  	s5 =	sshll.u32 s28, $0x1;
	[dreg:$0x2] =	wrdreg s3  }
0x21: {  	[dreg:$0x3] =	wrdreg s5  }
0x22: {  	[dreg:$0x4] =	wrdreg $0xC0  }
0x23: {  	_ =	task [dreg:s7], $0x5FFFF  }
0x24: {  	[dreg:$0x1] =	wrdreg $0xFFFFFFFF  }
0x25: {  	[dreg:$0x0] =	wrdreg $0x60  }
0x26: {  	[dreg:$0x2] =	wrdreg s25  }
0x27: {  	[dreg:$0x3] =	wrdreg s2  }
0x28: {  	[dreg:$0x4] =	wrdreg $0x9  }
0x29: {  	_ =	task.clear_ibuf [dreg:s7], $0x5FFFF;
	_ =	strace $0x90000049  }
0x2a: {  	s29 =	simm.s32 $0x9;
	_ =	strace $0x8000004B  }
0x2b: {  	_ =	swait.ge [sflag:s29], $0x1  }
0x2c: {  	[sflag:s29] =	ssyncadd.s32 $0xFFFFFFFF  }
0x2d: {  	_ =	strace $0x9000004B  }
0x2e: {  	_ =	sfence  }
0x2f: {  	s30 =	sld [smem:$0x0];
	_ =	sdelay $0x2  }
0x30: {  	s31 =	sshll.u32 s1, $0xD;
	s1 =	sshrl.u32 s1, $0x2  }
0x31: {  	s3 =	sand.u32 $0x4000, s31;
	s1 =	sadd.s32 s1, s30  }
0x32: {  	s0 =	sor.u32 s3, s0;
	s1 =	sshll.u32 s1, $0x11  }
0x33: {  	s0 =	sor.u32 s1, s0  }
0x34: {  	s0 =	sadd.s32 $0x8F2B, s0  }
0x35: {  	[sflag:s0] =	ssyncadd.remote.s32 $0x1  }
0x36: {  	_ =	sfence.sel $0xFFFF  }
0x37: {  	[dreg:$0x0] =	wrdreg $0xFFFFFFFF;
	(pc) =	sbr.abs _section_cstart, $3  }
0x38: {  	[dreg:$0x1] =	wrdreg $0xFFFFFFFF  }
0x39: {  	_ =	task.clear_ibuf [dreg:s7], $0x2FFFF;
	_ =	strace $0x9FFFFFFF  }
0x3a: {  	(tm) =	ssettm $0x7FFFFFFF  }
0x3b: {  	_ =	shalt  }
tec
execute0_lowered:
.L_overlay_start_1:
0x0: {  	(tag) =	ssettag $0x1  }
0x1: {  	s0 =	srdreg.scid  }
0x2: {  	s5 =	stileid.u32;
	s2 =	rddreg [dreg:$0x0];
	_ =	strace $0x8000004A  }
0x3: {  	s30 =	simm.s32 $0x1;
	s31 =	simm.s32 $0x2;
	s22 =	simm.s32 $0x0  }
0x4: {  	s24 =	simm.s32 $0x0;
	s23 =	simm.s32 $0x0;
	s25 =	simm.s32 $0x0  }
0x5: {  	s27 =	simm.s32 $0x0;
	s13 =	simm.s32 $0x0;
	s14 =	simm.s32 $0x0  }
0x6: {  	s15 =	simm.s32 $0x0;
	s16 =	simm.s32 $0x0;
	s0 =	sshll.u32 s0, $0x7  }
0x7: {  	s17 =	simm.s32 $0x0;
	s8 =	sand.u32 $0x1, s5;
	s7 =	sand.u32 $0x80, s0  }
0x8: {  	s18 =	simm.s32 $0x0;
	s26 =	ssub.s32 $0x2, s8;
	s1 =	ssub.s32 $0x100, s7  }
0x9: {  	s29 =	sshll.u32 s5, $0x6;
	s3 =	sshrl.u32 s26, $0x1;
	s4 =	sshrl.u32 s1, $0x7  }
0xa: {  	s0 =	sand.u32 $0x1, s26;
	s1 =	sshrl.u32 s1, $0x8;
	s4 =	sand.u32 $0x1, s4  }
0xb: {  	[sflag:s30] =	ssyncpa.u1 $0x0;
	s0 =	sadd.s32 s0, s3;
	s1 =	sadd.s32 s1, s4  }
0xc: {  	s10 =	sand.u32 $0x380, s29;
	[dreg:$0x4] =	wrdreg s8;
	s0 =	smul.u32 s1, s0  }
.Ltmp0:
0xd: {  	s28 =	sadd.s32 s7, s2;
	[dreg:$0x3] =	wrdreg s7;
	(pc) =	sbr.rel .LBB1_1-.Ltmp0, $4  }
0xe: {  	[dreg:$0x6] =	wrdreg s10;
	s11 =	sadd.s32 $0x1C00, s28;
	s9 =	smul.u32 $0x31, s0  }
0xf: {  	s21 =	simm.s32 $0x0;
	[sflag:s31] =	ssyncpa.u1 $0x0;
	[dreg:$0x7] =	wrdreg s11  }
0x10: {  	s20 =	smov.u32 s8;
	s12 =	sadd.s32 $0x1, s9;
	[dreg:$0x5] =	wrdreg s9  }
0x11: {  	s26 =	simm.s32 $0x0;
	s19 =	smov.u32 s10;
	[dreg:$0x8] =	wrdreg s12  }
.LBB1_13:
0x12: {  	s0 =	sshll.u32 s15, $0x8  }
0x13: {  	s1 =	rddreg [dreg:$0xa];
	s2 =	sshll.u32 s15, $0x7;
	s5 =	smul.u32 $0x17ED00, s16  }
0x14: {  	p0 =	sgt.s32 s13, $0x6;
	s3 =	rddreg [dreg:$0xc];
	s26 =	smul.u32 $0x36B00, s14  }
0x15: {  	s12 =	sshll.u32 s21, $0xE;
	s27 =	smul.u32 $0x7D00, s13;
	s6 =	rddreg [dreg:$0x1]  }
0x16: {  	s28 =	sshll.u32 s15, $0x4;
	s0 =	sand.u32 $0xFFFFF800, s0;
	s1 =	sshll.u32 s1, $0x3  }
0x17: {  	s29 =	rddreg [dreg:$0xb];
	s10 =	sand.u32 $0x300, s2;
	s0 =	sor.u32 s0, s1  }
0x18: {  	s30 =	simm.s32 $0x400;
	s31 =	simm.s32 $0x800;
	s0 =	sor.u32 s10, s0  }
0x19: {  	s7 =	rddreg [dreg:$0x3];
	s2 =	smov.u32 s13;
	s0 =	sshrl.u32 s0, $0x8  }
0x1a: {  	s8 =	rddreg [dreg:$0x4];
	s2 =	simm.s32 @!p0 $0x6;
	s11 =	smulhi.u32 $0x83126F, s0  }
0x1b: {  	s9 =	rddreg [dreg:$0x5];
	s5 =	sadd.s32 s6, s5;
	s2 =	sadd.s32 s3, s2  }
0x1c: {  	s3 =	sand.u32 $0x4000, s12;
	s10 =	rddreg [dreg:$0x6];
	s1 =	sshrl.u32 s11, $0x1  }
0x1d: {  	s12 =	rddreg [dreg:$0x8];
	s4 =	sadd.s32 $0xFFFFFFFA, s2;
	s1 =	smul.u32 $0x3E8, s1  }
0x1e: {  	s2 =	ssub.s32 $0x7, s2;
	s3 =	sor.u32 $0x8000, s3;
	p0 =	sgt.s32 s4, $0x0  }
0x1f: {  	s2 =	simm.s32 @p0 $0x0;
	s0 =	ssub.s32 s0, s1;
	s1 =	sadd.s32 s26, s5  }
0x20: {  	s2 =	smul.u32 s2, s29;
	s5 =	sand.u32 $0x10, s28;
	s1 =	sadd.s32 s27, s1  }
0x21: {  	s11 =	rddreg [dreg:$0x7];
	s0 =	sshll.u32 s0, $0x5;
	s1 =	sadd.s32 s5, s1  }
0x22: {  	s2 =	sand.u32 $0x3FFFFF80, s2;
	s26 =	rddreg [dreg:$0x9];
	s0 =	sadd.s32 s0, s1  }
0x23: {  	[hbm4b:s0+s30] =	stream.strided.scatter [tilespmem:s3], [sflag:$0x2], s2, s31, s30, $0x38;
	[tilespmem:$0x10000] =	vst v63  }
.LBB1_14:
0x24: {  	p0 =	slt.u32 s21, $0x2  }
0x25: {  	s0 =	smov.u32 s25;
	s2 =	smov.u32 s24;
	p1 =	sgt.s32 @!p0 s25, $0x1  }
0x26: {  	s4 =	smov.u32 s22;
	s6 =	smov.u32 s20;
	p1 =	por !p1, p0  }
0x27: {  	s1 =	sshra.s32 @!p0 s25, $0x1F;
	s0 =	simm.s32 @p1 $0x1;
	p1 =	sgt.s32 @!p0 s24, $0x6  }
0x28: {  	s3 =	sshra.s32 @!p0 s24, $0x1F;
	s1 =	sand.u32 @!p0 s1, s25;
	p1 =	por !p1, p0  }
0x29: {  	s3 =	sand.u32 @!p0 s3, s24;
	s1 =	sxor.u32 @!p0 $0xFFFFFFFF, s1;
	s2 =	simm.s32 @p1 $0x6  }
0x2a: {  	p2 =	sgt.s32 @!p0 s23, $0x368;
	s0 =	sadd.s32 @!p0 s1, s0;
	s1 =	ssub.s32 @!p0 s2, s3  }
0x2b: {  	s5 =	sshra.s32 @!p0 s22, $0x1F;
	p2 =	por !p2, p0;
	s2 =	sadd.s32 @!p0 $0xFFFFFFFA, s1  }
0x2c: {  	s5 =	sand.u32 @!p0 s5, s22;
	p3 =	sgt.s32 @!p0 s2, $0x0;
	s2 =	smov.u32 s23  }
0x2d: {  	s3 =	sshra.s32 @!p0 s23, $0x1F;
	s2 =	simm.s32 @p2 $0x368;
	p2 =	sgt.s32 @!p0 s22, $0x6  }
0x2e: {  	p1 =	sgt.s32 @!p0 s0, $0x0;
	s3 =	sand.u32 @!p0 s3, s23;
	p2 =	por !p2, p0  }
0x2f: {  	s0 =	sshll.u32 @!p0 s0, $0x7;
	s2 =	ssub.s32 @!p0 s2, s3;
	s4 =	simm.s32 @p2 $0x6  }
0x30: {  	s0 =	ssub.s32 @!p0 $0x80, s0;
	s3 =	ssub.s32 @!p0 s4, s5;
	s4 =	sadd.s32 @!p0 $0xFFFFFC98, s2  }
0x31: {  	p1 =	por !p1, p0;
	p2 =	por !p3, p0;
	p3 =	sgt.s32 @!p0 s4, $0x7F  }
0x32: {  	s1 =	ssub.s32 @!p0 $0x7, s1;
	s2 =	ssub.s32 @!p0 $0x3E8, s2;
	p3 =	por !p3, p0  }
0x33: {  	s0 =	simm.s32 @!p1 $0x0;
	s4 =	sadd.s32 @!p0 $0xFFFFFFFA, s3;
	s2 =	simm.s32 @!p3 $0x0  }
0x34: {  	s1 =	simm.s32 @!p2 $0x0;
	p1 =	sgt.s32 @!p0 s4, $0x0;
	s0 =	smul.u32 @!p0 s2, s0  }
0x35: {  	p2 =	por !p1, p0;
	s2 =	ssub.s32 @!p0 $0x7, s3;
	s3 =	sadd.s32 $0x1, s17  }
0x36: {  	p1 =	sgt.s32 s3, $0x6;
	s0 =	smul.u32 @!p0 s1, s0;
	s1 =	simm.s32 $0x1  }
0x37: {  	s26 =	sadd.s32 $0x4000, s26;
	s27 =	smov.u32 s7;
	s1 =	simm.s32 @!p1 $0x0  }
0x38: {  	s4 =	smov.u32 s19;
	s2 =	simm.s32 @!p2 $0x0;
	s1 =	sadd.s32 s1, s18  }
0x39: {  	s0 =	smul.u32 @!p0 s2, s0;
	s2 =	sadd.s32 $0x400, s19;
	p2 =	sgt.s32 s1, $0x6  }
0x3a: {  	s25 =	smov.u32 s16;
	s16 =	smov.u32 s20;
	s4 =	smov.u32 @p2 s2  }
0x3b: {  	s24 =	smov.u32 s14;
	s5 =	sadd.s32 $0x2, s20;
	p3 =	sgt.s32 s4, $0x3E7  }
0x3c: {  	s14 =	smov.u32 s18;
	s23 =	smov.u32 s15;
	s6 =	smov.u32 @p3 s5  }
0x3d: {  	s15 =	smov.u32 s19;
	s3 =	simm.s32 @p1 $0x0;
	p1 =	sgt.s32 s6, $0x1  }
0x3e: {  	s22 =	smov.u32 s13;
	s6 =	smov.u32 @p1 s8;
	p1 =	sne.s32 s21, s12  }
.Ltmp1:
0x3f: {  	s0 =	sand.u32 @!p0 $0x3FFFFF80, s0;
	s2 =	simm.s32 @!p0 $0x2;
	(pc) =	sbr.rel @!p1 .LBB1_15-.Ltmp1, $4  }
0x40: {  	s13 =	smov.u32 s17;
	s17 =	smov.u32 s3;
	_ =	swait.ge @!p0 [sflag:s2], s0  }
0x41: {  	s1 =	simm.s32 @p2 $0x0;
	s0 =	ssub.s32 @!p0 $0x0, s0;
	[sflag:s2] =	ssyncset.done @!p0 $0x0  }
0x42: {  	s18 =	smov.u32 s1;
	s4 =	smov.u32 @p3 s10;
	[sflag:s2] =	ssyncadd.s32 @!p0 s0  }
0x43: {  	s19 =	smov.u32 s4;
	s21 =	sadd.s32 $0x1, s21;
	s20 =	smov.u32 s6  }
.LBB1_1:
0x44: {  	p0 =	sge.u32 s21, s9;
	s0 =	smov.u32 s19;
	s3 =	smov.u32 s20  }
0x45: {  	s4 =	smov.u32 s17;
	p1 =	sgt.s32 @!p0 s19, $0x368;
	p2 =	sgt.s32 @!p0 s20, $0x1  }
0x46: {  	s1 =	sshra.s32 @!p0 s19, $0x1F;
	s2 =	sshra.s32 @!p0 s20, $0x1F;
	p1 =	por !p1, p0  }
0x47: {  	s1 =	sand.u32 @!p0 s1, s19;
	s2 =	sand.u32 @!p0 s2, s20;
	s0 =	simm.s32 @p1 $0x368  }
0x48: {  	p1 =	por !p2, p0;
	p2 =	sgt.s32 @!p0 s18, $0x6;
	s0 =	ssub.s32 @!p0 s0, s1  }
0x49: {  	s3 =	simm.s32 @p1 $0x1;
	s1 =	sxor.u32 @!p0 $0xFFFFFFFF, s2;
	p2 =	por !p2, p0  }
0x4a: {  	s2 =	sadd.s32 @!p0 $0xFFFFFC98, s0;
	s1 =	sadd.s32 @!p0 s1, s3;
	s0 =	ssub.s32 @!p0 $0x3E8, s0  }
0x4b: {  	s3 =	sshra.s32 @!p0 s18, $0x1F;
	p1 =	sgt.s32 @!p0 s2, $0x7F;
	s2 =	smov.u32 s18  }
0x4c: {  	s3 =	sand.u32 @!p0 s3, s18;
	p1 =	por !p1, p0;
	s2 =	simm.s32 @p2 $0x6  }
0x4d: {  	p2 =	sgt.s32 @!p0 s1, $0x0;
	s1 =	sshll.u32 @!p0 s1, $0x7;
	s0 =	simm.s32 @!p1 $0x0  }
0x4e: {  	s2 =	ssub.s32 @!p0 s2, s3;
	p1 =	sgt.s32 @!p0 s17, $0x7;
	s1 =	ssub.s32 @!p0 $0x80, s1  }
0x4f: {  	p2 =	por !p2, p0;
	s3 =	sadd.s32 @!p0 $0xFFFFFFFA, s2;
	p1 =	por !p1, p0  }
0x50: {  	s4 =	simm.s32 @p1 $0x7;
	p1 =	sgt.s32 @!p0 s3, $0x0;
	s3 =	sshra.s32 @!p0 s17, $0x1F  }
0x51: {  	s2 =	ssub.s32 @!p0 $0x7, s2;
	s1 =	simm.s32 @!p2 $0x0;
	s3 =	sand.u32 @!p0 s3, s17  }
0x52: {  	s0 =	smul.u32 @!p0 s0, s1;
	p1 =	por !p1, p0;
	s3 =	ssub.s32 @!p0 s4, s3  }
0x53: {  	s31 =	sadd.s32 $0xFFFFFFFF, s21;
	s2 =	simm.s32 @!p1 $0x0;
	s1 =	sadd.s32 @!p0 $0xFFFFFFF9, s3  }
0x54: {  	s4 =	sxor.u32 @!p0 $0xFFFFFFFF, s21;
	s0 =	smul.u32 @!p0 s2, s0;
	p1 =	sgt.s32 @!p0 s1, $0x0  }
0x55: {  	s2 =	smul.u32 @!p0 $0x1B5800, s20;
	s1 =	ssub.s32 @!p0 $0x8, s3;
	p1 =	por !p1, p0  }
0x56: {  	s3 =	sshll.u32 @!p0 s4, $0xE;
	s4 =	smul.u32 @!p0 $0x700, s19;
	s1 =	simm.s32 @!p1 $0x0  }
0x57: {  	s5 =	sshll.u32 @!p0 s17, $0x4;
	s0 =	smul.u32 @!p0 s1, s0;
	s1 =	sadd.s32 @!p0 s2, s11  }
0x58: {  	s3 =	sand.u32 @!p0 $0x4000, s3;
	s2 =	sshll.u32 @!p0 s18, $0x8;
	s1 =	sadd.s32 @!p0 s4, s1  }
0x59: {  	s4 =	sand.u32 @!p0 $0x70, s5;
	s0 =	sand.u32 @!p0 $0x3FFFFF80, s0;
	s1 =	sadd.s32 @!p0 s2, s1  }
0x5a: {  	s2 =	simm.s32 @!p0 $0x80;
	s1 =	sadd.s32 @!p0 s4, s1;
	s4 =	simm.s32 @!p0 $0x3800  }
0x5b: {  	[tilespmem:s3], [sflag:$0x1] =	stream.strided.gather @!p0 [hbm4b:s1+s2], s0, s4, s2, $0x38;
	[tilespmem:$0x10000] =	vst v63  }
0x5c: {  	p0 =	sge.u32 s31, s9  }
.Ltmp2:
0x5d: {  	_ = 	snop;
	(pc) =	sbr.rel @p0 .LBB1_14-.Ltmp2, $1  }
0x5e: {  	_ =	sdelay $0x3  }
0x5f: {  	p0 =	sgt.s32 s16, $0x1;
	s0 =	smov.u32 s16  }
0x60: {  	s1 =	sshra.s32 s16, $0x1F;
	s2 =	smov.u32 s15;
	s3 =	sshra.s32 s15, $0x1F  }
0x61: {  	p1 =	sgt.s32 s14, $0x6;
	s7 =	sshra.s32 s14, $0x1F;
	s9 =	ssub.s32 $0x0, s13  }
0x62: {  	s10 =	sshra.s32 s13, $0x1F;
	s4 =	smov.u32 s13;
	s1 =	sand.u32 s1, s16  }
0x63: {  	s0 =	simm.s32 @!p0 $0x1;
	p0 =	sgt.s32 s15, $0x368;
	s1 =	sxor.u32 $0xFFFFFFFF, s1  }
0x64: {  	s3 =	sand.u32 s3, s15;
	s2 =	simm.s32 @!p0 $0x368;
	s0 =	sadd.s32 s1, s0  }
0x65: {  	s6 =	ssub.s32 s2, s3;
	s3 =	sand.u32 s7, s14;
	p0 =	sgt.s32 s0, $0x0  }
0x66: {  	s0 =	ssub.s32 $0x1, s0;
	s2 =	sadd.s32 $0xFFFFFC98, s6;
	s1 =	ssub.s32 $0x3E8, s6  }
0x67: {  	s0 =	simm.s32 @p0 $0x0;
	p0 =	sgt.s32 s2, $0x7F;
	s2 =	smov.u32 s14  }
0x68: {  	s1 =	simm.s32 @p0 $0x0;
	s2 =	simm.s32 @!p1 $0x6;
	p0 =	sgt.s32 s13, $0x7  }
0x69: {  	s0 =	smul.u32 s0, s1;
	s8 =	ssub.s32 s2, s3;
	s2 =	sand.u32 s9, s10  }
0x6a: {  	s4 =	simm.s32 @!p0 $0x7;
	s5 =	sadd.s32 $0xFFFFFFFA, s8;
	s1 =	ssub.s32 $0x7, s8  }
0x6b: {  	[dreg:$0xc] =	wrdreg s2;
	s2 =	sadd.s32 s2, s4;
	p0 =	sgt.s32 s5, $0x0  }
0x6c: {  	s11 =	sadd.s32 $0xFFFFFFF9, s2;
	s1 =	simm.s32 @p0 $0x0  }
0x6d: {  	s2 =	ssub.s32 $0x8, s2;
	p0 =	sgt.s32 s11, $0x0;
	s0 =	smul.u32 s1, s0  }
0x6e: {  	s2 =	simm.s32 @p0 $0x0;
	s1 =	sadd.s32 $0x1, s16  }
0x6f: {  	p0 =	slt.s32 s1, $0x2;
	s12 =	sshll.u32 s0, $0x7;
	s0 =	sadd.s32 $0x80, s15  }
0x70: {  	s1 =	simm.s32 @!p0 $0x2;
	p0 =	slt.s32 s0, $0x3E8  }
0x71: {  	s29 =	ssub.s32 s1, s16;
	s1 =	sadd.s32 $0x1, s14;
	s0 =	simm.s32 @!p0 $0x3E8  }
0x72: {  	p0 =	slt.s32 s1, $0x7;
	p1 =	slt.s32 s29, $0x1;
	s30 =	ssub.s32 s0, s15  }
0x73: {  	s1 =	simm.s32 @!p0 $0x7;
	s0 =	sadd.s32 $0x1, s13;
	p0 =	slt.s32 @!p1 s30, $0x1  }
0x74: {  	s31 =	ssub.s32 s1, s14;
	p0 =	por p1, p0;
	p1 =	slt.s32 s0, $0x7  }
0x75: {  	s0 =	simm.s32 @!p1 $0x7;
	p1 =	slt.s32 @!p0 s31, $0x1  }
0x76: {  	s3 =	ssub.s32 s0, s13;
	p0 =	por p0, p1  }
0x77: {  	p1 =	slt.s32 @!p0 s3, $0x1  }
0x78: {  	[dreg:$0xa] =	wrdreg s27;
	s2 =	smul.u32 s2, s12;
	p0 =	por p0, p1  }
.Ltmp3:
0x79: {  	[dreg:$0x9] =	wrdreg s26;
	(pc) =	sbr.rel @p0 .LBB1_13-.Ltmp3, $4  }
0x7a: {  	s27 =	simm.s32 $0x1;
	[dreg:$0xb] =	wrdreg s12;
	s26 =	sand.u32 $0x3FFFFF80, s2  }
0x7b: {  	_ =	swait.ge [sflag:s27], s26  }
0x7c: {  	s28 =	ssub.s32 $0x0, s26;
	[sflag:s27] =	ssyncset.done $0x0  }
0x7d: {  	[sflag:s27] =	ssyncadd.s32 s28  }
0x7e: {  	s0 =	rddreg [dreg:$0x9]  }
0x7f: {  	s2 =	sand.u32 $0x4000, s0  }
0x80: {  	s10 =	simm.s32 $0x0;
	s4 =	sor.u32 $0x8000, s2  }
.LBB1_4:
0x81: {  	s11 =	smov.u32 s2;
	s5 =	simm.s32 $0x0;
	s8 =	simm.s32 $0x0  }
.LBB1_5:
0x82: {  	s0 =	sand.u32 $0x3F80, s5  }
0x83: {  	s1 =	simm.s32 $0x0;
	s12 =	sadd.s32 s0, s4;
	s0 =	smov.u32 s11  }
.LBB1_6:
0x84: {  	s7 =	simm.s32 $0x0;
	s6 =	smov.u32 s12;
	s27 =	simm.s32 $0x0  }
.LBB1_7:
0x85: {  	s9 =	sand.u32 $0x380, s7  }
0x86: {  	s26 =	simm.s32 $0xFFFFFFF0;
	s28 =	sadd.s32 s9, s0;
	s9 =	smov.u32 s6  }
.LBB1_8:
0x87: {  	s26 =	sadd.s32 $0x10, s26  }
0x88: {  	v0 =	vld [tilespmem:s28+$0x0];
	p0 =	slt.u32 s26, $0x70  }
.Ltmp4:
0x89: {  	_ = 	snop;
	(pc) =	sbr.rel @p0 .LBB1_8-.Ltmp4, $2  }
0x8a: {  	_ =	sdelay $0x2  }
0x8b: {  	s28 =	sadd.s32 $0x10, s28;
	[tilespmem:s9+$0x0] =	vst v0;
	s9 =	sadd.s32 $0x10, s9  }
0x8c: {  	s27 =	sadd.s32 $0x1, s27  }
0x8d: {  	p0 =	sne.s32 s27, s3  }
.Ltmp5:
0x8e: {  	_ = 	snop;
	(pc) =	sbr.rel @p0 .LBB1_7-.Ltmp5, $2  }
0x8f: {  	_ =	sdelay $0x2  }
0x90: {  	s6 =	sadd.s32 $0x4000, s6;
	s7 =	sadd.s32 $0x80, s7  }
0x91: {  	s1 =	sadd.s32 $0x1, s1  }
0x92: {  	p0 =	sne.s32 s1, s31  }
.Ltmp6:
0x93: {  	_ = 	snop;
	(pc) =	sbr.rel @p0 .LBB1_6-.Ltmp6, $2  }
0x94: {  	_ =	sdelay $0x2  }
0x95: {  	s12 =	sadd.s32 $0x4000, s12;
	s0 =	sadd.s32 $0x80, s0  }
0x96: {  	s8 =	sadd.s32 $0x1, s8  }
0x97: {  	p0 =	sne.s32 s8, s30  }
.Ltmp7:
0x98: {  	_ = 	snop;
	(pc) =	sbr.rel @p0 .LBB1_5-.Ltmp7, $2  }
0x99: {  	_ =	sdelay $0x2  }
0x9a: {  	s5 =	sadd.s32 $0x80, s5;
	s11 =	sadd.s32 $0x80, s11  }
0x9b: {  	s10 =	sadd.s32 $0x1, s10  }
0x9c: {  	p0 =	sne.s32 s10, s29  }
.Ltmp8:
0x9d: {  	_ = 	snop;
	(pc) =	sbr.rel @p0 .LBB1_4-.Ltmp8, $4  }
.Ltmp9:
0x9e: {  	_ = 	snop;
	(pc) =	sbr.rel @!p0 .LBB1_13-.Ltmp9, $4  }
0x9f: {  	_ = 	snop  }
0xa0: {  	_ = 	snop  }
0xa1: {  	s4 =	sadd.s32 $0x4000, s4;
	s2 =	sadd.s32 $0x4000, s2  }
0xa2: {  	_ = 	snop  }
.LBB1_15:
0xa3: {  	_ =	sfence.sel $0x180000  }
0xa4: {  	s0 =	simm.s32 $0x1;
	[bflag:$0x0] =	sbarrier.arrive $0xFFFF  }
0xa5: {  	s30 =	simm.s32 $0x2;
	[sflag:s0] =	ssyncpa.u1 $0x1  }
0xa6: {  	[sflag:s30] =	ssyncpa.u1 $0x1  }
0xa7: {  	_ =	strace $0x9000004A  }
0xa8: {  	s31 =	stileid.u32;
	[bflag:$0x2] =	sbarrier.arrive $0xFFFF  }
0xa9: {  	p0 =	sne.s32 s31, $0x0;
	s0 =	rddreg [dreg:$0x2]  }
0xaa: {  	s0 =	sadd.s32 @!p0 $0x100000, s0  }
0xab: {  	[sflag:s0] =	ssyncadd.tile.s32 @!p0 $0x1;
	_ =	shalt  }
.Lfunc_end1:
_tile_overlayer_lowered:
.L_overlay_start_2:
0xac: {  	(tag) =	ssettag $0x2  }
0xad: {  	s0 =	rddreg [dreg:$0x0];
	s2 =	stileid.u32  }
0xae: {  	s1 =	rddreg [dreg:$0x1];
	p0 =	sne.s32 s2, $0x0  }
0xaf: {  	s3 =	rddreg [dreg:$0x2];
	[bflag:$0x3] =	sbarrier.arrive $0xFFFF;
	s2 =	simm.s32 @!p0 $0x1C01  }
0xb0: {  	[timem:s3], [sflag:s2] =	dma.local @!p0 [hbm:s0], s1  }
0xb1: {  	s0 =	simm.s32 @!p0 $0x1  }
0xb2: {  	_ =	swait.ge @!p0 [sflag:s0], s1  }
0xb3: {  	s1 =	ssub.s32 @!p0 $0x0, s1;
	[sflag:s0] =	ssyncset.done @!p0 $0x0  }
0xb4: {  	[sflag:s0] =	ssyncadd.s32 @!p0 s1  }
0xb5: {  	[bflag:$0x3] =	sbarrier.arrive $0xFFFF  }
0xb6: {  	_ =	shalt  }

</sc_bundles>
